<compile_context>
chip_gen: v7x
topology: tpu7x:2x2x1
jax: 0.10.2.dev20260603
libtpu: 0.0.44.dev20260713+nightly
codegen_flags: <defaults>
</compile_context>

<pallas_src>
import jax
import jax.numpy as jnp
from jax import lax
from jax.experimental import pallas as pl
from jax.experimental.pallas import tpu as pltpu
from jax.experimental.pallas import tpu_sc as plsc

N = 10000
D = 128
O = 64
E = 320000

NC, NS, L = 2, 16, 16
NPAD = 10112
ROWS_T = 632
CH = 128
EPAD = 327680
EROWS = 2560
CHUNKS_DEG = 80
DUMMY = N

GDEG = 8
KPIPE = 2
PP = 16
CA = 80
CB = 80


def _deg_body(dst_hbm, zeros_hbm, ones_hbm, out_hbm, degtab, ones_v, idx_v,
              dsem):
    c = lax.axis_index("c")
    s = lax.axis_index("s")
    w = c * NS + s
    pltpu.sync_copy(zeros_hbm.at[pl.ds(ROWS_T * s, ROWS_T), :],
                    degtab.at[pl.ds(ROWS_T * s, ROWS_T), :])
    pltpu.sync_copy(ones_hbm, ones_v)
    pltpu.sync_copy(dst_hbm.at[pl.ds(CHUNKS_DEG * w, CHUNKS_DEG), :], idx_v)
    plsc.subcore_barrier()

    def body(i, carry):
        descs = [
            pltpu.async_copy(ones_v, degtab.at[idx_v.at[GDEG * i + g]],
                             dsem, add=True)
            for g in range(GDEG)
        ]
        for d in descs:
            d.wait()
        return carry

    lax.fori_loop(0, CHUNKS_DEG // GDEG, body, 0)
    plsc.subcore_barrier()
    pltpu.sync_copy(degtab.at[pl.ds(ROWS_T * s, ROWS_T), :],
                    out_hbm.at[c, pl.ds(ROWS_T * s, ROWS_T), :])


_deg_kernel = pl.kernel(
    _deg_body,
    out_type=jax.ShapeDtypeStruct((NC, NPAD, D), jnp.float32),
    mesh=plsc.VectorSubcoreMesh(core_axis_name="c", subcore_axis_name="s",
                                num_cores=NC, num_subcores=NS),
    scratch_types=[
        pltpu.VMEM_SHARED((NPAD, D), jnp.float32),
        pltpu.VMEM((CH, D), jnp.float32),
        pltpu.VMEM((CHUNKS_DEG, CH), jnp.int32),
        pltpu.SemaphoreType.DMA,
    ],
)


def _prop_body(y_hbm, src_hbm, dst_hbm, zeros_hbm, out_hbm,
               acctab, idx_s, idx_d, r0, r1, g0, g1, s0, s1):
    rows = [r0, r1]
    gsem = [g0, g1]
    ssem = [s0, s1]
    c = lax.axis_index("c")
    s = lax.axis_index("s")
    pltpu.sync_copy(zeros_hbm.at[pl.ds(ROWS_T * s, ROWS_T), :],
                    acctab.at[pl.ds(ROWS_T * s, ROWS_T), :])
    plsc.subcore_barrier()
    base = jnp.where(c == 0, CA * s, NS * CA + CB * s)
    nph = jnp.where(c == 0, CA // PP, CB // PP)

    def phase(p, carry):
        off = base + PP * p
        pltpu.sync_copy(src_hbm.at[pl.ds(off, PP), :], idx_s)
        pltpu.sync_copy(dst_hbm.at[pl.ds(off, PP), :], idx_d)

        for k in range(KPIPE):
            pltpu.async_copy(y_hbm.at[idx_s.at[k]], rows[k], gsem[k])
        for j0 in range(0, PP, KPIPE):
            sdescs = []
            for k in range(KPIPE):
                pltpu.make_async_copy(y_hbm.at[idx_s.at[j0 + k]], rows[k],
                                      gsem[k]).wait()
                sdescs.append(
                    pltpu.async_copy(rows[k], acctab.at[idx_d.at[j0 + k]],
                                     ssem[k], add=True))
            for k in range(KPIPE):
                sdescs[k].wait()
                jn = j0 + KPIPE + k
                if jn < PP:
                    pltpu.async_copy(y_hbm.at[idx_s.at[jn]], rows[k], gsem[k])
        return carry

    lax.fori_loop(0, nph, phase, 0)
    plsc.subcore_barrier()
    pltpu.sync_copy(acctab.at[pl.ds(ROWS_T * s, ROWS_T), :],
                    out_hbm.at[c, pl.ds(ROWS_T * s, ROWS_T), :])


_prop_kernel = pl.kernel(
    _prop_body,
    out_type=jax.ShapeDtypeStruct((NC, NPAD, D), jnp.float32),
    mesh=plsc.VectorSubcoreMesh(core_axis_name="c", subcore_axis_name="s",
                                num_cores=NC, num_subcores=NS),
    scratch_types=[
        pltpu.VMEM_SHARED((NPAD, D), jnp.float32),
        pltpu.VMEM((PP, CH), jnp.int32),
        pltpu.VMEM((PP, CH), jnp.int32),
    ] + [pltpu.VMEM((CH, D), jnp.float32)] * KPIPE
      + [pltpu.SemaphoreType.DMA] * (2 * KPIPE),
)


def _dinv(deg_ref):
    d = jnp.max(deg_ref[0], axis=-1) + jnp.max(deg_ref[1], axis=-1) + 1.0
    return lax.rsqrt(d)[:, None]


def _tc_a_body(x_ref, w_ref, deg_ref, y_ref):
    y_ref[...] = jnp.dot(x_ref[...], w_ref[...],
                         preferred_element_type=jnp.float32) * _dinv(deg_ref)


def _tc_b_body(acc_ref, y_ref, deg_ref, b_ref, w_ref, y2_ref):
    dinv = _dinv(deg_ref)
    acc = acc_ref[0] + acc_ref[1]
    h = jnp.maximum((acc + y_ref[...]) * dinv + b_ref[...], 0.0)
    y2_ref[...] = jnp.dot(h, w_ref[...],
                          preferred_element_type=jnp.float32) * dinv


def _tc_c_body(acc_ref, y_ref, deg_ref, b_ref, wc_ref, bc_ref, out_ref, ssum):
    i = pl.program_id(0)

    @pl.when(i == 0)
    def _():
        ssum[...] = jnp.zeros_like(ssum)

    dinv = _dinv(deg_ref)
    acc = acc_ref[0] + acc_ref[1]
    h = jnp.maximum((acc + y_ref[...]) * dinv + b_ref[...], 0.0)
    row = i * R + lax.broadcasted_iota(jnp.int32, (R, 1), 0)
    h = jnp.where(row < N, h, 0.0)
    ssum[...] += jnp.sum(h, axis=0, keepdims=True)

    @pl.when(i == pl.num_programs(0) - 1)
    def _():
        out_ref[...] = jnp.dot(ssum[...] * (1.0 / N), wc_ref[...],
                               preferred_element_type=jnp.float32) + bc_ref[...]


R = 1264

_ROW = pl.BlockSpec((R, D), lambda i: (i, 0))
_ACC = pl.BlockSpec((NC, R, D), lambda i: (0, i, 0))
_DEG_SPEC = pl.BlockSpec((NC, R, D), lambda i: (0, i, 0))
_FULL = lambda shape: pl.BlockSpec(shape, lambda i: (0,) * len(shape))

_Y_OUT = jax.ShapeDtypeStruct((NPAD, D), jnp.float32)

_tc_a = pl.pallas_call(
    _tc_a_body,
    grid=(NPAD // R,),
    in_specs=[_ROW, _FULL((D, D)), _DEG_SPEC],
    out_specs=_ROW,
    out_shape=_Y_OUT,
)

_tc_b = pl.pallas_call(
    _tc_b_body,
    grid=(NPAD // R,),
    in_specs=[_ACC, _ROW, _DEG_SPEC, _FULL((1, D)), _FULL((D, D))],
    out_specs=_ROW,
    out_shape=_Y_OUT,
)

_tc_c = pl.pallas_call(
    _tc_c_body,
    grid=(NPAD // R,),
    in_specs=[_ACC, _ROW, _DEG_SPEC,
              _FULL((1, D)), _FULL((D, O)), _FULL((1, O))],
    out_specs=_FULL((1, O)),
    out_shape=jax.ShapeDtypeStruct((1, O), jnp.float32),
    scratch_shapes=[pltpu.VMEM((1, D), jnp.float32)],
)


@jax.jit
def _run(x, edge_index, W1, b1, W2, b2, Wc, bc):
    src = edge_index[0].astype(jnp.int32)
    dst = edge_index[1].astype(jnp.int32)
    pad = jnp.full((EPAD - E,), DUMMY, dtype=jnp.int32)
    srcp = jnp.concatenate([src, pad]).reshape(EROWS, CH)
    dstp = jnp.concatenate([dst, pad]).reshape(EROWS, CH)

    xp = jnp.zeros((NPAD, D), jnp.float32).at[:N].set(x)
    ones_deg = jnp.ones((CH, D), jnp.float32)
    zeros_acc = jnp.zeros((NPAD, D), jnp.float32)

    degparts = _deg_kernel(dstp, zeros_acc, ones_deg)

    y1 = _tc_a(xp, W1, degparts)
    acc1 = _prop_kernel(y1, srcp, dstp, zeros_acc)
    y2 = _tc_b(acc1, y1, degparts, b1.reshape(1, D), W2)
    acc2 = _prop_kernel(y2, srcp, dstp, zeros_acc)
    out = _tc_c(acc2, y2, degparts, b2.reshape(1, D), Wc, bc.reshape(1, O))
    return out.reshape(O)


def kernel(x, edge_index, W1, b1, W2, b2, Wc, bc):
    return _run(x, edge_index, W1, b1, W2, b2, Wc, bc)

# --- scband reference (transcript-rebuilt; emitter-appended) ---
"""Pipeline reference for scband-gnnclassifier-45741401702804 (READ-ONLY COPY).

The authoritative reference and input builder live on the scoring server;
editing this copy changes nothing except your own understanding.
"""

import jax, jax.numpy as jnp
import numpy as np

INPUT_DIM = 128
HIDDEN_DIM = 128
OUTPUT_DIM = 64
N_NODES = 10000
N_EDGES = 320000


def gcn_conv(x, src, dst, W, b, num_nodes):
    # PyG GCNConv: add self-loops, symmetric normalization D^-1/2 (A+I) D^-1/2 (X W) + b
    loop = jnp.arange(num_nodes, dtype=src.dtype)
    s = jnp.concatenate([src, loop])
    d = jnp.concatenate([dst, loop])
    xw = x @ W
    deg = jnp.zeros((num_nodes,), dtype=x.dtype).at[d].add(1.0)
    dinv = jax.lax.rsqrt(jnp.maximum(deg, 1e-12))
    norm = dinv[s] * dinv[d]
    msg = xw[s] * norm[:, None]
    out = jnp.zeros_like(xw).at[d].add(msg)
    return out + b


def setup_inputs(seed: int = 0) -> dict:
    key = jax.random.key(seed)
    k1, k2, k3, k4, k5 = jax.random.split(key, 5)
    x = jax.random.normal(k1, (N_NODES, INPUT_DIM), dtype=jnp.float32)
    edge_index = jax.random.randint(k2, (2, N_EDGES), 0, N_NODES, dtype=jnp.int64)
    W1 = jax.random.normal(k3, (INPUT_DIM, HIDDEN_DIM), dtype=jnp.float32) * (1.0 / np.sqrt(INPUT_DIM))
    b1 = jnp.zeros((HIDDEN_DIM,), dtype=jnp.float32)
    W2 = jax.random.normal(k4, (HIDDEN_DIM, HIDDEN_DIM), dtype=jnp.float32) * (1.0 / np.sqrt(HIDDEN_DIM))
    b2 = jnp.zeros((HIDDEN_DIM,), dtype=jnp.float32)
    Wc = jax.random.normal(k5, (HIDDEN_DIM, OUTPUT_DIM), dtype=jnp.float32) * (1.0 / np.sqrt(HIDDEN_DIM))
    bc = jnp.zeros((OUTPUT_DIM,), dtype=jnp.float32)
    return {"x": x, "edge_index": edge_index, "W1": W1, "b1": b1, "W2": W2, "b2": b2, "Wc": Wc, "bc": bc}


def reference(x, edge_index, W1, b1, W2, b2, Wc, bc):
    num_nodes = x.shape[0]
    src, dst = edge_index[0], edge_index[1]
    h = jax.nn.relu(gcn_conv(x, src, dst, W1, b1, num_nodes))
    h = jax.nn.relu(gcn_conv(h, src, dst, W2, b2, num_nodes))
    h = jnp.mean(h, axis=0)
    out = h @ Wc + bc
    return out

if __name__ == "__main__":
    import jax
    _d = setup_inputs()
    print(jax.jit(kernel)(*tuple(_d.values())))

</pallas_src>

<mosaic_0001>
#map = affine_map<(d0, d1) -> (0, 0)>
#map1 = affine_map<(d0, d1) -> (0, 0, 0)>
module attributes {stable_mosaic.version = 14 : i64} {
  func.func @_deg_body(%arg0: i32, %arg1: i32, %arg2: memref<2560x128xi32, #tpu.memory_space<hbm>>, %arg3: memref<10112x128xf32, #tpu.memory_space<hbm>>, %arg4: memref<128x128xf32, #tpu.memory_space<hbm>>, %arg5: memref<2x10112x128xf32, #tpu.memory_space<hbm>>, %arg6: memref<10112x128xf32, #tpu.memory_space<vmem_shared>>, %arg7: memref<128x128xf32, #tpu.memory_space<vmem>>, %arg8: memref<80x128xi32, #tpu.memory_space<vmem>>, %arg9: memref<!tpu.dma_semaphore, #tpu.memory_space<semaphore_mem>>) attributes {dimension_semantics = [#tpu.dimension_semantics<core_parallel>, #tpu.dimension_semantics<subcore_parallel>], iteration_bounds = array<i64: 2, 16>, scalar_prefetch = 0 : i64, scratch_operands = 4 : i64, tpu.core_type = #tpu.core_type<sc_vector_subcore>, window_params = [{transform_indices = #map}, {transform_indices = #map}, {transform_indices = #map}, {transform_indices = #map1}]} {
    %mul3A = arith.constant 16 : i32
    %mul3A_0 = arith.muli %arg0, %mul3A : i32
    %add3A = arith.addi %mul3A_0, %arg1 : i32
    %mul3A_1 = arith.constant 632 : i32
    %mul3A_2 = arith.muli %mul3A_1, %arg1 : i32
    %mul3A_3 = arith.constant 632 : i32
    %mul3A_4 = arith.muli %mul3A_3, %arg1 : i32
    "tpu.region"() ({
      %run_scoped3A = tpu.sem_alloc : memref<!tpu.dma_semaphore, #tpu.memory_space<semaphore_mem>>
      %dma_start3A = arith.constant 0 : i32
      %dma_start3A_17 = tpu.memref_slice %arg6[%mul3A_4, %dma_start3A] : memref<10112x128xf32, #tpu.memory_space<vmem_shared>> -> memref<632x128xf32, #tpu.memory_space<vmem_shared>>
      %dma_start3A_18 = arith.constant 0 : i32
      %dma_start3A_19 = tpu.memref_slice %arg3[%mul3A_2, %dma_start3A_18] : memref<10112x128xf32, #tpu.memory_space<hbm>> -> memref<632x128xf32, #tpu.memory_space<hbm>>
      tpu.enqueue_dma source(%dma_start3A_19 : memref<632x128xf32, #tpu.memory_space<hbm>>) target(%dma_start3A_17 : memref<632x128xf32, #tpu.memory_space<vmem_shared>>) target_semaphore(%run_scoped3A : memref<!tpu.dma_semaphore, #tpu.memory_space<semaphore_mem>>)
      %dma_wait3A = arith.constant 0 : i32
      %dma_wait3A_20 = tpu.memref_slice %arg6[%mul3A_4, %dma_wait3A] : memref<10112x128xf32, #tpu.memory_space<vmem_shared>> -> memref<632x128xf32, #tpu.memory_space<vmem_shared>>
      %dma_wait3A_21 = arith.constant 0 : i32
      %dma_wait3A_22 = tpu.memref_slice %arg3[%mul3A_2, %dma_wait3A_21] : memref<10112x128xf32, #tpu.memory_space<hbm>> -> memref<632x128xf32, #tpu.memory_space<hbm>>
      tpu.wait_dma2 semaphore(%run_scoped3A : memref<!tpu.dma_semaphore, #tpu.memory_space<semaphore_mem>>) src(%dma_wait3A_22 : memref<632x128xf32, #tpu.memory_space<hbm>>) dst(%dma_wait3A_20 : memref<632x128xf32, #tpu.memory_space<vmem_shared>>)
      tpu.yield
    }) : () -> ()
    "tpu.region"() ({
      %run_scoped3A = tpu.sem_alloc : memref<!tpu.dma_semaphore, #tpu.memory_space<semaphore_mem>>
      tpu.enqueue_dma source(%arg4 : memref<128x128xf32, #tpu.memory_space<hbm>>) target(%arg7 : memref<128x128xf32, #tpu.memory_space<vmem>>) target_semaphore(%run_scoped3A : memref<!tpu.dma_semaphore, #tpu.memory_space<semaphore_mem>>)
      tpu.wait_dma2 semaphore(%run_scoped3A : memref<!tpu.dma_semaphore, #tpu.memory_space<semaphore_mem>>) src(%arg4 : memref<128x128xf32, #tpu.memory_space<hbm>>) dst(%arg7 : memref<128x128xf32, #tpu.memory_space<vmem>>)
      tpu.yield
    }) : () -> ()
    %mul3A_5 = arith.constant 80 : i32
    %mul3A_6 = arith.muli %mul3A_5, %add3A : i32
    "tpu.region"() ({
      %run_scoped3A = tpu.sem_alloc : memref<!tpu.dma_semaphore, #tpu.memory_space<semaphore_mem>>
      %dma_start3A = arith.constant 0 : i32
      %dma_start3A_17 = tpu.memref_slice %arg2[%mul3A_6, %dma_start3A] : memref<2560x128xi32, #tpu.memory_space<hbm>> -> memref<80x128xi32, #tpu.memory_space<hbm>>
      %dma_start3A_18 = arith.constant 0 : i32
      %dma_start3A_19 = tpu.memref_slice %arg2[%mul3A_6, %dma_start3A_18] : memref<2560x128xi32, #tpu.memory_space<hbm>> -> memref<80x128xi32, #tpu.memory_space<hbm>>
      tpu.enqueue_dma source(%dma_start3A_19 : memref<80x128xi32, #tpu.memory_space<hbm>>) target(%arg8 : memref<80x128xi32, #tpu.memory_space<vmem>>) target_semaphore(%run_scoped3A : memref<!tpu.dma_semaphore, #tpu.memory_space<semaphore_mem>>)
      %dma_wait3A = arith.constant 0 : i32
      %dma_wait3A_20 = tpu.memref_slice %arg2[%mul3A_6, %dma_wait3A] : memref<2560x128xi32, #tpu.memory_space<hbm>> -> memref<80x128xi32, #tpu.memory_space<hbm>>
      %dma_wait3A_21 = arith.constant 0 : i32
      %dma_wait3A_22 = tpu.memref_slice %arg2[%mul3A_6, %dma_wait3A_21] : memref<2560x128xi32, #tpu.memory_space<hbm>> -> memref<80x128xi32, #tpu.memory_space<hbm>>
      tpu.wait_dma2 semaphore(%run_scoped3A : memref<!tpu.dma_semaphore, #tpu.memory_space<semaphore_mem>>) src(%dma_wait3A_22 : memref<80x128xi32, #tpu.memory_space<hbm>>) dst(%arg8 : memref<80x128xi32, #tpu.memory_space<vmem>>)
      tpu.yield
    }) : () -> ()
    %barrier3A = arith.constant 0 : index
    tpu.barrier barrier_id(%barrier3A)
    %scan3A = arith.constant 0 : i32
    %scan3A_7 = arith.constant 0 : i32
    %scan3A_8 = arith.constant 10 : i32
    %scan3A_9 = arith.addi %scan3A_7, %scan3A_8 : i32
    %scan3A_10 = arith.constant 1 : i32
    scf.for %scan3A_17 = %scan3A_7 to %scan3A_9 step %scan3A_10  : i32 {
      %mul3A_18 = arith.constant 8 : i32
      %mul3A_19 = arith.muli %mul3A_18, %scan3A_17 : i32
      %add3A_20 = arith.constant 0 : i32
      %add3A_21 = arith.addi %mul3A_19, %add3A_20 : i32
      %dma_start3A = arith.constant 0 : i32
      %dma_start3A_22 = tpu.memref_slice %arg8[%add3A_21, %dma_start3A] : memref<80x128xi32, #tpu.memory_space<vmem>> -> memref<1x128xi32, #tpu.memory_space<vmem>>
      %dma_start3A_23 = tpu.memref_squeeze %dma_start3A_22 : memref<1x128xi32, #tpu.memory_space<vmem>> -> memref<128xi32, #tpu.memory_space<vmem>>
      %dma_start3A_24 = arith.constant 0 : i32
      %dma_start3A_25 = arith.constant 0 : i32
      %dma_start3A_26 = tpu.memref_slice %arg6[%dma_start3A_24, %dma_start3A_25] : memref<10112x128xf32, #tpu.memory_space<vmem_shared>> -> memref<10112x128xf32, #tpu.memory_space<vmem_shared>>
      tpu.enqueue_indirect_dma source(%arg7 : memref<128x128xf32, #tpu.memory_space<vmem>>) target(%dma_start3A_26 : memref<10112x128xf32, #tpu.memory_space<vmem_shared>>) offsets(%dma_start3A_23 : memref<128xi32, #tpu.memory_space<vmem>>) semaphore(%arg9 : memref<!tpu.dma_semaphore, #tpu.memory_space<semaphore_mem>>) {add = true}
      %mul3A_27 = arith.constant 8 : i32
      %mul3A_28 = arith.muli %mul3A_27, %scan3A_17 : i32
      %add3A_29 = arith.constant 1 : i32
      %add3A_30 = arith.addi %mul3A_28, %add3A_29 : i32
      %dma_start3A_31 = arith.constant 0 : i32
      %dma_start3A_32 = tpu.memref_slice %arg8[%add3A_30, %dma_start3A_31] : memref<80x128xi32, #tpu.memory_space<vmem>> -> memref<1x128xi32, #tpu.memory_space<vmem>>
      %dma_start3A_33 = tpu.memref_squeeze %dma_start3A_32 : memref<1x128xi32, #tpu.memory_space<vmem>> -> memref<128xi32, #tpu.memory_space<vmem>>
      %dma_start3A_34 = arith.constant 0 : i32
      %dma_start3A_35 = arith.constant 0 : i32
      %dma_start3A_36 = tpu.memref_slice %arg6[%dma_start3A_34, %dma_start3A_35] : memref<10112x128xf32, #tpu.memory_space<vmem_shared>> -> memref<10112x128xf32, #tpu.memory_space<vmem_shared>>
      tpu.enqueue_indirect_dma source(%arg7 : memref<128x128xf32, #tpu.memory_space<vmem>>) target(%dma_start3A_36 : memref<10112x128xf32, #tpu.memory_space<vmem_shared>>) offsets(%dma_start3A_33 : memref<128xi32, #tpu.memory_space<vmem>>) semaphore(%arg9 : memref<!tpu.dma_semaphore, #tpu.memory_space<semaphore_mem>>) {add = true}
      %mul3A_37 = arith.constant 8 : i32
      %mul3A_38 = arith.muli %mul3A_37, %scan3A_17 : i32
      %add3A_39 = arith.constant 2 : i32
      %add3A_40 = arith.addi %mul3A_38, %add3A_39 : i32
      %dma_start3A_41 = arith.constant 0 : i32
      %dma_start3A_42 = tpu.memref_slice %arg8[%add3A_40, %dma_start3A_41] : memref<80x128xi32, #tpu.memory_space<vmem>> -> memref<1x128xi32, #tpu.memory_space<vmem>>
      %dma_start3A_43 = tpu.memref_squeeze %dma_start3A_42 : memref<1x128xi32, #tpu.memory_space<vmem>> -> memref<128xi32, #tpu.memory_space<vmem>>
      %dma_start3A_44 = arith.constant 0 : i32
      %dma_start3A_45 = arith.constant 0 : i32
      %dma_start3A_46 = tpu.memref_slice %arg6[%dma_start3A_44, %dma_start3A_45] : memref<10112x128xf32, #tpu.memory_space<vmem_shared>> -> memref<10112x128xf32, #tpu.memory_space<vmem_shared>>
      tpu.enqueue_indirect_dma source(%arg7 : memref<128x128xf32, #tpu.memory_space<vmem>>) target(%dma_start3A_46 : memref<10112x128xf32, #tpu.memory_space<vmem_shared>>) offsets(%dma_start3A_43 : memref<128xi32, #tpu.memory_space<vmem>>) semaphore(%arg9 : memref<!tpu.dma_semaphore, #tpu.memory_space<semaphore_mem>>) {add = true}
      %mul3A_47 = arith.constant 8 : i32
      %mul3A_48 = arith.muli %mul3A_47, %scan3A_17 : i32
      %add3A_49 = arith.constant 3 : i32
      %add3A_50 = arith.addi %mul3A_48, %add3A_49 : i32
      %dma_start3A_51 = arith.constant 0 : i32
      %dma_start3A_52 = tpu.memref_slice %arg8[%add3A_50, %dma_start3A_51] : memref<80x128xi32, #tpu.memory_space<vmem>> -> memref<1x128xi32, #tpu.memory_space<vmem>>
      %dma_start3A_53 = tpu.memref_squeeze %dma_start3A_52 : memref<1x128xi32, #tpu.memory_space<vmem>> -> memref<128xi32, #tpu.memory_space<vmem>>
      %dma_start3A_54 = arith.constant 0 : i32
      %dma_start3A_55 = arith.constant 0 : i32
      %dma_start3A_56 = tpu.memref_slice %arg6[%dma_start3A_54, %dma_start3A_55] : memref<10112x128xf32, #tpu.memory_space<vmem_shared>> -> memref<10112x128xf32, #tpu.memory_space<vmem_shared>>
      tpu.enqueue_indirect_dma source(%arg7 : memref<128x128xf32, #tpu.memory_space<vmem>>) target(%dma_start3A_56 : memref<10112x128xf32, #tpu.memory_space<vmem_shared>>) offsets(%dma_start3A_53 : memref<128xi32, #tpu.memory_space<vmem>>) semaphore(%arg9 : memref<!tpu.dma_semaphore, #tpu.memory_space<semaphore_mem>>) {add = true}
      %mul3A_57 = arith.constant 8 : i32
      %mul3A_58 = arith.muli %mul3A_57, %scan3A_17 : i32
      %add3A_59 = arith.constant 4 : i32
      %add3A_60 = arith.addi %mul3A_58, %add3A_59 : i32
      %dma_start3A_61 = arith.constant 0 : i32
      %dma_start3A_62 = tpu.memref_slice %arg8[%add3A_60, %dma_start3A_61] : memref<80x128xi32, #tpu.memory_space<vmem>> -> memref<1x128xi32, #tpu.memory_space<vmem>>
      %dma_start3A_63 = tpu.memref_squeeze %dma_start3A_62 : memref<1x128xi32, #tpu.memory_space<vmem>> -> memref<128xi32, #tpu.memory_space<vmem>>
      %dma_start3A_64 = arith.constant 0 : i32
      %dma_start3A_65 = arith.constant 0 : i32
      %dma_start3A_66 = tpu.memref_slice %arg6[%dma_start3A_64, %dma_start3A_65] : memref<10112x128xf32, #tpu.memory_space<vmem_shared>> -> memref<10112x128xf32, #tpu.memory_space<vmem_shared>>
      tpu.enqueue_indirect_dma source(%arg7 : memref<128x128xf32, #tpu.memory_space<vmem>>) target(%dma_start3A_66 : memref<10112x128xf32, #tpu.memory_space<vmem_shared>>) offsets(%dma_start3A_63 : memref<128xi32, #tpu.memory_space<vmem>>) semaphore(%arg9 : memref<!tpu.dma_semaphore, #tpu.memory_space<semaphore_mem>>) {add = true}
      %mul3A_67 = arith.constant 8 : i32
      %mul3A_68 = arith.muli %mul3A_67, %scan3A_17 : i32
      %add3A_69 = arith.constant 5 : i32
      %add3A_70 = arith.addi %mul3A_68, %add3A_69 : i32
      %dma_start3A_71 = arith.constant 0 : i32
      %dma_start3A_72 = tpu.memref_slice %arg8[%add3A_70, %dma_start3A_71] : memref<80x128xi32, #tpu.memory_space<vmem>> -> memref<1x128xi32, #tpu.memory_space<vmem>>
      %dma_start3A_73 = tpu.memref_squeeze %dma_start3A_72 : memref<1x128xi32, #tpu.memory_space<vmem>> -> memref<128xi32, #tpu.memory_space<vmem>>
      %dma_start3A_74 = arith.constant 0 : i32
      %dma_start3A_75 = arith.constant 0 : i32
      %dma_start3A_76 = tpu.memref_slice %arg6[%dma_start3A_74, %dma_start3A_75] : memref<10112x128xf32, #tpu.memory_space<vmem_shared>> -> memref<10112x128xf32, #tpu.memory_space<vmem_shared>>
      tpu.enqueue_indirect_dma source(%arg7 : memref<128x128xf32, #tpu.memory_space<vmem>>) target(%dma_start3A_76 : memref<10112x128xf32, #tpu.memory_space<vmem_shared>>) offsets(%dma_start3A_73 : memref<128xi32, #tpu.memory_space<vmem>>) semaphore(%arg9 : memref<!tpu.dma_semaphore, #tpu.memory_space<semaphore_mem>>) {add = true}
      %mul3A_77 = arith.constant 8 : i32
      %mul3A_78 = arith.muli %mul3A_77, %scan3A_17 : i32
      %add3A_79 = arith.constant 6 : i32
      %add3A_80 = arith.addi %mul3A_78, %add3A_79 : i32
      %dma_start3A_81 = arith.constant 0 : i32
      %dma_start3A_82 = tpu.memref_slice %arg8[%add3A_80, %dma_start3A_81] : memref<80x128xi32, #tpu.memory_space<vmem>> -> memref<1x128xi32, #tpu.memory_space<vmem>>
      %dma_start3A_83 = tpu.memref_squeeze %dma_start3A_82 : memref<1x128xi32, #tpu.memory_space<vmem>> -> memref<128xi32, #tpu.memory_space<vmem>>
      %dma_start3A_84 = arith.constant 0 : i32
      %dma_start3A_85 = arith.constant 0 : i32
      %dma_start3A_86 = tpu.memref_slice %arg6[%dma_start3A_84, %dma_start3A_85] : memref<10112x128xf32, #tpu.memory_space<vmem_shared>> -> memref<10112x128xf32, #tpu.memory_space<vmem_shared>>
      tpu.enqueue_indirect_dma source(%arg7 : memref<128x128xf32, #tpu.memory_space<vmem>>) target(%dma_start3A_86 : memref<10112x128xf32, #tpu.memory_space<vmem_shared>>) offsets(%dma_start3A_83 : memref<128xi32, #tpu.memory_space<vmem>>) semaphore(%arg9 : memref<!tpu.dma_semaphore, #tpu.memory_space<semaphore_mem>>) {add = true}
      %mul3A_87 = arith.constant 8 : i32
      %mul3A_88 = arith.muli %mul3A_87, %scan3A_17 : i32
      %add3A_89 = arith.constant 7 : i32
      %add3A_90 = arith.addi %mul3A_88, %add3A_89 : i32
      %dma_start3A_91 = arith.constant 0 : i32
      %dma_start3A_92 = tpu.memref_slice %arg8[%add3A_90, %dma_start3A_91] : memref<80x128xi32, #tpu.memory_space<vmem>> -> memref<1x128xi32, #tpu.memory_space<vmem>>
      %dma_start3A_93 = tpu.memref_squeeze %dma_start3A_92 : memref<1x128xi32, #tpu.memory_space<vmem>> -> memref<128xi32, #tpu.memory_space<vmem>>
      %dma_start3A_94 = arith.constant 0 : i32
      %dma_start3A_95 = arith.constant 0 : i32
      %dma_start3A_96 = tpu.memref_slice %arg6[%dma_start3A_94, %dma_start3A_95] : memref<10112x128xf32, #tpu.memory_space<vmem_shared>> -> memref<10112x128xf32, #tpu.memory_space<vmem_shared>>
      tpu.enqueue_indirect_dma source(%arg7 : memref<128x128xf32, #tpu.memory_space<vmem>>) target(%dma_start3A_96 : memref<10112x128xf32, #tpu.memory_space<vmem_shared>>) offsets(%dma_start3A_93 : memref<128xi32, #tpu.memory_space<vmem>>) semaphore(%arg9 : memref<!tpu.dma_semaphore, #tpu.memory_space<semaphore_mem>>) {add = true}
      %dma_wait3A = arith.constant 0 : i32
      %dma_wait3A_97 = tpu.memref_slice %arg8[%add3A_21, %dma_wait3A] : memref<80x128xi32, #tpu.memory_space<vmem>> -> memref<1x128xi32, #tpu.memory_space<vmem>>
      %dma_wait3A_98 = tpu.memref_squeeze %dma_wait3A_97 : memref<1x128xi32, #tpu.memory_space<vmem>> -> memref<128xi32, #tpu.memory_space<vmem>>
      %dma_wait3A_99 = arith.constant 0 : i32
      %dma_wait3A_100 = arith.constant 0 : i32
      %dma_wait3A_101 = tpu.memref_slice %arg6[%dma_wait3A_99, %dma_wait3A_100] : memref<10112x128xf32, #tpu.memory_space<vmem_shared>> -> memref<10112x128xf32, #tpu.memory_space<vmem_shared>>
      tpu.wait_indirect_dma semaphore(%arg9 : memref<!tpu.dma_semaphore, #tpu.memory_space<semaphore_mem>>) src(%arg7 : memref<128x128xf32, #tpu.memory_space<vmem>>) dst(%dma_wait3A_101 : memref<10112x128xf32, #tpu.memory_space<vmem_shared>>)
      %dma_wait3A_102 = arith.constant 0 : i32
      %dma_wait3A_103 = tpu.memref_slice %arg8[%add3A_30, %dma_wait3A_102] : memref<80x128xi32, #tpu.memory_space<vmem>> -> memref<1x128xi32, #tpu.memory_space<vmem>>
      %dma_wait3A_104 = tpu.memref_squeeze %dma_wait3A_103 : memref<1x128xi32, #tpu.memory_space<vmem>> -> memref<128xi32, #tpu.memory_space<vmem>>
      %dma_wait3A_105 = arith.constant 0 : i32
      %dma_wait3A_106 = arith.constant 0 : i32
      %dma_wait3A_107 = tpu.memref_slice %arg6[%dma_wait3A_105, %dma_wait3A_106] : memref<10112x128xf32, #tpu.memory_space<vmem_shared>> -> memref<10112x128xf32, #tpu.memory_space<vmem_shared>>
      tpu.wait_indirect_dma semaphore(%arg9 : memref<!tpu.dma_semaphore, #tpu.memory_space<semaphore_mem>>) src(%arg7 : memref<128x128xf32, #tpu.memory_space<vmem>>) dst(%dma_wait3A_107 : memref<10112x128xf32, #tpu.memory_space<vmem_shared>>)
      %dma_wait3A_108 = arith.constant 0 : i32
      %dma_wait3A_109 = tpu.memref_slice %arg8[%add3A_40, %dma_wait3A_108] : memref<80x128xi32, #tpu.memory_space<vmem>> -> memref<1x128xi32, #tpu.memory_space<vmem>>
      %dma_wait3A_110 = tpu.memref_squeeze %dma_wait3A_109 : memref<1x128xi32, #tpu.memory_space<vmem>> -> memref<128xi32, #tpu.memory_space<vmem>>
      %dma_wait3A_111 = arith.constant 0 : i32
      %dma_wait3A_112 = arith.constant 0 : i32
      %dma_wait3A_113 = tpu.memref_slice %arg6[%dma_wait3A_111, %dma_wait3A_112] : memref<10112x128xf32, #tpu.memory_space<vmem_shared>> -> memref<10112x128xf32, #tpu.memory_space<vmem_shared>>
      tpu.wait_indirect_dma semaphore(%arg9 : memref<!tpu.dma_semaphore, #tpu.memory_space<semaphore_mem>>) src(%arg7 : memref<128x128xf32, #tpu.memory_space<vmem>>) dst(%dma_wait3A_113 : memref<10112x128xf32, #tpu.memory_space<vmem_shared>>)
      %dma_wait3A_114 = arith.constant 0 : i32
      %dma_wait3A_115 = tpu.memref_slice %arg8[%add3A_50, %dma_wait3A_114] : memref<80x128xi32, #tpu.memory_space<vmem>> -> memref<1x128xi32, #tpu.memory_space<vmem>>
      %dma_wait3A_116 = tpu.memref_squeeze %dma_wait3A_115 : memref<1x128xi32, #tpu.memory_space<vmem>> -> memref<128xi32, #tpu.memory_space<vmem>>
      %dma_wait3A_117 = arith.constant 0 : i32
      %dma_wait3A_118 = arith.constant 0 : i32
      %dma_wait3A_119 = tpu.memref_slice %arg6[%dma_wait3A_117, %dma_wait3A_118] : memref<10112x128xf32, #tpu.memory_space<vmem_shared>> -> memref<10112x128xf32, #tpu.memory_space<vmem_shared>>
      tpu.wait_indirect_dma semaphore(%arg9 : memref<!tpu.dma_semaphore, #tpu.memory_space<semaphore_mem>>) src(%arg7 : memref<128x128xf32, #tpu.memory_space<vmem>>) dst(%dma_wait3A_119 : memref<10112x128xf32, #tpu.memory_space<vmem_shared>>)
      %dma_wait3A_120 = arith.constant 0 : i32
      %dma_wait3A_121 = tpu.memref_slice %arg8[%add3A_60, %dma_wait3A_120] : memref<80x128xi32, #tpu.memory_space<vmem>> -> memref<1x128xi32, #tpu.memory_space<vmem>>
      %dma_wait3A_122 = tpu.memref_squeeze %dma_wait3A_121 : memref<1x128xi32, #tpu.memory_space<vmem>> -> memref<128xi32, #tpu.memory_space<vmem>>
      %dma_wait3A_123 = arith.constant 0 : i32
      %dma_wait3A_124 = arith.constant 0 : i32
      %dma_wait3A_125 = tpu.memref_slice %arg6[%dma_wait3A_123, %dma_wait3A_124] : memref<10112x128xf32, #tpu.memory_space<vmem_shared>> -> memref<10112x128xf32, #tpu.memory_space<vmem_shared>>
      tpu.wait_indirect_dma semaphore(%arg9 : memref<!tpu.dma_semaphore, #tpu.memory_space<semaphore_mem>>) src(%arg7 : memref<128x128xf32, #tpu.memory_space<vmem>>) dst(%dma_wait3A_125 : memref<10112x128xf32, #tpu.memory_space<vmem_shared>>)
      %dma_wait3A_126 = arith.constant 0 : i32
      %dma_wait3A_127 = tpu.memref_slice %arg8[%add3A_70, %dma_wait3A_126] : memref<80x128xi32, #tpu.memory_space<vmem>> -> memref<1x128xi32, #tpu.memory_space<vmem>>
      %dma_wait3A_128 = tpu.memref_squeeze %dma_wait3A_127 : memref<1x128xi32, #tpu.memory_space<vmem>> -> memref<128xi32, #tpu.memory_space<vmem>>
      %dma_wait3A_129 = arith.constant 0 : i32
      %dma_wait3A_130 = arith.constant 0 : i32
      %dma_wait3A_131 = tpu.memref_slice %arg6[%dma_wait3A_129, %dma_wait3A_130] : memref<10112x128xf32, #tpu.memory_space<vmem_shared>> -> memref<10112x128xf32, #tpu.memory_space<vmem_shared>>
      tpu.wait_indirect_dma semaphore(%arg9 : memref<!tpu.dma_semaphore, #tpu.memory_space<semaphore_mem>>) src(%arg7 : memref<128x128xf32, #tpu.memory_space<vmem>>) dst(%dma_wait3A_131 : memref<10112x128xf32, #tpu.memory_space<vmem_shared>>)
      %dma_wait3A_132 = arith.constant 0 : i32
      %dma_wait3A_133 = tpu.memref_slice %arg8[%add3A_80, %dma_wait3A_132] : memref<80x128xi32, #tpu.memory_space<vmem>> -> memref<1x128xi32, #tpu.memory_space<vmem>>
      %dma_wait3A_134 = tpu.memref_squeeze %dma_wait3A_133 : memref<1x128xi32, #tpu.memory_space<vmem>> -> memref<128xi32, #tpu.memory_space<vmem>>
      %dma_wait3A_135 = arith.constant 0 : i32
      %dma_wait3A_136 = arith.constant 0 : i32
      %dma_wait3A_137 = tpu.memref_slice %arg6[%dma_wait3A_135, %dma_wait3A_136] : memref<10112x128xf32, #tpu.memory_space<vmem_shared>> -> memref<10112x128xf32, #tpu.memory_space<vmem_shared>>
      tpu.wait_indirect_dma semaphore(%arg9 : memref<!tpu.dma_semaphore, #tpu.memory_space<semaphore_mem>>) src(%arg7 : memref<128x128xf32, #tpu.memory_space<vmem>>) dst(%dma_wait3A_137 : memref<10112x128xf32, #tpu.memory_space<vmem_shared>>)
      %dma_wait3A_138 = arith.constant 0 : i32
      %dma_wait3A_139 = tpu.memref_slice %arg8[%add3A_90, %dma_wait3A_138] : memref<80x128xi32, #tpu.memory_space<vmem>> -> memref<1x128xi32, #tpu.memory_space<vmem>>
      %dma_wait3A_140 = tpu.memref_squeeze %dma_wait3A_139 : memref<1x128xi32, #tpu.memory_space<vmem>> -> memref<128xi32, #tpu.memory_space<vmem>>
      %dma_wait3A_141 = arith.constant 0 : i32
      %dma_wait3A_142 = arith.constant 0 : i32
      %dma_wait3A_143 = tpu.memref_slice %arg6[%dma_wait3A_141, %dma_wait3A_142] : memref<10112x128xf32, #tpu.memory_space<vmem_shared>> -> memref<10112x128xf32, #tpu.memory_space<vmem_shared>>
      tpu.wait_indirect_dma semaphore(%arg9 : memref<!tpu.dma_semaphore, #tpu.memory_space<semaphore_mem>>) src(%arg7 : memref<128x128xf32, #tpu.memory_space<vmem>>) dst(%dma_wait3A_143 : memref<10112x128xf32, #tpu.memory_space<vmem_shared>>)
    }
    %scan3A_11 = arith.constant 10 : i32
    %barrier3A_12 = arith.constant 0 : index
    tpu.barrier barrier_id(%barrier3A_12)
    %mul3A_13 = arith.constant 632 : i32
    %mul3A_14 = arith.muli %mul3A_13, %arg1 : i32
    %mul3A_15 = arith.constant 632 : i32
    %mul3A_16 = arith.muli %mul3A_15, %arg1 : i32
    "tpu.region"() ({
      %run_scoped3A = tpu.sem_alloc : memref<!tpu.dma_semaphore, #tpu.memory_space<semaphore_mem>>
      %dma_start3A = arith.constant 0 : i32
      %dma_start3A_17 = tpu.memref_slice %arg5[%arg0, %mul3A_16, %dma_start3A] : memref<2x10112x128xf32, #tpu.memory_space<hbm>> -> memref<1x632x128xf32, #tpu.memory_space<hbm>>
      %dma_start3A_18 = tpu.memref_squeeze %dma_start3A_17 : memref<1x632x128xf32, #tpu.memory_space<hbm>> -> memref<632x128xf32, #tpu.memory_space<hbm>>
      %dma_start3A_19 = arith.constant 0 : i32
      %dma_start3A_20 = tpu.memref_slice %arg6[%mul3A_14, %dma_start3A_19] : memref<10112x128xf32, #tpu.memory_space<vmem_shared>> -> memref<632x128xf32, #tpu.memory_space<vmem_shared>>
      tpu.enqueue_dma source(%dma_start3A_20 : memref<632x128xf32, #tpu.memory_space<vmem_shared>>) target(%dma_start3A_18 : memref<632x128xf32, #tpu.memory_space<hbm>>) target_semaphore(%run_scoped3A : memref<!tpu.dma_semaphore, #tpu.memory_space<semaphore_mem>>)
      %dma_wait3A = arith.constant 0 : i32
      %dma_wait3A_21 = tpu.memref_slice %arg5[%arg0, %mul3A_16, %dma_wait3A] : memref<2x10112x128xf32, #tpu.memory_space<hbm>> -> memref<1x632x128xf32, #tpu.memory_space<hbm>>
      %dma_wait3A_22 = tpu.memref_squeeze %dma_wait3A_21 : memref<1x632x128xf32, #tpu.memory_space<hbm>> -> memref<632x128xf32, #tpu.memory_space<hbm>>
      %dma_wait3A_23 = arith.constant 0 : i32
      %dma_wait3A_24 = tpu.memref_slice %arg6[%mul3A_14, %dma_wait3A_23] : memref<10112x128xf32, #tpu.memory_space<vmem_shared>> -> memref<632x128xf32, #tpu.memory_space<vmem_shared>>
      tpu.wait_dma2 semaphore(%run_scoped3A : memref<!tpu.dma_semaphore, #tpu.memory_space<semaphore_mem>>) src(%dma_wait3A_24 : memref<632x128xf32, #tpu.memory_space<vmem_shared>>) dst(%dma_wait3A_22 : memref<632x128xf32, #tpu.memory_space<hbm>>)
      tpu.yield
    }) : () -> ()
    return
  }
}

#map = affine_map<(d0, d1) -> (0, 0)>
#map1 = affine_map<(d0, d1) -> (0, 0, 0)>
module attributes {stable_mosaic.version = 14 : i64} {
  func.func @_prop_body(%arg0: i32, %arg1: i32, %arg2: memref<10112x128xf32, #tpu.memory_space<hbm>>, %arg3: memref<2560x128xi32, #tpu.memory_space<hbm>>, %arg4: memref<2560x128xi32, #tpu.memory_space<hbm>>, %arg5: memref<10112x128xf32, #tpu.memory_space<hbm>>, %arg6: memref<2x10112x128xf32, #tpu.memory_space<hbm>>, %arg7: memref<10112x128xf32, #tpu.memory_space<vmem_shared>>, %arg8: memref<16x128xi32, #tpu.memory_space<vmem>>, %arg9: memref<16x128xi32, #tpu.memory_space<vmem>>, %arg10: memref<128x128xf32, #tpu.memory_space<vmem>>, %arg11: memref<128x128xf32, #tpu.memory_space<vmem>>, %arg12: memref<!tpu.dma_semaphore, #tpu.memory_space<semaphore_mem>>, %arg13: memref<!tpu.dma_semaphore, #tpu.memory_space<semaphore_mem>>, %arg14: memref<!tpu.dma_semaphore, #tpu.memory_space<semaphore_mem>>, %arg15: memref<!tpu.dma_semaphore, #tpu.memory_space<semaphore_mem>>) attributes {dimension_semantics = [#tpu.dimension_semantics<core_parallel>, #tpu.dimension_semantics<subcore_parallel>], iteration_bounds = array<i64: 2, 16>, scalar_prefetch = 0 : i64, scratch_operands = 9 : i64, tpu.core_type = #tpu.core_type<sc_vector_subcore>, window_params = [{transform_indices = #map}, {transform_indices = #map}, {transform_indices = #map}, {transform_indices = #map}, {transform_indices = #map1}]} {
    %mul3A = arith.constant 632 : i32
    %mul3A_0 = arith.muli %mul3A, %arg1 : i32
    %mul3A_1 = arith.constant 632 : i32
    %mul3A_2 = arith.muli %mul3A_1, %arg1 : i32
    "tpu.region"() ({
      %run_scoped3A = tpu.sem_alloc : memref<!tpu.dma_semaphore, #tpu.memory_space<semaphore_mem>>
      %dma_start3A = arith.constant 0 : i32
      %dma_start3A_27 = tpu.memref_slice %arg7[%mul3A_2, %dma_start3A] : memref<10112x128xf32, #tpu.memory_space<vmem_shared>> -> memref<632x128xf32, #tpu.memory_space<vmem_shared>>
      %dma_start3A_28 = arith.constant 0 : i32
      %dma_start3A_29 = tpu.memref_slice %arg5[%mul3A_0, %dma_start3A_28] : memref<10112x128xf32, #tpu.memory_space<hbm>> -> memref<632x128xf32, #tpu.memory_space<hbm>>
      tpu.enqueue_dma source(%dma_start3A_29 : memref<632x128xf32, #tpu.memory_space<hbm>>) target(%dma_start3A_27 : memref<632x128xf32, #tpu.memory_space<vmem_shared>>) target_semaphore(%run_scoped3A : memref<!tpu.dma_semaphore, #tpu.memory_space<semaphore_mem>>)
      %dma_wait3A = arith.constant 0 : i32
      %dma_wait3A_30 = tpu.memref_slice %arg7[%mul3A_2, %dma_wait3A] : memref<10112x128xf32, #tpu.memory_space<vmem_shared>> -> memref<632x128xf32, #tpu.memory_space<vmem_shared>>
      %dma_wait3A_31 = arith.constant 0 : i32
      %dma_wait3A_32 = tpu.memref_slice %arg5[%mul3A_0, %dma_wait3A_31] : memref<10112x128xf32, #tpu.memory_space<hbm>> -> memref<632x128xf32, #tpu.memory_space<hbm>>
      tpu.wait_dma2 semaphore(%run_scoped3A : memref<!tpu.dma_semaphore, #tpu.memory_space<semaphore_mem>>) src(%dma_wait3A_32 : memref<632x128xf32, #tpu.memory_space<hbm>>) dst(%dma_wait3A_30 : memref<632x128xf32, #tpu.memory_space<vmem_shared>>)
      tpu.yield
    }) : () -> ()
    %barrier3A = arith.constant 0 : index
    tpu.barrier barrier_id(%barrier3A)
    %eq3A = arith.constant 0 : i32
    %eq3A_3 = arith.cmpi eq, %arg0, %eq3A : i32
    %mul3A_4 = arith.constant 80 : i32
    %mul3A_5 = arith.muli %mul3A_4, %arg1 : i32
    %mul3A_6 = arith.constant 80 : i32
    %mul3A_7 = arith.muli %mul3A_6, %arg1 : i32
    %add3A = arith.constant 1280 : i32
    %add3A_8 = arith.addi %add3A, %mul3A_7 : i32
    %select_n3A = arith.select %eq3A_3, %mul3A_5, %add3A_8 : i32
    %eq3A_9 = arith.constant 0 : i32
    %eq3A_10 = arith.cmpi eq, %arg0, %eq3A_9 : i32
    %jit3A = arith.constant 5 : i32
    %jit3A_11 = arith.constant 5 : i32
    %select_n3A_12 = arith.select %eq3A_10, %jit3A, %jit3A_11 : i32
    %while3A = arith.constant 0 : i32
    %while3A_13 = arith.constant 0 : i32
    %while3A_14 = arith.subi %select_n3A_12, %while3A_13 : i32
    %while3A_15 = arith.addi %while3A_13, %while3A_14 : i32
    %while3A_16 = arith.constant 1 : i32
    %while3A_17 = arith.divsi %while3A_14, %while3A_16 : i32
    %while3A_18 = arith.muli %while3A_17, %while3A_16 : i32
    %while3A_19 = arith.addi %while3A_13, %while3A_18 : i32
    %while3A_20 = arith.constant 1 : i32
    scf.for %while3A_27 = %while3A_13 to %while3A_19 step %while3A_20  : i32 {
      %mul3A_28 = arith.constant 16 : i32
      %mul3A_29 = arith.muli %mul3A_28, %while3A_27 : i32
      %add3A_30 = arith.addi %select_n3A, %mul3A_29 : i32
      "tpu.region"() ({
        %run_scoped3A = tpu.sem_alloc : memref<!tpu.dma_semaphore, #tpu.memory_space<semaphore_mem>>
        %dma_start3A_477 = arith.constant 0 : i32
        %dma_start3A_478 = tpu.memref_slice %arg3[%add3A_30, %dma_start3A_477] : memref<2560x128xi32, #tpu.memory_space<hbm>> -> memref<16x128xi32, #tpu.memory_space<hbm>>
        %dma_start3A_479 = arith.constant 0 : i32
        %dma_start3A_480 = tpu.memref_slice %arg3[%add3A_30, %dma_start3A_479] : memref<2560x128xi32, #tpu.memory_space<hbm>> -> memref<16x128xi32, #tpu.memory_space<hbm>>
        tpu.enqueue_dma source(%dma_start3A_480 : memref<16x128xi32, #tpu.memory_space<hbm>>) target(%arg8 : memref<16x128xi32, #tpu.memory_space<vmem>>) target_semaphore(%run_scoped3A : memref<!tpu.dma_semaphore, #tpu.memory_space<semaphore_mem>>)
        %dma_wait3A_481 = arith.constant 0 : i32
        %dma_wait3A_482 = tpu.memref_slice %arg3[%add3A_30, %dma_wait3A_481] : memref<2560x128xi32, #tpu.memory_space<hbm>> -> memref<16x128xi32, #tpu.memory_space<hbm>>
        %dma_wait3A_483 = arith.constant 0 : i32
        %dma_wait3A_484 = tpu.memref_slice %arg3[%add3A_30, %dma_wait3A_483] : memref<2560x128xi32, #tpu.memory_space<hbm>> -> memref<16x128xi32, #tpu.memory_space<hbm>>
        tpu.wait_dma2 semaphore(%run_scoped3A : memref<!tpu.dma_semaphore, #tpu.memory_space<semaphore_mem>>) src(%dma_wait3A_484 : memref<16x128xi32, #tpu.memory_space<hbm>>) dst(%arg8 : memref<16x128xi32, #tpu.memory_space<vmem>>)
        tpu.yield
      }) : () -> ()
      "tpu.region"() ({
        %run_scoped3A = tpu.sem_alloc : memref<!tpu.dma_semaphore, #tpu.memory_space<semaphore_mem>>
        %dma_start3A_477 = arith.constant 0 : i32
        %dma_start3A_478 = tpu.memref_slice %arg4[%add3A_30, %dma_start3A_477] : memref<2560x128xi32, #tpu.memory_space<hbm>> -> memref<16x128xi32, #tpu.memory_space<hbm>>
        %dma_start3A_479 = arith.constant 0 : i32
        %dma_start3A_480 = tpu.memref_slice %arg4[%add3A_30, %dma_start3A_479] : memref<2560x128xi32, #tpu.memory_space<hbm>> -> memref<16x128xi32, #tpu.memory_space<hbm>>
        tpu.enqueue_dma source(%dma_start3A_480 : memref<16x128xi32, #tpu.memory_space<hbm>>) target(%arg9 : memref<16x128xi32, #tpu.memory_space<vmem>>) target_semaphore(%run_scoped3A : memref<!tpu.dma_semaphore, #tpu.memory_space<semaphore_mem>>)
        %dma_wait3A_481 = arith.constant 0 : i32
        %dma_wait3A_482 = tpu.memref_slice %arg4[%add3A_30, %dma_wait3A_481] : memref<2560x128xi32, #tpu.memory_space<hbm>> -> memref<16x128xi32, #tpu.memory_space<hbm>>
        %dma_wait3A_483 = arith.constant 0 : i32
        %dma_wait3A_484 = tpu.memref_slice %arg4[%add3A_30, %dma_wait3A_483] : memref<2560x128xi32, #tpu.memory_space<hbm>> -> memref<16x128xi32, #tpu.memory_space<hbm>>
        tpu.wait_dma2 semaphore(%run_scoped3A : memref<!tpu.dma_semaphore, #tpu.memory_space<semaphore_mem>>) src(%dma_wait3A_484 : memref<16x128xi32, #tpu.memory_space<hbm>>) dst(%arg9 : memref<16x128xi32, #tpu.memory_space<vmem>>)
        tpu.yield
      }) : () -> ()
      %dma_start3A = arith.constant 0 : i32
      %dma_start3A_31 = arith.constant 0 : i32
      %dma_start3A_32 = tpu.memref_slice %arg8[%dma_start3A, %dma_start3A_31] : memref<16x128xi32, #tpu.memory_space<vmem>> -> memref<1x128xi32, #tpu.memory_space<vmem>>
      %dma_start3A_33 = tpu.memref_squeeze %dma_start3A_32 : memref<1x128xi32, #tpu.memory_space<vmem>> -> memref<128xi32, #tpu.memory_space<vmem>>
      %dma_start3A_34 = arith.constant 0 : i32
      %dma_start3A_35 = arith.constant 0 : i32
      %dma_start3A_36 = tpu.memref_slice %arg2[%dma_start3A_34, %dma_start3A_35] : memref<10112x128xf32, #tpu.memory_space<hbm>> -> memref<10112x128xf32, #tpu.memory_space<hbm>>
      tpu.enqueue_indirect_dma source(%dma_start3A_36 : memref<10112x128xf32, #tpu.memory_space<hbm>>) target(%arg10 : memref<128x128xf32, #tpu.memory_space<vmem>>) offsets(%dma_start3A_33 : memref<128xi32, #tpu.memory_space<vmem>>) semaphore(%arg12 : memref<!tpu.dma_semaphore, #tpu.memory_space<semaphore_mem>>)
      %dma_start3A_37 = arith.constant 1 : i32
      %dma_start3A_38 = arith.constant 0 : i32
      %dma_start3A_39 = tpu.memref_slice %arg8[%dma_start3A_37, %dma_start3A_38] : memref<16x128xi32, #tpu.memory_space<vmem>> -> memref<1x128xi32, #tpu.memory_space<vmem>>
      %dma_start3A_40 = tpu.memref_squeeze %dma_start3A_39 : memref<1x128xi32, #tpu.memory_space<vmem>> -> memref<128xi32, #tpu.memory_space<vmem>>
      %dma_start3A_41 = arith.constant 0 : i32
      %dma_start3A_42 = arith.constant 0 : i32
      %dma_start3A_43 = tpu.memref_slice %arg2[%dma_start3A_41, %dma_start3A_42] : memref<10112x128xf32, #tpu.memory_space<hbm>> -> memref<10112x128xf32, #tpu.memory_space<hbm>>
      tpu.enqueue_indirect_dma source(%dma_start3A_43 : memref<10112x128xf32, #tpu.memory_space<hbm>>) target(%arg11 : memref<128x128xf32, #tpu.memory_space<vmem>>) offsets(%dma_start3A_40 : memref<128xi32, #tpu.memory_space<vmem>>) semaphore(%arg13 : memref<!tpu.dma_semaphore, #tpu.memory_space<semaphore_mem>>)
      %dma_wait3A = arith.constant 0 : i32
      %dma_wait3A_44 = arith.constant 0 : i32
      %dma_wait3A_45 = tpu.memref_slice %arg8[%dma_wait3A, %dma_wait3A_44] : memref<16x128xi32, #tpu.memory_space<vmem>> -> memref<1x128xi32, #tpu.memory_space<vmem>>
      %dma_wait3A_46 = tpu.memref_squeeze %dma_wait3A_45 : memref<1x128xi32, #tpu.memory_space<vmem>> -> memref<128xi32, #tpu.memory_space<vmem>>
      %dma_wait3A_47 = arith.constant 0 : i32
      %dma_wait3A_48 = arith.constant 0 : i32
      %dma_wait3A_49 = tpu.memref_slice %arg2[%dma_wait3A_47, %dma_wait3A_48] : memref<10112x128xf32, #tpu.memory_space<hbm>> -> memref<10112x128xf32, #tpu.memory_space<hbm>>
      tpu.wait_indirect_dma semaphore(%arg12 : memref<!tpu.dma_semaphore, #tpu.memory_space<semaphore_mem>>) src(%dma_wait3A_49 : memref<10112x128xf32, #tpu.memory_space<hbm>>) dst(%arg10 : memref<128x128xf32, #tpu.memory_space<vmem>>)
      %dma_start3A_50 = arith.constant 0 : i32
      %dma_start3A_51 = arith.constant 0 : i32
      %dma_start3A_52 = tpu.memref_slice %arg9[%dma_start3A_50, %dma_start3A_51] : memref<16x128xi32, #tpu.memory_space<vmem>> -> memref<1x128xi32, #tpu.memory_space<vmem>>
      %dma_start3A_53 = tpu.memref_squeeze %dma_start3A_52 : memref<1x128xi32, #tpu.memory_space<vmem>> -> memref<128xi32, #tpu.memory_space<vmem>>
      %dma_start3A_54 = arith.constant 0 : i32
      %dma_start3A_55 = arith.constant 0 : i32
      %dma_start3A_56 = tpu.memref_slice %arg7[%dma_start3A_54, %dma_start3A_55] : memref<10112x128xf32, #tpu.memory_space<vmem_shared>> -> memref<10112x128xf32, #tpu.memory_space<vmem_shared>>
      tpu.enqueue_indirect_dma source(%arg10 : memref<128x128xf32, #tpu.memory_space<vmem>>) target(%dma_start3A_56 : memref<10112x128xf32, #tpu.memory_space<vmem_shared>>) offsets(%dma_start3A_53 : memref<128xi32, #tpu.memory_space<vmem>>) semaphore(%arg14 : memref<!tpu.dma_semaphore, #tpu.memory_space<semaphore_mem>>) {add = true}
      %dma_wait3A_57 = arith.constant 1 : i32
      %dma_wait3A_58 = arith.constant 0 : i32
      %dma_wait3A_59 = tpu.memref_slice %arg8[%dma_wait3A_57, %dma_wait3A_58] : memref<16x128xi32, #tpu.memory_space<vmem>> -> memref<1x128xi32, #tpu.memory_space<vmem>>
      %dma_wait3A_60 = tpu.memref_squeeze %dma_wait3A_59 : memref<1x128xi32, #tpu.memory_space<vmem>> -> memref<128xi32, #tpu.memory_space<vmem>>
      %dma_wait3A_61 = arith.constant 0 : i32
      %dma_wait3A_62 = arith.constant 0 : i32
      %dma_wait3A_63 = tpu.memref_slice %arg2[%dma_wait3A_61, %dma_wait3A_62] : memref<10112x128xf32, #tpu.memory_space<hbm>> -> memref<10112x128xf32, #tpu.memory_space<hbm>>
      tpu.wait_indirect_dma semaphore(%arg13 : memref<!tpu.dma_semaphore, #tpu.memory_space<semaphore_mem>>) src(%dma_wait3A_63 : memref<10112x128xf32, #tpu.memory_space<hbm>>) dst(%arg11 : memref<128x128xf32, #tpu.memory_space<vmem>>)
      %dma_start3A_64 = arith.constant 1 : i32
      %dma_start3A_65 = arith.constant 0 : i32
      %dma_start3A_66 = tpu.memref_slice %arg9[%dma_start3A_64, %dma_start3A_65] : memref<16x128xi32, #tpu.memory_space<vmem>> -> memref<1x128xi32, #tpu.memory_space<vmem>>
      %dma_start3A_67 = tpu.memref_squeeze %dma_start3A_66 : memref<1x128xi32, #tpu.memory_space<vmem>> -> memref<128xi32, #tpu.memory_space<vmem>>
      %dma_start3A_68 = arith.constant 0 : i32
      %dma_start3A_69 = arith.constant 0 : i32
      %dma_start3A_70 = tpu.memref_slice %arg7[%dma_start3A_68, %dma_start3A_69] : memref<10112x128xf32, #tpu.memory_space<vmem_shared>> -> memref<10112x128xf32, #tpu.memory_space<vmem_shared>>
      tpu.enqueue_indirect_dma source(%arg11 : memref<128x128xf32, #tpu.memory_space<vmem>>) target(%dma_start3A_70 : memref<10112x128xf32, #tpu.memory_space<vmem_shared>>) offsets(%dma_start3A_67 : memref<128xi32, #tpu.memory_space<vmem>>) semaphore(%arg15 : memref<!tpu.dma_semaphore, #tpu.memory_space<semaphore_mem>>) {add = true}
      %dma_wait3A_71 = arith.constant 0 : i32
      %dma_wait3A_72 = arith.constant 0 : i32
      %dma_wait3A_73 = tpu.memref_slice %arg9[%dma_wait3A_71, %dma_wait3A_72] : memref<16x128xi32, #tpu.memory_space<vmem>> -> memref<1x128xi32, #tpu.memory_space<vmem>>
      %dma_wait3A_74 = tpu.memref_squeeze %dma_wait3A_73 : memref<1x128xi32, #tpu.memory_space<vmem>> -> memref<128xi32, #tpu.memory_space<vmem>>
      %dma_wait3A_75 = arith.constant 0 : i32
      %dma_wait3A_76 = arith.constant 0 : i32
      %dma_wait3A_77 = tpu.memref_slice %arg7[%dma_wait3A_75, %dma_wait3A_76] : memref<10112x128xf32, #tpu.memory_space<vmem_shared>> -> memref<10112x128xf32, #tpu.memory_space<vmem_shared>>
      tpu.wait_indirect_dma semaphore(%arg14 : memref<!tpu.dma_semaphore, #tpu.memory_space<semaphore_mem>>) src(%arg10 : memref<128x128xf32, #tpu.memory_space<vmem>>) dst(%dma_wait3A_77 : memref<10112x128xf32, #tpu.memory_space<vmem_shared>>)
      %dma_start3A_78 = arith.constant 2 : i32
      %dma_start3A_79 = arith.constant 0 : i32
      %dma_start3A_80 = tpu.memref_slice %arg8[%dma_start3A_78, %dma_start3A_79] : memref<16x128xi32, #tpu.memory_space<vmem>> -> memref<1x128xi32, #tpu.memory_space<vmem>>
      %dma_start3A_81 = tpu.memref_squeeze %dma_start3A_80 : memref<1x128xi32, #tpu.memory_space<vmem>> -> memref<128xi32, #tpu.memory_space<vmem>>
      %dma_start3A_82 = arith.constant 0 : i32
      %dma_start3A_83 = arith.constant 0 : i32
      %dma_start3A_84 = tpu.memref_slice %arg2[%dma_start3A_82, %dma_start3A_83] : memref<10112x128xf32, #tpu.memory_space<hbm>> -> memref<10112x128xf32, #tpu.memory_space<hbm>>
      tpu.enqueue_indirect_dma source(%dma_start3A_84 : memref<10112x128xf32, #tpu.memory_space<hbm>>) target(%arg10 : memref<128x128xf32, #tpu.memory_space<vmem>>) offsets(%dma_start3A_81 : memref<128xi32, #tpu.memory_space<vmem>>) semaphore(%arg12 : memref<!tpu.dma_semaphore, #tpu.memory_space<semaphore_mem>>)
      %dma_wait3A_85 = arith.constant 1 : i32
      %dma_wait3A_86 = arith.constant 0 : i32
      %dma_wait3A_87 = tpu.memref_slice %arg9[%dma_wait3A_85, %dma_wait3A_86] : memref<16x128xi32, #tpu.memory_space<vmem>> -> memref<1x128xi32, #tpu.memory_space<vmem>>
      %dma_wait3A_88 = tpu.memref_squeeze %dma_wait3A_87 : memref<1x128xi32, #tpu.memory_space<vmem>> -> memref<128xi32, #tpu.memory_space<vmem>>
      %dma_wait3A_89 = arith.constant 0 : i32
      %dma_wait3A_90 = arith.constant 0 : i32
      %dma_wait3A_91 = tpu.memref_slice %arg7[%dma_wait3A_89, %dma_wait3A_90] : memref<10112x128xf32, #tpu.memory_space<vmem_shared>> -> memref<10112x128xf32, #tpu.memory_space<vmem_shared>>
      tpu.wait_indirect_dma semaphore(%arg15 : memref<!tpu.dma_semaphore, #tpu.memory_space<semaphore_mem>>) src(%arg11 : memref<128x128xf32, #tpu.memory_space<vmem>>) dst(%dma_wait3A_91 : memref<10112x128xf32, #tpu.memory_space<vmem_shared>>)
      %dma_start3A_92 = arith.constant 3 : i32
      %dma_start3A_93 = arith.constant 0 : i32
      %dma_start3A_94 = tpu.memref_slice %arg8[%dma_start3A_92, %dma_start3A_93] : memref<16x128xi32, #tpu.memory_space<vmem>> -> memref<1x128xi32, #tpu.memory_space<vmem>>
      %dma_start3A_95 = tpu.memref_squeeze %dma_start3A_94 : memref<1x128xi32, #tpu.memory_space<vmem>> -> memref<128xi32, #tpu.memory_space<vmem>>
      %dma_start3A_96 = arith.constant 0 : i32
      %dma_start3A_97 = arith.constant 0 : i32
      %dma_start3A_98 = tpu.memref_slice %arg2[%dma_start3A_96, %dma_start3A_97] : memref<10112x128xf32, #tpu.memory_space<hbm>> -> memref<10112x128xf32, #tpu.memory_space<hbm>>
      tpu.enqueue_indirect_dma source(%dma_start3A_98 : memref<10112x128xf32, #tpu.memory_space<hbm>>) target(%arg11 : memref<128x128xf32, #tpu.memory_space<vmem>>) offsets(%dma_start3A_95 : memref<128xi32, #tpu.memory_space<vmem>>) semaphore(%arg13 : memref<!tpu.dma_semaphore, #tpu.memory_space<semaphore_mem>>)
      %dma_wait3A_99 = arith.constant 2 : i32
      %dma_wait3A_100 = arith.constant 0 : i32
      %dma_wait3A_101 = tpu.memref_slice %arg8[%dma_wait3A_99, %dma_wait3A_100] : memref<16x128xi32, #tpu.memory_space<vmem>> -> memref<1x128xi32, #tpu.memory_space<vmem>>
      %dma_wait3A_102 = tpu.memref_squeeze %dma_wait3A_101 : memref<1x128xi32, #tpu.memory_space<vmem>> -> memref<128xi32, #tpu.memory_space<vmem>>
      %dma_wait3A_103 = arith.constant 0 : i32
      %dma_wait3A_104 = arith.constant 0 : i32
      %dma_wait3A_105 = tpu.memref_slice %arg2[%dma_wait3A_103, %dma_wait3A_104] : memref<10112x128xf32, #tpu.memory_space<hbm>> -> memref<10112x128xf32, #tpu.memory_space<hbm>>
      tpu.wait_indirect_dma semaphore(%arg12 : memref<!tpu.dma_semaphore, #tpu.memory_space<semaphore_mem>>) src(%dma_wait3A_105 : memref<10112x128xf32, #tpu.memory_space<hbm>>) dst(%arg10 : memref<128x128xf32, #tpu.memory_space<vmem>>)
      %dma_start3A_106 = arith.constant 2 : i32
      %dma_start3A_107 = arith.constant 0 : i32
      %dma_start3A_108 = tpu.memref_slice %arg9[%dma_start3A_106, %dma_start3A_107] : memref<16x128xi32, #tpu.memory_space<vmem>> -> memref<1x128xi32, #tpu.memory_space<vmem>>
      %dma_start3A_109 = tpu.memref_squeeze %dma_start3A_108 : memref<1x128xi32, #tpu.memory_space<vmem>> -> memref<128xi32, #tpu.memory_space<vmem>>
      %dma_start3A_110 = arith.constant 0 : i32
      %dma_start3A_111 = arith.constant 0 : i32
      %dma_start3A_112 = tpu.memref_slice %arg7[%dma_start3A_110, %dma_start3A_111] : memref<10112x128xf32, #tpu.memory_space<vmem_shared>> -> memref<10112x128xf32, #tpu.memory_space<vmem_shared>>
      tpu.enqueue_indirect_dma source(%arg10 : memref<128x128xf32, #tpu.memory_space<vmem>>) target(%dma_start3A_112 : memref<10112x128xf32, #tpu.memory_space<vmem_shared>>) offsets(%dma_start3A_109 : memref<128xi32, #tpu.memory_space<vmem>>) semaphore(%arg14 : memref<!tpu.dma_semaphore, #tpu.memory_space<semaphore_mem>>) {add = true}
      %dma_wait3A_113 = arith.constant 3 : i32
      %dma_wait3A_114 = arith.constant 0 : i32
      %dma_wait3A_115 = tpu.memref_slice %arg8[%dma_wait3A_113, %dma_wait3A_114] : memref<16x128xi32, #tpu.memory_space<vmem>> -> memref<1x128xi32, #tpu.memory_space<vmem>>
      %dma_wait3A_116 = tpu.memref_squeeze %dma_wait3A_115 : memref<1x128xi32, #tpu.memory_space<vmem>> -> memref<128xi32, #tpu.memory_space<vmem>>
      %dma_wait3A_117 = arith.constant 0 : i32
      %dma_wait3A_118 = arith.constant 0 : i32
      %dma_wait3A_119 = tpu.memref_slice %arg2[%dma_wait3A_117, %dma_wait3A_118] : memref<10112x128xf32, #tpu.memory_space<hbm>> -> memref<10112x128xf32, #tpu.memory_space<hbm>>
      tpu.wait_indirect_dma semaphore(%arg13 : memref<!tpu.dma_semaphore, #tpu.memory_space<semaphore_mem>>) src(%dma_wait3A_119 : memref<10112x128xf32, #tpu.memory_space<hbm>>) dst(%arg11 : memref<128x128xf32, #tpu.memory_space<vmem>>)
      %dma_start3A_120 = arith.constant 3 : i32
      %dma_start3A_121 = arith.constant 0 : i32
      %dma_start3A_122 = tpu.memref_slice %arg9[%dma_start3A_120, %dma_start3A_121] : memref<16x128xi32, #tpu.memory_space<vmem>> -> memref<1x128xi32, #tpu.memory_space<vmem>>
      %dma_start3A_123 = tpu.memref_squeeze %dma_start3A_122 : memref<1x128xi32, #tpu.memory_space<vmem>> -> memref<128xi32, #tpu.memory_space<vmem>>
      %dma_start3A_124 = arith.constant 0 : i32
      %dma_start3A_125 = arith.constant 0 : i32
      %dma_start3A_126 = tpu.memref_slice %arg7[%dma_start3A_124, %dma_start3A_125] : memref<10112x128xf32, #tpu.memory_space<vmem_shared>> -> memref<10112x128xf32, #tpu.memory_space<vmem_shared>>
      tpu.enqueue_indirect_dma source(%arg11 : memref<128x128xf32, #tpu.memory_space<vmem>>) target(%dma_start3A_126 : memref<10112x128xf32, #tpu.memory_space<vmem_shared>>) offsets(%dma_start3A_123 : memref<128xi32, #tpu.memory_space<vmem>>) semaphore(%arg15 : memref<!tpu.dma_semaphore, #tpu.memory_space<semaphore_mem>>) {add = true}
      %dma_wait3A_127 = arith.constant 2 : i32
      %dma_wait3A_128 = arith.constant 0 : i32
      %dma_wait3A_129 = tpu.memref_slice %arg9[%dma_wait3A_127, %dma_wait3A_128] : memref<16x128xi32, #tpu.memory_space<vmem>> -> memref<1x128xi32, #tpu.memory_space<vmem>>
      %dma_wait3A_130 = tpu.memref_squeeze %dma_wait3A_129 : memref<1x128xi32, #tpu.memory_space<vmem>> -> memref<128xi32, #tpu.memory_space<vmem>>
      %dma_wait3A_131 = arith.constant 0 : i32
      %dma_wait3A_132 = arith.constant 0 : i32
      %dma_wait3A_133 = tpu.memref_slice %arg7[%dma_wait3A_131, %dma_wait3A_132] : memref<10112x128xf32, #tpu.memory_space<vmem_shared>> -> memref<10112x128xf32, #tpu.memory_space<vmem_shared>>
      tpu.wait_indirect_dma semaphore(%arg14 : memref<!tpu.dma_semaphore, #tpu.memory_space<semaphore_mem>>) src(%arg10 : memref<128x128xf32, #tpu.memory_space<vmem>>) dst(%dma_wait3A_133 : memref<10112x128xf32, #tpu.memory_space<vmem_shared>>)
      %dma_start3A_134 = arith.constant 4 : i32
      %dma_start3A_135 = arith.constant 0 : i32
      %dma_start3A_136 = tpu.memref_slice %arg8[%dma_start3A_134, %dma_start3A_135] : memref<16x128xi32, #tpu.memory_space<vmem>> -> memref<1x128xi32, #tpu.memory_space<vmem>>
      %dma_start3A_137 = tpu.memref_squeeze %dma_start3A_136 : memref<1x128xi32, #tpu.memory_space<vmem>> -> memref<128xi32, #tpu.memory_space<vmem>>
      %dma_start3A_138 = arith.constant 0 : i32
      %dma_start3A_139 = arith.constant 0 : i32
      %dma_start3A_140 = tpu.memref_slice %arg2[%dma_start3A_138, %dma_start3A_139] : memref<10112x128xf32, #tpu.memory_space<hbm>> -> memref<10112x128xf32, #tpu.memory_space<hbm>>
      tpu.enqueue_indirect_dma source(%dma_start3A_140 : memref<10112x128xf32, #tpu.memory_space<hbm>>) target(%arg10 : memref<128x128xf32, #tpu.memory_space<vmem>>) offsets(%dma_start3A_137 : memref<128xi32, #tpu.memory_space<vmem>>) semaphore(%arg12 : memref<!tpu.dma_semaphore, #tpu.memory_space<semaphore_mem>>)
      %dma_wait3A_141 = arith.constant 3 : i32
      %dma_wait3A_142 = arith.constant 0 : i32
      %dma_wait3A_143 = tpu.memref_slice %arg9[%dma_wait3A_141, %dma_wait3A_142] : memref<16x128xi32, #tpu.memory_space<vmem>> -> memref<1x128xi32, #tpu.memory_space<vmem>>
      %dma_wait3A_144 = tpu.memref_squeeze %dma_wait3A_143 : memref<1x128xi32, #tpu.memory_space<vmem>> -> memref<128xi32, #tpu.memory_space<vmem>>
      %dma_wait3A_145 = arith.constant 0 : i32
      %dma_wait3A_146 = arith.constant 0 : i32
      %dma_wait3A_147 = tpu.memref_slice %arg7[%dma_wait3A_145, %dma_wait3A_146] : memref<10112x128xf32, #tpu.memory_space<vmem_shared>> -> memref<10112x128xf32, #tpu.memory_space<vmem_shared>>
      tpu.wait_indirect_dma semaphore(%arg15 : memref<!tpu.dma_semaphore, #tpu.memory_space<semaphore_mem>>) src(%arg11 : memref<128x128xf32, #tpu.memory_space<vmem>>) dst(%dma_wait3A_147 : memref<10112x128xf32, #tpu.memory_space<vmem_shared>>)
      %dma_start3A_148 = arith.constant 5 : i32
      %dma_start3A_149 = arith.constant 0 : i32
      %dma_start3A_150 = tpu.memref_slice %arg8[%dma_start3A_148, %dma_start3A_149] : memref<16x128xi32, #tpu.memory_space<vmem>> -> memref<1x128xi32, #tpu.memory_space<vmem>>
      %dma_start3A_151 = tpu.memref_squeeze %dma_start3A_150 : memref<1x128xi32, #tpu.memory_space<vmem>> -> memref<128xi32, #tpu.memory_space<vmem>>
      %dma_start3A_152 = arith.constant 0 : i32
      %dma_start3A_153 = arith.constant 0 : i32
      %dma_start3A_154 = tpu.memref_slice %arg2[%dma_start3A_152, %dma_start3A_153] : memref<10112x128xf32, #tpu.memory_space<hbm>> -> memref<10112x128xf32, #tpu.memory_space<hbm>>
      tpu.enqueue_indirect_dma source(%dma_start3A_154 : memref<10112x128xf32, #tpu.memory_space<hbm>>) target(%arg11 : memref<128x128xf32, #tpu.memory_space<vmem>>) offsets(%dma_start3A_151 : memref<128xi32, #tpu.memory_space<vmem>>) semaphore(%arg13 : memref<!tpu.dma_semaphore, #tpu.memory_space<semaphore_mem>>)
      %dma_wait3A_155 = arith.constant 4 : i32
      %dma_wait3A_156 = arith.constant 0 : i32
      %dma_wait3A_157 = tpu.memref_slice %arg8[%dma_wait3A_155, %dma_wait3A_156] : memref<16x128xi32, #tpu.memory_space<vmem>> -> memref<1x128xi32, #tpu.memory_space<vmem>>
      %dma_wait3A_158 = tpu.memref_squeeze %dma_wait3A_157 : memref<1x128xi32, #tpu.memory_space<vmem>> -> memref<128xi32, #tpu.memory_space<vmem>>
      %dma_wait3A_159 = arith.constant 0 : i32
      %dma_wait3A_160 = arith.constant 0 : i32
      %dma_wait3A_161 = tpu.memref_slice %arg2[%dma_wait3A_159, %dma_wait3A_160] : memref<10112x128xf32, #tpu.memory_space<hbm>> -> memref<10112x128xf32, #tpu.memory_space<hbm>>
      tpu.wait_indirect_dma semaphore(%arg12 : memref<!tpu.dma_semaphore, #tpu.memory_space<semaphore_mem>>) src(%dma_wait3A_161 : memref<10112x128xf32, #tpu.memory_space<hbm>>) dst(%arg10 : memref<128x128xf32, #tpu.memory_space<vmem>>)
      %dma_start3A_162 = arith.constant 4 : i32
      %dma_start3A_163 = arith.constant 0 : i32
      %dma_start3A_164 = tpu.memref_slice %arg9[%dma_start3A_162, %dma_start3A_163] : memref<16x128xi32, #tpu.memory_space<vmem>> -> memref<1x128xi32, #tpu.memory_space<vmem>>
      %dma_start3A_165 = tpu.memref_squeeze %dma_start3A_164 : memref<1x128xi32, #tpu.memory_space<vmem>> -> memref<128xi32, #tpu.memory_space<vmem>>
      %dma_start3A_166 = arith.constant 0 : i32
      %dma_start3A_167 = arith.constant 0 : i32
      %dma_start3A_168 = tpu.memref_slice %arg7[%dma_start3A_166, %dma_start3A_167] : memref<10112x128xf32, #tpu.memory_space<vmem_shared>> -> memref<10112x128xf32, #tpu.memory_space<vmem_shared>>
      tpu.enqueue_indirect_dma source(%arg10 : memref<128x128xf32, #tpu.memory_space<vmem>>) target(%dma_start3A_168 : memref<10112x128xf32, #tpu.memory_space<vmem_shared>>) offsets(%dma_start3A_165 : memref<128xi32, #tpu.memory_space<vmem>>) semaphore(%arg14 : memref<!tpu.dma_semaphore, #tpu.memory_space<semaphore_mem>>) {add = true}
      %dma_wait3A_169 = arith.constant 5 : i32
      %dma_wait3A_170 = arith.constant 0 : i32
      %dma_wait3A_171 = tpu.memref_slice %arg8[%dma_wait3A_169, %dma_wait3A_170] : memref<16x128xi32, #tpu.memory_space<vmem>> -> memref<1x128xi32, #tpu.memory_space<vmem>>
      %dma_wait3A_172 = tpu.memref_squeeze %dma_wait3A_171 : memref<1x128xi32, #tpu.memory_space<vmem>> -> memref<128xi32, #tpu.memory_space<vmem>>
      %dma_wait3A_173 = arith.constant 0 : i32
      %dma_wait3A_174 = arith.constant 0 : i32
      %dma_wait3A_175 = tpu.memref_slice %arg2[%dma_wait3A_173, %dma_wait3A_174] : memref<10112x128xf32, #tpu.memory_space<hbm>> -> memref<10112x128xf32, #tpu.memory_space<hbm>>
      tpu.wait_indirect_dma semaphore(%arg13 : memref<!tpu.dma_semaphore, #tpu.memory_space<semaphore_mem>>) src(%dma_wait3A_175 : memref<10112x128xf32, #tpu.memory_space<hbm>>) dst(%arg11 : memref<128x128xf32, #tpu.memory_space<vmem>>)
      %dma_start3A_176 = arith.constant 5 : i32
      %dma_start3A_177 = arith.constant 0 : i32
      %dma_start3A_178 = tpu.memref_slice %arg9[%dma_start3A_176, %dma_start3A_177] : memref<16x128xi32, #tpu.memory_space<vmem>> -> memref<1x128xi32, #tpu.memory_space<vmem>>
      %dma_start3A_179 = tpu.memref_squeeze %dma_start3A_178 : memref<1x128xi32, #tpu.memory_space<vmem>> -> memref<128xi32, #tpu.memory_space<vmem>>
      %dma_start3A_180 = arith.constant 0 : i32
      %dma_start3A_181 = arith.constant 0 : i32
      %dma_start3A_182 = tpu.memref_slice %arg7[%dma_start3A_180, %dma_start3A_181] : memref<10112x128xf32, #tpu.memory_space<vmem_shared>> -> memref<10112x128xf32, #tpu.memory_space<vmem_shared>>
      tpu.enqueue_indirect_dma source(%arg11 : memref<128x128xf32, #tpu.memory_space<vmem>>) target(%dma_start3A_182 : memref<10112x128xf32, #tpu.memory_space<vmem_shared>>) offsets(%dma_start3A_179 : memref<128xi32, #tpu.memory_space<vmem>>) semaphore(%arg15 : memref<!tpu.dma_semaphore, #tpu.memory_space<semaphore_mem>>) {add = true}
      %dma_wait3A_183 = arith.constant 4 : i32
      %dma_wait3A_184 = arith.constant 0 : i32
      %dma_wait3A_185 = tpu.memref_slice %arg9[%dma_wait3A_183, %dma_wait3A_184] : memref<16x128xi32, #tpu.memory_space<vmem>> -> memref<1x128xi32, #tpu.memory_space<vmem>>
      %dma_wait3A_186 = tpu.memref_squeeze %dma_wait3A_185 : memref<1x128xi32, #tpu.memory_space<vmem>> -> memref<128xi32, #tpu.memory_space<vmem>>
      %dma_wait3A_187 = arith.constant 0 : i32
      %dma_wait3A_188 = arith.constant 0 : i32
      %dma_wait3A_189 = tpu.memref_slice %arg7[%dma_wait3A_187, %dma_wait3A_188] : memref<10112x128xf32, #tpu.memory_space<vmem_shared>> -> memref<10112x128xf32, #tpu.memory_space<vmem_shared>>
      tpu.wait_indirect_dma semaphore(%arg14 : memref<!tpu.dma_semaphore, #tpu.memory_space<semaphore_mem>>) src(%arg10 : memref<128x128xf32, #tpu.memory_space<vmem>>) dst(%dma_wait3A_189 : memref<10112x128xf32, #tpu.memory_space<vmem_shared>>)
      %dma_start3A_190 = arith.constant 6 : i32
      %dma_start3A_191 = arith.constant 0 : i32
      %dma_start3A_192 = tpu.memref_slice %arg8[%dma_start3A_190, %dma_start3A_191] : memref<16x128xi32, #tpu.memory_space<vmem>> -> memref<1x128xi32, #tpu.memory_space<vmem>>
      %dma_start3A_193 = tpu.memref_squeeze %dma_start3A_192 : memref<1x128xi32, #tpu.memory_space<vmem>> -> memref<128xi32, #tpu.memory_space<vmem>>
      %dma_start3A_194 = arith.constant 0 : i32
      %dma_start3A_195 = arith.constant 0 : i32
      %dma_start3A_196 = tpu.memref_slice %arg2[%dma_start3A_194, %dma_start3A_195] : memref<10112x128xf32, #tpu.memory_space<hbm>> -> memref<10112x128xf32, #tpu.memory_space<hbm>>
      tpu.enqueue_indirect_dma source(%dma_start3A_196 : memref<10112x128xf32, #tpu.memory_space<hbm>>) target(%arg10 : memref<128x128xf32, #tpu.memory_space<vmem>>) offsets(%dma_start3A_193 : memref<128xi32, #tpu.memory_space<vmem>>) semaphore(%arg12 : memref<!tpu.dma_semaphore, #tpu.memory_space<semaphore_mem>>)
      %dma_wait3A_197 = arith.constant 5 : i32
      %dma_wait3A_198 = arith.constant 0 : i32
      %dma_wait3A_199 = tpu.memref_slice %arg9[%dma_wait3A_197, %dma_wait3A_198] : memref<16x128xi32, #tpu.memory_space<vmem>> -> memref<1x128xi32, #tpu.memory_space<vmem>>
      %dma_wait3A_200 = tpu.memref_squeeze %dma_wait3A_199 : memref<1x128xi32, #tpu.memory_space<vmem>> -> memref<128xi32, #tpu.memory_space<vmem>>
      %dma_wait3A_201 = arith.constant 0 : i32
      %dma_wait3A_202 = arith.constant 0 : i32
      %dma_wait3A_203 = tpu.memref_slice %arg7[%dma_wait3A_201, %dma_wait3A_202] : memref<10112x128xf32, #tpu.memory_space<vmem_shared>> -> memref<10112x128xf32, #tpu.memory_space<vmem_shared>>
      tpu.wait_indirect_dma semaphore(%arg15 : memref<!tpu.dma_semaphore, #tpu.memory_space<semaphore_mem>>) src(%arg11 : memref<128x128xf32, #tpu.memory_space<vmem>>) dst(%dma_wait3A_203 : memref<10112x128xf32, #tpu.memory_space<vmem_shared>>)
      %dma_start3A_204 = arith.constant 7 : i32
      %dma_start3A_205 = arith.constant 0 : i32
      %dma_start3A_206 = tpu.memref_slice %arg8[%dma_start3A_204, %dma_start3A_205] : memref<16x128xi32, #tpu.memory_space<vmem>> -> memref<1x128xi32, #tpu.memory_space<vmem>>
      %dma_start3A_207 = tpu.memref_squeeze %dma_start3A_206 : memref<1x128xi32, #tpu.memory_space<vmem>> -> memref<128xi32, #tpu.memory_space<vmem>>
      %dma_start3A_208 = arith.constant 0 : i32
      %dma_start3A_209 = arith.constant 0 : i32
      %dma_start3A_210 = tpu.memref_slice %arg2[%dma_start3A_208, %dma_start3A_209] : memref<10112x128xf32, #tpu.memory_space<hbm>> -> memref<10112x128xf32, #tpu.memory_space<hbm>>
      tpu.enqueue_indirect_dma source(%dma_start3A_210 : memref<10112x128xf32, #tpu.memory_space<hbm>>) target(%arg11 : memref<128x128xf32, #tpu.memory_space<vmem>>) offsets(%dma_start3A_207 : memref<128xi32, #tpu.memory_space<vmem>>) semaphore(%arg13 : memref<!tpu.dma_semaphore, #tpu.memory_space<semaphore_mem>>)
      %dma_wait3A_211 = arith.constant 6 : i32
      %dma_wait3A_212 = arith.constant 0 : i32
      %dma_wait3A_213 = tpu.memref_slice %arg8[%dma_wait3A_211, %dma_wait3A_212] : memref<16x128xi32, #tpu.memory_space<vmem>> -> memref<1x128xi32, #tpu.memory_space<vmem>>
      %dma_wait3A_214 = tpu.memref_squeeze %dma_wait3A_213 : memref<1x128xi32, #tpu.memory_space<vmem>> -> memref<128xi32, #tpu.memory_space<vmem>>
      %dma_wait3A_215 = arith.constant 0 : i32
      %dma_wait3A_216 = arith.constant 0 : i32
      %dma_wait3A_217 = tpu.memref_slice %arg2[%dma_wait3A_215, %dma_wait3A_216] : memref<10112x128xf32, #tpu.memory_space<hbm>> -> memref<10112x128xf32, #tpu.memory_space<hbm>>
      tpu.wait_indirect_dma semaphore(%arg12 : memref<!tpu.dma_semaphore, #tpu.memory_space<semaphore_mem>>) src(%dma_wait3A_217 : memref<10112x128xf32, #tpu.memory_space<hbm>>) dst(%arg10 : memref<128x128xf32, #tpu.memory_space<vmem>>)
      %dma_start3A_218 = arith.constant 6 : i32
      %dma_start3A_219 = arith.constant 0 : i32
      %dma_start3A_220 = tpu.memref_slice %arg9[%dma_start3A_218, %dma_start3A_219] : memref<16x128xi32, #tpu.memory_space<vmem>> -> memref<1x128xi32, #tpu.memory_space<vmem>>
      %dma_start3A_221 = tpu.memref_squeeze %dma_start3A_220 : memref<1x128xi32, #tpu.memory_space<vmem>> -> memref<128xi32, #tpu.memory_space<vmem>>
      %dma_start3A_222 = arith.constant 0 : i32
      %dma_start3A_223 = arith.constant 0 : i32
      %dma_start3A_224 = tpu.memref_slice %arg7[%dma_start3A_222, %dma_start3A_223] : memref<10112x128xf32, #tpu.memory_space<vmem_shared>> -> memref<10112x128xf32, #tpu.memory_space<vmem_shared>>
      tpu.enqueue_indirect_dma source(%arg10 : memref<128x128xf32, #tpu.memory_space<vmem>>) target(%dma_start3A_224 : memref<10112x128xf32, #tpu.memory_space<vmem_shared>>) offsets(%dma_start3A_221 : memref<128xi32, #tpu.memory_space<vmem>>) semaphore(%arg14 : memref<!tpu.dma_semaphore, #tpu.memory_space<semaphore_mem>>) {add = true}
      %dma_wait3A_225 = arith.constant 7 : i32
      %dma_wait3A_226 = arith.constant 0 : i32
      %dma_wait3A_227 = tpu.memref_slice %arg8[%dma_wait3A_225, %dma_wait3A_226] : memref<16x128xi32, #tpu.memory_space<vmem>> -> memref<1x128xi32, #tpu.memory_space<vmem>>
      %dma_wait3A_228 = tpu.memref_squeeze %dma_wait3A_227 : memref<1x128xi32, #tpu.memory_space<vmem>> -> memref<128xi32, #tpu.memory_space<vmem>>
      %dma_wait3A_229 = arith.constant 0 : i32
      %dma_wait3A_230 = arith.constant 0 : i32
      %dma_wait3A_231 = tpu.memref_slice %arg2[%dma_wait3A_229, %dma_wait3A_230] : memref<10112x128xf32, #tpu.memory_space<hbm>> -> memref<10112x128xf32, #tpu.memory_space<hbm>>
      tpu.wait_indirect_dma semaphore(%arg13 : memref<!tpu.dma_semaphore, #tpu.memory_space<semaphore_mem>>) src(%dma_wait3A_231 : memref<10112x128xf32, #tpu.memory_space<hbm>>) dst(%arg11 : memref<128x128xf32, #tpu.memory_space<vmem>>)
      %dma_start3A_232 = arith.constant 7 : i32
      %dma_start3A_233 = arith.constant 0 : i32
      %dma_start3A_234 = tpu.memref_slice %arg9[%dma_start3A_232, %dma_start3A_233] : memref<16x128xi32, #tpu.memory_space<vmem>> -> memref<1x128xi32, #tpu.memory_space<vmem>>
      %dma_start3A_235 = tpu.memref_squeeze %dma_start3A_234 : memref<1x128xi32, #tpu.memory_space<vmem>> -> memref<128xi32, #tpu.memory_space<vmem>>
      %dma_start3A_236 = arith.constant 0 : i32
      %dma_start3A_237 = arith.constant 0 : i32
      %dma_start3A_238 = tpu.memref_slice %arg7[%dma_start3A_236, %dma_start3A_237] : memref<10112x128xf32, #tpu.memory_space<vmem_shared>> -> memref<10112x128xf32, #tpu.memory_space<vmem_shared>>
      tpu.enqueue_indirect_dma source(%arg11 : memref<128x128xf32, #tpu.memory_space<vmem>>) target(%dma_start3A_238 : memref<10112x128xf32, #tpu.memory_space<vmem_shared>>) offsets(%dma_start3A_235 : memref<128xi32, #tpu.memory_space<vmem>>) semaphore(%arg15 : memref<!tpu.dma_semaphore, #tpu.memory_space<semaphore_mem>>) {add = true}
      %dma_wait3A_239 = arith.constant 6 : i32
      %dma_wait3A_240 = arith.constant 0 : i32
      %dma_wait3A_241 = tpu.memref_slice %arg9[%dma_wait3A_239, %dma_wait3A_240] : memref<16x128xi32, #tpu.memory_space<vmem>> -> memref<1x128xi32, #tpu.memory_space<vmem>>
      %dma_wait3A_242 = tpu.memref_squeeze %dma_wait3A_241 : memref<1x128xi32, #tpu.memory_space<vmem>> -> memref<128xi32, #tpu.memory_space<vmem>>
      %dma_wait3A_243 = arith.constant 0 : i32
      %dma_wait3A_244 = arith.constant 0 : i32
      %dma_wait3A_245 = tpu.memref_slice %arg7[%dma_wait3A_243, %dma_wait3A_244] : memref<10112x128xf32, #tpu.memory_space<vmem_shared>> -> memref<10112x128xf32, #tpu.memory_space<vmem_shared>>
      tpu.wait_indirect_dma semaphore(%arg14 : memref<!tpu.dma_semaphore, #tpu.memory_space<semaphore_mem>>) src(%arg10 : memref<128x128xf32, #tpu.memory_space<vmem>>) dst(%dma_wait3A_245 : memref<10112x128xf32, #tpu.memory_space<vmem_shared>>)
      %dma_start3A_246 = arith.constant 8 : i32
      %dma_start3A_247 = arith.constant 0 : i32
      %dma_start3A_248 = tpu.memref_slice %arg8[%dma_start3A_246, %dma_start3A_247] : memref<16x128xi32, #tpu.memory_space<vmem>> -> memref<1x128xi32, #tpu.memory_space<vmem>>
      %dma_start3A_249 = tpu.memref_squeeze %dma_start3A_248 : memref<1x128xi32, #tpu.memory_space<vmem>> -> memref<128xi32, #tpu.memory_space<vmem>>
      %dma_start3A_250 = arith.constant 0 : i32
      %dma_start3A_251 = arith.constant 0 : i32
      %dma_start3A_252 = tpu.memref_slice %arg2[%dma_start3A_250, %dma_start3A_251] : memref<10112x128xf32, #tpu.memory_space<hbm>> -> memref<10112x128xf32, #tpu.memory_space<hbm>>
      tpu.enqueue_indirect_dma source(%dma_start3A_252 : memref<10112x128xf32, #tpu.memory_space<hbm>>) target(%arg10 : memref<128x128xf32, #tpu.memory_space<vmem>>) offsets(%dma_start3A_249 : memref<128xi32, #tpu.memory_space<vmem>>) semaphore(%arg12 : memref<!tpu.dma_semaphore, #tpu.memory_space<semaphore_mem>>)
      %dma_wait3A_253 = arith.constant 7 : i32
      %dma_wait3A_254 = arith.constant 0 : i32
      %dma_wait3A_255 = tpu.memref_slice %arg9[%dma_wait3A_253, %dma_wait3A_254] : memref<16x128xi32, #tpu.memory_space<vmem>> -> memref<1x128xi32, #tpu.memory_space<vmem>>
      %dma_wait3A_256 = tpu.memref_squeeze %dma_wait3A_255 : memref<1x128xi32, #tpu.memory_space<vmem>> -> memref<128xi32, #tpu.memory_space<vmem>>
      %dma_wait3A_257 = arith.constant 0 : i32
      %dma_wait3A_258 = arith.constant 0 : i32
      %dma_wait3A_259 = tpu.memref_slice %arg7[%dma_wait3A_257, %dma_wait3A_258] : memref<10112x128xf32, #tpu.memory_space<vmem_shared>> -> memref<10112x128xf32, #tpu.memory_space<vmem_shared>>
      tpu.wait_indirect_dma semaphore(%arg15 : memref<!tpu.dma_semaphore, #tpu.memory_space<semaphore_mem>>) src(%arg11 : memref<128x128xf32, #tpu.memory_space<vmem>>) dst(%dma_wait3A_259 : memref<10112x128xf32, #tpu.memory_space<vmem_shared>>)
      %dma_start3A_260 = arith.constant 9 : i32
      %dma_start3A_261 = arith.constant 0 : i32
      %dma_start3A_262 = tpu.memref_slice %arg8[%dma_start3A_260, %dma_start3A_261] : memref<16x128xi32, #tpu.memory_space<vmem>> -> memref<1x128xi32, #tpu.memory_space<vmem>>
      %dma_start3A_263 = tpu.memref_squeeze %dma_start3A_262 : memref<1x128xi32, #tpu.memory_space<vmem>> -> memref<128xi32, #tpu.memory_space<vmem>>
      %dma_start3A_264 = arith.constant 0 : i32
      %dma_start3A_265 = arith.constant 0 : i32
      %dma_start3A_266 = tpu.memref_slice %arg2[%dma_start3A_264, %dma_start3A_265] : memref<10112x128xf32, #tpu.memory_space<hbm>> -> memref<10112x128xf32, #tpu.memory_space<hbm>>
      tpu.enqueue_indirect_dma source(%dma_start3A_266 : memref<10112x128xf32, #tpu.memory_space<hbm>>) target(%arg11 : memref<128x128xf32, #tpu.memory_space<vmem>>) offsets(%dma_start3A_263 : memref<128xi32, #tpu.memory_space<vmem>>) semaphore(%arg13 : memref<!tpu.dma_semaphore, #tpu.memory_space<semaphore_mem>>)
      %dma_wait3A_267 = arith.constant 8 : i32
      %dma_wait3A_268 = arith.constant 0 : i32
      %dma_wait3A_269 = tpu.memref_slice %arg8[%dma_wait3A_267, %dma_wait3A_268] : memref<16x128xi32, #tpu.memory_space<vmem>> -> memref<1x128xi32, #tpu.memory_space<vmem>>
      %dma_wait3A_270 = tpu.memref_squeeze %dma_wait3A_269 : memref<1x128xi32, #tpu.memory_space<vmem>> -> memref<128xi32, #tpu.memory_space<vmem>>
      %dma_wait3A_271 = arith.constant 0 : i32
      %dma_wait3A_272 = arith.constant 0 : i32
      %dma_wait3A_273 = tpu.memref_slice %arg2[%dma_wait3A_271, %dma_wait3A_272] : memref<10112x128xf32, #tpu.memory_space<hbm>> -> memref<10112x128xf32, #tpu.memory_space<hbm>>
      tpu.wait_indirect_dma semaphore(%arg12 : memref<!tpu.dma_semaphore, #tpu.memory_space<semaphore_mem>>) src(%dma_wait3A_273 : memref<10112x128xf32, #tpu.memory_space<hbm>>) dst(%arg10 : memref<128x128xf32, #tpu.memory_space<vmem>>)
      %dma_start3A_274 = arith.constant 8 : i32
      %dma_start3A_275 = arith.constant 0 : i32
      %dma_start3A_276 = tpu.memref_slice %arg9[%dma_start3A_274, %dma_start3A_275] : memref<16x128xi32, #tpu.memory_space<vmem>> -> memref<1x128xi32, #tpu.memory_space<vmem>>
      %dma_start3A_277 = tpu.memref_squeeze %dma_start3A_276 : memref<1x128xi32, #tpu.memory_space<vmem>> -> memref<128xi32, #tpu.memory_space<vmem>>
      %dma_start3A_278 = arith.constant 0 : i32
      %dma_start3A_279 = arith.constant 0 : i32
      %dma_start3A_280 = tpu.memref_slice %arg7[%dma_start3A_278, %dma_start3A_279] : memref<10112x128xf32, #tpu.memory_space<vmem_shared>> -> memref<10112x128xf32, #tpu.memory_space<vmem_shared>>
      tpu.enqueue_indirect_dma source(%arg10 : memref<128x128xf32, #tpu.memory_space<vmem>>) target(%dma_start3A_280 : memref<10112x128xf32, #tpu.memory_space<vmem_shared>>) offsets(%dma_start3A_277 : memref<128xi32, #tpu.memory_space<vmem>>) semaphore(%arg14 : memref<!tpu.dma_semaphore, #tpu.memory_space<semaphore_mem>>) {add = true}
      %dma_wait3A_281 = arith.constant 9 : i32
      %dma_wait3A_282 = arith.constant 0 : i32
      %dma_wait3A_283 = tpu.memref_slice %arg8[%dma_wait3A_281, %dma_wait3A_282] : memref<16x128xi32, #tpu.memory_space<vmem>> -> memref<1x128xi32, #tpu.memory_space<vmem>>
      %dma_wait3A_284 = tpu.memref_squeeze %dma_wait3A_283 : memref<1x128xi32, #tpu.memory_space<vmem>> -> memref<128xi32, #tpu.memory_space<vmem>>
      %dma_wait3A_285 = arith.constant 0 : i32
      %dma_wait3A_286 = arith.constant 0 : i32
      %dma_wait3A_287 = tpu.memref_slice %arg2[%dma_wait3A_285, %dma_wait3A_286] : memref<10112x128xf32, #tpu.memory_space<hbm>> -> memref<10112x128xf32, #tpu.memory_space<hbm>>
      tpu.wait_indirect_dma semaphore(%arg13 : memref<!tpu.dma_semaphore, #tpu.memory_space<semaphore_mem>>) src(%dma_wait3A_287 : memref<10112x128xf32, #tpu.memory_space<hbm>>) dst(%arg11 : memref<128x128xf32, #tpu.memory_space<vmem>>)
      %dma_start3A_288 = arith.constant 9 : i32
      %dma_start3A_289 = arith.constant 0 : i32
      %dma_start3A_290 = tpu.memref_slice %arg9[%dma_start3A_288, %dma_start3A_289] : memref<16x128xi32, #tpu.memory_space<vmem>> -> memref<1x128xi32, #tpu.memory_space<vmem>>
      %dma_start3A_291 = tpu.memref_squeeze %dma_start3A_290 : memref<1x128xi32, #tpu.memory_space<vmem>> -> memref<128xi32, #tpu.memory_space<vmem>>
      %dma_start3A_292 = arith.constant 0 : i32
      %dma_start3A_293 = arith.constant 0 : i32
      %dma_start3A_294 = tpu.memref_slice %arg7[%dma_start3A_292, %dma_start3A_293] : memref<10112x128xf32, #tpu.memory_space<vmem_shared>> -> memref<10112x128xf32, #tpu.memory_space<vmem_shared>>
      tpu.enqueue_indirect_dma source(%arg11 : memref<128x128xf32, #tpu.memory_space<vmem>>) target(%dma_start3A_294 : memref<10112x128xf32, #tpu.memory_space<vmem_shared>>) offsets(%dma_start3A_291 : memref<128xi32, #tpu.memory_space<vmem>>) semaphore(%arg15 : memref<!tpu.dma_semaphore, #tpu.memory_space<semaphore_mem>>) {add = true}
      %dma_wait3A_295 = arith.constant 8 : i32
      %dma_wait3A_296 = arith.constant 0 : i32
      %dma_wait3A_297 = tpu.memref_slice %arg9[%dma_wait3A_295, %dma_wait3A_296] : memref<16x128xi32, #tpu.memory_space<vmem>> -> memref<1x128xi32, #tpu.memory_space<vmem>>
      %dma_wait3A_298 = tpu.memref_squeeze %dma_wait3A_297 : memref<1x128xi32, #tpu.memory_space<vmem>> -> memref<128xi32, #tpu.memory_space<vmem>>
      %dma_wait3A_299 = arith.constant 0 : i32
      %dma_wait3A_300 = arith.constant 0 : i32
      %dma_wait3A_301 = tpu.memref_slice %arg7[%dma_wait3A_299, %dma_wait3A_300] : memref<10112x128xf32, #tpu.memory_space<vmem_shared>> -> memref<10112x128xf32, #tpu.memory_space<vmem_shared>>
      tpu.wait_indirect_dma semaphore(%arg14 : memref<!tpu.dma_semaphore, #tpu.memory_space<semaphore_mem>>) src(%arg10 : memref<128x128xf32, #tpu.memory_space<vmem>>) dst(%dma_wait3A_301 : memref<10112x128xf32, #tpu.memory_space<vmem_shared>>)
      %dma_start3A_302 = arith.constant 10 : i32
      %dma_start3A_303 = arith.constant 0 : i32
      %dma_start3A_304 = tpu.memref_slice %arg8[%dma_start3A_302, %dma_start3A_303] : memref<16x128xi32, #tpu.memory_space<vmem>> -> memref<1x128xi32, #tpu.memory_space<vmem>>
      %dma_start3A_305 = tpu.memref_squeeze %dma_start3A_304 : memref<1x128xi32, #tpu.memory_space<vmem>> -> memref<128xi32, #tpu.memory_space<vmem>>
      %dma_start3A_306 = arith.constant 0 : i32
      %dma_start3A_307 = arith.constant 0 : i32
      %dma_start3A_308 = tpu.memref_slice %arg2[%dma_start3A_306, %dma_start3A_307] : memref<10112x128xf32, #tpu.memory_space<hbm>> -> memref<10112x128xf32, #tpu.memory_space<hbm>>
      tpu.enqueue_indirect_dma source(%dma_start3A_308 : memref<10112x128xf32, #tpu.memory_space<hbm>>) target(%arg10 : memref<128x128xf32, #tpu.memory_space<vmem>>) offsets(%dma_start3A_305 : memref<128xi32, #tpu.memory_space<vmem>>) semaphore(%arg12 : memref<!tpu.dma_semaphore, #tpu.memory_space<semaphore_mem>>)
      %dma_wait3A_309 = arith.constant 9 : i32
      %dma_wait3A_310 = arith.constant 0 : i32
      %dma_wait3A_311 = tpu.memref_slice %arg9[%dma_wait3A_309, %dma_wait3A_310] : memref<16x128xi32, #tpu.memory_space<vmem>> -> memref<1x128xi32, #tpu.memory_space<vmem>>
      %dma_wait3A_312 = tpu.memref_squeeze %dma_wait3A_311 : memref<1x128xi32, #tpu.memory_space<vmem>> -> memref<128xi32, #tpu.memory_space<vmem>>
      %dma_wait3A_313 = arith.constant 0 : i32
      %dma_wait3A_314 = arith.constant 0 : i32
      %dma_wait3A_315 = tpu.memref_slice %arg7[%dma_wait3A_313, %dma_wait3A_314] : memref<10112x128xf32, #tpu.memory_space<vmem_shared>> -> memref<10112x128xf32, #tpu.memory_space<vmem_shared>>
      tpu.wait_indirect_dma semaphore(%arg15 : memref<!tpu.dma_semaphore, #tpu.memory_space<semaphore_mem>>) src(%arg11 : memref<128x128xf32, #tpu.memory_space<vmem>>) dst(%dma_wait3A_315 : memref<10112x128xf32, #tpu.memory_space<vmem_shared>>)
      %dma_start3A_316 = arith.constant 11 : i32
      %dma_start3A_317 = arith.constant 0 : i32
      %dma_start3A_318 = tpu.memref_slice %arg8[%dma_start3A_316, %dma_start3A_317] : memref<16x128xi32, #tpu.memory_space<vmem>> -> memref<1x128xi32, #tpu.memory_space<vmem>>
      %dma_start3A_319 = tpu.memref_squeeze %dma_start3A_318 : memref<1x128xi32, #tpu.memory_space<vmem>> -> memref<128xi32, #tpu.memory_space<vmem>>
      %dma_start3A_320 = arith.constant 0 : i32
      %dma_start3A_321 = arith.constant 0 : i32
      %dma_start3A_322 = tpu.memref_slice %arg2[%dma_start3A_320, %dma_start3A_321] : memref<10112x128xf32, #tpu.memory_space<hbm>> -> memref<10112x128xf32, #tpu.memory_space<hbm>>
      tpu.enqueue_indirect_dma source(%dma_start3A_322 : memref<10112x128xf32, #tpu.memory_space<hbm>>) target(%arg11 : memref<128x128xf32, #tpu.memory_space<vmem>>) offsets(%dma_start3A_319 : memref<128xi32, #tpu.memory_space<vmem>>) semaphore(%arg13 : memref<!tpu.dma_semaphore, #tpu.memory_space<semaphore_mem>>)
      %dma_wait3A_323 = arith.constant 10 : i32
      %dma_wait3A_324 = arith.constant 0 : i32
      %dma_wait3A_325 = tpu.memref_slice %arg8[%dma_wait3A_323, %dma_wait3A_324] : memref<16x128xi32, #tpu.memory_space<vmem>> -> memref<1x128xi32, #tpu.memory_space<vmem>>
      %dma_wait3A_326 = tpu.memref_squeeze %dma_wait3A_325 : memref<1x128xi32, #tpu.memory_space<vmem>> -> memref<128xi32, #tpu.memory_space<vmem>>
      %dma_wait3A_327 = arith.constant 0 : i32
      %dma_wait3A_328 = arith.constant 0 : i32
      %dma_wait3A_329 = tpu.memref_slice %arg2[%dma_wait3A_327, %dma_wait3A_328] : memref<10112x128xf32, #tpu.memory_space<hbm>> -> memref<10112x128xf32, #tpu.memory_space<hbm>>
      tpu.wait_indirect_dma semaphore(%arg12 : memref<!tpu.dma_semaphore, #tpu.memory_space<semaphore_mem>>) src(%dma_wait3A_329 : memref<10112x128xf32, #tpu.memory_space<hbm>>) dst(%arg10 : memref<128x128xf32, #tpu.memory_space<vmem>>)
      %dma_start3A_330 = arith.constant 10 : i32
      %dma_start3A_331 = arith.constant 0 : i32
      %dma_start3A_332 = tpu.memref_slice %arg9[%dma_start3A_330, %dma_start3A_331] : memref<16x128xi32, #tpu.memory_space<vmem>> -> memref<1x128xi32, #tpu.memory_space<vmem>>
      %dma_start3A_333 = tpu.memref_squeeze %dma_start3A_332 : memref<1x128xi32, #tpu.memory_space<vmem>> -> memref<128xi32, #tpu.memory_space<vmem>>
      %dma_start3A_334 = arith.constant 0 : i32
      %dma_start3A_335 = arith.constant 0 : i32
      %dma_start3A_336 = tpu.memref_slice %arg7[%dma_start3A_334, %dma_start3A_335] : memref<10112x128xf32, #tpu.memory_space<vmem_shared>> -> memref<10112x128xf32, #tpu.memory_space<vmem_shared>>
      tpu.enqueue_indirect_dma source(%arg10 : memref<128x128xf32, #tpu.memory_space<vmem>>) target(%dma_start3A_336 : memref<10112x128xf32, #tpu.memory_space<vmem_shared>>) offsets(%dma_start3A_333 : memref<128xi32, #tpu.memory_space<vmem>>) semaphore(%arg14 : memref<!tpu.dma_semaphore, #tpu.memory_space<semaphore_mem>>) {add = true}
      %dma_wait3A_337 = arith.constant 11 : i32
      %dma_wait3A_338 = arith.constant 0 : i32
      %dma_wait3A_339 = tpu.memref_slice %arg8[%dma_wait3A_337, %dma_wait3A_338] : memref<16x128xi32, #tpu.memory_space<vmem>> -> memref<1x128xi32, #tpu.memory_space<vmem>>
      %dma_wait3A_340 = tpu.memref_squeeze %dma_wait3A_339 : memref<1x128xi32, #tpu.memory_space<vmem>> -> memref<128xi32, #tpu.memory_space<vmem>>
      %dma_wait3A_341 = arith.constant 0 : i32
      %dma_wait3A_342 = arith.constant 0 : i32
      %dma_wait3A_343 = tpu.memref_slice %arg2[%dma_wait3A_341, %dma_wait3A_342] : memref<10112x128xf32, #tpu.memory_space<hbm>> -> memref<10112x128xf32, #tpu.memory_space<hbm>>
      tpu.wait_indirect_dma semaphore(%arg13 : memref<!tpu.dma_semaphore, #tpu.memory_space<semaphore_mem>>) src(%dma_wait3A_343 : memref<10112x128xf32, #tpu.memory_space<hbm>>) dst(%arg11 : memref<128x128xf32, #tpu.memory_space<vmem>>)
      %dma_start3A_344 = arith.constant 11 : i32
      %dma_start3A_345 = arith.constant 0 : i32
      %dma_start3A_346 = tpu.memref_slice %arg9[%dma_start3A_344, %dma_start3A_345] : memref<16x128xi32, #tpu.memory_space<vmem>> -> memref<1x128xi32, #tpu.memory_space<vmem>>
      %dma_start3A_347 = tpu.memref_squeeze %dma_start3A_346 : memref<1x128xi32, #tpu.memory_space<vmem>> -> memref<128xi32, #tpu.memory_space<vmem>>
      %dma_start3A_348 = arith.constant 0 : i32
      %dma_start3A_349 = arith.constant 0 : i32
      %dma_start3A_350 = tpu.memref_slice %arg7[%dma_start3A_348, %dma_start3A_349] : memref<10112x128xf32, #tpu.memory_space<vmem_shared>> -> memref<10112x128xf32, #tpu.memory_space<vmem_shared>>
      tpu.enqueue_indirect_dma source(%arg11 : memref<128x128xf32, #tpu.memory_space<vmem>>) target(%dma_start3A_350 : memref<10112x128xf32, #tpu.memory_space<vmem_shared>>) offsets(%dma_start3A_347 : memref<128xi32, #tpu.memory_space<vmem>>) semaphore(%arg15 : memref<!tpu.dma_semaphore, #tpu.memory_space<semaphore_mem>>) {add = true}
      %dma_wait3A_351 = arith.constant 10 : i32
      %dma_wait3A_352 = arith.constant 0 : i32
      %dma_wait3A_353 = tpu.memref_slice %arg9[%dma_wait3A_351, %dma_wait3A_352] : memref<16x128xi32, #tpu.memory_space<vmem>> -> memref<1x128xi32, #tpu.memory_space<vmem>>
      %dma_wait3A_354 = tpu.memref_squeeze %dma_wait3A_353 : memref<1x128xi32, #tpu.memory_space<vmem>> -> memref<128xi32, #tpu.memory_space<vmem>>
      %dma_wait3A_355 = arith.constant 0 : i32
      %dma_wait3A_356 = arith.constant 0 : i32
      %dma_wait3A_357 = tpu.memref_slice %arg7[%dma_wait3A_355, %dma_wait3A_356] : memref<10112x128xf32, #tpu.memory_space<vmem_shared>> -> memref<10112x128xf32, #tpu.memory_space<vmem_shared>>
      tpu.wait_indirect_dma semaphore(%arg14 : memref<!tpu.dma_semaphore, #tpu.memory_space<semaphore_mem>>) src(%arg10 : memref<128x128xf32, #tpu.memory_space<vmem>>) dst(%dma_wait3A_357 : memref<10112x128xf32, #tpu.memory_space<vmem_shared>>)
      %dma_start3A_358 = arith.constant 12 : i32
      %dma_start3A_359 = arith.constant 0 : i32
      %dma_start3A_360 = tpu.memref_slice %arg8[%dma_start3A_358, %dma_start3A_359] : memref<16x128xi32, #tpu.memory_space<vmem>> -> memref<1x128xi32, #tpu.memory_space<vmem>>
      %dma_start3A_361 = tpu.memref_squeeze %dma_start3A_360 : memref<1x128xi32, #tpu.memory_space<vmem>> -> memref<128xi32, #tpu.memory_space<vmem>>
      %dma_start3A_362 = arith.constant 0 : i32
      %dma_start3A_363 = arith.constant 0 : i32
      %dma_start3A_364 = tpu.memref_slice %arg2[%dma_start3A_362, %dma_start3A_363] : memref<10112x128xf32, #tpu.memory_space<hbm>> -> memref<10112x128xf32, #tpu.memory_space<hbm>>
      tpu.enqueue_indirect_dma source(%dma_start3A_364 : memref<10112x128xf32, #tpu.memory_space<hbm>>) target(%arg10 : memref<128x128xf32, #tpu.memory_space<vmem>>) offsets(%dma_start3A_361 : memref<128xi32, #tpu.memory_space<vmem>>) semaphore(%arg12 : memref<!tpu.dma_semaphore, #tpu.memory_space<semaphore_mem>>)
      %dma_wait3A_365 = arith.constant 11 : i32
      %dma_wait3A_366 = arith.constant 0 : i32
      %dma_wait3A_367 = tpu.memref_slice %arg9[%dma_wait3A_365, %dma_wait3A_366] : memref<16x128xi32, #tpu.memory_space<vmem>> -> memref<1x128xi32, #tpu.memory_space<vmem>>
      %dma_wait3A_368 = tpu.memref_squeeze %dma_wait3A_367 : memref<1x128xi32, #tpu.memory_space<vmem>> -> memref<128xi32, #tpu.memory_space<vmem>>
      %dma_wait3A_369 = arith.constant 0 : i32
      %dma_wait3A_370 = arith.constant 0 : i32
      %dma_wait3A_371 = tpu.memref_slice %arg7[%dma_wait3A_369, %dma_wait3A_370] : memref<10112x128xf32, #tpu.memory_space<vmem_shared>> -> memref<10112x128xf32, #tpu.memory_space<vmem_shared>>
      tpu.wait_indirect_dma semaphore(%arg15 : memref<!tpu.dma_semaphore, #tpu.memory_space<semaphore_mem>>) src(%arg11 : memref<128x128xf32, #tpu.memory_space<vmem>>) dst(%dma_wait3A_371 : memref<10112x128xf32, #tpu.memory_space<vmem_shared>>)
      %dma_start3A_372 = arith.constant 13 : i32
      %dma_start3A_373 = arith.constant 0 : i32
      %dma_start3A_374 = tpu.memref_slice %arg8[%dma_start3A_372, %dma_start3A_373] : memref<16x128xi32, #tpu.memory_space<vmem>> -> memref<1x128xi32, #tpu.memory_space<vmem>>
      %dma_start3A_375 = tpu.memref_squeeze %dma_start3A_374 : memref<1x128xi32, #tpu.memory_space<vmem>> -> memref<128xi32, #tpu.memory_space<vmem>>
      %dma_start3A_376 = arith.constant 0 : i32
      %dma_start3A_377 = arith.constant 0 : i32
      %dma_start3A_378 = tpu.memref_slice %arg2[%dma_start3A_376, %dma_start3A_377] : memref<10112x128xf32, #tpu.memory_space<hbm>> -> memref<10112x128xf32, #tpu.memory_space<hbm>>
      tpu.enqueue_indirect_dma source(%dma_start3A_378 : memref<10112x128xf32, #tpu.memory_space<hbm>>) target(%arg11 : memref<128x128xf32, #tpu.memory_space<vmem>>) offsets(%dma_start3A_375 : memref<128xi32, #tpu.memory_space<vmem>>) semaphore(%arg13 : memref<!tpu.dma_semaphore, #tpu.memory_space<semaphore_mem>>)
      %dma_wait3A_379 = arith.constant 12 : i32
      %dma_wait3A_380 = arith.constant 0 : i32
      %dma_wait3A_381 = tpu.memref_slice %arg8[%dma_wait3A_379, %dma_wait3A_380] : memref<16x128xi32, #tpu.memory_space<vmem>> -> memref<1x128xi32, #tpu.memory_space<vmem>>
      %dma_wait3A_382 = tpu.memref_squeeze %dma_wait3A_381 : memref<1x128xi32, #tpu.memory_space<vmem>> -> memref<128xi32, #tpu.memory_space<vmem>>
      %dma_wait3A_383 = arith.constant 0 : i32
      %dma_wait3A_384 = arith.constant 0 : i32
      %dma_wait3A_385 = tpu.memref_slice %arg2[%dma_wait3A_383, %dma_wait3A_384] : memref<10112x128xf32, #tpu.memory_space<hbm>> -> memref<10112x128xf32, #tpu.memory_space<hbm>>
      tpu.wait_indirect_dma semaphore(%arg12 : memref<!tpu.dma_semaphore, #tpu.memory_space<semaphore_mem>>) src(%dma_wait3A_385 : memref<10112x128xf32, #tpu.memory_space<hbm>>) dst(%arg10 : memref<128x128xf32, #tpu.memory_space<vmem>>)
      %dma_start3A_386 = arith.constant 12 : i32
      %dma_start3A_387 = arith.constant 0 : i32
      %dma_start3A_388 = tpu.memref_slice %arg9[%dma_start3A_386, %dma_start3A_387] : memref<16x128xi32, #tpu.memory_space<vmem>> -> memref<1x128xi32, #tpu.memory_space<vmem>>
      %dma_start3A_389 = tpu.memref_squeeze %dma_start3A_388 : memref<1x128xi32, #tpu.memory_space<vmem>> -> memref<128xi32, #tpu.memory_space<vmem>>
      %dma_start3A_390 = arith.constant 0 : i32
      %dma_start3A_391 = arith.constant 0 : i32
      %dma_start3A_392 = tpu.memref_slice %arg7[%dma_start3A_390, %dma_start3A_391] : memref<10112x128xf32, #tpu.memory_space<vmem_shared>> -> memref<10112x128xf32, #tpu.memory_space<vmem_shared>>
      tpu.enqueue_indirect_dma source(%arg10 : memref<128x128xf32, #tpu.memory_space<vmem>>) target(%dma_start3A_392 : memref<10112x128xf32, #tpu.memory_space<vmem_shared>>) offsets(%dma_start3A_389 : memref<128xi32, #tpu.memory_space<vmem>>) semaphore(%arg14 : memref<!tpu.dma_semaphore, #tpu.memory_space<semaphore_mem>>) {add = true}
      %dma_wait3A_393 = arith.constant 13 : i32
      %dma_wait3A_394 = arith.constant 0 : i32
      %dma_wait3A_395 = tpu.memref_slice %arg8[%dma_wait3A_393, %dma_wait3A_394] : memref<16x128xi32, #tpu.memory_space<vmem>> -> memref<1x128xi32, #tpu.memory_space<vmem>>
      %dma_wait3A_396 = tpu.memref_squeeze %dma_wait3A_395 : memref<1x128xi32, #tpu.memory_space<vmem>> -> memref<128xi32, #tpu.memory_space<vmem>>
      %dma_wait3A_397 = arith.constant 0 : i32
      %dma_wait3A_398 = arith.constant 0 : i32
      %dma_wait3A_399 = tpu.memref_slice %arg2[%dma_wait3A_397, %dma_wait3A_398] : memref<10112x128xf32, #tpu.memory_space<hbm>> -> memref<10112x128xf32, #tpu.memory_space<hbm>>
      tpu.wait_indirect_dma semaphore(%arg13 : memref<!tpu.dma_semaphore, #tpu.memory_space<semaphore_mem>>) src(%dma_wait3A_399 : memref<10112x128xf32, #tpu.memory_space<hbm>>) dst(%arg11 : memref<128x128xf32, #tpu.memory_space<vmem>>)
      %dma_start3A_400 = arith.constant 13 : i32
      %dma_start3A_401 = arith.constant 0 : i32
      %dma_start3A_402 = tpu.memref_slice %arg9[%dma_start3A_400, %dma_start3A_401] : memref<16x128xi32, #tpu.memory_space<vmem>> -> memref<1x128xi32, #tpu.memory_space<vmem>>
      %dma_start3A_403 = tpu.memref_squeeze %dma_start3A_402 : memref<1x128xi32, #tpu.memory_space<vmem>> -> memref<128xi32, #tpu.memory_space<vmem>>
      %dma_start3A_404 = arith.constant 0 : i32
      %dma_start3A_405 = arith.constant 0 : i32
      %dma_start3A_406 = tpu.memref_slice %arg7[%dma_start3A_404, %dma_start3A_405] : memref<10112x128xf32, #tpu.memory_space<vmem_shared>> -> memref<10112x128xf32, #tpu.memory_space<vmem_shared>>
      tpu.enqueue_indirect_dma source(%arg11 : memref<128x128xf32, #tpu.memory_space<vmem>>) target(%dma_start3A_406 : memref<10112x128xf32, #tpu.memory_space<vmem_shared>>) offsets(%dma_start3A_403 : memref<128xi32, #tpu.memory_space<vmem>>) semaphore(%arg15 : memref<!tpu.dma_semaphore, #tpu.memory_space<semaphore_mem>>) {add = true}
      %dma_wait3A_407 = arith.constant 12 : i32
      %dma_wait3A_408 = arith.constant 0 : i32
      %dma_wait3A_409 = tpu.memref_slice %arg9[%dma_wait3A_407, %dma_wait3A_408] : memref<16x128xi32, #tpu.memory_space<vmem>> -> memref<1x128xi32, #tpu.memory_space<vmem>>
      %dma_wait3A_410 = tpu.memref_squeeze %dma_wait3A_409 : memref<1x128xi32, #tpu.memory_space<vmem>> -> memref<128xi32, #tpu.memory_space<vmem>>
      %dma_wait3A_411 = arith.constant 0 : i32
      %dma_wait3A_412 = arith.constant 0 : i32
      %dma_wait3A_413 = tpu.memref_slice %arg7[%dma_wait3A_411, %dma_wait3A_412] : memref<10112x128xf32, #tpu.memory_space<vmem_shared>> -> memref<10112x128xf32, #tpu.memory_space<vmem_shared>>
      tpu.wait_indirect_dma semaphore(%arg14 : memref<!tpu.dma_semaphore, #tpu.memory_space<semaphore_mem>>) src(%arg10 : memref<128x128xf32, #tpu.memory_space<vmem>>) dst(%dma_wait3A_413 : memref<10112x128xf32, #tpu.memory_space<vmem_shared>>)
      %dma_start3A_414 = arith.constant 14 : i32
      %dma_start3A_415 = arith.constant 0 : i32
      %dma_start3A_416 = tpu.memref_slice %arg8[%dma_start3A_414, %dma_start3A_415] : memref<16x128xi32, #tpu.memory_space<vmem>> -> memref<1x128xi32, #tpu.memory_space<vmem>>
      %dma_start3A_417 = tpu.memref_squeeze %dma_start3A_416 : memref<1x128xi32, #tpu.memory_space<vmem>> -> memref<128xi32, #tpu.memory_space<vmem>>
      %dma_start3A_418 = arith.constant 0 : i32
      %dma_start3A_419 = arith.constant 0 : i32
      %dma_start3A_420 = tpu.memref_slice %arg2[%dma_start3A_418, %dma_start3A_419] : memref<10112x128xf32, #tpu.memory_space<hbm>> -> memref<10112x128xf32, #tpu.memory_space<hbm>>
      tpu.enqueue_indirect_dma source(%dma_start3A_420 : memref<10112x128xf32, #tpu.memory_space<hbm>>) target(%arg10 : memref<128x128xf32, #tpu.memory_space<vmem>>) offsets(%dma_start3A_417 : memref<128xi32, #tpu.memory_space<vmem>>) semaphore(%arg12 : memref<!tpu.dma_semaphore, #tpu.memory_space<semaphore_mem>>)
      %dma_wait3A_421 = arith.constant 13 : i32
      %dma_wait3A_422 = arith.constant 0 : i32
      %dma_wait3A_423 = tpu.memref_slice %arg9[%dma_wait3A_421, %dma_wait3A_422] : memref<16x128xi32, #tpu.memory_space<vmem>> -> memref<1x128xi32, #tpu.memory_space<vmem>>
      %dma_wait3A_424 = tpu.memref_squeeze %dma_wait3A_423 : memref<1x128xi32, #tpu.memory_space<vmem>> -> memref<128xi32, #tpu.memory_space<vmem>>
      %dma_wait3A_425 = arith.constant 0 : i32
      %dma_wait3A_426 = arith.constant 0 : i32
      %dma_wait3A_427 = tpu.memref_slice %arg7[%dma_wait3A_425, %dma_wait3A_426] : memref<10112x128xf32, #tpu.memory_space<vmem_shared>> -> memref<10112x128xf32, #tpu.memory_space<vmem_shared>>
      tpu.wait_indirect_dma semaphore(%arg15 : memref<!tpu.dma_semaphore, #tpu.memory_space<semaphore_mem>>) src(%arg11 : memref<128x128xf32, #tpu.memory_space<vmem>>) dst(%dma_wait3A_427 : memref<10112x128xf32, #tpu.memory_space<vmem_shared>>)
      %dma_start3A_428 = arith.constant 15 : i32
      %dma_start3A_429 = arith.constant 0 : i32
      %dma_start3A_430 = tpu.memref_slice %arg8[%dma_start3A_428, %dma_start3A_429] : memref<16x128xi32, #tpu.memory_space<vmem>> -> memref<1x128xi32, #tpu.memory_space<vmem>>
      %dma_start3A_431 = tpu.memref_squeeze %dma_start3A_430 : memref<1x128xi32, #tpu.memory_space<vmem>> -> memref<128xi32, #tpu.memory_space<vmem>>
      %dma_start3A_432 = arith.constant 0 : i32
      %dma_start3A_433 = arith.constant 0 : i32
      %dma_start3A_434 = tpu.memref_slice %arg2[%dma_start3A_432, %dma_start3A_433] : memref<10112x128xf32, #tpu.memory_space<hbm>> -> memref<10112x128xf32, #tpu.memory_space<hbm>>
      tpu.enqueue_indirect_dma source(%dma_start3A_434 : memref<10112x128xf32, #tpu.memory_space<hbm>>) target(%arg11 : memref<128x128xf32, #tpu.memory_space<vmem>>) offsets(%dma_start3A_431 : memref<128xi32, #tpu.memory_space<vmem>>) semaphore(%arg13 : memref<!tpu.dma_semaphore, #tpu.memory_space<semaphore_mem>>)
      %dma_wait3A_435 = arith.constant 14 : i32
      %dma_wait3A_436 = arith.constant 0 : i32
      %dma_wait3A_437 = tpu.memref_slice %arg8[%dma_wait3A_435, %dma_wait3A_436] : memref<16x128xi32, #tpu.memory_space<vmem>> -> memref<1x128xi32, #tpu.memory_space<vmem>>
      %dma_wait3A_438 = tpu.memref_squeeze %dma_wait3A_437 : memref<1x128xi32, #tpu.memory_space<vmem>> -> memref<128xi32, #tpu.memory_space<vmem>>
      %dma_wait3A_439 = arith.constant 0 : i32
      %dma_wait3A_440 = arith.constant 0 : i32
      %dma_wait3A_441 = tpu.memref_slice %arg2[%dma_wait3A_439, %dma_wait3A_440] : memref<10112x128xf32, #tpu.memory_space<hbm>> -> memref<10112x128xf32, #tpu.memory_space<hbm>>
      tpu.wait_indirect_dma semaphore(%arg12 : memref<!tpu.dma_semaphore, #tpu.memory_space<semaphore_mem>>) src(%dma_wait3A_441 : memref<10112x128xf32, #tpu.memory_space<hbm>>) dst(%arg10 : memref<128x128xf32, #tpu.memory_space<vmem>>)
      %dma_start3A_442 = arith.constant 14 : i32
      %dma_start3A_443 = arith.constant 0 : i32
      %dma_start3A_444 = tpu.memref_slice %arg9[%dma_start3A_442, %dma_start3A_443] : memref<16x128xi32, #tpu.memory_space<vmem>> -> memref<1x128xi32, #tpu.memory_space<vmem>>
      %dma_start3A_445 = tpu.memref_squeeze %dma_start3A_444 : memref<1x128xi32, #tpu.memory_space<vmem>> -> memref<128xi32, #tpu.memory_space<vmem>>
      %dma_start3A_446 = arith.constant 0 : i32
      %dma_start3A_447 = arith.constant 0 : i32
      %dma_start3A_448 = tpu.memref_slice %arg7[%dma_start3A_446, %dma_start3A_447] : memref<10112x128xf32, #tpu.memory_space<vmem_shared>> -> memref<10112x128xf32, #tpu.memory_space<vmem_shared>>
      tpu.enqueue_indirect_dma source(%arg10 : memref<128x128xf32, #tpu.memory_space<vmem>>) target(%dma_start3A_448 : memref<10112x128xf32, #tpu.memory_space<vmem_shared>>) offsets(%dma_start3A_445 : memref<128xi32, #tpu.memory_space<vmem>>) semaphore(%arg14 : memref<!tpu.dma_semaphore, #tpu.memory_space<semaphore_mem>>) {add = true}
      %dma_wait3A_449 = arith.constant 15 : i32
      %dma_wait3A_450 = arith.constant 0 : i32
      %dma_wait3A_451 = tpu.memref_slice %arg8[%dma_wait3A_449, %dma_wait3A_450] : memref<16x128xi32, #tpu.memory_space<vmem>> -> memref<1x128xi32, #tpu.memory_space<vmem>>
      %dma_wait3A_452 = tpu.memref_squeeze %dma_wait3A_451 : memref<1x128xi32, #tpu.memory_space<vmem>> -> memref<128xi32, #tpu.memory_space<vmem>>
      %dma_wait3A_453 = arith.constant 0 : i32
      %dma_wait3A_454 = arith.constant 0 : i32
      %dma_wait3A_455 = tpu.memref_slice %arg2[%dma_wait3A_453, %dma_wait3A_454] : memref<10112x128xf32, #tpu.memory_space<hbm>> -> memref<10112x128xf32, #tpu.memory_space<hbm>>
      tpu.wait_indirect_dma semaphore(%arg13 : memref<!tpu.dma_semaphore, #tpu.memory_space<semaphore_mem>>) src(%dma_wait3A_455 : memref<10112x128xf32, #tpu.memory_space<hbm>>) dst(%arg11 : memref<128x128xf32, #tpu.memory_space<vmem>>)
      %dma_start3A_456 = arith.constant 15 : i32
      %dma_start3A_457 = arith.constant 0 : i32
      %dma_start3A_458 = tpu.memref_slice %arg9[%dma_start3A_456, %dma_start3A_457] : memref<16x128xi32, #tpu.memory_space<vmem>> -> memref<1x128xi32, #tpu.memory_space<vmem>>
      %dma_start3A_459 = tpu.memref_squeeze %dma_start3A_458 : memref<1x128xi32, #tpu.memory_space<vmem>> -> memref<128xi32, #tpu.memory_space<vmem>>
      %dma_start3A_460 = arith.constant 0 : i32
      %dma_start3A_461 = arith.constant 0 : i32
      %dma_start3A_462 = tpu.memref_slice %arg7[%dma_start3A_460, %dma_start3A_461] : memref<10112x128xf32, #tpu.memory_space<vmem_shared>> -> memref<10112x128xf32, #tpu.memory_space<vmem_shared>>
      tpu.enqueue_indirect_dma source(%arg11 : memref<128x128xf32, #tpu.memory_space<vmem>>) target(%dma_start3A_462 : memref<10112x128xf32, #tpu.memory_space<vmem_shared>>) offsets(%dma_start3A_459 : memref<128xi32, #tpu.memory_space<vmem>>) semaphore(%arg15 : memref<!tpu.dma_semaphore, #tpu.memory_space<semaphore_mem>>) {add = true}
      %dma_wait3A_463 = arith.constant 14 : i32
      %dma_wait3A_464 = arith.constant 0 : i32
      %dma_wait3A_465 = tpu.memref_slice %arg9[%dma_wait3A_463, %dma_wait3A_464] : memref<16x128xi32, #tpu.memory_space<vmem>> -> memref<1x128xi32, #tpu.memory_space<vmem>>
      %dma_wait3A_466 = tpu.memref_squeeze %dma_wait3A_465 : memref<1x128xi32, #tpu.memory_space<vmem>> -> memref<128xi32, #tpu.memory_space<vmem>>
      %dma_wait3A_467 = arith.constant 0 : i32
      %dma_wait3A_468 = arith.constant 0 : i32
      %dma_wait3A_469 = tpu.memref_slice %arg7[%dma_wait3A_467, %dma_wait3A_468] : memref<10112x128xf32, #tpu.memory_space<vmem_shared>> -> memref<10112x128xf32, #tpu.memory_space<vmem_shared>>
      tpu.wait_indirect_dma semaphore(%arg14 : memref<!tpu.dma_semaphore, #tpu.memory_space<semaphore_mem>>) src(%arg10 : memref<128x128xf32, #tpu.memory_space<vmem>>) dst(%dma_wait3A_469 : memref<10112x128xf32, #tpu.memory_space<vmem_shared>>)
      %dma_wait3A_470 = arith.constant 15 : i32
      %dma_wait3A_471 = arith.constant 0 : i32
      %dma_wait3A_472 = tpu.memref_slice %arg9[%dma_wait3A_470, %dma_wait3A_471] : memref<16x128xi32, #tpu.memory_space<vmem>> -> memref<1x128xi32, #tpu.memory_space<vmem>>
      %dma_wait3A_473 = tpu.memref_squeeze %dma_wait3A_472 : memref<1x128xi32, #tpu.memory_space<vmem>> -> memref<128xi32, #tpu.memory_space<vmem>>
      %dma_wait3A_474 = arith.constant 0 : i32
      %dma_wait3A_475 = arith.constant 0 : i32
      %dma_wait3A_476 = tpu.memref_slice %arg7[%dma_wait3A_474, %dma_wait3A_475] : memref<10112x128xf32, #tpu.memory_space<vmem_shared>> -> memref<10112x128xf32, #tpu.memory_space<vmem_shared>>
      tpu.wait_indirect_dma semaphore(%arg15 : memref<!tpu.dma_semaphore, #tpu.memory_space<semaphore_mem>>) src(%arg11 : memref<128x128xf32, #tpu.memory_space<vmem>>) dst(%dma_wait3A_476 : memref<10112x128xf32, #tpu.memory_space<vmem_shared>>)
    }
    %while3A_21 = arith.constant 1 : i32
    scf.for %while3A_27 = %while3A_19 to %while3A_15 step %while3A_21  : i32 {
      %mul3A_28 = arith.constant 16 : i32
      %mul3A_29 = arith.muli %mul3A_28, %while3A_27 : i32
      %add3A_30 = arith.addi %select_n3A, %mul3A_29 : i32
      "tpu.region"() ({
        %run_scoped3A = tpu.sem_alloc : memref<!tpu.dma_semaphore, #tpu.memory_space<semaphore_mem>>
        %dma_start3A_477 = arith.constant 0 : i32
        %dma_start3A_478 = tpu.memref_slice %arg3[%add3A_30, %dma_start3A_477] : memref<2560x128xi32, #tpu.memory_space<hbm>> -> memref<16x128xi32, #tpu.memory_space<hbm>>
        %dma_start3A_479 = arith.constant 0 : i32
        %dma_start3A_480 = tpu.memref_slice %arg3[%add3A_30, %dma_start3A_479] : memref<2560x128xi32, #tpu.memory_space<hbm>> -> memref<16x128xi32, #tpu.memory_space<hbm>>
        tpu.enqueue_dma source(%dma_start3A_480 : memref<16x128xi32, #tpu.memory_space<hbm>>) target(%arg8 : memref<16x128xi32, #tpu.memory_space<vmem>>) target_semaphore(%run_scoped3A : memref<!tpu.dma_semaphore, #tpu.memory_space<semaphore_mem>>)
        %dma_wait3A_481 = arith.constant 0 : i32
        %dma_wait3A_482 = tpu.memref_slice %arg3[%add3A_30, %dma_wait3A_481] : memref<2560x128xi32, #tpu.memory_space<hbm>> -> memref<16x128xi32, #tpu.memory_space<hbm>>
        %dma_wait3A_483 = arith.constant 0 : i32
        %dma_wait3A_484 = tpu.memref_slice %arg3[%add3A_30, %dma_wait3A_483] : memref<2560x128xi32, #tpu.memory_space<hbm>> -> memref<16x128xi32, #tpu.memory_space<hbm>>
        tpu.wait_dma2 semaphore(%run_scoped3A : memref<!tpu.dma_semaphore, #tpu.memory_space<semaphore_mem>>) src(%dma_wait3A_484 : memref<16x128xi32, #tpu.memory_space<hbm>>) dst(%arg8 : memref<16x128xi32, #tpu.memory_space<vmem>>)
        tpu.yield
      }) : () -> ()
      "tpu.region"() ({
        %run_scoped3A = tpu.sem_alloc : memref<!tpu.dma_semaphore, #tpu.memory_space<semaphore_mem>>
        %dma_start3A_477 = arith.constant 0 : i32
        %dma_start3A_478 = tpu.memref_slice %arg4[%add3A_30, %dma_start3A_477] : memref<2560x128xi32, #tpu.memory_space<hbm>> -> memref<16x128xi32, #tpu.memory_space<hbm>>
        %dma_start3A_479 = arith.constant 0 : i32
        %dma_start3A_480 = tpu.memref_slice %arg4[%add3A_30, %dma_start3A_479] : memref<2560x128xi32, #tpu.memory_space<hbm>> -> memref<16x128xi32, #tpu.memory_space<hbm>>
        tpu.enqueue_dma source(%dma_start3A_480 : memref<16x128xi32, #tpu.memory_space<hbm>>) target(%arg9 : memref<16x128xi32, #tpu.memory_space<vmem>>) target_semaphore(%run_scoped3A : memref<!tpu.dma_semaphore, #tpu.memory_space<semaphore_mem>>)
        %dma_wait3A_481 = arith.constant 0 : i32
        %dma_wait3A_482 = tpu.memref_slice %arg4[%add3A_30, %dma_wait3A_481] : memref<2560x128xi32, #tpu.memory_space<hbm>> -> memref<16x128xi32, #tpu.memory_space<hbm>>
        %dma_wait3A_483 = arith.constant 0 : i32
        %dma_wait3A_484 = tpu.memref_slice %arg4[%add3A_30, %dma_wait3A_483] : memref<2560x128xi32, #tpu.memory_space<hbm>> -> memref<16x128xi32, #tpu.memory_space<hbm>>
        tpu.wait_dma2 semaphore(%run_scoped3A : memref<!tpu.dma_semaphore, #tpu.memory_space<semaphore_mem>>) src(%dma_wait3A_484 : memref<16x128xi32, #tpu.memory_space<hbm>>) dst(%arg9 : memref<16x128xi32, #tpu.memory_space<vmem>>)
        tpu.yield
      }) : () -> ()
      %dma_start3A = arith.constant 0 : i32
      %dma_start3A_31 = arith.constant 0 : i32
      %dma_start3A_32 = tpu.memref_slice %arg8[%dma_start3A, %dma_start3A_31] : memref<16x128xi32, #tpu.memory_space<vmem>> -> memref<1x128xi32, #tpu.memory_space<vmem>>
      %dma_start3A_33 = tpu.memref_squeeze %dma_start3A_32 : memref<1x128xi32, #tpu.memory_space<vmem>> -> memref<128xi32, #tpu.memory_space<vmem>>
      %dma_start3A_34 = arith.constant 0 : i32
      %dma_start3A_35 = arith.constant 0 : i32
      %dma_start3A_36 = tpu.memref_slice %arg2[%dma_start3A_34, %dma_start3A_35] : memref<10112x128xf32, #tpu.memory_space<hbm>> -> memref<10112x128xf32, #tpu.memory_space<hbm>>
      tpu.enqueue_indirect_dma source(%dma_start3A_36 : memref<10112x128xf32, #tpu.memory_space<hbm>>) target(%arg10 : memref<128x128xf32, #tpu.memory_space<vmem>>) offsets(%dma_start3A_33 : memref<128xi32, #tpu.memory_space<vmem>>) semaphore(%arg12 : memref<!tpu.dma_semaphore, #tpu.memory_space<semaphore_mem>>)
      %dma_start3A_37 = arith.constant 1 : i32
      %dma_start3A_38 = arith.constant 0 : i32
      %dma_start3A_39 = tpu.memref_slice %arg8[%dma_start3A_37, %dma_start3A_38] : memref<16x128xi32, #tpu.memory_space<vmem>> -> memref<1x128xi32, #tpu.memory_space<vmem>>
      %dma_start3A_40 = tpu.memref_squeeze %dma_start3A_39 : memref<1x128xi32, #tpu.memory_space<vmem>> -> memref<128xi32, #tpu.memory_space<vmem>>
      %dma_start3A_41 = arith.constant 0 : i32
      %dma_start3A_42 = arith.constant 0 : i32
      %dma_start3A_43 = tpu.memref_slice %arg2[%dma_start3A_41, %dma_start3A_42] : memref<10112x128xf32, #tpu.memory_space<hbm>> -> memref<10112x128xf32, #tpu.memory_space<hbm>>
      tpu.enqueue_indirect_dma source(%dma_start3A_43 : memref<10112x128xf32, #tpu.memory_space<hbm>>) target(%arg11 : memref<128x128xf32, #tpu.memory_space<vmem>>) offsets(%dma_start3A_40 : memref<128xi32, #tpu.memory_space<vmem>>) semaphore(%arg13 : memref<!tpu.dma_semaphore, #tpu.memory_space<semaphore_mem>>)
      %dma_wait3A = arith.constant 0 : i32
      %dma_wait3A_44 = arith.constant 0 : i32
      %dma_wait3A_45 = tpu.memref_slice %arg8[%dma_wait3A, %dma_wait3A_44] : memref<16x128xi32, #tpu.memory_space<vmem>> -> memref<1x128xi32, #tpu.memory_space<vmem>>
      %dma_wait3A_46 = tpu.memref_squeeze %dma_wait3A_45 : memref<1x128xi32, #tpu.memory_space<vmem>> -> memref<128xi32, #tpu.memory_space<vmem>>
      %dma_wait3A_47 = arith.constant 0 : i32
      %dma_wait3A_48 = arith.constant 0 : i32
      %dma_wait3A_49 = tpu.memref_slice %arg2[%dma_wait3A_47, %dma_wait3A_48] : memref<10112x128xf32, #tpu.memory_space<hbm>> -> memref<10112x128xf32, #tpu.memory_space<hbm>>
      tpu.wait_indirect_dma semaphore(%arg12 : memref<!tpu.dma_semaphore, #tpu.memory_space<semaphore_mem>>) src(%dma_wait3A_49 : memref<10112x128xf32, #tpu.memory_space<hbm>>) dst(%arg10 : memref<128x128xf32, #tpu.memory_space<vmem>>)
      %dma_start3A_50 = arith.constant 0 : i32
      %dma_start3A_51 = arith.constant 0 : i32
      %dma_start3A_52 = tpu.memref_slice %arg9[%dma_start3A_50, %dma_start3A_51] : memref<16x128xi32, #tpu.memory_space<vmem>> -> memref<1x128xi32, #tpu.memory_space<vmem>>
      %dma_start3A_53 = tpu.memref_squeeze %dma_start3A_52 : memref<1x128xi32, #tpu.memory_space<vmem>> -> memref<128xi32, #tpu.memory_space<vmem>>
      %dma_start3A_54 = arith.constant 0 : i32
      %dma_start3A_55 = arith.constant 0 : i32
      %dma_start3A_56 = tpu.memref_slice %arg7[%dma_start3A_54, %dma_start3A_55] : memref<10112x128xf32, #tpu.memory_space<vmem_shared>> -> memref<10112x128xf32, #tpu.memory_space<vmem_shared>>
      tpu.enqueue_indirect_dma source(%arg10 : memref<128x128xf32, #tpu.memory_space<vmem>>) target(%dma_start3A_56 : memref<10112x128xf32, #tpu.memory_space<vmem_shared>>) offsets(%dma_start3A_53 : memref<128xi32, #tpu.memory_space<vmem>>) semaphore(%arg14 : memref<!tpu.dma_semaphore, #tpu.memory_space<semaphore_mem>>) {add = true}
      %dma_wait3A_57 = arith.constant 1 : i32
      %dma_wait3A_58 = arith.constant 0 : i32
      %dma_wait3A_59 = tpu.memref_slice %arg8[%dma_wait3A_57, %dma_wait3A_58] : memref<16x128xi32, #tpu.memory_space<vmem>> -> memref<1x128xi32, #tpu.memory_space<vmem>>
      %dma_wait3A_60 = tpu.memref_squeeze %dma_wait3A_59 : memref<1x128xi32, #tpu.memory_space<vmem>> -> memref<128xi32, #tpu.memory_space<vmem>>
      %dma_wait3A_61 = arith.constant 0 : i32
      %dma_wait3A_62 = arith.constant 0 : i32
      %dma_wait3A_63 = tpu.memref_slice %arg2[%dma_wait3A_61, %dma_wait3A_62] : memref<10112x128xf32, #tpu.memory_space<hbm>> -> memref<10112x128xf32, #tpu.memory_space<hbm>>
      tpu.wait_indirect_dma semaphore(%arg13 : memref<!tpu.dma_semaphore, #tpu.memory_space<semaphore_mem>>) src(%dma_wait3A_63 : memref<10112x128xf32, #tpu.memory_space<hbm>>) dst(%arg11 : memref<128x128xf32, #tpu.memory_space<vmem>>)
      %dma_start3A_64 = arith.constant 1 : i32
      %dma_start3A_65 = arith.constant 0 : i32
      %dma_start3A_66 = tpu.memref_slice %arg9[%dma_start3A_64, %dma_start3A_65] : memref<16x128xi32, #tpu.memory_space<vmem>> -> memref<1x128xi32, #tpu.memory_space<vmem>>
      %dma_start3A_67 = tpu.memref_squeeze %dma_start3A_66 : memref<1x128xi32, #tpu.memory_space<vmem>> -> memref<128xi32, #tpu.memory_space<vmem>>
      %dma_start3A_68 = arith.constant 0 : i32
      %dma_start3A_69 = arith.constant 0 : i32
      %dma_start3A_70 = tpu.memref_slice %arg7[%dma_start3A_68, %dma_start3A_69] : memref<10112x128xf32, #tpu.memory_space<vmem_shared>> -> memref<10112x128xf32, #tpu.memory_space<vmem_shared>>
      tpu.enqueue_indirect_dma source(%arg11 : memref<128x128xf32, #tpu.memory_space<vmem>>) target(%dma_start3A_70 : memref<10112x128xf32, #tpu.memory_space<vmem_shared>>) offsets(%dma_start3A_67 : memref<128xi32, #tpu.memory_space<vmem>>) semaphore(%arg15 : memref<!tpu.dma_semaphore, #tpu.memory_space<semaphore_mem>>) {add = true}
      %dma_wait3A_71 = arith.constant 0 : i32
      %dma_wait3A_72 = arith.constant 0 : i32
      %dma_wait3A_73 = tpu.memref_slice %arg9[%dma_wait3A_71, %dma_wait3A_72] : memref<16x128xi32, #tpu.memory_space<vmem>> -> memref<1x128xi32, #tpu.memory_space<vmem>>
      %dma_wait3A_74 = tpu.memref_squeeze %dma_wait3A_73 : memref<1x128xi32, #tpu.memory_space<vmem>> -> memref<128xi32, #tpu.memory_space<vmem>>
      %dma_wait3A_75 = arith.constant 0 : i32
      %dma_wait3A_76 = arith.constant 0 : i32
      %dma_wait3A_77 = tpu.memref_slice %arg7[%dma_wait3A_75, %dma_wait3A_76] : memref<10112x128xf32, #tpu.memory_space<vmem_shared>> -> memref<10112x128xf32, #tpu.memory_space<vmem_shared>>
      tpu.wait_indirect_dma semaphore(%arg14 : memref<!tpu.dma_semaphore, #tpu.memory_space<semaphore_mem>>) src(%arg10 : memref<128x128xf32, #tpu.memory_space<vmem>>) dst(%dma_wait3A_77 : memref<10112x128xf32, #tpu.memory_space<vmem_shared>>)
      %dma_start3A_78 = arith.constant 2 : i32
      %dma_start3A_79 = arith.constant 0 : i32
      %dma_start3A_80 = tpu.memref_slice %arg8[%dma_start3A_78, %dma_start3A_79] : memref<16x128xi32, #tpu.memory_space<vmem>> -> memref<1x128xi32, #tpu.memory_space<vmem>>
      %dma_start3A_81 = tpu.memref_squeeze %dma_start3A_80 : memref<1x128xi32, #tpu.memory_space<vmem>> -> memref<128xi32, #tpu.memory_space<vmem>>
      %dma_start3A_82 = arith.constant 0 : i32
      %dma_start3A_83 = arith.constant 0 : i32
      %dma_start3A_84 = tpu.memref_slice %arg2[%dma_start3A_82, %dma_start3A_83] : memref<10112x128xf32, #tpu.memory_space<hbm>> -> memref<10112x128xf32, #tpu.memory_space<hbm>>
      tpu.enqueue_indirect_dma source(%dma_start3A_84 : memref<10112x128xf32, #tpu.memory_space<hbm>>) target(%arg10 : memref<128x128xf32, #tpu.memory_space<vmem>>) offsets(%dma_start3A_81 : memref<128xi32, #tpu.memory_space<vmem>>) semaphore(%arg12 : memref<!tpu.dma_semaphore, #tpu.memory_space<semaphore_mem>>)
      %dma_wait3A_85 = arith.constant 1 : i32
      %dma_wait3A_86 = arith.constant 0 : i32
      %dma_wait3A_87 = tpu.memref_slice %arg9[%dma_wait3A_85, %dma_wait3A_86] : memref<16x128xi32, #tpu.memory_space<vmem>> -> memref<1x128xi32, #tpu.memory_space<vmem>>
      %dma_wait3A_88 = tpu.memref_squeeze %dma_wait3A_87 : memref<1x128xi32, #tpu.memory_space<vmem>> -> memref<128xi32, #tpu.memory_space<vmem>>
      %dma_wait3A_89 = arith.constant 0 : i32
      %dma_wait3A_90 = arith.constant 0 : i32
      %dma_wait3A_91 = tpu.memref_slice %arg7[%dma_wait3A_89, %dma_wait3A_90] : memref<10112x128xf32, #tpu.memory_space<vmem_shared>> -> memref<10112x128xf32, #tpu.memory_space<vmem_shared>>
      tpu.wait_indirect_dma semaphore(%arg15 : memref<!tpu.dma_semaphore, #tpu.memory_space<semaphore_mem>>) src(%arg11 : memref<128x128xf32, #tpu.memory_space<vmem>>) dst(%dma_wait3A_91 : memref<10112x128xf32, #tpu.memory_space<vmem_shared>>)
      %dma_start3A_92 = arith.constant 3 : i32
      %dma_start3A_93 = arith.constant 0 : i32
      %dma_start3A_94 = tpu.memref_slice %arg8[%dma_start3A_92, %dma_start3A_93] : memref<16x128xi32, #tpu.memory_space<vmem>> -> memref<1x128xi32, #tpu.memory_space<vmem>>
      %dma_start3A_95 = tpu.memref_squeeze %dma_start3A_94 : memref<1x128xi32, #tpu.memory_space<vmem>> -> memref<128xi32, #tpu.memory_space<vmem>>
      %dma_start3A_96 = arith.constant 0 : i32
      %dma_start3A_97 = arith.constant 0 : i32
      %dma_start3A_98 = tpu.memref_slice %arg2[%dma_start3A_96, %dma_start3A_97] : memref<10112x128xf32, #tpu.memory_space<hbm>> -> memref<10112x128xf32, #tpu.memory_space<hbm>>
      tpu.enqueue_indirect_dma source(%dma_start3A_98 : memref<10112x128xf32, #tpu.memory_space<hbm>>) target(%arg11 : memref<128x128xf32, #tpu.memory_space<vmem>>) offsets(%dma_start3A_95 : memref<128xi32, #tpu.memory_space<vmem>>) semaphore(%arg13 : memref<!tpu.dma_semaphore, #tpu.memory_space<semaphore_mem>>)
      %dma_wait3A_99 = arith.constant 2 : i32
      %dma_wait3A_100 = arith.constant 0 : i32
      %dma_wait3A_101 = tpu.memref_slice %arg8[%dma_wait3A_99, %dma_wait3A_100] : memref<16x128xi32, #tpu.memory_space<vmem>> -> memref<1x128xi32, #tpu.memory_space<vmem>>
      %dma_wait3A_102 = tpu.memref_squeeze %dma_wait3A_101 : memref<1x128xi32, #tpu.memory_space<vmem>> -> memref<128xi32, #tpu.memory_space<vmem>>
      %dma_wait3A_103 = arith.constant 0 : i32
      %dma_wait3A_104 = arith.constant 0 : i32
      %dma_wait3A_105 = tpu.memref_slice %arg2[%dma_wait3A_103, %dma_wait3A_104] : memref<10112x128xf32, #tpu.memory_space<hbm>> -> memref<10112x128xf32, #tpu.memory_space<hbm>>
      tpu.wait_indirect_dma semaphore(%arg12 : memref<!tpu.dma_semaphore, #tpu.memory_space<semaphore_mem>>) src(%dma_wait3A_105 : memref<10112x128xf32, #tpu.memory_space<hbm>>) dst(%arg10 : memref<128x128xf32, #tpu.memory_space<vmem>>)
      %dma_start3A_106 = arith.constant 2 : i32
      %dma_start3A_107 = arith.constant 0 : i32
      %dma_start3A_108 = tpu.memref_slice %arg9[%dma_start3A_106, %dma_start3A_107] : memref<16x128xi32, #tpu.memory_space<vmem>> -> memref<1x128xi32, #tpu.memory_space<vmem>>
      %dma_start3A_109 = tpu.memref_squeeze %dma_start3A_108 : memref<1x128xi32, #tpu.memory_space<vmem>> -> memref<128xi32, #tpu.memory_space<vmem>>
      %dma_start3A_110 = arith.constant 0 : i32
      %dma_start3A_111 = arith.constant 0 : i32
      %dma_start3A_112 = tpu.memref_slice %arg7[%dma_start3A_110, %dma_start3A_111] : memref<10112x128xf32, #tpu.memory_space<vmem_shared>> -> memref<10112x128xf32, #tpu.memory_space<vmem_shared>>
      tpu.enqueue_indirect_dma source(%arg10 : memref<128x128xf32, #tpu.memory_space<vmem>>) target(%dma_start3A_112 : memref<10112x128xf32, #tpu.memory_space<vmem_shared>>) offsets(%dma_start3A_109 : memref<128xi32, #tpu.memory_space<vmem>>) semaphore(%arg14 : memref<!tpu.dma_semaphore, #tpu.memory_space<semaphore_mem>>) {add = true}
      %dma_wait3A_113 = arith.constant 3 : i32
      %dma_wait3A_114 = arith.constant 0 : i32
      %dma_wait3A_115 = tpu.memref_slice %arg8[%dma_wait3A_113, %dma_wait3A_114] : memref<16x128xi32, #tpu.memory_space<vmem>> -> memref<1x128xi32, #tpu.memory_space<vmem>>
      %dma_wait3A_116 = tpu.memref_squeeze %dma_wait3A_115 : memref<1x128xi32, #tpu.memory_space<vmem>> -> memref<128xi32, #tpu.memory_space<vmem>>
      %dma_wait3A_117 = arith.constant 0 : i32
      %dma_wait3A_118 = arith.constant 0 : i32
      %dma_wait3A_119 = tpu.memref_slice %arg2[%dma_wait3A_117, %dma_wait3A_118] : memref<10112x128xf32, #tpu.memory_space<hbm>> -> memref<10112x128xf32, #tpu.memory_space<hbm>>
      tpu.wait_indirect_dma semaphore(%arg13 : memref<!tpu.dma_semaphore, #tpu.memory_space<semaphore_mem>>) src(%dma_wait3A_119 : memref<10112x128xf32, #tpu.memory_space<hbm>>) dst(%arg11 : memref<128x128xf32, #tpu.memory_space<vmem>>)
      %dma_start3A_120 = arith.constant 3 : i32
      %dma_start3A_121 = arith.constant 0 : i32
      %dma_start3A_122 = tpu.memref_slice %arg9[%dma_start3A_120, %dma_start3A_121] : memref<16x128xi32, #tpu.memory_space<vmem>> -> memref<1x128xi32, #tpu.memory_space<vmem>>
      %dma_start3A_123 = tpu.memref_squeeze %dma_start3A_122 : memref<1x128xi32, #tpu.memory_space<vmem>> -> memref<128xi32, #tpu.memory_space<vmem>>
      %dma_start3A_124 = arith.constant 0 : i32
      %dma_start3A_125 = arith.constant 0 : i32
      %dma_start3A_126 = tpu.memref_slice %arg7[%dma_start3A_124, %dma_start3A_125] : memref<10112x128xf32, #tpu.memory_space<vmem_shared>> -> memref<10112x128xf32, #tpu.memory_space<vmem_shared>>
      tpu.enqueue_indirect_dma source(%arg11 : memref<128x128xf32, #tpu.memory_space<vmem>>) target(%dma_start3A_126 : memref<10112x128xf32, #tpu.memory_space<vmem_shared>>) offsets(%dma_start3A_123 : memref<128xi32, #tpu.memory_space<vmem>>) semaphore(%arg15 : memref<!tpu.dma_semaphore, #tpu.memory_space<semaphore_mem>>) {add = true}
      %dma_wait3A_127 = arith.constant 2 : i32
      %dma_wait3A_128 = arith.constant 0 : i32
      %dma_wait3A_129 = tpu.memref_slice %arg9[%dma_wait3A_127, %dma_wait3A_128] : memref<16x128xi32, #tpu.memory_space<vmem>> -> memref<1x128xi32, #tpu.memory_space<vmem>>
      %dma_wait3A_130 = tpu.memref_squeeze %dma_wait3A_129 : memref<1x128xi32, #tpu.memory_space<vmem>> -> memref<128xi32, #tpu.memory_space<vmem>>
      %dma_wait3A_131 = arith.constant 0 : i32
      %dma_wait3A_132 = arith.constant 0 : i32
      %dma_wait3A_133 = tpu.memref_slice %arg7[%dma_wait3A_131, %dma_wait3A_132] : memref<10112x128xf32, #tpu.memory_space<vmem_shared>> -> memref<10112x128xf32, #tpu.memory_space<vmem_shared>>
      tpu.wait_indirect_dma semaphore(%arg14 : memref<!tpu.dma_semaphore, #tpu.memory_space<semaphore_mem>>) src(%arg10 : memref<128x128xf32, #tpu.memory_space<vmem>>) dst(%dma_wait3A_133 : memref<10112x128xf32, #tpu.memory_space<vmem_shared>>)
      %dma_start3A_134 = arith.constant 4 : i32
      %dma_start3A_135 = arith.constant 0 : i32
      %dma_start3A_136 = tpu.memref_slice %arg8[%dma_start3A_134, %dma_start3A_135] : memref<16x128xi32, #tpu.memory_space<vmem>> -> memref<1x128xi32, #tpu.memory_space<vmem>>
      %dma_start3A_137 = tpu.memref_squeeze %dma_start3A_136 : memref<1x128xi32, #tpu.memory_space<vmem>> -> memref<128xi32, #tpu.memory_space<vmem>>
      %dma_start3A_138 = arith.constant 0 : i32
      %dma_start3A_139 = arith.constant 0 : i32
      %dma_start3A_140 = tpu.memref_slice %arg2[%dma_start3A_138, %dma_start3A_139] : memref<10112x128xf32, #tpu.memory_space<hbm>> -> memref<10112x128xf32, #tpu.memory_space<hbm>>
      tpu.enqueue_indirect_dma source(%dma_start3A_140 : memref<10112x128xf32, #tpu.memory_space<hbm>>) target(%arg10 : memref<128x128xf32, #tpu.memory_space<vmem>>) offsets(%dma_start3A_137 : memref<128xi32, #tpu.memory_space<vmem>>) semaphore(%arg12 : memref<!tpu.dma_semaphore, #tpu.memory_space<semaphore_mem>>)
      %dma_wait3A_141 = arith.constant 3 : i32
      %dma_wait3A_142 = arith.constant 0 : i32
      %dma_wait3A_143 = tpu.memref_slice %arg9[%dma_wait3A_141, %dma_wait3A_142] : memref<16x128xi32, #tpu.memory_space<vmem>> -> memref<1x128xi32, #tpu.memory_space<vmem>>
      %dma_wait3A_144 = tpu.memref_squeeze %dma_wait3A_143 : memref<1x128xi32, #tpu.memory_space<vmem>> -> memref<128xi32, #tpu.memory_space<vmem>>
      %dma_wait3A_145 = arith.constant 0 : i32
      %dma_wait3A_146 = arith.constant 0 : i32
      %dma_wait3A_147 = tpu.memref_slice %arg7[%dma_wait3A_145, %dma_wait3A_146] : memref<10112x128xf32, #tpu.memory_space<vmem_shared>> -> memref<10112x128xf32, #tpu.memory_space<vmem_shared>>
      tpu.wait_indirect_dma semaphore(%arg15 : memref<!tpu.dma_semaphore, #tpu.memory_space<semaphore_mem>>) src(%arg11 : memref<128x128xf32, #tpu.memory_space<vmem>>) dst(%dma_wait3A_147 : memref<10112x128xf32, #tpu.memory_space<vmem_shared>>)
      %dma_start3A_148 = arith.constant 5 : i32
      %dma_start3A_149 = arith.constant 0 : i32
      %dma_start3A_150 = tpu.memref_slice %arg8[%dma_start3A_148, %dma_start3A_149] : memref<16x128xi32, #tpu.memory_space<vmem>> -> memref<1x128xi32, #tpu.memory_space<vmem>>
      %dma_start3A_151 = tpu.memref_squeeze %dma_start3A_150 : memref<1x128xi32, #tpu.memory_space<vmem>> -> memref<128xi32, #tpu.memory_space<vmem>>
      %dma_start3A_152 = arith.constant 0 : i32
      %dma_start3A_153 = arith.constant 0 : i32
      %dma_start3A_154 = tpu.memref_slice %arg2[%dma_start3A_152, %dma_start3A_153] : memref<10112x128xf32, #tpu.memory_space<hbm>> -> memref<10112x128xf32, #tpu.memory_space<hbm>>
      tpu.enqueue_indirect_dma source(%dma_start3A_154 : memref<10112x128xf32, #tpu.memory_space<hbm>>) target(%arg11 : memref<128x128xf32, #tpu.memory_space<vmem>>) offsets(%dma_start3A_151 : memref<128xi32, #tpu.memory_space<vmem>>) semaphore(%arg13 : memref<!tpu.dma_semaphore, #tpu.memory_space<semaphore_mem>>)
      %dma_wait3A_155 = arith.constant 4 : i32
      %dma_wait3A_156 = arith.constant 0 : i32
      %dma_wait3A_157 = tpu.memref_slice %arg8[%dma_wait3A_155, %dma_wait3A_156] : memref<16x128xi32, #tpu.memory_space<vmem>> -> memref<1x128xi32, #tpu.memory_space<vmem>>
      %dma_wait3A_158 = tpu.memref_squeeze %dma_wait3A_157 : memref<1x128xi32, #tpu.memory_space<vmem>> -> memref<128xi32, #tpu.memory_space<vmem>>
      %dma_wait3A_159 = arith.constant 0 : i32
      %dma_wait3A_160 = arith.constant 0 : i32
      %dma_wait3A_161 = tpu.memref_slice %arg2[%dma_wait3A_159, %dma_wait3A_160] : memref<10112x128xf32, #tpu.memory_space<hbm>> -> memref<10112x128xf32, #tpu.memory_space<hbm>>
      tpu.wait_indirect_dma semaphore(%arg12 : memref<!tpu.dma_semaphore, #tpu.memory_space<semaphore_mem>>) src(%dma_wait3A_161 : memref<10112x128xf32, #tpu.memory_space<hbm>>) dst(%arg10 : memref<128x128xf32, #tpu.memory_space<vmem>>)
      %dma_start3A_162 = arith.constant 4 : i32
      %dma_start3A_163 = arith.constant 0 : i32
      %dma_start3A_164 = tpu.memref_slice %arg9[%dma_start3A_162, %dma_start3A_163] : memref<16x128xi32, #tpu.memory_space<vmem>> -> memref<1x128xi32, #tpu.memory_space<vmem>>
      %dma_start3A_165 = tpu.memref_squeeze %dma_start3A_164 : memref<1x128xi32, #tpu.memory_space<vmem>> -> memref<128xi32, #tpu.memory_space<vmem>>
      %dma_start3A_166 = arith.constant 0 : i32
      %dma_start3A_167 = arith.constant 0 : i32
      %dma_start3A_168 = tpu.memref_slice %arg7[%dma_start3A_166, %dma_start3A_167] : memref<10112x128xf32, #tpu.memory_space<vmem_shared>> -> memref<10112x128xf32, #tpu.memory_space<vmem_shared>>
      tpu.enqueue_indirect_dma source(%arg10 : memref<128x128xf32, #tpu.memory_space<vmem>>) target(%dma_start3A_168 : memref<10112x128xf32, #tpu.memory_space<vmem_shared>>) offsets(%dma_start3A_165 : memref<128xi32, #tpu.memory_space<vmem>>) semaphore(%arg14 : memref<!tpu.dma_semaphore, #tpu.memory_space<semaphore_mem>>) {add = true}
      %dma_wait3A_169 = arith.constant 5 : i32
      %dma_wait3A_170 = arith.constant 0 : i32
      %dma_wait3A_171 = tpu.memref_slice %arg8[%dma_wait3A_169, %dma_wait3A_170] : memref<16x128xi32, #tpu.memory_space<vmem>> -> memref<1x128xi32, #tpu.memory_space<vmem>>
      %dma_wait3A_172 = tpu.memref_squeeze %dma_wait3A_171 : memref<1x128xi32, #tpu.memory_space<vmem>> -> memref<128xi32, #tpu.memory_space<vmem>>
      %dma_wait3A_173 = arith.constant 0 : i32
      %dma_wait3A_174 = arith.constant 0 : i32
      %dma_wait3A_175 = tpu.memref_slice %arg2[%dma_wait3A_173, %dma_wait3A_174] : memref<10112x128xf32, #tpu.memory_space<hbm>> -> memref<10112x128xf32, #tpu.memory_space<hbm>>
      tpu.wait_indirect_dma semaphore(%arg13 : memref<!tpu.dma_semaphore, #tpu.memory_space<semaphore_mem>>) src(%dma_wait3A_175 : memref<10112x128xf32, #tpu.memory_space<hbm>>) dst(%arg11 : memref<128x128xf32, #tpu.memory_space<vmem>>)
      %dma_start3A_176 = arith.constant 5 : i32
      %dma_start3A_177 = arith.constant 0 : i32
      %dma_start3A_178 = tpu.memref_slice %arg9[%dma_start3A_176, %dma_start3A_177] : memref<16x128xi32, #tpu.memory_space<vmem>> -> memref<1x128xi32, #tpu.memory_space<vmem>>
      %dma_start3A_179 = tpu.memref_squeeze %dma_start3A_178 : memref<1x128xi32, #tpu.memory_space<vmem>> -> memref<128xi32, #tpu.memory_space<vmem>>
      %dma_start3A_180 = arith.constant 0 : i32
      %dma_start3A_181 = arith.constant 0 : i32
      %dma_start3A_182 = tpu.memref_slice %arg7[%dma_start3A_180, %dma_start3A_181] : memref<10112x128xf32, #tpu.memory_space<vmem_shared>> -> memref<10112x128xf32, #tpu.memory_space<vmem_shared>>
      tpu.enqueue_indirect_dma source(%arg11 : memref<128x128xf32, #tpu.memory_space<vmem>>) target(%dma_start3A_182 : memref<10112x128xf32, #tpu.memory_space<vmem_shared>>) offsets(%dma_start3A_179 : memref<128xi32, #tpu.memory_space<vmem>>) semaphore(%arg15 : memref<!tpu.dma_semaphore, #tpu.memory_space<semaphore_mem>>) {add = true}
      %dma_wait3A_183 = arith.constant 4 : i32
      %dma_wait3A_184 = arith.constant 0 : i32
      %dma_wait3A_185 = tpu.memref_slice %arg9[%dma_wait3A_183, %dma_wait3A_184] : memref<16x128xi32, #tpu.memory_space<vmem>> -> memref<1x128xi32, #tpu.memory_space<vmem>>
      %dma_wait3A_186 = tpu.memref_squeeze %dma_wait3A_185 : memref<1x128xi32, #tpu.memory_space<vmem>> -> memref<128xi32, #tpu.memory_space<vmem>>
      %dma_wait3A_187 = arith.constant 0 : i32
      %dma_wait3A_188 = arith.constant 0 : i32
      %dma_wait3A_189 = tpu.memref_slice %arg7[%dma_wait3A_187, %dma_wait3A_188] : memref<10112x128xf32, #tpu.memory_space<vmem_shared>> -> memref<10112x128xf32, #tpu.memory_space<vmem_shared>>
      tpu.wait_indirect_dma semaphore(%arg14 : memref<!tpu.dma_semaphore, #tpu.memory_space<semaphore_mem>>) src(%arg10 : memref<128x128xf32, #tpu.memory_space<vmem>>) dst(%dma_wait3A_189 : memref<10112x128xf32, #tpu.memory_space<vmem_shared>>)
      %dma_start3A_190 = arith.constant 6 : i32
      %dma_start3A_191 = arith.constant 0 : i32
      %dma_start3A_192 = tpu.memref_slice %arg8[%dma_start3A_190, %dma_start3A_191] : memref<16x128xi32, #tpu.memory_space<vmem>> -> memref<1x128xi32, #tpu.memory_space<vmem>>
      %dma_start3A_193 = tpu.memref_squeeze %dma_start3A_192 : memref<1x128xi32, #tpu.memory_space<vmem>> -> memref<128xi32, #tpu.memory_space<vmem>>
      %dma_start3A_194 = arith.constant 0 : i32
      %dma_start3A_195 = arith.constant 0 : i32
      %dma_start3A_196 = tpu.memref_slice %arg2[%dma_start3A_194, %dma_start3A_195] : memref<10112x128xf32, #tpu.memory_space<hbm>> -> memref<10112x128xf32, #tpu.memory_space<hbm>>
      tpu.enqueue_indirect_dma source(%dma_start3A_196 : memref<10112x128xf32, #tpu.memory_space<hbm>>) target(%arg10 : memref<128x128xf32, #tpu.memory_space<vmem>>) offsets(%dma_start3A_193 : memref<128xi32, #tpu.memory_space<vmem>>) semaphore(%arg12 : memref<!tpu.dma_semaphore, #tpu.memory_space<semaphore_mem>>)
      %dma_wait3A_197 = arith.constant 5 : i32
      %dma_wait3A_198 = arith.constant 0 : i32
      %dma_wait3A_199 = tpu.memref_slice %arg9[%dma_wait3A_197, %dma_wait3A_198] : memref<16x128xi32, #tpu.memory_space<vmem>> -> memref<1x128xi32, #tpu.memory_space<vmem>>
      %dma_wait3A_200 = tpu.memref_squeeze %dma_wait3A_199 : memref<1x128xi32, #tpu.memory_space<vmem>> -> memref<128xi32, #tpu.memory_space<vmem>>
      %dma_wait3A_201 = arith.constant 0 : i32
      %dma_wait3A_202 = arith.constant 0 : i32
      %dma_wait3A_203 = tpu.memref_slice %arg7[%dma_wait3A_201, %dma_wait3A_202] : memref<10112x128xf32, #tpu.memory_space<vmem_shared>> -> memref<10112x128xf32, #tpu.memory_space<vmem_shared>>
      tpu.wait_indirect_dma semaphore(%arg15 : memref<!tpu.dma_semaphore, #tpu.memory_space<semaphore_mem>>) src(%arg11 : memref<128x128xf32, #tpu.memory_space<vmem>>) dst(%dma_wait3A_203 : memref<10112x128xf32, #tpu.memory_space<vmem_shared>>)
      %dma_start3A_204 = arith.constant 7 : i32
      %dma_start3A_205 = arith.constant 0 : i32
      %dma_start3A_206 = tpu.memref_slice %arg8[%dma_start3A_204, %dma_start3A_205] : memref<16x128xi32, #tpu.memory_space<vmem>> -> memref<1x128xi32, #tpu.memory_space<vmem>>
      %dma_start3A_207 = tpu.memref_squeeze %dma_start3A_206 : memref<1x128xi32, #tpu.memory_space<vmem>> -> memref<128xi32, #tpu.memory_space<vmem>>
      %dma_start3A_208 = arith.constant 0 : i32
      %dma_start3A_209 = arith.constant 0 : i32
      %dma_start3A_210 = tpu.memref_slice %arg2[%dma_start3A_208, %dma_start3A_209] : memref<10112x128xf32, #tpu.memory_space<hbm>> -> memref<10112x128xf32, #tpu.memory_space<hbm>>
      tpu.enqueue_indirect_dma source(%dma_start3A_210 : memref<10112x128xf32, #tpu.memory_space<hbm>>) target(%arg11 : memref<128x128xf32, #tpu.memory_space<vmem>>) offsets(%dma_start3A_207 : memref<128xi32, #tpu.memory_space<vmem>>) semaphore(%arg13 : memref<!tpu.dma_semaphore, #tpu.memory_space<semaphore_mem>>)
      %dma_wait3A_211 = arith.constant 6 : i32
      %dma_wait3A_212 = arith.constant 0 : i32
      %dma_wait3A_213 = tpu.memref_slice %arg8[%dma_wait3A_211, %dma_wait3A_212] : memref<16x128xi32, #tpu.memory_space<vmem>> -> memref<1x128xi32, #tpu.memory_space<vmem>>
      %dma_wait3A_214 = tpu.memref_squeeze %dma_wait3A_213 : memref<1x128xi32, #tpu.memory_space<vmem>> -> memref<128xi32, #tpu.memory_space<vmem>>
      %dma_wait3A_215 = arith.constant 0 : i32
      %dma_wait3A_216 = arith.constant 0 : i32
      %dma_wait3A_217 = tpu.memref_slice %arg2[%dma_wait3A_215, %dma_wait3A_216] : memref<10112x128xf32, #tpu.memory_space<hbm>> -> memref<10112x128xf32, #tpu.memory_space<hbm>>
      tpu.wait_indirect_dma semaphore(%arg12 : memref<!tpu.dma_semaphore, #tpu.memory_space<semaphore_mem>>) src(%dma_wait3A_217 : memref<10112x128xf32, #tpu.memory_space<hbm>>) dst(%arg10 : memref<128x128xf32, #tpu.memory_space<vmem>>)
      %dma_start3A_218 = arith.constant 6 : i32
      %dma_start3A_219 = arith.constant 0 : i32
      %dma_start3A_220 = tpu.memref_slice %arg9[%dma_start3A_218, %dma_start3A_219] : memref<16x128xi32, #tpu.memory_space<vmem>> -> memref<1x128xi32, #tpu.memory_space<vmem>>
      %dma_start3A_221 = tpu.memref_squeeze %dma_start3A_220 : memref<1x128xi32, #tpu.memory_space<vmem>> -> memref<128xi32, #tpu.memory_space<vmem>>
      %dma_start3A_222 = arith.constant 0 : i32
      %dma_start3A_223 = arith.constant 0 : i32
      %dma_start3A_224 = tpu.memref_slice %arg7[%dma_start3A_222, %dma_start3A_223] : memref<10112x128xf32, #tpu.memory_space<vmem_shared>> -> memref<10112x128xf32, #tpu.memory_space<vmem_shared>>
      tpu.enqueue_indirect_dma source(%arg10 : memref<128x128xf32, #tpu.memory_space<vmem>>) target(%dma_start3A_224 : memref<10112x128xf32, #tpu.memory_space<vmem_shared>>) offsets(%dma_start3A_221 : memref<128xi32, #tpu.memory_space<vmem>>) semaphore(%arg14 : memref<!tpu.dma_semaphore, #tpu.memory_space<semaphore_mem>>) {add = true}
      %dma_wait3A_225 = arith.constant 7 : i32
      %dma_wait3A_226 = arith.constant 0 : i32
      %dma_wait3A_227 = tpu.memref_slice %arg8[%dma_wait3A_225, %dma_wait3A_226] : memref<16x128xi32, #tpu.memory_space<vmem>> -> memref<1x128xi32, #tpu.memory_space<vmem>>
      %dma_wait3A_228 = tpu.memref_squeeze %dma_wait3A_227 : memref<1x128xi32, #tpu.memory_space<vmem>> -> memref<128xi32, #tpu.memory_space<vmem>>
      %dma_wait3A_229 = arith.constant 0 : i32
      %dma_wait3A_230 = arith.constant 0 : i32
      %dma_wait3A_231 = tpu.memref_slice %arg2[%dma_wait3A_229, %dma_wait3A_230] : memref<10112x128xf32, #tpu.memory_space<hbm>> -> memref<10112x128xf32, #tpu.memory_space<hbm>>
      tpu.wait_indirect_dma semaphore(%arg13 : memref<!tpu.dma_semaphore, #tpu.memory_space<semaphore_mem>>) src(%dma_wait3A_231 : memref<10112x128xf32, #tpu.memory_space<hbm>>) dst(%arg11 : memref<128x128xf32, #tpu.memory_space<vmem>>)
      %dma_start3A_232 = arith.constant 7 : i32
      %dma_start3A_233 = arith.constant 0 : i32
      %dma_start3A_234 = tpu.memref_slice %arg9[%dma_start3A_232, %dma_start3A_233] : memref<16x128xi32, #tpu.memory_space<vmem>> -> memref<1x128xi32, #tpu.memory_space<vmem>>
      %dma_start3A_235 = tpu.memref_squeeze %dma_start3A_234 : memref<1x128xi32, #tpu.memory_space<vmem>> -> memref<128xi32, #tpu.memory_space<vmem>>
      %dma_start3A_236 = arith.constant 0 : i32
      %dma_start3A_237 = arith.constant 0 : i32
      %dma_start3A_238 = tpu.memref_slice %arg7[%dma_start3A_236, %dma_start3A_237] : memref<10112x128xf32, #tpu.memory_space<vmem_shared>> -> memref<10112x128xf32, #tpu.memory_space<vmem_shared>>
      tpu.enqueue_indirect_dma source(%arg11 : memref<128x128xf32, #tpu.memory_space<vmem>>) target(%dma_start3A_238 : memref<10112x128xf32, #tpu.memory_space<vmem_shared>>) offsets(%dma_start3A_235 : memref<128xi32, #tpu.memory_space<vmem>>) semaphore(%arg15 : memref<!tpu.dma_semaphore, #tpu.memory_space<semaphore_mem>>) {add = true}
      %dma_wait3A_239 = arith.constant 6 : i32
      %dma_wait3A_240 = arith.constant 0 : i32
      %dma_wait3A_241 = tpu.memref_slice %arg9[%dma_wait3A_239, %dma_wait3A_240] : memref<16x128xi32, #tpu.memory_space<vmem>> -> memref<1x128xi32, #tpu.memory_space<vmem>>
      %dma_wait3A_242 = tpu.memref_squeeze %dma_wait3A_241 : memref<1x128xi32, #tpu.memory_space<vmem>> -> memref<128xi32, #tpu.memory_space<vmem>>
      %dma_wait3A_243 = arith.constant 0 : i32
      %dma_wait3A_244 = arith.constant 0 : i32
      %dma_wait3A_245 = tpu.memref_slice %arg7[%dma_wait3A_243, %dma_wait3A_244] : memref<10112x128xf32, #tpu.memory_space<vmem_shared>> -> memref<10112x128xf32, #tpu.memory_space<vmem_shared>>
      tpu.wait_indirect_dma semaphore(%arg14 : memref<!tpu.dma_semaphore, #tpu.memory_space<semaphore_mem>>) src(%arg10 : memref<128x128xf32, #tpu.memory_space<vmem>>) dst(%dma_wait3A_245 : memref<10112x128xf32, #tpu.memory_space<vmem_shared>>)
      %dma_start3A_246 = arith.constant 8 : i32
      %dma_start3A_247 = arith.constant 0 : i32
      %dma_start3A_248 = tpu.memref_slice %arg8[%dma_start3A_246, %dma_start3A_247] : memref<16x128xi32, #tpu.memory_space<vmem>> -> memref<1x128xi32, #tpu.memory_space<vmem>>
      %dma_start3A_249 = tpu.memref_squeeze %dma_start3A_248 : memref<1x128xi32, #tpu.memory_space<vmem>> -> memref<128xi32, #tpu.memory_space<vmem>>
      %dma_start3A_250 = arith.constant 0 : i32
      %dma_start3A_251 = arith.constant 0 : i32
      %dma_start3A_252 = tpu.memref_slice %arg2[%dma_start3A_250, %dma_start3A_251] : memref<10112x128xf32, #tpu.memory_space<hbm>> -> memref<10112x128xf32, #tpu.memory_space<hbm>>
      tpu.enqueue_indirect_dma source(%dma_start3A_252 : memref<10112x128xf32, #tpu.memory_space<hbm>>) target(%arg10 : memref<128x128xf32, #tpu.memory_space<vmem>>) offsets(%dma_start3A_249 : memref<128xi32, #tpu.memory_space<vmem>>) semaphore(%arg12 : memref<!tpu.dma_semaphore, #tpu.memory_space<semaphore_mem>>)
      %dma_wait3A_253 = arith.constant 7 : i32
      %dma_wait3A_254 = arith.constant 0 : i32
      %dma_wait3A_255 = tpu.memref_slice %arg9[%dma_wait3A_253, %dma_wait3A_254] : memref<16x128xi32, #tpu.memory_space<vmem>> -> memref<1x128xi32, #tpu.memory_space<vmem>>
      %dma_wait3A_256 = tpu.memref_squeeze %dma_wait3A_255 : memref<1x128xi32, #tpu.memory_space<vmem>> -> memref<128xi32, #tpu.memory_space<vmem>>
      %dma_wait3A_257 = arith.constant 0 : i32
      %dma_wait3A_258 = arith.constant 0 : i32
      %dma_wait3A_259 = tpu.memref_slice %arg7[%dma_wait3A_257, %dma_wait3A_258] : memref<10112x128xf32, #tpu.memory_space<vmem_shared>> -> memref<10112x128xf32, #tpu.memory_space<vmem_shared>>
      tpu.wait_indirect_dma semaphore(%arg15 : memref<!tpu.dma_semaphore, #tpu.memory_space<semaphore_mem>>) src(%arg11 : memref<128x128xf32, #tpu.memory_space<vmem>>) dst(%dma_wait3A_259 : memref<10112x128xf32, #tpu.memory_space<vmem_shared>>)
      %dma_start3A_260 = arith.constant 9 : i32
      %dma_start3A_261 = arith.constant 0 : i32
      %dma_start3A_262 = tpu.memref_slice %arg8[%dma_start3A_260, %dma_start3A_261] : memref<16x128xi32, #tpu.memory_space<vmem>> -> memref<1x128xi32, #tpu.memory_space<vmem>>
      %dma_start3A_263 = tpu.memref_squeeze %dma_start3A_262 : memref<1x128xi32, #tpu.memory_space<vmem>> -> memref<128xi32, #tpu.memory_space<vmem>>
      %dma_start3A_264 = arith.constant 0 : i32
      %dma_start3A_265 = arith.constant 0 : i32
      %dma_start3A_266 = tpu.memref_slice %arg2[%dma_start3A_264, %dma_start3A_265] : memref<10112x128xf32, #tpu.memory_space<hbm>> -> memref<10112x128xf32, #tpu.memory_space<hbm>>
      tpu.enqueue_indirect_dma source(%dma_start3A_266 : memref<10112x128xf32, #tpu.memory_space<hbm>>) target(%arg11 : memref<128x128xf32, #tpu.memory_space<vmem>>) offsets(%dma_start3A_263 : memref<128xi32, #tpu.memory_space<vmem>>) semaphore(%arg13 : memref<!tpu.dma_semaphore, #tpu.memory_space<semaphore_mem>>)
      %dma_wait3A_267 = arith.constant 8 : i32
      %dma_wait3A_268 = arith.constant 0 : i32
      %dma_wait3A_269 = tpu.memref_slice %arg8[%dma_wait3A_267, %dma_wait3A_268] : memref<16x128xi32, #tpu.memory_space<vmem>> -> memref<1x128xi32, #tpu.memory_space<vmem>>
      %dma_wait3A_270 = tpu.memref_squeeze %dma_wait3A_269 : memref<1x128xi32, #tpu.memory_space<vmem>> -> memref<128xi32, #tpu.memory_space<vmem>>
      %dma_wait3A_271 = arith.constant 0 : i32
      %dma_wait3A_272 = arith.constant 0 : i32
      %dma_wait3A_273 = tpu.memref_slice %arg2[%dma_wait3A_271, %dma_wait3A_272] : memref<10112x128xf32, #tpu.memory_space<hbm>> -> memref<10112x128xf32, #tpu.memory_space<hbm>>
      tpu.wait_indirect_dma semaphore(%arg12 : memref<!tpu.dma_semaphore, #tpu.memory_space<semaphore_mem>>) src(%dma_wait3A_273 : memref<10112x128xf32, #tpu.memory_space<hbm>>) dst(%arg10 : memref<128x128xf32, #tpu.memory_space<vmem>>)
      %dma_start3A_274 = arith.constant 8 : i32
      %dma_start3A_275 = arith.constant 0 : i32
      %dma_start3A_276 = tpu.memref_slice %arg9[%dma_start3A_274, %dma_start3A_275] : memref<16x128xi32, #tpu.memory_space<vmem>> -> memref<1x128xi32, #tpu.memory_space<vmem>>
      %dma_start3A_277 = tpu.memref_squeeze %dma_start3A_276 : memref<1x128xi32, #tpu.memory_space<vmem>> -> memref<128xi32, #tpu.memory_space<vmem>>
      %dma_start3A_278 = arith.constant 0 : i32
      %dma_start3A_279 = arith.constant 0 : i32
      %dma_start3A_280 = tpu.memref_slice %arg7[%dma_start3A_278, %dma_start3A_279] : memref<10112x128xf32, #tpu.memory_space<vmem_shared>> -> memref<10112x128xf32, #tpu.memory_space<vmem_shared>>
      tpu.enqueue_indirect_dma source(%arg10 : memref<128x128xf32, #tpu.memory_space<vmem>>) target(%dma_start3A_280 : memref<10112x128xf32, #tpu.memory_space<vmem_shared>>) offsets(%dma_start3A_277 : memref<128xi32, #tpu.memory_space<vmem>>) semaphore(%arg14 : memref<!tpu.dma_semaphore, #tpu.memory_space<semaphore_mem>>) {add = true}
      %dma_wait3A_281 = arith.constant 9 : i32
      %dma_wait3A_282 = arith.constant 0 : i32
      %dma_wait3A_283 = tpu.memref_slice %arg8[%dma_wait3A_281, %dma_wait3A_282] : memref<16x128xi32, #tpu.memory_space<vmem>> -> memref<1x128xi32, #tpu.memory_space<vmem>>
      %dma_wait3A_284 = tpu.memref_squeeze %dma_wait3A_283 : memref<1x128xi32, #tpu.memory_space<vmem>> -> memref<128xi32, #tpu.memory_space<vmem>>
      %dma_wait3A_285 = arith.constant 0 : i32
      %dma_wait3A_286 = arith.constant 0 : i32
      %dma_wait3A_287 = tpu.memref_slice %arg2[%dma_wait3A_285, %dma_wait3A_286] : memref<10112x128xf32, #tpu.memory_space<hbm>> -> memref<10112x128xf32, #tpu.memory_space<hbm>>
      tpu.wait_indirect_dma semaphore(%arg13 : memref<!tpu.dma_semaphore, #tpu.memory_space<semaphore_mem>>) src(%dma_wait3A_287 : memref<10112x128xf32, #tpu.memory_space<hbm>>) dst(%arg11 : memref<128x128xf32, #tpu.memory_space<vmem>>)
      %dma_start3A_288 = arith.constant 9 : i32
      %dma_start3A_289 = arith.constant 0 : i32
      %dma_start3A_290 = tpu.memref_slice %arg9[%dma_start3A_288, %dma_start3A_289] : memref<16x128xi32, #tpu.memory_space<vmem>> -> memref<1x128xi32, #tpu.memory_space<vmem>>
      %dma_start3A_291 = tpu.memref_squeeze %dma_start3A_290 : memref<1x128xi32, #tpu.memory_space<vmem>> -> memref<128xi32, #tpu.memory_space<vmem>>
      %dma_start3A_292 = arith.constant 0 : i32
      %dma_start3A_293 = arith.constant 0 : i32
      %dma_start3A_294 = tpu.memref_slice %arg7[%dma_start3A_292, %dma_start3A_293] : memref<10112x128xf32, #tpu.memory_space<vmem_shared>> -> memref<10112x128xf32, #tpu.memory_space<vmem_shared>>
      tpu.enqueue_indirect_dma source(%arg11 : memref<128x128xf32, #tpu.memory_space<vmem>>) target(%dma_start3A_294 : memref<10112x128xf32, #tpu.memory_space<vmem_shared>>) offsets(%dma_start3A_291 : memref<128xi32, #tpu.memory_space<vmem>>) semaphore(%arg15 : memref<!tpu.dma_semaphore, #tpu.memory_space<semaphore_mem>>) {add = true}
      %dma_wait3A_295 = arith.constant 8 : i32
      %dma_wait3A_296 = arith.constant 0 : i32
      %dma_wait3A_297 = tpu.memref_slice %arg9[%dma_wait3A_295, %dma_wait3A_296] : memref<16x128xi32, #tpu.memory_space<vmem>> -> memref<1x128xi32, #tpu.memory_space<vmem>>
      %dma_wait3A_298 = tpu.memref_squeeze %dma_wait3A_297 : memref<1x128xi32, #tpu.memory_space<vmem>> -> memref<128xi32, #tpu.memory_space<vmem>>
      %dma_wait3A_299 = arith.constant 0 : i32
      %dma_wait3A_300 = arith.constant 0 : i32
      %dma_wait3A_301 = tpu.memref_slice %arg7[%dma_wait3A_299, %dma_wait3A_300] : memref<10112x128xf32, #tpu.memory_space<vmem_shared>> -> memref<10112x128xf32, #tpu.memory_space<vmem_shared>>
      tpu.wait_indirect_dma semaphore(%arg14 : memref<!tpu.dma_semaphore, #tpu.memory_space<semaphore_mem>>) src(%arg10 : memref<128x128xf32, #tpu.memory_space<vmem>>) dst(%dma_wait3A_301 : memref<10112x128xf32, #tpu.memory_space<vmem_shared>>)
      %dma_start3A_302 = arith.constant 10 : i32
      %dma_start3A_303 = arith.constant 0 : i32
      %dma_start3A_304 = tpu.memref_slice %arg8[%dma_start3A_302, %dma_start3A_303] : memref<16x128xi32, #tpu.memory_space<vmem>> -> memref<1x128xi32, #tpu.memory_space<vmem>>
      %dma_start3A_305 = tpu.memref_squeeze %dma_start3A_304 : memref<1x128xi32, #tpu.memory_space<vmem>> -> memref<128xi32, #tpu.memory_space<vmem>>
      %dma_start3A_306 = arith.constant 0 : i32
      %dma_start3A_307 = arith.constant 0 : i32
      %dma_start3A_308 = tpu.memref_slice %arg2[%dma_start3A_306, %dma_start3A_307] : memref<10112x128xf32, #tpu.memory_space<hbm>> -> memref<10112x128xf32, #tpu.memory_space<hbm>>
      tpu.enqueue_indirect_dma source(%dma_start3A_308 : memref<10112x128xf32, #tpu.memory_space<hbm>>) target(%arg10 : memref<128x128xf32, #tpu.memory_space<vmem>>) offsets(%dma_start3A_305 : memref<128xi32, #tpu.memory_space<vmem>>) semaphore(%arg12 : memref<!tpu.dma_semaphore, #tpu.memory_space<semaphore_mem>>)
      %dma_wait3A_309 = arith.constant 9 : i32
      %dma_wait3A_310 = arith.constant 0 : i32
      %dma_wait3A_311 = tpu.memref_slice %arg9[%dma_wait3A_309, %dma_wait3A_310] : memref<16x128xi32, #tpu.memory_space<vmem>> -> memref<1x128xi32, #tpu.memory_space<vmem>>
      %dma_wait3A_312 = tpu.memref_squeeze %dma_wait3A_311 : memref<1x128xi32, #tpu.memory_space<vmem>> -> memref<128xi32, #tpu.memory_space<vmem>>
      %dma_wait3A_313 = arith.constant 0 : i32
      %dma_wait3A_314 = arith.constant 0 : i32
      %dma_wait3A_315 = tpu.memref_slice %arg7[%dma_wait3A_313, %dma_wait3A_314] : memref<10112x128xf32, #tpu.memory_space<vmem_shared>> -> memref<10112x128xf32, #tpu.memory_space<vmem_shared>>
      tpu.wait_indirect_dma semaphore(%arg15 : memref<!tpu.dma_semaphore, #tpu.memory_space<semaphore_mem>>) src(%arg11 : memref<128x128xf32, #tpu.memory_space<vmem>>) dst(%dma_wait3A_315 : memref<10112x128xf32, #tpu.memory_space<vmem_shared>>)
      %dma_start3A_316 = arith.constant 11 : i32
      %dma_start3A_317 = arith.constant 0 : i32
      %dma_start3A_318 = tpu.memref_slice %arg8[%dma_start3A_316, %dma_start3A_317] : memref<16x128xi32, #tpu.memory_space<vmem>> -> memref<1x128xi32, #tpu.memory_space<vmem>>
      %dma_start3A_319 = tpu.memref_squeeze %dma_start3A_318 : memref<1x128xi32, #tpu.memory_space<vmem>> -> memref<128xi32, #tpu.memory_space<vmem>>
      %dma_start3A_320 = arith.constant 0 : i32
      %dma_start3A_321 = arith.constant 0 : i32
      %dma_start3A_322 = tpu.memref_slice %arg2[%dma_start3A_320, %dma_start3A_321] : memref<10112x128xf32, #tpu.memory_space<hbm>> -> memref<10112x128xf32, #tpu.memory_space<hbm>>
      tpu.enqueue_indirect_dma source(%dma_start3A_322 : memref<10112x128xf32, #tpu.memory_space<hbm>>) target(%arg11 : memref<128x128xf32, #tpu.memory_space<vmem>>) offsets(%dma_start3A_319 : memref<128xi32, #tpu.memory_space<vmem>>) semaphore(%arg13 : memref<!tpu.dma_semaphore, #tpu.memory_space<semaphore_mem>>)
      %dma_wait3A_323 = arith.constant 10 : i32
      %dma_wait3A_324 = arith.constant 0 : i32
      %dma_wait3A_325 = tpu.memref_slice %arg8[%dma_wait3A_323, %dma_wait3A_324] : memref<16x128xi32, #tpu.memory_space<vmem>> -> memref<1x128xi32, #tpu.memory_space<vmem>>
      %dma_wait3A_326 = tpu.memref_squeeze %dma_wait3A_325 : memref<1x128xi32, #tpu.memory_space<vmem>> -> memref<128xi32, #tpu.memory_space<vmem>>
      %dma_wait3A_327 = arith.constant 0 : i32
      %dma_wait3A_328 = arith.constant 0 : i32
      %dma_wait3A_329 = tpu.memref_slice %arg2[%dma_wait3A_327, %dma_wait3A_328] : memref<10112x128xf32, #tpu.memory_space<hbm>> -> memref<10112x128xf32, #tpu.memory_space<hbm>>
      tpu.wait_indirect_dma semaphore(%arg12 : memref<!tpu.dma_semaphore, #tpu.memory_space<semaphore_mem>>) src(%dma_wait3A_329 : memref<10112x128xf32, #tpu.memory_space<hbm>>) dst(%arg10 : memref<128x128xf32, #tpu.memory_space<vmem>>)
      %dma_start3A_330 = arith.constant 10 : i32
      %dma_start3A_331 = arith.constant 0 : i32
      %dma_start3A_332 = tpu.memref_slice %arg9[%dma_start3A_330, %dma_start3A_331] : memref<16x128xi32, #tpu.memory_space<vmem>> -> memref<1x128xi32, #tpu.memory_space<vmem>>
      %dma_start3A_333 = tpu.memref_squeeze %dma_start3A_332 : memref<1x128xi32, #tpu.memory_space<vmem>> -> memref<128xi32, #tpu.memory_space<vmem>>
      %dma_start3A_334 = arith.constant 0 : i32
      %dma_start3A_335 = arith.constant 0 : i32
      %dma_start3A_336 = tpu.memref_slice %arg7[%dma_start3A_334, %dma_start3A_335] : memref<10112x128xf32, #tpu.memory_space<vmem_shared>> -> memref<10112x128xf32, #tpu.memory_space<vmem_shared>>
      tpu.enqueue_indirect_dma source(%arg10 : memref<128x128xf32, #tpu.memory_space<vmem>>) target(%dma_start3A_336 : memref<10112x128xf32, #tpu.memory_space<vmem_shared>>) offsets(%dma_start3A_333 : memref<128xi32, #tpu.memory_space<vmem>>) semaphore(%arg14 : memref<!tpu.dma_semaphore, #tpu.memory_space<semaphore_mem>>) {add = true}
      %dma_wait3A_337 = arith.constant 11 : i32
      %dma_wait3A_338 = arith.constant 0 : i32
      %dma_wait3A_339 = tpu.memref_slice %arg8[%dma_wait3A_337, %dma_wait3A_338] : memref<16x128xi32, #tpu.memory_space<vmem>> -> memref<1x128xi32, #tpu.memory_space<vmem>>
      %dma_wait3A_340 = tpu.memref_squeeze %dma_wait3A_339 : memref<1x128xi32, #tpu.memory_space<vmem>> -> memref<128xi32, #tpu.memory_space<vmem>>
      %dma_wait3A_341 = arith.constant 0 : i32
      %dma_wait3A_342 = arith.constant 0 : i32
      %dma_wait3A_343 = tpu.memref_slice %arg2[%dma_wait3A_341, %dma_wait3A_342] : memref<10112x128xf32, #tpu.memory_space<hbm>> -> memref<10112x128xf32, #tpu.memory_space<hbm>>
      tpu.wait_indirect_dma semaphore(%arg13 : memref<!tpu.dma_semaphore, #tpu.memory_space<semaphore_mem>>) src(%dma_wait3A_343 : memref<10112x128xf32, #tpu.memory_space<hbm>>) dst(%arg11 : memref<128x128xf32, #tpu.memory_space<vmem>>)
      %dma_start3A_344 = arith.constant 11 : i32
      %dma_start3A_345 = arith.constant 0 : i32
      %dma_start3A_346 = tpu.memref_slice %arg9[%dma_start3A_344, %dma_start3A_345] : memref<16x128xi32, #tpu.memory_space<vmem>> -> memref<1x128xi32, #tpu.memory_space<vmem>>
      %dma_start3A_347 = tpu.memref_squeeze %dma_start3A_346 : memref<1x128xi32, #tpu.memory_space<vmem>> -> memref<128xi32, #tpu.memory_space<vmem>>
      %dma_start3A_348 = arith.constant 0 : i32
      %dma_start3A_349 = arith.constant 0 : i32
      %dma_start3A_350 = tpu.memref_slice %arg7[%dma_start3A_348, %dma_start3A_349] : memref<10112x128xf32, #tpu.memory_space<vmem_shared>> -> memref<10112x128xf32, #tpu.memory_space<vmem_shared>>
      tpu.enqueue_indirect_dma source(%arg11 : memref<128x128xf32, #tpu.memory_space<vmem>>) target(%dma_start3A_350 : memref<10112x128xf32, #tpu.memory_space<vmem_shared>>) offsets(%dma_start3A_347 : memref<128xi32, #tpu.memory_space<vmem>>) semaphore(%arg15 : memref<!tpu.dma_semaphore, #tpu.memory_space<semaphore_mem>>) {add = true}
      %dma_wait3A_351 = arith.constant 10 : i32
      %dma_wait3A_352 = arith.constant 0 : i32
      %dma_wait3A_353 = tpu.memref_slice %arg9[%dma_wait3A_351, %dma_wait3A_352] : memref<16x128xi32, #tpu.memory_space<vmem>> -> memref<1x128xi32, #tpu.memory_space<vmem>>
      %dma_wait3A_354 = tpu.memref_squeeze %dma_wait3A_353 : memref<1x128xi32, #tpu.memory_space<vmem>> -> memref<128xi32, #tpu.memory_space<vmem>>
      %dma_wait3A_355 = arith.constant 0 : i32
      %dma_wait3A_356 = arith.constant 0 : i32
      %dma_wait3A_357 = tpu.memref_slice %arg7[%dma_wait3A_355, %dma_wait3A_356] : memref<10112x128xf32, #tpu.memory_space<vmem_shared>> -> memref<10112x128xf32, #tpu.memory_space<vmem_shared>>
      tpu.wait_indirect_dma semaphore(%arg14 : memref<!tpu.dma_semaphore, #tpu.memory_space<semaphore_mem>>) src(%arg10 : memref<128x128xf32, #tpu.memory_space<vmem>>) dst(%dma_wait3A_357 : memref<10112x128xf32, #tpu.memory_space<vmem_shared>>)
      %dma_start3A_358 = arith.constant 12 : i32
      %dma_start3A_359 = arith.constant 0 : i32
      %dma_start3A_360 = tpu.memref_slice %arg8[%dma_start3A_358, %dma_start3A_359] : memref<16x128xi32, #tpu.memory_space<vmem>> -> memref<1x128xi32, #tpu.memory_space<vmem>>
      %dma_start3A_361 = tpu.memref_squeeze %dma_start3A_360 : memref<1x128xi32, #tpu.memory_space<vmem>> -> memref<128xi32, #tpu.memory_space<vmem>>
      %dma_start3A_362 = arith.constant 0 : i32
      %dma_start3A_363 = arith.constant 0 : i32
      %dma_start3A_364 = tpu.memref_slice %arg2[%dma_start3A_362, %dma_start3A_363] : memref<10112x128xf32, #tpu.memory_space<hbm>> -> memref<10112x128xf32, #tpu.memory_space<hbm>>
      tpu.enqueue_indirect_dma source(%dma_start3A_364 : memref<10112x128xf32, #tpu.memory_space<hbm>>) target(%arg10 : memref<128x128xf32, #tpu.memory_space<vmem>>) offsets(%dma_start3A_361 : memref<128xi32, #tpu.memory_space<vmem>>) semaphore(%arg12 : memref<!tpu.dma_semaphore, #tpu.memory_space<semaphore_mem>>)
      %dma_wait3A_365 = arith.constant 11 : i32
      %dma_wait3A_366 = arith.constant 0 : i32
      %dma_wait3A_367 = tpu.memref_slice %arg9[%dma_wait3A_365, %dma_wait3A_366] : memref<16x128xi32, #tpu.memory_space<vmem>> -> memref<1x128xi32, #tpu.memory_space<vmem>>
      %dma_wait3A_368 = tpu.memref_squeeze %dma_wait3A_367 : memref<1x128xi32, #tpu.memory_space<vmem>> -> memref<128xi32, #tpu.memory_space<vmem>>
      %dma_wait3A_369 = arith.constant 0 : i32
      %dma_wait3A_370 = arith.constant 0 : i32
      %dma_wait3A_371 = tpu.memref_slice %arg7[%dma_wait3A_369, %dma_wait3A_370] : memref<10112x128xf32, #tpu.memory_space<vmem_shared>> -> memref<10112x128xf32, #tpu.memory_space<vmem_shared>>
      tpu.wait_indirect_dma semaphore(%arg15 : memref<!tpu.dma_semaphore, #tpu.memory_space<semaphore_mem>>) src(%arg11 : memref<128x128xf32, #tpu.memory_space<vmem>>) dst(%dma_wait3A_371 : memref<10112x128xf32, #tpu.memory_space<vmem_shared>>)
      %dma_start3A_372 = arith.constant 13 : i32
      %dma_start3A_373 = arith.constant 0 : i32
      %dma_start3A_374 = tpu.memref_slice %arg8[%dma_start3A_372, %dma_start3A_373] : memref<16x128xi32, #tpu.memory_space<vmem>> -> memref<1x128xi32, #tpu.memory_space<vmem>>
      %dma_start3A_375 = tpu.memref_squeeze %dma_start3A_374 : memref<1x128xi32, #tpu.memory_space<vmem>> -> memref<128xi32, #tpu.memory_space<vmem>>
      %dma_start3A_376 = arith.constant 0 : i32
      %dma_start3A_377 = arith.constant 0 : i32
      %dma_start3A_378 = tpu.memref_slice %arg2[%dma_start3A_376, %dma_start3A_377] : memref<10112x128xf32, #tpu.memory_space<hbm>> -> memref<10112x128xf32, #tpu.memory_space<hbm>>
      tpu.enqueue_indirect_dma source(%dma_start3A_378 : memref<10112x128xf32, #tpu.memory_space<hbm>>) target(%arg11 : memref<128x128xf32, #tpu.memory_space<vmem>>) offsets(%dma_start3A_375 : memref<128xi32, #tpu.memory_space<vmem>>) semaphore(%arg13 : memref<!tpu.dma_semaphore, #tpu.memory_space<semaphore_mem>>)
      %dma_wait3A_379 = arith.constant 12 : i32
      %dma_wait3A_380 = arith.constant 0 : i32
      %dma_wait3A_381 = tpu.memref_slice %arg8[%dma_wait3A_379, %dma_wait3A_380] : memref<16x128xi32, #tpu.memory_space<vmem>> -> memref<1x128xi32, #tpu.memory_space<vmem>>
      %dma_wait3A_382 = tpu.memref_squeeze %dma_wait3A_381 : memref<1x128xi32, #tpu.memory_space<vmem>> -> memref<128xi32, #tpu.memory_space<vmem>>
      %dma_wait3A_383 = arith.constant 0 : i32
      %dma_wait3A_384 = arith.constant 0 : i32
      %dma_wait3A_385 = tpu.memref_slice %arg2[%dma_wait3A_383, %dma_wait3A_384] : memref<10112x128xf32, #tpu.memory_space<hbm>> -> memref<10112x128xf32, #tpu.memory_space<hbm>>
      tpu.wait_indirect_dma semaphore(%arg12 : memref<!tpu.dma_semaphore, #tpu.memory_space<semaphore_mem>>) src(%dma_wait3A_385 : memref<10112x128xf32, #tpu.memory_space<hbm>>) dst(%arg10 : memref<128x128xf32, #tpu.memory_space<vmem>>)
      %dma_start3A_386 = arith.constant 12 : i32
      %dma_start3A_387 = arith.constant 0 : i32
      %dma_start3A_388 = tpu.memref_slice %arg9[%dma_start3A_386, %dma_start3A_387] : memref<16x128xi32, #tpu.memory_space<vmem>> -> memref<1x128xi32, #tpu.memory_space<vmem>>
      %dma_start3A_389 = tpu.memref_squeeze %dma_start3A_388 : memref<1x128xi32, #tpu.memory_space<vmem>> -> memref<128xi32, #tpu.memory_space<vmem>>
      %dma_start3A_390 = arith.constant 0 : i32
      %dma_start3A_391 = arith.constant 0 : i32
      %dma_start3A_392 = tpu.memref_slice %arg7[%dma_start3A_390, %dma_start3A_391] : memref<10112x128xf32, #tpu.memory_space<vmem_shared>> -> memref<10112x128xf32, #tpu.memory_space<vmem_shared>>
      tpu.enqueue_indirect_dma source(%arg10 : memref<128x128xf32, #tpu.memory_space<vmem>>) target(%dma_start3A_392 : memref<10112x128xf32, #tpu.memory_space<vmem_shared>>) offsets(%dma_start3A_389 : memref<128xi32, #tpu.memory_space<vmem>>) semaphore(%arg14 : memref<!tpu.dma_semaphore, #tpu.memory_space<semaphore_mem>>) {add = true}
      %dma_wait3A_393 = arith.constant 13 : i32
      %dma_wait3A_394 = arith.constant 0 : i32
      %dma_wait3A_395 = tpu.memref_slice %arg8[%dma_wait3A_393, %dma_wait3A_394] : memref<16x128xi32, #tpu.memory_space<vmem>> -> memref<1x128xi32, #tpu.memory_space<vmem>>
      %dma_wait3A_396 = tpu.memref_squeeze %dma_wait3A_395 : memref<1x128xi32, #tpu.memory_space<vmem>> -> memref<128xi32, #tpu.memory_space<vmem>>
      %dma_wait3A_397 = arith.constant 0 : i32
      %dma_wait3A_398 = arith.constant 0 : i32
      %dma_wait3A_399 = tpu.memref_slice %arg2[%dma_wait3A_397, %dma_wait3A_398] : memref<10112x128xf32, #tpu.memory_space<hbm>> -> memref<10112x128xf32, #tpu.memory_space<hbm>>
      tpu.wait_indirect_dma semaphore(%arg13 : memref<!tpu.dma_semaphore, #tpu.memory_space<semaphore_mem>>) src(%dma_wait3A_399 : memref<10112x128xf32, #tpu.memory_space<hbm>>) dst(%arg11 : memref<128x128xf32, #tpu.memory_space<vmem>>)
      %dma_start3A_400 = arith.constant 13 : i32
      %dma_start3A_401 = arith.constant 0 : i32
      %dma_start3A_402 = tpu.memref_slice %arg9[%dma_start3A_400, %dma_start3A_401] : memref<16x128xi32, #tpu.memory_space<vmem>> -> memref<1x128xi32, #tpu.memory_space<vmem>>
      %dma_start3A_403 = tpu.memref_squeeze %dma_start3A_402 : memref<1x128xi32, #tpu.memory_space<vmem>> -> memref<128xi32, #tpu.memory_space<vmem>>
      %dma_start3A_404 = arith.constant 0 : i32
      %dma_start3A_405 = arith.constant 0 : i32
      %dma_start3A_406 = tpu.memref_slice %arg7[%dma_start3A_404, %dma_start3A_405] : memref<10112x128xf32, #tpu.memory_space<vmem_shared>> -> memref<10112x128xf32, #tpu.memory_space<vmem_shared>>
      tpu.enqueue_indirect_dma source(%arg11 : memref<128x128xf32, #tpu.memory_space<vmem>>) target(%dma_start3A_406 : memref<10112x128xf32, #tpu.memory_space<vmem_shared>>) offsets(%dma_start3A_403 : memref<128xi32, #tpu.memory_space<vmem>>) semaphore(%arg15 : memref<!tpu.dma_semaphore, #tpu.memory_space<semaphore_mem>>) {add = true}
      %dma_wait3A_407 = arith.constant 12 : i32
      %dma_wait3A_408 = arith.constant 0 : i32
      %dma_wait3A_409 = tpu.memref_slice %arg9[%dma_wait3A_407, %dma_wait3A_408] : memref<16x128xi32, #tpu.memory_space<vmem>> -> memref<1x128xi32, #tpu.memory_space<vmem>>
      %dma_wait3A_410 = tpu.memref_squeeze %dma_wait3A_409 : memref<1x128xi32, #tpu.memory_space<vmem>> -> memref<128xi32, #tpu.memory_space<vmem>>
      %dma_wait3A_411 = arith.constant 0 : i32
      %dma_wait3A_412 = arith.constant 0 : i32
      %dma_wait3A_413 = tpu.memref_slice %arg7[%dma_wait3A_411, %dma_wait3A_412] : memref<10112x128xf32, #tpu.memory_space<vmem_shared>> -> memref<10112x128xf32, #tpu.memory_space<vmem_shared>>
      tpu.wait_indirect_dma semaphore(%arg14 : memref<!tpu.dma_semaphore, #tpu.memory_space<semaphore_mem>>) src(%arg10 : memref<128x128xf32, #tpu.memory_space<vmem>>) dst(%dma_wait3A_413 : memref<10112x128xf32, #tpu.memory_space<vmem_shared>>)
      %dma_start3A_414 = arith.constant 14 : i32
      %dma_start3A_415 = arith.constant 0 : i32
      %dma_start3A_416 = tpu.memref_slice %arg8[%dma_start3A_414, %dma_start3A_415] : memref<16x128xi32, #tpu.memory_space<vmem>> -> memref<1x128xi32, #tpu.memory_space<vmem>>
      %dma_start3A_417 = tpu.memref_squeeze %dma_start3A_416 : memref<1x128xi32, #tpu.memory_space<vmem>> -> memref<128xi32, #tpu.memory_space<vmem>>
      %dma_start3A_418 = arith.constant 0 : i32
      %dma_start3A_419 = arith.constant 0 : i32
      %dma_start3A_420 = tpu.memref_slice %arg2[%dma_start3A_418, %dma_start3A_419] : memref<10112x128xf32, #tpu.memory_space<hbm>> -> memref<10112x128xf32, #tpu.memory_space<hbm>>
      tpu.enqueue_indirect_dma source(%dma_start3A_420 : memref<10112x128xf32, #tpu.memory_space<hbm>>) target(%arg10 : memref<128x128xf32, #tpu.memory_space<vmem>>) offsets(%dma_start3A_417 : memref<128xi32, #tpu.memory_space<vmem>>) semaphore(%arg12 : memref<!tpu.dma_semaphore, #tpu.memory_space<semaphore_mem>>)
      %dma_wait3A_421 = arith.constant 13 : i32
      %dma_wait3A_422 = arith.constant 0 : i32
      %dma_wait3A_423 = tpu.memref_slice %arg9[%dma_wait3A_421, %dma_wait3A_422] : memref<16x128xi32, #tpu.memory_space<vmem>> -> memref<1x128xi32, #tpu.memory_space<vmem>>
      %dma_wait3A_424 = tpu.memref_squeeze %dma_wait3A_423 : memref<1x128xi32, #tpu.memory_space<vmem>> -> memref<128xi32, #tpu.memory_space<vmem>>
      %dma_wait3A_425 = arith.constant 0 : i32
      %dma_wait3A_426 = arith.constant 0 : i32
      %dma_wait3A_427 = tpu.memref_slice %arg7[%dma_wait3A_425, %dma_wait3A_426] : memref<10112x128xf32, #tpu.memory_space<vmem_shared>> -> memref<10112x128xf32, #tpu.memory_space<vmem_shared>>
      tpu.wait_indirect_dma semaphore(%arg15 : memref<!tpu.dma_semaphore, #tpu.memory_space<semaphore_mem>>) src(%arg11 : memref<128x128xf32, #tpu.memory_space<vmem>>) dst(%dma_wait3A_427 : memref<10112x128xf32, #tpu.memory_space<vmem_shared>>)
      %dma_start3A_428 = arith.constant 15 : i32
      %dma_start3A_429 = arith.constant 0 : i32
      %dma_start3A_430 = tpu.memref_slice %arg8[%dma_start3A_428, %dma_start3A_429] : memref<16x128xi32, #tpu.memory_space<vmem>> -> memref<1x128xi32, #tpu.memory_space<vmem>>
      %dma_start3A_431 = tpu.memref_squeeze %dma_start3A_430 : memref<1x128xi32, #tpu.memory_space<vmem>> -> memref<128xi32, #tpu.memory_space<vmem>>
      %dma_start3A_432 = arith.constant 0 : i32
      %dma_start3A_433 = arith.constant 0 : i32
      %dma_start3A_434 = tpu.memref_slice %arg2[%dma_start3A_432, %dma_start3A_433] : memref<10112x128xf32, #tpu.memory_space<hbm>> -> memref<10112x128xf32, #tpu.memory_space<hbm>>
      tpu.enqueue_indirect_dma source(%dma_start3A_434 : memref<10112x128xf32, #tpu.memory_space<hbm>>) target(%arg11 : memref<128x128xf32, #tpu.memory_space<vmem>>) offsets(%dma_start3A_431 : memref<128xi32, #tpu.memory_space<vmem>>) semaphore(%arg13 : memref<!tpu.dma_semaphore, #tpu.memory_space<semaphore_mem>>)
      %dma_wait3A_435 = arith.constant 14 : i32
      %dma_wait3A_436 = arith.constant 0 : i32
      %dma_wait3A_437 = tpu.memref_slice %arg8[%dma_wait3A_435, %dma_wait3A_436] : memref<16x128xi32, #tpu.memory_space<vmem>> -> memref<1x128xi32, #tpu.memory_space<vmem>>
      %dma_wait3A_438 = tpu.memref_squeeze %dma_wait3A_437 : memref<1x128xi32, #tpu.memory_space<vmem>> -> memref<128xi32, #tpu.memory_space<vmem>>
      %dma_wait3A_439 = arith.constant 0 : i32
      %dma_wait3A_440 = arith.constant 0 : i32
      %dma_wait3A_441 = tpu.memref_slice %arg2[%dma_wait3A_439, %dma_wait3A_440] : memref<10112x128xf32, #tpu.memory_space<hbm>> -> memref<10112x128xf32, #tpu.memory_space<hbm>>
      tpu.wait_indirect_dma semaphore(%arg12 : memref<!tpu.dma_semaphore, #tpu.memory_space<semaphore_mem>>) src(%dma_wait3A_441 : memref<10112x128xf32, #tpu.memory_space<hbm>>) dst(%arg10 : memref<128x128xf32, #tpu.memory_space<vmem>>)
      %dma_start3A_442 = arith.constant 14 : i32
      %dma_start3A_443 = arith.constant 0 : i32
      %dma_start3A_444 = tpu.memref_slice %arg9[%dma_start3A_442, %dma_start3A_443] : memref<16x128xi32, #tpu.memory_space<vmem>> -> memref<1x128xi32, #tpu.memory_space<vmem>>
      %dma_start3A_445 = tpu.memref_squeeze %dma_start3A_444 : memref<1x128xi32, #tpu.memory_space<vmem>> -> memref<128xi32, #tpu.memory_space<vmem>>
      %dma_start3A_446 = arith.constant 0 : i32
      %dma_start3A_447 = arith.constant 0 : i32
      %dma_start3A_448 = tpu.memref_slice %arg7[%dma_start3A_446, %dma_start3A_447] : memref<10112x128xf32, #tpu.memory_space<vmem_shared>> -> memref<10112x128xf32, #tpu.memory_space<vmem_shared>>
      tpu.enqueue_indirect_dma source(%arg10 : memref<128x128xf32, #tpu.memory_space<vmem>>) target(%dma_start3A_448 : memref<10112x128xf32, #tpu.memory_space<vmem_shared>>) offsets(%dma_start3A_445 : memref<128xi32, #tpu.memory_space<vmem>>) semaphore(%arg14 : memref<!tpu.dma_semaphore, #tpu.memory_space<semaphore_mem>>) {add = true}
      %dma_wait3A_449 = arith.constant 15 : i32
      %dma_wait3A_450 = arith.constant 0 : i32
      %dma_wait3A_451 = tpu.memref_slice %arg8[%dma_wait3A_449, %dma_wait3A_450] : memref<16x128xi32, #tpu.memory_space<vmem>> -> memref<1x128xi32, #tpu.memory_space<vmem>>
      %dma_wait3A_452 = tpu.memref_squeeze %dma_wait3A_451 : memref<1x128xi32, #tpu.memory_space<vmem>> -> memref<128xi32, #tpu.memory_space<vmem>>
      %dma_wait3A_453 = arith.constant 0 : i32
      %dma_wait3A_454 = arith.constant 0 : i32
      %dma_wait3A_455 = tpu.memref_slice %arg2[%dma_wait3A_453, %dma_wait3A_454] : memref<10112x128xf32, #tpu.memory_space<hbm>> -> memref<10112x128xf32, #tpu.memory_space<hbm>>
      tpu.wait_indirect_dma semaphore(%arg13 : memref<!tpu.dma_semaphore, #tpu.memory_space<semaphore_mem>>) src(%dma_wait3A_455 : memref<10112x128xf32, #tpu.memory_space<hbm>>) dst(%arg11 : memref<128x128xf32, #tpu.memory_space<vmem>>)
      %dma_start3A_456 = arith.constant 15 : i32
      %dma_start3A_457 = arith.constant 0 : i32
      %dma_start3A_458 = tpu.memref_slice %arg9[%dma_start3A_456, %dma_start3A_457] : memref<16x128xi32, #tpu.memory_space<vmem>> -> memref<1x128xi32, #tpu.memory_space<vmem>>
      %dma_start3A_459 = tpu.memref_squeeze %dma_start3A_458 : memref<1x128xi32, #tpu.memory_space<vmem>> -> memref<128xi32, #tpu.memory_space<vmem>>
      %dma_start3A_460 = arith.constant 0 : i32
      %dma_start3A_461 = arith.constant 0 : i32
      %dma_start3A_462 = tpu.memref_slice %arg7[%dma_start3A_460, %dma_start3A_461] : memref<10112x128xf32, #tpu.memory_space<vmem_shared>> -> memref<10112x128xf32, #tpu.memory_space<vmem_shared>>
      tpu.enqueue_indirect_dma source(%arg11 : memref<128x128xf32, #tpu.memory_space<vmem>>) target(%dma_start3A_462 : memref<10112x128xf32, #tpu.memory_space<vmem_shared>>) offsets(%dma_start3A_459 : memref<128xi32, #tpu.memory_space<vmem>>) semaphore(%arg15 : memref<!tpu.dma_semaphore, #tpu.memory_space<semaphore_mem>>) {add = true}
      %dma_wait3A_463 = arith.constant 14 : i32
      %dma_wait3A_464 = arith.constant 0 : i32
      %dma_wait3A_465 = tpu.memref_slice %arg9[%dma_wait3A_463, %dma_wait3A_464] : memref<16x128xi32, #tpu.memory_space<vmem>> -> memref<1x128xi32, #tpu.memory_space<vmem>>
      %dma_wait3A_466 = tpu.memref_squeeze %dma_wait3A_465 : memref<1x128xi32, #tpu.memory_space<vmem>> -> memref<128xi32, #tpu.memory_space<vmem>>
      %dma_wait3A_467 = arith.constant 0 : i32
      %dma_wait3A_468 = arith.constant 0 : i32
      %dma_wait3A_469 = tpu.memref_slice %arg7[%dma_wait3A_467, %dma_wait3A_468] : memref<10112x128xf32, #tpu.memory_space<vmem_shared>> -> memref<10112x128xf32, #tpu.memory_space<vmem_shared>>
      tpu.wait_indirect_dma semaphore(%arg14 : memref<!tpu.dma_semaphore, #tpu.memory_space<semaphore_mem>>) src(%arg10 : memref<128x128xf32, #tpu.memory_space<vmem>>) dst(%dma_wait3A_469 : memref<10112x128xf32, #tpu.memory_space<vmem_shared>>)
      %dma_wait3A_470 = arith.constant 15 : i32
      %dma_wait3A_471 = arith.constant 0 : i32
      %dma_wait3A_472 = tpu.memref_slice %arg9[%dma_wait3A_470, %dma_wait3A_471] : memref<16x128xi32, #tpu.memory_space<vmem>> -> memref<1x128xi32, #tpu.memory_space<vmem>>
      %dma_wait3A_473 = tpu.memref_squeeze %dma_wait3A_472 : memref<1x128xi32, #tpu.memory_space<vmem>> -> memref<128xi32, #tpu.memory_space<vmem>>
      %dma_wait3A_474 = arith.constant 0 : i32
      %dma_wait3A_475 = arith.constant 0 : i32
      %dma_wait3A_476 = tpu.memref_slice %arg7[%dma_wait3A_474, %dma_wait3A_475] : memref<10112x128xf32, #tpu.memory_space<vmem_shared>> -> memref<10112x128xf32, #tpu.memory_space<vmem_shared>>
      tpu.wait_indirect_dma semaphore(%arg15 : memref<!tpu.dma_semaphore, #tpu.memory_space<semaphore_mem>>) src(%arg11 : memref<128x128xf32, #tpu.memory_space<vmem>>) dst(%dma_wait3A_476 : memref<10112x128xf32, #tpu.memory_space<vmem_shared>>)
    }
    %barrier3A_22 = arith.constant 0 : index
    tpu.barrier barrier_id(%barrier3A_22)
    %mul3A_23 = arith.constant 632 : i32
    %mul3A_24 = arith.muli %mul3A_23, %arg1 : i32
    %mul3A_25 = arith.constant 632 : i32
    %mul3A_26 = arith.muli %mul3A_25, %arg1 : i32
    "tpu.region"() ({
      %run_scoped3A = tpu.sem_alloc : memref<!tpu.dma_semaphore, #tpu.memory_space<semaphore_mem>>
      %dma_start3A = arith.constant 0 : i32
      %dma_start3A_27 = tpu.memref_slice %arg6[%arg0, %mul3A_26, %dma_start3A] : memref<2x10112x128xf32, #tpu.memory_space<hbm>> -> memref<1x632x128xf32, #tpu.memory_space<hbm>>
      %dma_start3A_28 = tpu.memref_squeeze %dma_start3A_27 : memref<1x632x128xf32, #tpu.memory_space<hbm>> -> memref<632x128xf32, #tpu.memory_space<hbm>>
      %dma_start3A_29 = arith.constant 0 : i32
      %dma_start3A_30 = tpu.memref_slice %arg7[%mul3A_24, %dma_start3A_29] : memref<10112x128xf32, #tpu.memory_space<vmem_shared>> -> memref<632x128xf32, #tpu.memory_space<vmem_shared>>
      tpu.enqueue_dma source(%dma_start3A_30 : memref<632x128xf32, #tpu.memory_space<vmem_shared>>) target(%dma_start3A_28 : memref<632x128xf32, #tpu.memory_space<hbm>>) target_semaphore(%run_scoped3A : memref<!tpu.dma_semaphore, #tpu.memory_space<semaphore_mem>>)
      %dma_wait3A = arith.constant 0 : i32
      %dma_wait3A_31 = tpu.memref_slice %arg6[%arg0, %mul3A_26, %dma_wait3A] : memref<2x10112x128xf32, #tpu.memory_space<hbm>> -> memref<1x632x128xf32, #tpu.memory_space<hbm>>
      %dma_wait3A_32 = tpu.memref_squeeze %dma_wait3A_31 : memref<1x632x128xf32, #tpu.memory_space<hbm>> -> memref<632x128xf32, #tpu.memory_space<hbm>>
      %dma_wait3A_33 = arith.constant 0 : i32
      %dma_wait3A_34 = tpu.memref_slice %arg7[%mul3A_24, %dma_wait3A_33] : memref<10112x128xf32, #tpu.memory_space<vmem_shared>> -> memref<632x128xf32, #tpu.memory_space<vmem_shared>>
      tpu.wait_dma2 semaphore(%run_scoped3A : memref<!tpu.dma_semaphore, #tpu.memory_space<semaphore_mem>>) src(%dma_wait3A_34 : memref<632x128xf32, #tpu.memory_space<vmem_shared>>) dst(%dma_wait3A_32 : memref<632x128xf32, #tpu.memory_space<hbm>>)
      tpu.yield
    }) : () -> ()
    return
  }
}

#map = affine_map<(d0, d1) -> (0, 0)>
#map1 = affine_map<(d0, d1) -> (0, 0, 0)>
module attributes {stable_mosaic.version = 14 : i64} {
  func.func @_prop_body(%arg0: i32, %arg1: i32, %arg2: memref<10112x128xf32, #tpu.memory_space<hbm>>, %arg3: memref<2560x128xi32, #tpu.memory_space<hbm>>, %arg4: memref<2560x128xi32, #tpu.memory_space<hbm>>, %arg5: memref<10112x128xf32, #tpu.memory_space<hbm>>, %arg6: memref<2x10112x128xf32, #tpu.memory_space<hbm>>, %arg7: memref<10112x128xf32, #tpu.memory_space<vmem_shared>>, %arg8: memref<16x128xi32, #tpu.memory_space<vmem>>, %arg9: memref<16x128xi32, #tpu.memory_space<vmem>>, %arg10: memref<128x128xf32, #tpu.memory_space<vmem>>, %arg11: memref<128x128xf32, #tpu.memory_space<vmem>>, %arg12: memref<!tpu.dma_semaphore, #tpu.memory_space<semaphore_mem>>, %arg13: memref<!tpu.dma_semaphore, #tpu.memory_space<semaphore_mem>>, %arg14: memref<!tpu.dma_semaphore, #tpu.memory_space<semaphore_mem>>, %arg15: memref<!tpu.dma_semaphore, #tpu.memory_space<semaphore_mem>>) attributes {dimension_semantics = [#tpu.dimension_semantics<core_parallel>, #tpu.dimension_semantics<subcore_parallel>], iteration_bounds = array<i64: 2, 16>, scalar_prefetch = 0 : i64, scratch_operands = 9 : i64, tpu.core_type = #tpu.core_type<sc_vector_subcore>, window_params = [{transform_indices = #map}, {transform_indices = #map}, {transform_indices = #map}, {transform_indices = #map}, {transform_indices = #map1}]} {
    %mul3A = arith.constant 632 : i32
    %mul3A_0 = arith.muli %mul3A, %arg1 : i32
    %mul3A_1 = arith.constant 632 : i32
    %mul3A_2 = arith.muli %mul3A_1, %arg1 : i32
    "tpu.region"() ({
      %run_scoped3A = tpu.sem_alloc : memref<!tpu.dma_semaphore, #tpu.memory_space<semaphore_mem>>
      %dma_start3A = arith.constant 0 : i32
      %dma_start3A_27 = tpu.memref_slice %arg7[%mul3A_2, %dma_start3A] : memref<10112x128xf32, #tpu.memory_space<vmem_shared>> -> memref<632x128xf32, #tpu.memory_space<vmem_shared>>
      %dma_start3A_28 = arith.constant 0 : i32
      %dma_start3A_29 = tpu.memref_slice %arg5[%mul3A_0, %dma_start3A_28] : memref<10112x128xf32, #tpu.memory_space<hbm>> -> memref<632x128xf32, #tpu.memory_space<hbm>>
      tpu.enqueue_dma source(%dma_start3A_29 : memref<632x128xf32, #tpu.memory_space<hbm>>) target(%dma_start3A_27 : memref<632x128xf32, #tpu.memory_space<vmem_shared>>) target_semaphore(%run_scoped3A : memref<!tpu.dma_semaphore, #tpu.memory_space<semaphore_mem>>)
      %dma_wait3A = arith.constant 0 : i32
      %dma_wait3A_30 = tpu.memref_slice %arg7[%mul3A_2, %dma_wait3A] : memref<10112x128xf32, #tpu.memory_space<vmem_shared>> -> memref<632x128xf32, #tpu.memory_space<vmem_shared>>
      %dma_wait3A_31 = arith.constant 0 : i32
      %dma_wait3A_32 = tpu.memref_slice %arg5[%mul3A_0, %dma_wait3A_31] : memref<10112x128xf32, #tpu.memory_space<hbm>> -> memref<632x128xf32, #tpu.memory_space<hbm>>
      tpu.wait_dma2 semaphore(%run_scoped3A : memref<!tpu.dma_semaphore, #tpu.memory_space<semaphore_mem>>) src(%dma_wait3A_32 : memref<632x128xf32, #tpu.memory_space<hbm>>) dst(%dma_wait3A_30 : memref<632x128xf32, #tpu.memory_space<vmem_shared>>)
      tpu.yield
    }) : () -> ()
    %barrier3A = arith.constant 0 : index
    tpu.barrier barrier_id(%barrier3A)
    %eq3A = arith.constant 0 : i32
    %eq3A_3 = arith.cmpi eq, %arg0, %eq3A : i32
    %mul3A_4 = arith.constant 80 : i32
    %mul3A_5 = arith.muli %mul3A_4, %arg1 : i32
    %mul3A_6 = arith.constant 80 : i32
    %mul3A_7 = arith.muli %mul3A_6, %arg1 : i32
    %add3A = arith.constant 1280 : i32
    %add3A_8 = arith.addi %add3A, %mul3A_7 : i32
    %select_n3A = arith.select %eq3A_3, %mul3A_5, %add3A_8 : i32
    %eq3A_9 = arith.constant 0 : i32
    %eq3A_10 = arith.cmpi eq, %arg0, %eq3A_9 : i32
    %jit3A = arith.constant 5 : i32
    %jit3A_11 = arith.constant 5 : i32
    %select_n3A_12 = arith.select %eq3A_10, %jit3A, %jit3A_11 : i32
    %while3A = arith.constant 0 : i32
    %while3A_13 = arith.constant 0 : i32
    %while3A_14 = arith.subi %select_n3A_12, %while3A_13 : i32
    %while3A_15 = arith.addi %while3A_13, %while3A_14 : i32
    %while3A_16 = arith.constant 1 : i32
    %while3A_17 = arith.divsi %while3A_14, %while3A_16 : i32
    %while3A_18 = arith.muli %while3A_17, %while3A_16 : i32
    %while3A_19 = arith.addi %while3A_13, %while3A_18 : i32
    %while3A_20 = arith.constant 1 : i32
    scf.for %while3A_27 = %while3A_13 to %while3A_19 step %while3A_20  : i32 {
      %mul3A_28 = arith.constant 16 : i32
      %mul3A_29 = arith.muli %mul3A_28, %while3A_27 : i32
      %add3A_30 = arith.addi %select_n3A, %mul3A_29 : i32
      "tpu.region"() ({
        %run_scoped3A = tpu.sem_alloc : memref<!tpu.dma_semaphore, #tpu.memory_space<semaphore_mem>>
        %dma_start3A_477 = arith.constant 0 : i32
        %dma_start3A_478 = tpu.memref_slice %arg3[%add3A_30, %dma_start3A_477] : memref<2560x128xi32, #tpu.memory_space<hbm>> -> memref<16x128xi32, #tpu.memory_space<hbm>>
        %dma_start3A_479 = arith.constant 0 : i32
        %dma_start3A_480 = tpu.memref_slice %arg3[%add3A_30, %dma_start3A_479] : memref<2560x128xi32, #tpu.memory_space<hbm>> -> memref<16x128xi32, #tpu.memory_space<hbm>>
        tpu.enqueue_dma source(%dma_start3A_480 : memref<16x128xi32, #tpu.memory_space<hbm>>) target(%arg8 : memref<16x128xi32, #tpu.memory_space<vmem>>) target_semaphore(%run_scoped3A : memref<!tpu.dma_semaphore, #tpu.memory_space<semaphore_mem>>)
        %dma_wait3A_481 = arith.constant 0 : i32
        %dma_wait3A_482 = tpu.memref_slice %arg3[%add3A_30, %dma_wait3A_481] : memref<2560x128xi32, #tpu.memory_space<hbm>> -> memref<16x128xi32, #tpu.memory_space<hbm>>
        %dma_wait3A_483 = arith.constant 0 : i32
        %dma_wait3A_484 = tpu.memref_slice %arg3[%add3A_30, %dma_wait3A_483] : memref<2560x128xi32, #tpu.memory_space<hbm>> -> memref<16x128xi32, #tpu.memory_space<hbm>>
        tpu.wait_dma2 semaphore(%run_scoped3A : memref<!tpu.dma_semaphore, #tpu.memory_space<semaphore_mem>>) src(%dma_wait3A_484 : memref<16x128xi32, #tpu.memory_space<hbm>>) dst(%arg8 : memref<16x128xi32, #tpu.memory_space<vmem>>)
        tpu.yield
      }) : () -> ()
      "tpu.region"() ({
        %run_scoped3A = tpu.sem_alloc : memref<!tpu.dma_semaphore, #tpu.memory_space<semaphore_mem>>
        %dma_start3A_477 = arith.constant 0 : i32
        %dma_start3A_478 = tpu.memref_slice %arg4[%add3A_30, %dma_start3A_477] : memref<2560x128xi32, #tpu.memory_space<hbm>> -> memref<16x128xi32, #tpu.memory_space<hbm>>
        %dma_start3A_479 = arith.constant 0 : i32
        %dma_start3A_480 = tpu.memref_slice %arg4[%add3A_30, %dma_start3A_479] : memref<2560x128xi32, #tpu.memory_space<hbm>> -> memref<16x128xi32, #tpu.memory_space<hbm>>
        tpu.enqueue_dma source(%dma_start3A_480 : memref<16x128xi32, #tpu.memory_space<hbm>>) target(%arg9 : memref<16x128xi32, #tpu.memory_space<vmem>>) target_semaphore(%run_scoped3A : memref<!tpu.dma_semaphore, #tpu.memory_space<semaphore_mem>>)
        %dma_wait3A_481 = arith.constant 0 : i32
        %dma_wait3A_482 = tpu.memref_slice %arg4[%add3A_30, %dma_wait3A_481] : memref<2560x128xi32, #tpu.memory_space<hbm>> -> memref<16x128xi32, #tpu.memory_space<hbm>>
        %dma_wait3A_483 = arith.constant 0 : i32
        %dma_wait3A_484 = tpu.memref_slice %arg4[%add3A_30, %dma_wait3A_483] : memref<2560x128xi32, #tpu.memory_space<hbm>> -> memref<16x128xi32, #tpu.memory_space<hbm>>
        tpu.wait_dma2 semaphore(%run_scoped3A : memref<!tpu.dma_semaphore, #tpu.memory_space<semaphore_mem>>) src(%dma_wait3A_484 : memref<16x128xi32, #tpu.memory_space<hbm>>) dst(%arg9 : memref<16x128xi32, #tpu.memory_space<vmem>>)
        tpu.yield
      }) : () -> ()
      %dma_start3A = arith.constant 0 : i32
      %dma_start3A_31 = arith.constant 0 : i32
      %dma_start3A_32 = tpu.memref_slice %arg8[%dma_start3A, %dma_start3A_31] : memref<16x128xi32, #tpu.memory_space<vmem>> -> memref<1x128xi32, #tpu.memory_space<vmem>>
      %dma_start3A_33 = tpu.memref_squeeze %dma_start3A_32 : memref<1x128xi32, #tpu.memory_space<vmem>> -> memref<128xi32, #tpu.memory_space<vmem>>
      %dma_start3A_34 = arith.constant 0 : i32
      %dma_start3A_35 = arith.constant 0 : i32
      %dma_start3A_36 = tpu.memref_slice %arg2[%dma_start3A_34, %dma_start3A_35] : memref<10112x128xf32, #tpu.memory_space<hbm>> -> memref<10112x128xf32, #tpu.memory_space<hbm>>
      tpu.enqueue_indirect_dma source(%dma_start3A_36 : memref<10112x128xf32, #tpu.memory_space<hbm>>) target(%arg10 : memref<128x128xf32, #tpu.memory_space<vmem>>) offsets(%dma_start3A_33 : memref<128xi32, #tpu.memory_space<vmem>>) semaphore(%arg12 : memref<!tpu.dma_semaphore, #tpu.memory_space<semaphore_mem>>)
      %dma_start3A_37 = arith.constant 1 : i32
      %dma_start3A_38 = arith.constant 0 : i32
      %dma_start3A_39 = tpu.memref_slice %arg8[%dma_start3A_37, %dma_start3A_38] : memref<16x128xi32, #tpu.memory_space<vmem>> -> memref<1x128xi32, #tpu.memory_space<vmem>>
      %dma_start3A_40 = tpu.memref_squeeze %dma_start3A_39 : memref<1x128xi32, #tpu.memory_space<vmem>> -> memref<128xi32, #tpu.memory_space<vmem>>
      %dma_start3A_41 = arith.constant 0 : i32
      %dma_start3A_42 = arith.constant 0 : i32
      %dma_start3A_43 = tpu.memref_slice %arg2[%dma_start3A_41, %dma_start3A_42] : memref<10112x128xf32, #tpu.memory_space<hbm>> -> memref<10112x128xf32, #tpu.memory_space<hbm>>
      tpu.enqueue_indirect_dma source(%dma_start3A_43 : memref<10112x128xf32, #tpu.memory_space<hbm>>) target(%arg11 : memref<128x128xf32, #tpu.memory_space<vmem>>) offsets(%dma_start3A_40 : memref<128xi32, #tpu.memory_space<vmem>>) semaphore(%arg13 : memref<!tpu.dma_semaphore, #tpu.memory_space<semaphore_mem>>)
      %dma_wait3A = arith.constant 0 : i32
      %dma_wait3A_44 = arith.constant 0 : i32
      %dma_wait3A_45 = tpu.memref_slice %arg8[%dma_wait3A, %dma_wait3A_44] : memref<16x128xi32, #tpu.memory_space<vmem>> -> memref<1x128xi32, #tpu.memory_space<vmem>>
      %dma_wait3A_46 = tpu.memref_squeeze %dma_wait3A_45 : memref<1x128xi32, #tpu.memory_space<vmem>> -> memref<128xi32, #tpu.memory_space<vmem>>
      %dma_wait3A_47 = arith.constant 0 : i32
      %dma_wait3A_48 = arith.constant 0 : i32
      %dma_wait3A_49 = tpu.memref_slice %arg2[%dma_wait3A_47, %dma_wait3A_48] : memref<10112x128xf32, #tpu.memory_space<hbm>> -> memref<10112x128xf32, #tpu.memory_space<hbm>>
      tpu.wait_indirect_dma semaphore(%arg12 : memref<!tpu.dma_semaphore, #tpu.memory_space<semaphore_mem>>) src(%dma_wait3A_49 : memref<10112x128xf32, #tpu.memory_space<hbm>>) dst(%arg10 : memref<128x128xf32, #tpu.memory_space<vmem>>)
      %dma_start3A_50 = arith.constant 0 : i32
      %dma_start3A_51 = arith.constant 0 : i32
      %dma_start3A_52 = tpu.memref_slice %arg9[%dma_start3A_50, %dma_start3A_51] : memref<16x128xi32, #tpu.memory_space<vmem>> -> memref<1x128xi32, #tpu.memory_space<vmem>>
      %dma_start3A_53 = tpu.memref_squeeze %dma_start3A_52 : memref<1x128xi32, #tpu.memory_space<vmem>> -> memref<128xi32, #tpu.memory_space<vmem>>
      %dma_start3A_54 = arith.constant 0 : i32
      %dma_start3A_55 = arith.constant 0 : i32
      %dma_start3A_56 = tpu.memref_slice %arg7[%dma_start3A_54, %dma_start3A_55] : memref<10112x128xf32, #tpu.memory_space<vmem_shared>> -> memref<10112x128xf32, #tpu.memory_space<vmem_shared>>
      tpu.enqueue_indirect_dma source(%arg10 : memref<128x128xf32, #tpu.memory_space<vmem>>) target(%dma_start3A_56 : memref<10112x128xf32, #tpu.memory_space<vmem_shared>>) offsets(%dma_start3A_53 : memref<128xi32, #tpu.memory_space<vmem>>) semaphore(%arg14 : memref<!tpu.dma_semaphore, #tpu.memory_space<semaphore_mem>>) {add = true}
      %dma_wait3A_57 = arith.constant 1 : i32
      %dma_wait3A_58 = arith.constant 0 : i32
      %dma_wait3A_59 = tpu.memref_slice %arg8[%dma_wait3A_57, %dma_wait3A_58] : memref<16x128xi32, #tpu.memory_space<vmem>> -> memref<1x128xi32, #tpu.memory_space<vmem>>
      %dma_wait3A_60 = tpu.memref_squeeze %dma_wait3A_59 : memref<1x128xi32, #tpu.memory_space<vmem>> -> memref<128xi32, #tpu.memory_space<vmem>>
      %dma_wait3A_61 = arith.constant 0 : i32
      %dma_wait3A_62 = arith.constant 0 : i32
      %dma_wait3A_63 = tpu.memref_slice %arg2[%dma_wait3A_61, %dma_wait3A_62] : memref<10112x128xf32, #tpu.memory_space<hbm>> -> memref<10112x128xf32, #tpu.memory_space<hbm>>
      tpu.wait_indirect_dma semaphore(%arg13 : memref<!tpu.dma_semaphore, #tpu.memory_space<semaphore_mem>>) src(%dma_wait3A_63 : memref<10112x128xf32, #tpu.memory_space<hbm>>) dst(%arg11 : memref<128x128xf32, #tpu.memory_space<vmem>>)
      %dma_start3A_64 = arith.constant 1 : i32
      %dma_start3A_65 = arith.constant 0 : i32
      %dma_start3A_66 = tpu.memref_slice %arg9[%dma_start3A_64, %dma_start3A_65] : memref<16x128xi32, #tpu.memory_space<vmem>> -> memref<1x128xi32, #tpu.memory_space<vmem>>
      %dma_start3A_67 = tpu.memref_squeeze %dma_start3A_66 : memref<1x128xi32, #tpu.memory_space<vmem>> -> memref<128xi32, #tpu.memory_space<vmem>>
      %dma_start3A_68 = arith.constant 0 : i32
      %dma_start3A_69 = arith.constant 0 : i32
      %dma_start3A_70 = tpu.memref_slice %arg7[%dma_start3A_68, %dma_start3A_69] : memref<10112x128xf32, #tpu.memory_space<vmem_shared>> -> memref<10112x128xf32, #tpu.memory_space<vmem_shared>>
      tpu.enqueue_indirect_dma source(%arg11 : memref<128x128xf32, #tpu.memory_space<vmem>>) target(%dma_start3A_70 : memref<10112x128xf32, #tpu.memory_space<vmem_shared>>) offsets(%dma_start3A_67 : memref<128xi32, #tpu.memory_space<vmem>>) semaphore(%arg15 : memref<!tpu.dma_semaphore, #tpu.memory_space<semaphore_mem>>) {add = true}
      %dma_wait3A_71 = arith.constant 0 : i32
      %dma_wait3A_72 = arith.constant 0 : i32
      %dma_wait3A_73 = tpu.memref_slice %arg9[%dma_wait3A_71, %dma_wait3A_72] : memref<16x128xi32, #tpu.memory_space<vmem>> -> memref<1x128xi32, #tpu.memory_space<vmem>>
      %dma_wait3A_74 = tpu.memref_squeeze %dma_wait3A_73 : memref<1x128xi32, #tpu.memory_space<vmem>> -> memref<128xi32, #tpu.memory_space<vmem>>
      %dma_wait3A_75 = arith.constant 0 : i32
      %dma_wait3A_76 = arith.constant 0 : i32
      %dma_wait3A_77 = tpu.memref_slice %arg7[%dma_wait3A_75, %dma_wait3A_76] : memref<10112x128xf32, #tpu.memory_space<vmem_shared>> -> memref<10112x128xf32, #tpu.memory_space<vmem_shared>>
      tpu.wait_indirect_dma semaphore(%arg14 : memref<!tpu.dma_semaphore, #tpu.memory_space<semaphore_mem>>) src(%arg10 : memref<128x128xf32, #tpu.memory_space<vmem>>) dst(%dma_wait3A_77 : memref<10112x128xf32, #tpu.memory_space<vmem_shared>>)
      %dma_start3A_78 = arith.constant 2 : i32
      %dma_start3A_79 = arith.constant 0 : i32
      %dma_start3A_80 = tpu.memref_slice %arg8[%dma_start3A_78, %dma_start3A_79] : memref<16x128xi32, #tpu.memory_space<vmem>> -> memref<1x128xi32, #tpu.memory_space<vmem>>
      %dma_start3A_81 = tpu.memref_squeeze %dma_start3A_80 : memref<1x128xi32, #tpu.memory_space<vmem>> -> memref<128xi32, #tpu.memory_space<vmem>>
      %dma_start3A_82 = arith.constant 0 : i32
      %dma_start3A_83 = arith.constant 0 : i32
      %dma_start3A_84 = tpu.memref_slice %arg2[%dma_start3A_82, %dma_start3A_83] : memref<10112x128xf32, #tpu.memory_space<hbm>> -> memref<10112x128xf32, #tpu.memory_space<hbm>>
      tpu.enqueue_indirect_dma source(%dma_start3A_84 : memref<10112x128xf32, #tpu.memory_space<hbm>>) target(%arg10 : memref<128x128xf32, #tpu.memory_space<vmem>>) offsets(%dma_start3A_81 : memref<128xi32, #tpu.memory_space<vmem>>) semaphore(%arg12 : memref<!tpu.dma_semaphore, #tpu.memory_space<semaphore_mem>>)
      %dma_wait3A_85 = arith.constant 1 : i32
      %dma_wait3A_86 = arith.constant 0 : i32
      %dma_wait3A_87 = tpu.memref_slice %arg9[%dma_wait3A_85, %dma_wait3A_86] : memref<16x128xi32, #tpu.memory_space<vmem>> -> memref<1x128xi32, #tpu.memory_space<vmem>>
      %dma_wait3A_88 = tpu.memref_squeeze %dma_wait3A_87 : memref<1x128xi32, #tpu.memory_space<vmem>> -> memref<128xi32, #tpu.memory_space<vmem>>
      %dma_wait3A_89 = arith.constant 0 : i32
      %dma_wait3A_90 = arith.constant 0 : i32
      %dma_wait3A_91 = tpu.memref_slice %arg7[%dma_wait3A_89, %dma_wait3A_90] : memref<10112x128xf32, #tpu.memory_space<vmem_shared>> -> memref<10112x128xf32, #tpu.memory_space<vmem_shared>>
      tpu.wait_indirect_dma semaphore(%arg15 : memref<!tpu.dma_semaphore, #tpu.memory_space<semaphore_mem>>) src(%arg11 : memref<128x128xf32, #tpu.memory_space<vmem>>) dst(%dma_wait3A_91 : memref<10112x128xf32, #tpu.memory_space<vmem_shared>>)
      %dma_start3A_92 = arith.constant 3 : i32
      %dma_start3A_93 = arith.constant 0 : i32
      %dma_start3A_94 = tpu.memref_slice %arg8[%dma_start3A_92, %dma_start3A_93] : memref<16x128xi32, #tpu.memory_space<vmem>> -> memref<1x128xi32, #tpu.memory_space<vmem>>
      %dma_start3A_95 = tpu.memref_squeeze %dma_start3A_94 : memref<1x128xi32, #tpu.memory_space<vmem>> -> memref<128xi32, #tpu.memory_space<vmem>>
      %dma_start3A_96 = arith.constant 0 : i32
      %dma_start3A_97 = arith.constant 0 : i32
      %dma_start3A_98 = tpu.memref_slice %arg2[%dma_start3A_96, %dma_start3A_97] : memref<10112x128xf32, #tpu.memory_space<hbm>> -> memref<10112x128xf32, #tpu.memory_space<hbm>>
      tpu.enqueue_indirect_dma source(%dma_start3A_98 : memref<10112x128xf32, #tpu.memory_space<hbm>>) target(%arg11 : memref<128x128xf32, #tpu.memory_space<vmem>>) offsets(%dma_start3A_95 : memref<128xi32, #tpu.memory_space<vmem>>) semaphore(%arg13 : memref<!tpu.dma_semaphore, #tpu.memory_space<semaphore_mem>>)
      %dma_wait3A_99 = arith.constant 2 : i32
      %dma_wait3A_100 = arith.constant 0 : i32
      %dma_wait3A_101 = tpu.memref_slice %arg8[%dma_wait3A_99, %dma_wait3A_100] : memref<16x128xi32, #tpu.memory_space<vmem>> -> memref<1x128xi32, #tpu.memory_space<vmem>>
      %dma_wait3A_102 = tpu.memref_squeeze %dma_wait3A_101 : memref<1x128xi32, #tpu.memory_space<vmem>> -> memref<128xi32, #tpu.memory_space<vmem>>
      %dma_wait3A_103 = arith.constant 0 : i32
      %dma_wait3A_104 = arith.constant 0 : i32
      %dma_wait3A_105 = tpu.memref_slice %arg2[%dma_wait3A_103, %dma_wait3A_104] : memref<10112x128xf32, #tpu.memory_space<hbm>> -> memref<10112x128xf32, #tpu.memory_space<hbm>>
      tpu.wait_indirect_dma semaphore(%arg12 : memref<!tpu.dma_semaphore, #tpu.memory_space<semaphore_mem>>) src(%dma_wait3A_105 : memref<10112x128xf32, #tpu.memory_space<hbm>>) dst(%arg10 : memref<128x128xf32, #tpu.memory_space<vmem>>)
      %dma_start3A_106 = arith.constant 2 : i32
      %dma_start3A_107 = arith.constant 0 : i32
      %dma_start3A_108 = tpu.memref_slice %arg9[%dma_start3A_106, %dma_start3A_107] : memref<16x128xi32, #tpu.memory_space<vmem>> -> memref<1x128xi32, #tpu.memory_space<vmem>>
      %dma_start3A_109 = tpu.memref_squeeze %dma_start3A_108 : memref<1x128xi32, #tpu.memory_space<vmem>> -> memref<128xi32, #tpu.memory_space<vmem>>
      %dma_start3A_110 = arith.constant 0 : i32
      %dma_start3A_111 = arith.constant 0 : i32
      %dma_start3A_112 = tpu.memref_slice %arg7[%dma_start3A_110, %dma_start3A_111] : memref<10112x128xf32, #tpu.memory_space<vmem_shared>> -> memref<10112x128xf32, #tpu.memory_space<vmem_shared>>
      tpu.enqueue_indirect_dma source(%arg10 : memref<128x128xf32, #tpu.memory_space<vmem>>) target(%dma_start3A_112 : memref<10112x128xf32, #tpu.memory_space<vmem_shared>>) offsets(%dma_start3A_109 : memref<128xi32, #tpu.memory_space<vmem>>) semaphore(%arg14 : memref<!tpu.dma_semaphore, #tpu.memory_space<semaphore_mem>>) {add = true}
      %dma_wait3A_113 = arith.constant 3 : i32
      %dma_wait3A_114 = arith.constant 0 : i32
      %dma_wait3A_115 = tpu.memref_slice %arg8[%dma_wait3A_113, %dma_wait3A_114] : memref<16x128xi32, #tpu.memory_space<vmem>> -> memref<1x128xi32, #tpu.memory_space<vmem>>
      %dma_wait3A_116 = tpu.memref_squeeze %dma_wait3A_115 : memref<1x128xi32, #tpu.memory_space<vmem>> -> memref<128xi32, #tpu.memory_space<vmem>>
      %dma_wait3A_117 = arith.constant 0 : i32
      %dma_wait3A_118 = arith.constant 0 : i32
      %dma_wait3A_119 = tpu.memref_slice %arg2[%dma_wait3A_117, %dma_wait3A_118] : memref<10112x128xf32, #tpu.memory_space<hbm>> -> memref<10112x128xf32, #tpu.memory_space<hbm>>
      tpu.wait_indirect_dma semaphore(%arg13 : memref<!tpu.dma_semaphore, #tpu.memory_space<semaphore_mem>>) src(%dma_wait3A_119 : memref<10112x128xf32, #tpu.memory_space<hbm>>) dst(%arg11 : memref<128x128xf32, #tpu.memory_space<vmem>>)
      %dma_start3A_120 = arith.constant 3 : i32
      %dma_start3A_121 = arith.constant 0 : i32
      %dma_start3A_122 = tpu.memref_slice %arg9[%dma_start3A_120, %dma_start3A_121] : memref<16x128xi32, #tpu.memory_space<vmem>> -> memref<1x128xi32, #tpu.memory_space<vmem>>
      %dma_start3A_123 = tpu.memref_squeeze %dma_start3A_122 : memref<1x128xi32, #tpu.memory_space<vmem>> -> memref<128xi32, #tpu.memory_space<vmem>>
      %dma_start3A_124 = arith.constant 0 : i32
      %dma_start3A_125 = arith.constant 0 : i32
      %dma_start3A_126 = tpu.memref_slice %arg7[%dma_start3A_124, %dma_start3A_125] : memref<10112x128xf32, #tpu.memory_space<vmem_shared>> -> memref<10112x128xf32, #tpu.memory_space<vmem_shared>>
      tpu.enqueue_indirect_dma source(%arg11 : memref<128x128xf32, #tpu.memory_space<vmem>>) target(%dma_start3A_126 : memref<10112x128xf32, #tpu.memory_space<vmem_shared>>) offsets(%dma_start3A_123 : memref<128xi32, #tpu.memory_space<vmem>>) semaphore(%arg15 : memref<!tpu.dma_semaphore, #tpu.memory_space<semaphore_mem>>) {add = true}
      %dma_wait3A_127 = arith.constant 2 : i32
      %dma_wait3A_128 = arith.constant 0 : i32
      %dma_wait3A_129 = tpu.memref_slice %arg9[%dma_wait3A_127, %dma_wait3A_128] : memref<16x128xi32, #tpu.memory_space<vmem>> -> memref<1x128xi32, #tpu.memory_space<vmem>>
      %dma_wait3A_130 = tpu.memref_squeeze %dma_wait3A_129 : memref<1x128xi32, #tpu.memory_space<vmem>> -> memref<128xi32, #tpu.memory_space<vmem>>
      %dma_wait3A_131 = arith.constant 0 : i32
      %dma_wait3A_132 = arith.constant 0 : i32
      %dma_wait3A_133 = tpu.memref_slice %arg7[%dma_wait3A_131, %dma_wait3A_132] : memref<10112x128xf32, #tpu.memory_space<vmem_shared>> -> memref<10112x128xf32, #tpu.memory_space<vmem_shared>>
      tpu.wait_indirect_dma semaphore(%arg14 : memref<!tpu.dma_semaphore, #tpu.memory_space<semaphore_mem>>) src(%arg10 : memref<128x128xf32, #tpu.memory_space<vmem>>) dst(%dma_wait3A_133 : memref<10112x128xf32, #tpu.memory_space<vmem_shared>>)
      %dma_start3A_134 = arith.constant 4 : i32
      %dma_start3A_135 = arith.constant 0 : i32
      %dma_start3A_136 = tpu.memref_slice %arg8[%dma_start3A_134, %dma_start3A_135] : memref<16x128xi32, #tpu.memory_space<vmem>> -> memref<1x128xi32, #tpu.memory_space<vmem>>
      %dma_start3A_137 = tpu.memref_squeeze %dma_start3A_136 : memref<1x128xi32, #tpu.memory_space<vmem>> -> memref<128xi32, #tpu.memory_space<vmem>>
      %dma_start3A_138 = arith.constant 0 : i32
      %dma_start3A_139 = arith.constant 0 : i32
      %dma_start3A_140 = tpu.memref_slice %arg2[%dma_start3A_138, %dma_start3A_139] : memref<10112x128xf32, #tpu.memory_space<hbm>> -> memref<10112x128xf32, #tpu.memory_space<hbm>>
      tpu.enqueue_indirect_dma source(%dma_start3A_140 : memref<10112x128xf32, #tpu.memory_space<hbm>>) target(%arg10 : memref<128x128xf32, #tpu.memory_space<vmem>>) offsets(%dma_start3A_137 : memref<128xi32, #tpu.memory_space<vmem>>) semaphore(%arg12 : memref<!tpu.dma_semaphore, #tpu.memory_space<semaphore_mem>>)
      %dma_wait3A_141 = arith.constant 3 : i32
      %dma_wait3A_142 = arith.constant 0 : i32
      %dma_wait3A_143 = tpu.memref_slice %arg9[%dma_wait3A_141, %dma_wait3A_142] : memref<16x128xi32, #tpu.memory_space<vmem>> -> memref<1x128xi32, #tpu.memory_space<vmem>>
      %dma_wait3A_144 = tpu.memref_squeeze %dma_wait3A_143 : memref<1x128xi32, #tpu.memory_space<vmem>> -> memref<128xi32, #tpu.memory_space<vmem>>
      %dma_wait3A_145 = arith.constant 0 : i32
      %dma_wait3A_146 = arith.constant 0 : i32
      %dma_wait3A_147 = tpu.memref_slice %arg7[%dma_wait3A_145, %dma_wait3A_146] : memref<10112x128xf32, #tpu.memory_space<vmem_shared>> -> memref<10112x128xf32, #tpu.memory_space<vmem_shared>>
      tpu.wait_indirect_dma semaphore(%arg15 : memref<!tpu.dma_semaphore, #tpu.memory_space<semaphore_mem>>) src(%arg11 : memref<128x128xf32, #tpu.memory_space<vmem>>) dst(%dma_wait3A_147 : memref<10112x128xf32, #tpu.memory_space<vmem_shared>>)
      %dma_start3A_148 = arith.constant 5 : i32
      %dma_start3A_149 = arith.constant 0 : i32
      %dma_start3A_150 = tpu.memref_slice %arg8[%dma_start3A_148, %dma_start3A_149] : memref<16x128xi32, #tpu.memory_space<vmem>> -> memref<1x128xi32, #tpu.memory_space<vmem>>
      %dma_start3A_151 = tpu.memref_squeeze %dma_start3A_150 : memref<1x128xi32, #tpu.memory_space<vmem>> -> memref<128xi32, #tpu.memory_space<vmem>>
      %dma_start3A_152 = arith.constant 0 : i32
      %dma_start3A_153 = arith.constant 0 : i32
      %dma_start3A_154 = tpu.memref_slice %arg2[%dma_start3A_152, %dma_start3A_153] : memref<10112x128xf32, #tpu.memory_space<hbm>> -> memref<10112x128xf32, #tpu.memory_space<hbm>>
      tpu.enqueue_indirect_dma source(%dma_start3A_154 : memref<10112x128xf32, #tpu.memory_space<hbm>>) target(%arg11 : memref<128x128xf32, #tpu.memory_space<vmem>>) offsets(%dma_start3A_151 : memref<128xi32, #tpu.memory_space<vmem>>) semaphore(%arg13 : memref<!tpu.dma_semaphore, #tpu.memory_space<semaphore_mem>>)
      %dma_wait3A_155 = arith.constant 4 : i32
      %dma_wait3A_156 = arith.constant 0 : i32
      %dma_wait3A_157 = tpu.memref_slice %arg8[%dma_wait3A_155, %dma_wait3A_156] : memref<16x128xi32, #tpu.memory_space<vmem>> -> memref<1x128xi32, #tpu.memory_space<vmem>>
      %dma_wait3A_158 = tpu.memref_squeeze %dma_wait3A_157 : memref<1x128xi32, #tpu.memory_space<vmem>> -> memref<128xi32, #tpu.memory_space<vmem>>
      %dma_wait3A_159 = arith.constant 0 : i32
      %dma_wait3A_160 = arith.constant 0 : i32
      %dma_wait3A_161 = tpu.memref_slice %arg2[%dma_wait3A_159, %dma_wait3A_160] : memref<10112x128xf32, #tpu.memory_space<hbm>> -> memref<10112x128xf32, #tpu.memory_space<hbm>>
      tpu.wait_indirect_dma semaphore(%arg12 : memref<!tpu.dma_semaphore, #tpu.memory_space<semaphore_mem>>) src(%dma_wait3A_161 : memref<10112x128xf32, #tpu.memory_space<hbm>>) dst(%arg10 : memref<128x128xf32, #tpu.memory_space<vmem>>)
      %dma_start3A_162 = arith.constant 4 : i32
      %dma_start3A_163 = arith.constant 0 : i32
      %dma_start3A_164 = tpu.memref_slice %arg9[%dma_start3A_162, %dma_start3A_163] : memref<16x128xi32, #tpu.memory_space<vmem>> -> memref<1x128xi32, #tpu.memory_space<vmem>>
      %dma_start3A_165 = tpu.memref_squeeze %dma_start3A_164 : memref<1x128xi32, #tpu.memory_space<vmem>> -> memref<128xi32, #tpu.memory_space<vmem>>
      %dma_start3A_166 = arith.constant 0 : i32
      %dma_start3A_167 = arith.constant 0 : i32
      %dma_start3A_168 = tpu.memref_slice %arg7[%dma_start3A_166, %dma_start3A_167] : memref<10112x128xf32, #tpu.memory_space<vmem_shared>> -> memref<10112x128xf32, #tpu.memory_space<vmem_shared>>
      tpu.enqueue_indirect_dma source(%arg10 : memref<128x128xf32, #tpu.memory_space<vmem>>) target(%dma_start3A_168 : memref<10112x128xf32, #tpu.memory_space<vmem_shared>>) offsets(%dma_start3A_165 : memref<128xi32, #tpu.memory_space<vmem>>) semaphore(%arg14 : memref<!tpu.dma_semaphore, #tpu.memory_space<semaphore_mem>>) {add = true}
      %dma_wait3A_169 = arith.constant 5 : i32
      %dma_wait3A_170 = arith.constant 0 : i32
      %dma_wait3A_171 = tpu.memref_slice %arg8[%dma_wait3A_169, %dma_wait3A_170] : memref<16x128xi32, #tpu.memory_space<vmem>> -> memref<1x128xi32, #tpu.memory_space<vmem>>
      %dma_wait3A_172 = tpu.memref_squeeze %dma_wait3A_171 : memref<1x128xi32, #tpu.memory_space<vmem>> -> memref<128xi32, #tpu.memory_space<vmem>>
      %dma_wait3A_173 = arith.constant 0 : i32
      %dma_wait3A_174 = arith.constant 0 : i32
      %dma_wait3A_175 = tpu.memref_slice %arg2[%dma_wait3A_173, %dma_wait3A_174] : memref<10112x128xf32, #tpu.memory_space<hbm>> -> memref<10112x128xf32, #tpu.memory_space<hbm>>
      tpu.wait_indirect_dma semaphore(%arg13 : memref<!tpu.dma_semaphore, #tpu.memory_space<semaphore_mem>>) src(%dma_wait3A_175 : memref<10112x128xf32, #tpu.memory_space<hbm>>) dst(%arg11 : memref<128x128xf32, #tpu.memory_space<vmem>>)
      %dma_start3A_176 = arith.constant 5 : i32
      %dma_start3A_177 = arith.constant 0 : i32
      %dma_start3A_178 = tpu.memref_slice %arg9[%dma_start3A_176, %dma_start3A_177] : memref<16x128xi32, #tpu.memory_space<vmem>> -> memref<1x128xi32, #tpu.memory_space<vmem>>
      %dma_start3A_179 = tpu.memref_squeeze %dma_start3A_178 : memref<1x128xi32, #tpu.memory_space<vmem>> -> memref<128xi32, #tpu.memory_space<vmem>>
      %dma_start3A_180 = arith.constant 0 : i32
      %dma_start3A_181 = arith.constant 0 : i32
      %dma_start3A_182 = tpu.memref_slice %arg7[%dma_start3A_180, %dma_start3A_181] : memref<10112x128xf32, #tpu.memory_space<vmem_shared>> -> memref<10112x128xf32, #tpu.memory_space<vmem_shared>>
      tpu.enqueue_indirect_dma source(%arg11 : memref<128x128xf32, #tpu.memory_space<vmem>>) target(%dma_start3A_182 : memref<10112x128xf32, #tpu.memory_space<vmem_shared>>) offsets(%dma_start3A_179 : memref<128xi32, #tpu.memory_space<vmem>>) semaphore(%arg15 : memref<!tpu.dma_semaphore, #tpu.memory_space<semaphore_mem>>) {add = true}
      %dma_wait3A_183 = arith.constant 4 : i32
      %dma_wait3A_184 = arith.constant 0 : i32
      %dma_wait3A_185 = tpu.memref_slice %arg9[%dma_wait3A_183, %dma_wait3A_184] : memref<16x128xi32, #tpu.memory_space<vmem>> -> memref<1x128xi32, #tpu.memory_space<vmem>>
      %dma_wait3A_186 = tpu.memref_squeeze %dma_wait3A_185 : memref<1x128xi32, #tpu.memory_space<vmem>> -> memref<128xi32, #tpu.memory_space<vmem>>
      %dma_wait3A_187 = arith.constant 0 : i32
      %dma_wait3A_188 = arith.constant 0 : i32
      %dma_wait3A_189 = tpu.memref_slice %arg7[%dma_wait3A_187, %dma_wait3A_188] : memref<10112x128xf32, #tpu.memory_space<vmem_shared>> -> memref<10112x128xf32, #tpu.memory_space<vmem_shared>>
      tpu.wait_indirect_dma semaphore(%arg14 : memref<!tpu.dma_semaphore, #tpu.memory_space<semaphore_mem>>) src(%arg10 : memref<128x128xf32, #tpu.memory_space<vmem>>) dst(%dma_wait3A_189 : memref<10112x128xf32, #tpu.memory_space<vmem_shared>>)
      %dma_start3A_190 = arith.constant 6 : i32
      %dma_start3A_191 = arith.constant 0 : i32
      %dma_start3A_192 = tpu.memref_slice %arg8[%dma_start3A_190, %dma_start3A_191] : memref<16x128xi32, #tpu.memory_space<vmem>> -> memref<1x128xi32, #tpu.memory_space<vmem>>
      %dma_start3A_193 = tpu.memref_squeeze %dma_start3A_192 : memref<1x128xi32, #tpu.memory_space<vmem>> -> memref<128xi32, #tpu.memory_space<vmem>>
      %dma_start3A_194 = arith.constant 0 : i32
      %dma_start3A_195 = arith.constant 0 : i32
      %dma_start3A_196 = tpu.memref_slice %arg2[%dma_start3A_194, %dma_start3A_195] : memref<10112x128xf32, #tpu.memory_space<hbm>> -> memref<10112x128xf32, #tpu.memory_space<hbm>>
      tpu.enqueue_indirect_dma source(%dma_start3A_196 : memref<10112x128xf32, #tpu.memory_space<hbm>>) target(%arg10 : memref<128x128xf32, #tpu.memory_space<vmem>>) offsets(%dma_start3A_193 : memref<128xi32, #tpu.memory_space<vmem>>) semaphore(%arg12 : memref<!tpu.dma_semaphore, #tpu.memory_space<semaphore_mem>>)
      %dma_wait3A_197 = arith.constant 5 : i32
      %dma_wait3A_198 = arith.constant 0 : i32
      %dma_wait3A_199 = tpu.memref_slice %arg9[%dma_wait3A_197, %dma_wait3A_198] : memref<16x128xi32, #tpu.memory_space<vmem>> -> memref<1x128xi32, #tpu.memory_space<vmem>>
      %dma_wait3A_200 = tpu.memref_squeeze %dma_wait3A_199 : memref<1x128xi32, #tpu.memory_space<vmem>> -> memref<128xi32, #tpu.memory_space<vmem>>
      %dma_wait3A_201 = arith.constant 0 : i32
      %dma_wait3A_202 = arith.constant 0 : i32
      %dma_wait3A_203 = tpu.memref_slice %arg7[%dma_wait3A_201, %dma_wait3A_202] : memref<10112x128xf32, #tpu.memory_space<vmem_shared>> -> memref<10112x128xf32, #tpu.memory_space<vmem_shared>>
      tpu.wait_indirect_dma semaphore(%arg15 : memref<!tpu.dma_semaphore, #tpu.memory_space<semaphore_mem>>) src(%arg11 : memref<128x128xf32, #tpu.memory_space<vmem>>) dst(%dma_wait3A_203 : memref<10112x128xf32, #tpu.memory_space<vmem_shared>>)
      %dma_start3A_204 = arith.constant 7 : i32
      %dma_start3A_205 = arith.constant 0 : i32
      %dma_start3A_206 = tpu.memref_slice %arg8[%dma_start3A_204, %dma_start3A_205] : memref<16x128xi32, #tpu.memory_space<vmem>> -> memref<1x128xi32, #tpu.memory_space<vmem>>
      %dma_start3A_207 = tpu.memref_squeeze %dma_start3A_206 : memref<1x128xi32, #tpu.memory_space<vmem>> -> memref<128xi32, #tpu.memory_space<vmem>>
      %dma_start3A_208 = arith.constant 0 : i32
      %dma_start3A_209 = arith.constant 0 : i32
      %dma_start3A_210 = tpu.memref_slice %arg2[%dma_start3A_208, %dma_start3A_209] : memref<10112x128xf32, #tpu.memory_space<hbm>> -> memref<10112x128xf32, #tpu.memory_space<hbm>>
      tpu.enqueue_indirect_dma source(%dma_start3A_210 : memref<10112x128xf32, #tpu.memory_space<hbm>>) target(%arg11 : memref<128x128xf32, #tpu.memory_space<vmem>>) offsets(%dma_start3A_207 : memref<128xi32, #tpu.memory_space<vmem>>) semaphore(%arg13 : memref<!tpu.dma_semaphore, #tpu.memory_space<semaphore_mem>>)
      %dma_wait3A_211 = arith.constant 6 : i32
      %dma_wait3A_212 = arith.constant 0 : i32
      %dma_wait3A_213 = tpu.memref_slice %arg8[%dma_wait3A_211, %dma_wait3A_212] : memref<16x128xi32, #tpu.memory_space<vmem>> -> memref<1x128xi32, #tpu.memory_space<vmem>>
      %dma_wait3A_214 = tpu.memref_squeeze %dma_wait3A_213 : memref<1x128xi32, #tpu.memory_space<vmem>> -> memref<128xi32, #tpu.memory_space<vmem>>
      %dma_wait3A_215 = arith.constant 0 : i32
      %dma_wait3A_216 = arith.constant 0 : i32
      %dma_wait3A_217 = tpu.memref_slice %arg2[%dma_wait3A_215, %dma_wait3A_216] : memref<10112x128xf32, #tpu.memory_space<hbm>> -> memref<10112x128xf32, #tpu.memory_space<hbm>>
      tpu.wait_indirect_dma semaphore(%arg12 : memref<!tpu.dma_semaphore, #tpu.memory_space<semaphore_mem>>) src(%dma_wait3A_217 : memref<10112x128xf32, #tpu.memory_space<hbm>>) dst(%arg10 : memref<128x128xf32, #tpu.memory_space<vmem>>)
      %dma_start3A_218 = arith.constant 6 : i32
      %dma_start3A_219 = arith.constant 0 : i32
      %dma_start3A_220 = tpu.memref_slice %arg9[%dma_start3A_218, %dma_start3A_219] : memref<16x128xi32, #tpu.memory_space<vmem>> -> memref<1x128xi32, #tpu.memory_space<vmem>>
      %dma_start3A_221 = tpu.memref_squeeze %dma_start3A_220 : memref<1x128xi32, #tpu.memory_space<vmem>> -> memref<128xi32, #tpu.memory_space<vmem>>
      %dma_start3A_222 = arith.constant 0 : i32
      %dma_start3A_223 = arith.constant 0 : i32
      %dma_start3A_224 = tpu.memref_slice %arg7[%dma_start3A_222, %dma_start3A_223] : memref<10112x128xf32, #tpu.memory_space<vmem_shared>> -> memref<10112x128xf32, #tpu.memory_space<vmem_shared>>
      tpu.enqueue_indirect_dma source(%arg10 : memref<128x128xf32, #tpu.memory_space<vmem>>) target(%dma_start3A_224 : memref<10112x128xf32, #tpu.memory_space<vmem_shared>>) offsets(%dma_start3A_221 : memref<128xi32, #tpu.memory_space<vmem>>) semaphore(%arg14 : memref<!tpu.dma_semaphore, #tpu.memory_space<semaphore_mem>>) {add = true}
      %dma_wait3A_225 = arith.constant 7 : i32
      %dma_wait3A_226 = arith.constant 0 : i32
      %dma_wait3A_227 = tpu.memref_slice %arg8[%dma_wait3A_225, %dma_wait3A_226] : memref<16x128xi32, #tpu.memory_space<vmem>> -> memref<1x128xi32, #tpu.memory_space<vmem>>
      %dma_wait3A_228 = tpu.memref_squeeze %dma_wait3A_227 : memref<1x128xi32, #tpu.memory_space<vmem>> -> memref<128xi32, #tpu.memory_space<vmem>>
      %dma_wait3A_229 = arith.constant 0 : i32
      %dma_wait3A_230 = arith.constant 0 : i32
      %dma_wait3A_231 = tpu.memref_slice %arg2[%dma_wait3A_229, %dma_wait3A_230] : memref<10112x128xf32, #tpu.memory_space<hbm>> -> memref<10112x128xf32, #tpu.memory_space<hbm>>
      tpu.wait_indirect_dma semaphore(%arg13 : memref<!tpu.dma_semaphore, #tpu.memory_space<semaphore_mem>>) src(%dma_wait3A_231 : memref<10112x128xf32, #tpu.memory_space<hbm>>) dst(%arg11 : memref<128x128xf32, #tpu.memory_space<vmem>>)
      %dma_start3A_232 = arith.constant 7 : i32
      %dma_start3A_233 = arith.constant 0 : i32
      %dma_start3A_234 = tpu.memref_slice %arg9[%dma_start3A_232, %dma_start3A_233] : memref<16x128xi32, #tpu.memory_space<vmem>> -> memref<1x128xi32, #tpu.memory_space<vmem>>
      %dma_start3A_235 = tpu.memref_squeeze %dma_start3A_234 : memref<1x128xi32, #tpu.memory_space<vmem>> -> memref<128xi32, #tpu.memory_space<vmem>>
      %dma_start3A_236 = arith.constant 0 : i32
      %dma_start3A_237 = arith.constant 0 : i32
      %dma_start3A_238 = tpu.memref_slice %arg7[%dma_start3A_236, %dma_start3A_237] : memref<10112x128xf32, #tpu.memory_space<vmem_shared>> -> memref<10112x128xf32, #tpu.memory_space<vmem_shared>>
      tpu.enqueue_indirect_dma source(%arg11 : memref<128x128xf32, #tpu.memory_space<vmem>>) target(%dma_start3A_238 : memref<10112x128xf32, #tpu.memory_space<vmem_shared>>) offsets(%dma_start3A_235 : memref<128xi32, #tpu.memory_space<vmem>>) semaphore(%arg15 : memref<!tpu.dma_semaphore, #tpu.memory_space<semaphore_mem>>) {add = true}
      %dma_wait3A_239 = arith.constant 6 : i32
      %dma_wait3A_240 = arith.constant 0 : i32
      %dma_wait3A_241 = tpu.memref_slice %arg9[%dma_wait3A_239, %dma_wait3A_240] : memref<16x128xi32, #tpu.memory_space<vmem>> -> memref<1x128xi32, #tpu.memory_space<vmem>>
      %dma_wait3A_242 = tpu.memref_squeeze %dma_wait3A_241 : memref<1x128xi32, #tpu.memory_space<vmem>> -> memref<128xi32, #tpu.memory_space<vmem>>
      %dma_wait3A_243 = arith.constant 0 : i32
      %dma_wait3A_244 = arith.constant 0 : i32
      %dma_wait3A_245 = tpu.memref_slice %arg7[%dma_wait3A_243, %dma_wait3A_244] : memref<10112x128xf32, #tpu.memory_space<vmem_shared>> -> memref<10112x128xf32, #tpu.memory_space<vmem_shared>>
      tpu.wait_indirect_dma semaphore(%arg14 : memref<!tpu.dma_semaphore, #tpu.memory_space<semaphore_mem>>) src(%arg10 : memref<128x128xf32, #tpu.memory_space<vmem>>) dst(%dma_wait3A_245 : memref<10112x128xf32, #tpu.memory_space<vmem_shared>>)
      %dma_start3A_246 = arith.constant 8 : i32
      %dma_start3A_247 = arith.constant 0 : i32
      %dma_start3A_248 = tpu.memref_slice %arg8[%dma_start3A_246, %dma_start3A_247] : memref<16x128xi32, #tpu.memory_space<vmem>> -> memref<1x128xi32, #tpu.memory_space<vmem>>
      %dma_start3A_249 = tpu.memref_squeeze %dma_start3A_248 : memref<1x128xi32, #tpu.memory_space<vmem>> -> memref<128xi32, #tpu.memory_space<vmem>>
      %dma_start3A_250 = arith.constant 0 : i32
      %dma_start3A_251 = arith.constant 0 : i32
      %dma_start3A_252 = tpu.memref_slice %arg2[%dma_start3A_250, %dma_start3A_251] : memref<10112x128xf32, #tpu.memory_space<hbm>> -> memref<10112x128xf32, #tpu.memory_space<hbm>>
      tpu.enqueue_indirect_dma source(%dma_start3A_252 : memref<10112x128xf32, #tpu.memory_space<hbm>>) target(%arg10 : memref<128x128xf32, #tpu.memory_space<vmem>>) offsets(%dma_start3A_249 : memref<128xi32, #tpu.memory_space<vmem>>) semaphore(%arg12 : memref<!tpu.dma_semaphore, #tpu.memory_space<semaphore_mem>>)
      %dma_wait3A_253 = arith.constant 7 : i32
      %dma_wait3A_254 = arith.constant 0 : i32
      %dma_wait3A_255 = tpu.memref_slice %arg9[%dma_wait3A_253, %dma_wait3A_254] : memref<16x128xi32, #tpu.memory_space<vmem>> -> memref<1x128xi32, #tpu.memory_space<vmem>>
      %dma_wait3A_256 = tpu.memref_squeeze %dma_wait3A_255 : memref<1x128xi32, #tpu.memory_space<vmem>> -> memref<128xi32, #tpu.memory_space<vmem>>
      %dma_wait3A_257 = arith.constant 0 : i32
      %dma_wait3A_258 = arith.constant 0 : i32
      %dma_wait3A_259 = tpu.memref_slice %arg7[%dma_wait3A_257, %dma_wait3A_258] : memref<10112x128xf32, #tpu.memory_space<vmem_shared>> -> memref<10112x128xf32, #tpu.memory_space<vmem_shared>>
      tpu.wait_indirect_dma semaphore(%arg15 : memref<!tpu.dma_semaphore, #tpu.memory_space<semaphore_mem>>) src(%arg11 : memref<128x128xf32, #tpu.memory_space<vmem>>) dst(%dma_wait3A_259 : memref<10112x128xf32, #tpu.memory_space<vmem_shared>>)
      %dma_start3A_260 = arith.constant 9 : i32
      %dma_start3A_261 = arith.constant 0 : i32
      %dma_start3A_262 = tpu.memref_slice %arg8[%dma_start3A_260, %dma_start3A_261] : memref<16x128xi32, #tpu.memory_space<vmem>> -> memref<1x128xi32, #tpu.memory_space<vmem>>
      %dma_start3A_263 = tpu.memref_squeeze %dma_start3A_262 : memref<1x128xi32, #tpu.memory_space<vmem>> -> memref<128xi32, #tpu.memory_space<vmem>>
      %dma_start3A_264 = arith.constant 0 : i32
      %dma_start3A_265 = arith.constant 0 : i32
      %dma_start3A_266 = tpu.memref_slice %arg2[%dma_start3A_264, %dma_start3A_265] : memref<10112x128xf32, #tpu.memory_space<hbm>> -> memref<10112x128xf32, #tpu.memory_space<hbm>>
      tpu.enqueue_indirect_dma source(%dma_start3A_266 : memref<10112x128xf32, #tpu.memory_space<hbm>>) target(%arg11 : memref<128x128xf32, #tpu.memory_space<vmem>>) offsets(%dma_start3A_263 : memref<128xi32, #tpu.memory_space<vmem>>) semaphore(%arg13 : memref<!tpu.dma_semaphore, #tpu.memory_space<semaphore_mem>>)
      %dma_wait3A_267 = arith.constant 8 : i32
      %dma_wait3A_268 = arith.constant 0 : i32
      %dma_wait3A_269 = tpu.memref_slice %arg8[%dma_wait3A_267, %dma_wait3A_268] : memref<16x128xi32, #tpu.memory_space<vmem>> -> memref<1x128xi32, #tpu.memory_space<vmem>>
      %dma_wait3A_270 = tpu.memref_squeeze %dma_wait3A_269 : memref<1x128xi32, #tpu.memory_space<vmem>> -> memref<128xi32, #tpu.memory_space<vmem>>
      %dma_wait3A_271 = arith.constant 0 : i32
      %dma_wait3A_272 = arith.constant 0 : i32
      %dma_wait3A_273 = tpu.memref_slice %arg2[%dma_wait3A_271, %dma_wait3A_272] : memref<10112x128xf32, #tpu.memory_space<hbm>> -> memref<10112x128xf32, #tpu.memory_space<hbm>>
      tpu.wait_indirect_dma semaphore(%arg12 : memref<!tpu.dma_semaphore, #tpu.memory_space<semaphore_mem>>) src(%dma_wait3A_273 : memref<10112x128xf32, #tpu.memory_space<hbm>>) dst(%arg10 : memref<128x128xf32, #tpu.memory_space<vmem>>)
      %dma_start3A_274 = arith.constant 8 : i32
      %dma_start3A_275 = arith.constant 0 : i32
      %dma_start3A_276 = tpu.memref_slice %arg9[%dma_start3A_274, %dma_start3A_275] : memref<16x128xi32, #tpu.memory_space<vmem>> -> memref<1x128xi32, #tpu.memory_space<vmem>>
      %dma_start3A_277 = tpu.memref_squeeze %dma_start3A_276 : memref<1x128xi32, #tpu.memory_space<vmem>> -> memref<128xi32, #tpu.memory_space<vmem>>
      %dma_start3A_278 = arith.constant 0 : i32
      %dma_start3A_279 = arith.constant 0 : i32
      %dma_start3A_280 = tpu.memref_slice %arg7[%dma_start3A_278, %dma_start3A_279] : memref<10112x128xf32, #tpu.memory_space<vmem_shared>> -> memref<10112x128xf32, #tpu.memory_space<vmem_shared>>
      tpu.enqueue_indirect_dma source(%arg10 : memref<128x128xf32, #tpu.memory_space<vmem>>) target(%dma_start3A_280 : memref<10112x128xf32, #tpu.memory_space<vmem_shared>>) offsets(%dma_start3A_277 : memref<128xi32, #tpu.memory_space<vmem>>) semaphore(%arg14 : memref<!tpu.dma_semaphore, #tpu.memory_space<semaphore_mem>>) {add = true}
      %dma_wait3A_281 = arith.constant 9 : i32
      %dma_wait3A_282 = arith.constant 0 : i32
      %dma_wait3A_283 = tpu.memref_slice %arg8[%dma_wait3A_281, %dma_wait3A_282] : memref<16x128xi32, #tpu.memory_space<vmem>> -> memref<1x128xi32, #tpu.memory_space<vmem>>
      %dma_wait3A_284 = tpu.memref_squeeze %dma_wait3A_283 : memref<1x128xi32, #tpu.memory_space<vmem>> -> memref<128xi32, #tpu.memory_space<vmem>>
      %dma_wait3A_285 = arith.constant 0 : i32
      %dma_wait3A_286 = arith.constant 0 : i32
      %dma_wait3A_287 = tpu.memref_slice %arg2[%dma_wait3A_285, %dma_wait3A_286] : memref<10112x128xf32, #tpu.memory_space<hbm>> -> memref<10112x128xf32, #tpu.memory_space<hbm>>
      tpu.wait_indirect_dma semaphore(%arg13 : memref<!tpu.dma_semaphore, #tpu.memory_space<semaphore_mem>>) src(%dma_wait3A_287 : memref<10112x128xf32, #tpu.memory_space<hbm>>) dst(%arg11 : memref<128x128xf32, #tpu.memory_space<vmem>>)
      %dma_start3A_288 = arith.constant 9 : i32
      %dma_start3A_289 = arith.constant 0 : i32
      %dma_start3A_290 = tpu.memref_slice %arg9[%dma_start3A_288, %dma_start3A_289] : memref<16x128xi32, #tpu.memory_space<vmem>> -> memref<1x128xi32, #tpu.memory_space<vmem>>
      %dma_start3A_291 = tpu.memref_squeeze %dma_start3A_290 : memref<1x128xi32, #tpu.memory_space<vmem>> -> memref<128xi32, #tpu.memory_space<vmem>>
      %dma_start3A_292 = arith.constant 0 : i32
      %dma_start3A_293 = arith.constant 0 : i32
      %dma_start3A_294 = tpu.memref_slice %arg7[%dma_start3A_292, %dma_start3A_293] : memref<10112x128xf32, #tpu.memory_space<vmem_shared>> -> memref<10112x128xf32, #tpu.memory_space<vmem_shared>>
      tpu.enqueue_indirect_dma source(%arg11 : memref<128x128xf32, #tpu.memory_space<vmem>>) target(%dma_start3A_294 : memref<10112x128xf32, #tpu.memory_space<vmem_shared>>) offsets(%dma_start3A_291 : memref<128xi32, #tpu.memory_space<vmem>>) semaphore(%arg15 : memref<!tpu.dma_semaphore, #tpu.memory_space<semaphore_mem>>) {add = true}
      %dma_wait3A_295 = arith.constant 8 : i32
      %dma_wait3A_296 = arith.constant 0 : i32
      %dma_wait3A_297 = tpu.memref_slice %arg9[%dma_wait3A_295, %dma_wait3A_296] : memref<16x128xi32, #tpu.memory_space<vmem>> -> memref<1x128xi32, #tpu.memory_space<vmem>>
      %dma_wait3A_298 = tpu.memref_squeeze %dma_wait3A_297 : memref<1x128xi32, #tpu.memory_space<vmem>> -> memref<128xi32, #tpu.memory_space<vmem>>
      %dma_wait3A_299 = arith.constant 0 : i32
      %dma_wait3A_300 = arith.constant 0 : i32
      %dma_wait3A_301 = tpu.memref_slice %arg7[%dma_wait3A_299, %dma_wait3A_300] : memref<10112x128xf32, #tpu.memory_space<vmem_shared>> -> memref<10112x128xf32, #tpu.memory_space<vmem_shared>>
      tpu.wait_indirect_dma semaphore(%arg14 : memref<!tpu.dma_semaphore, #tpu.memory_space<semaphore_mem>>) src(%arg10 : memref<128x128xf32, #tpu.memory_space<vmem>>) dst(%dma_wait3A_301 : memref<10112x128xf32, #tpu.memory_space<vmem_shared>>)
      %dma_start3A_302 = arith.constant 10 : i32
      %dma_start3A_303 = arith.constant 0 : i32
      %dma_start3A_304 = tpu.memref_slice %arg8[%dma_start3A_302, %dma_start3A_303] : memref<16x128xi32, #tpu.memory_space<vmem>> -> memref<1x128xi32, #tpu.memory_space<vmem>>
      %dma_start3A_305 = tpu.memref_squeeze %dma_start3A_304 : memref<1x128xi32, #tpu.memory_space<vmem>> -> memref<128xi32, #tpu.memory_space<vmem>>
      %dma_start3A_306 = arith.constant 0 : i32
      %dma_start3A_307 = arith.constant 0 : i32
      %dma_start3A_308 = tpu.memref_slice %arg2[%dma_start3A_306, %dma_start3A_307] : memref<10112x128xf32, #tpu.memory_space<hbm>> -> memref<10112x128xf32, #tpu.memory_space<hbm>>
      tpu.enqueue_indirect_dma source(%dma_start3A_308 : memref<10112x128xf32, #tpu.memory_space<hbm>>) target(%arg10 : memref<128x128xf32, #tpu.memory_space<vmem>>) offsets(%dma_start3A_305 : memref<128xi32, #tpu.memory_space<vmem>>) semaphore(%arg12 : memref<!tpu.dma_semaphore, #tpu.memory_space<semaphore_mem>>)
      %dma_wait3A_309 = arith.constant 9 : i32
      %dma_wait3A_310 = arith.constant 0 : i32
      %dma_wait3A_311 = tpu.memref_slice %arg9[%dma_wait3A_309, %dma_wait3A_310] : memref<16x128xi32, #tpu.memory_space<vmem>> -> memref<1x128xi32, #tpu.memory_space<vmem>>
      %dma_wait3A_312 = tpu.memref_squeeze %dma_wait3A_311 : memref<1x128xi32, #tpu.memory_space<vmem>> -> memref<128xi32, #tpu.memory_space<vmem>>
      %dma_wait3A_313 = arith.constant 0 : i32
      %dma_wait3A_314 = arith.constant 0 : i32
      %dma_wait3A_315 = tpu.memref_slice %arg7[%dma_wait3A_313, %dma_wait3A_314] : memref<10112x128xf32, #tpu.memory_space<vmem_shared>> -> memref<10112x128xf32, #tpu.memory_space<vmem_shared>>
      tpu.wait_indirect_dma semaphore(%arg15 : memref<!tpu.dma_semaphore, #tpu.memory_space<semaphore_mem>>) src(%arg11 : memref<128x128xf32, #tpu.memory_space<vmem>>) dst(%dma_wait3A_315 : memref<10112x128xf32, #tpu.memory_space<vmem_shared>>)
      %dma_start3A_316 = arith.constant 11 : i32
      %dma_start3A_317 = arith.constant 0 : i32
      %dma_start3A_318 = tpu.memref_slice %arg8[%dma_start3A_316, %dma_start3A_317] : memref<16x128xi32, #tpu.memory_space<vmem>> -> memref<1x128xi32, #tpu.memory_space<vmem>>
      %dma_start3A_319 = tpu.memref_squeeze %dma_start3A_318 : memref<1x128xi32, #tpu.memory_space<vmem>> -> memref<128xi32, #tpu.memory_space<vmem>>
      %dma_start3A_320 = arith.constant 0 : i32
      %dma_start3A_321 = arith.constant 0 : i32
      %dma_start3A_322 = tpu.memref_slice %arg2[%dma_start3A_320, %dma_start3A_321] : memref<10112x128xf32, #tpu.memory_space<hbm>> -> memref<10112x128xf32, #tpu.memory_space<hbm>>
      tpu.enqueue_indirect_dma source(%dma_start3A_322 : memref<10112x128xf32, #tpu.memory_space<hbm>>) target(%arg11 : memref<128x128xf32, #tpu.memory_space<vmem>>) offsets(%dma_start3A_319 : memref<128xi32, #tpu.memory_space<vmem>>) semaphore(%arg13 : memref<!tpu.dma_semaphore, #tpu.memory_space<semaphore_mem>>)
      %dma_wait3A_323 = arith.constant 10 : i32
      %dma_wait3A_324 = arith.constant 0 : i32
      %dma_wait3A_325 = tpu.memref_slice %arg8[%dma_wait3A_323, %dma_wait3A_324] : memref<16x128xi32, #tpu.memory_space<vmem>> -> memref<1x128xi32, #tpu.memory_space<vmem>>
      %dma_wait3A_326 = tpu.memref_squeeze %dma_wait3A_325 : memref<1x128xi32, #tpu.memory_space<vmem>> -> memref<128xi32, #tpu.memory_space<vmem>>
      %dma_wait3A_327 = arith.constant 0 : i32
      %dma_wait3A_328 = arith.constant 0 : i32
      %dma_wait3A_329 = tpu.memref_slice %arg2[%dma_wait3A_327, %dma_wait3A_328] : memref<10112x128xf32, #tpu.memory_space<hbm>> -> memref<10112x128xf32, #tpu.memory_space<hbm>>
      tpu.wait_indirect_dma semaphore(%arg12 : memref<!tpu.dma_semaphore, #tpu.memory_space<semaphore_mem>>) src(%dma_wait3A_329 : memref<10112x128xf32, #tpu.memory_space<hbm>>) dst(%arg10 : memref<128x128xf32, #tpu.memory_space<vmem>>)
      %dma_start3A_330 = arith.constant 10 : i32
      %dma_start3A_331 = arith.constant 0 : i32
      %dma_start3A_332 = tpu.memref_slice %arg9[%dma_start3A_330, %dma_start3A_331] : memref<16x128xi32, #tpu.memory_space<vmem>> -> memref<1x128xi32, #tpu.memory_space<vmem>>
      %dma_start3A_333 = tpu.memref_squeeze %dma_start3A_332 : memref<1x128xi32, #tpu.memory_space<vmem>> -> memref<128xi32, #tpu.memory_space<vmem>>
      %dma_start3A_334 = arith.constant 0 : i32
      %dma_start3A_335 = arith.constant 0 : i32
      %dma_start3A_336 = tpu.memref_slice %arg7[%dma_start3A_334, %dma_start3A_335] : memref<10112x128xf32, #tpu.memory_space<vmem_shared>> -> memref<10112x128xf32, #tpu.memory_space<vmem_shared>>
      tpu.enqueue_indirect_dma source(%arg10 : memref<128x128xf32, #tpu.memory_space<vmem>>) target(%dma_start3A_336 : memref<10112x128xf32, #tpu.memory_space<vmem_shared>>) offsets(%dma_start3A_333 : memref<128xi32, #tpu.memory_space<vmem>>) semaphore(%arg14 : memref<!tpu.dma_semaphore, #tpu.memory_space<semaphore_mem>>) {add = true}
      %dma_wait3A_337 = arith.constant 11 : i32
      %dma_wait3A_338 = arith.constant 0 : i32
      %dma_wait3A_339 = tpu.memref_slice %arg8[%dma_wait3A_337, %dma_wait3A_338] : memref<16x128xi32, #tpu.memory_space<vmem>> -> memref<1x128xi32, #tpu.memory_space<vmem>>
      %dma_wait3A_340 = tpu.memref_squeeze %dma_wait3A_339 : memref<1x128xi32, #tpu.memory_space<vmem>> -> memref<128xi32, #tpu.memory_space<vmem>>
      %dma_wait3A_341 = arith.constant 0 : i32
      %dma_wait3A_342 = arith.constant 0 : i32
      %dma_wait3A_343 = tpu.memref_slice %arg2[%dma_wait3A_341, %dma_wait3A_342] : memref<10112x128xf32, #tpu.memory_space<hbm>> -> memref<10112x128xf32, #tpu.memory_space<hbm>>
      tpu.wait_indirect_dma semaphore(%arg13 : memref<!tpu.dma_semaphore, #tpu.memory_space<semaphore_mem>>) src(%dma_wait3A_343 : memref<10112x128xf32, #tpu.memory_space<hbm>>) dst(%arg11 : memref<128x128xf32, #tpu.memory_space<vmem>>)
      %dma_start3A_344 = arith.constant 11 : i32
      %dma_start3A_345 = arith.constant 0 : i32
      %dma_start3A_346 = tpu.memref_slice %arg9[%dma_start3A_344, %dma_start3A_345] : memref<16x128xi32, #tpu.memory_space<vmem>> -> memref<1x128xi32, #tpu.memory_space<vmem>>
      %dma_start3A_347 = tpu.memref_squeeze %dma_start3A_346 : memref<1x128xi32, #tpu.memory_space<vmem>> -> memref<128xi32, #tpu.memory_space<vmem>>
      %dma_start3A_348 = arith.constant 0 : i32
      %dma_start3A_349 = arith.constant 0 : i32
      %dma_start3A_350 = tpu.memref_slice %arg7[%dma_start3A_348, %dma_start3A_349] : memref<10112x128xf32, #tpu.memory_space<vmem_shared>> -> memref<10112x128xf32, #tpu.memory_space<vmem_shared>>
      tpu.enqueue_indirect_dma source(%arg11 : memref<128x128xf32, #tpu.memory_space<vmem>>) target(%dma_start3A_350 : memref<10112x128xf32, #tpu.memory_space<vmem_shared>>) offsets(%dma_start3A_347 : memref<128xi32, #tpu.memory_space<vmem>>) semaphore(%arg15 : memref<!tpu.dma_semaphore, #tpu.memory_space<semaphore_mem>>) {add = true}
      %dma_wait3A_351 = arith.constant 10 : i32
      %dma_wait3A_352 = arith.constant 0 : i32
      %dma_wait3A_353 = tpu.memref_slice %arg9[%dma_wait3A_351, %dma_wait3A_352] : memref<16x128xi32, #tpu.memory_space<vmem>> -> memref<1x128xi32, #tpu.memory_space<vmem>>
      %dma_wait3A_354 = tpu.memref_squeeze %dma_wait3A_353 : memref<1x128xi32, #tpu.memory_space<vmem>> -> memref<128xi32, #tpu.memory_space<vmem>>
      %dma_wait3A_355 = arith.constant 0 : i32
      %dma_wait3A_356 = arith.constant 0 : i32
      %dma_wait3A_357 = tpu.memref_slice %arg7[%dma_wait3A_355, %dma_wait3A_356] : memref<10112x128xf32, #tpu.memory_space<vmem_shared>> -> memref<10112x128xf32, #tpu.memory_space<vmem_shared>>
      tpu.wait_indirect_dma semaphore(%arg14 : memref<!tpu.dma_semaphore, #tpu.memory_space<semaphore_mem>>) src(%arg10 : memref<128x128xf32, #tpu.memory_space<vmem>>) dst(%dma_wait3A_357 : memref<10112x128xf32, #tpu.memory_space<vmem_shared>>)
      %dma_start3A_358 = arith.constant 12 : i32
      %dma_start3A_359 = arith.constant 0 : i32
      %dma_start3A_360 = tpu.memref_slice %arg8[%dma_start3A_358, %dma_start3A_359] : memref<16x128xi32, #tpu.memory_space<vmem>> -> memref<1x128xi32, #tpu.memory_space<vmem>>
      %dma_start3A_361 = tpu.memref_squeeze %dma_start3A_360 : memref<1x128xi32, #tpu.memory_space<vmem>> -> memref<128xi32, #tpu.memory_space<vmem>>
      %dma_start3A_362 = arith.constant 0 : i32
      %dma_start3A_363 = arith.constant 0 : i32
      %dma_start3A_364 = tpu.memref_slice %arg2[%dma_start3A_362, %dma_start3A_363] : memref<10112x128xf32, #tpu.memory_space<hbm>> -> memref<10112x128xf32, #tpu.memory_space<hbm>>
      tpu.enqueue_indirect_dma source(%dma_start3A_364 : memref<10112x128xf32, #tpu.memory_space<hbm>>) target(%arg10 : memref<128x128xf32, #tpu.memory_space<vmem>>) offsets(%dma_start3A_361 : memref<128xi32, #tpu.memory_space<vmem>>) semaphore(%arg12 : memref<!tpu.dma_semaphore, #tpu.memory_space<semaphore_mem>>)
      %dma_wait3A_365 = arith.constant 11 : i32
      %dma_wait3A_366 = arith.constant 0 : i32
      %dma_wait3A_367 = tpu.memref_slice %arg9[%dma_wait3A_365, %dma_wait3A_366] : memref<16x128xi32, #tpu.memory_space<vmem>> -> memref<1x128xi32, #tpu.memory_space<vmem>>
      %dma_wait3A_368 = tpu.memref_squeeze %dma_wait3A_367 : memref<1x128xi32, #tpu.memory_space<vmem>> -> memref<128xi32, #tpu.memory_space<vmem>>
      %dma_wait3A_369 = arith.constant 0 : i32
      %dma_wait3A_370 = arith.constant 0 : i32
      %dma_wait3A_371 = tpu.memref_slice %arg7[%dma_wait3A_369, %dma_wait3A_370] : memref<10112x128xf32, #tpu.memory_space<vmem_shared>> -> memref<10112x128xf32, #tpu.memory_space<vmem_shared>>
      tpu.wait_indirect_dma semaphore(%arg15 : memref<!tpu.dma_semaphore, #tpu.memory_space<semaphore_mem>>) src(%arg11 : memref<128x128xf32, #tpu.memory_space<vmem>>) dst(%dma_wait3A_371 : memref<10112x128xf32, #tpu.memory_space<vmem_shared>>)
      %dma_start3A_372 = arith.constant 13 : i32
      %dma_start3A_373 = arith.constant 0 : i32
      %dma_start3A_374 = tpu.memref_slice %arg8[%dma_start3A_372, %dma_start3A_373] : memref<16x128xi32, #tpu.memory_space<vmem>> -> memref<1x128xi32, #tpu.memory_space<vmem>>
      %dma_start3A_375 = tpu.memref_squeeze %dma_start3A_374 : memref<1x128xi32, #tpu.memory_space<vmem>> -> memref<128xi32, #tpu.memory_space<vmem>>
      %dma_start3A_376 = arith.constant 0 : i32
      %dma_start3A_377 = arith.constant 0 : i32
      %dma_start3A_378 = tpu.memref_slice %arg2[%dma_start3A_376, %dma_start3A_377] : memref<10112x128xf32, #tpu.memory_space<hbm>> -> memref<10112x128xf32, #tpu.memory_space<hbm>>
      tpu.enqueue_indirect_dma source(%dma_start3A_378 : memref<10112x128xf32, #tpu.memory_space<hbm>>) target(%arg11 : memref<128x128xf32, #tpu.memory_space<vmem>>) offsets(%dma_start3A_375 : memref<128xi32, #tpu.memory_space<vmem>>) semaphore(%arg13 : memref<!tpu.dma_semaphore, #tpu.memory_space<semaphore_mem>>)
      %dma_wait3A_379 = arith.constant 12 : i32
      %dma_wait3A_380 = arith.constant 0 : i32
      %dma_wait3A_381 = tpu.memref_slice %arg8[%dma_wait3A_379, %dma_wait3A_380] : memref<16x128xi32, #tpu.memory_space<vmem>> -> memref<1x128xi32, #tpu.memory_space<vmem>>
      %dma_wait3A_382 = tpu.memref_squeeze %dma_wait3A_381 : memref<1x128xi32, #tpu.memory_space<vmem>> -> memref<128xi32, #tpu.memory_space<vmem>>
      %dma_wait3A_383 = arith.constant 0 : i32
      %dma_wait3A_384 = arith.constant 0 : i32
      %dma_wait3A_385 = tpu.memref_slice %arg2[%dma_wait3A_383, %dma_wait3A_384] : memref<10112x128xf32, #tpu.memory_space<hbm>> -> memref<10112x128xf32, #tpu.memory_space<hbm>>
      tpu.wait_indirect_dma semaphore(%arg12 : memref<!tpu.dma_semaphore, #tpu.memory_space<semaphore_mem>>) src(%dma_wait3A_385 : memref<10112x128xf32, #tpu.memory_space<hbm>>) dst(%arg10 : memref<128x128xf32, #tpu.memory_space<vmem>>)
      %dma_start3A_386 = arith.constant 12 : i32
      %dma_start3A_387 = arith.constant 0 : i32
      %dma_start3A_388 = tpu.memref_slice %arg9[%dma_start3A_386, %dma_start3A_387] : memref<16x128xi32, #tpu.memory_space<vmem>> -> memref<1x128xi32, #tpu.memory_space<vmem>>
      %dma_start3A_389 = tpu.memref_squeeze %dma_start3A_388 : memref<1x128xi32, #tpu.memory_space<vmem>> -> memref<128xi32, #tpu.memory_space<vmem>>
      %dma_start3A_390 = arith.constant 0 : i32
      %dma_start3A_391 = arith.constant 0 : i32
      %dma_start3A_392 = tpu.memref_slice %arg7[%dma_start3A_390, %dma_start3A_391] : memref<10112x128xf32, #tpu.memory_space<vmem_shared>> -> memref<10112x128xf32, #tpu.memory_space<vmem_shared>>
      tpu.enqueue_indirect_dma source(%arg10 : memref<128x128xf32, #tpu.memory_space<vmem>>) target(%dma_start3A_392 : memref<10112x128xf32, #tpu.memory_space<vmem_shared>>) offsets(%dma_start3A_389 : memref<128xi32, #tpu.memory_space<vmem>>) semaphore(%arg14 : memref<!tpu.dma_semaphore, #tpu.memory_space<semaphore_mem>>) {add = true}
      %dma_wait3A_393 = arith.constant 13 : i32
      %dma_wait3A_394 = arith.constant 0 : i32
      %dma_wait3A_395 = tpu.memref_slice %arg8[%dma_wait3A_393, %dma_wait3A_394] : memref<16x128xi32, #tpu.memory_space<vmem>> -> memref<1x128xi32, #tpu.memory_space<vmem>>
      %dma_wait3A_396 = tpu.memref_squeeze %dma_wait3A_395 : memref<1x128xi32, #tpu.memory_space<vmem>> -> memref<128xi32, #tpu.memory_space<vmem>>
      %dma_wait3A_397 = arith.constant 0 : i32
      %dma_wait3A_398 = arith.constant 0 : i32
      %dma_wait3A_399 = tpu.memref_slice %arg2[%dma_wait3A_397, %dma_wait3A_398] : memref<10112x128xf32, #tpu.memory_space<hbm>> -> memref<10112x128xf32, #tpu.memory_space<hbm>>
      tpu.wait_indirect_dma semaphore(%arg13 : memref<!tpu.dma_semaphore, #tpu.memory_space<semaphore_mem>>) src(%dma_wait3A_399 : memref<10112x128xf32, #tpu.memory_space<hbm>>) dst(%arg11 : memref<128x128xf32, #tpu.memory_space<vmem>>)
      %dma_start3A_400 = arith.constant 13 : i32
      %dma_start3A_401 = arith.constant 0 : i32
      %dma_start3A_402 = tpu.memref_slice %arg9[%dma_start3A_400, %dma_start3A_401] : memref<16x128xi32, #tpu.memory_space<vmem>> -> memref<1x128xi32, #tpu.memory_space<vmem>>
      %dma_start3A_403 = tpu.memref_squeeze %dma_start3A_402 : memref<1x128xi32, #tpu.memory_space<vmem>> -> memref<128xi32, #tpu.memory_space<vmem>>
      %dma_start3A_404 = arith.constant 0 : i32
      %dma_start3A_405 = arith.constant 0 : i32
      %dma_start3A_406 = tpu.memref_slice %arg7[%dma_start3A_404, %dma_start3A_405] : memref<10112x128xf32, #tpu.memory_space<vmem_shared>> -> memref<10112x128xf32, #tpu.memory_space<vmem_shared>>
      tpu.enqueue_indirect_dma source(%arg11 : memref<128x128xf32, #tpu.memory_space<vmem>>) target(%dma_start3A_406 : memref<10112x128xf32, #tpu.memory_space<vmem_shared>>) offsets(%dma_start3A_403 : memref<128xi32, #tpu.memory_space<vmem>>) semaphore(%arg15 : memref<!tpu.dma_semaphore, #tpu.memory_space<semaphore_mem>>) {add = true}
      %dma_wait3A_407 = arith.constant 12 : i32
      %dma_wait3A_408 = arith.constant 0 : i32
      %dma_wait3A_409 = tpu.memref_slice %arg9[%dma_wait3A_407, %dma_wait3A_408] : memref<16x128xi32, #tpu.memory_space<vmem>> -> memref<1x128xi32, #tpu.memory_space<vmem>>
      %dma_wait3A_410 = tpu.memref_squeeze %dma_wait3A_409 : memref<1x128xi32, #tpu.memory_space<vmem>> -> memref<128xi32, #tpu.memory_space<vmem>>
      %dma_wait3A_411 = arith.constant 0 : i32
      %dma_wait3A_412 = arith.constant 0 : i32
      %dma_wait3A_413 = tpu.memref_slice %arg7[%dma_wait3A_411, %dma_wait3A_412] : memref<10112x128xf32, #tpu.memory_space<vmem_shared>> -> memref<10112x128xf32, #tpu.memory_space<vmem_shared>>
      tpu.wait_indirect_dma semaphore(%arg14 : memref<!tpu.dma_semaphore, #tpu.memory_space<semaphore_mem>>) src(%arg10 : memref<128x128xf32, #tpu.memory_space<vmem>>) dst(%dma_wait3A_413 : memref<10112x128xf32, #tpu.memory_space<vmem_shared>>)
      %dma_start3A_414 = arith.constant 14 : i32
      %dma_start3A_415 = arith.constant 0 : i32
      %dma_start3A_416 = tpu.memref_slice %arg8[%dma_start3A_414, %dma_start3A_415] : memref<16x128xi32, #tpu.memory_space<vmem>> -> memref<1x128xi32, #tpu.memory_space<vmem>>
      %dma_start3A_417 = tpu.memref_squeeze %dma_start3A_416 : memref<1x128xi32, #tpu.memory_space<vmem>> -> memref<128xi32, #tpu.memory_space<vmem>>
      %dma_start3A_418 = arith.constant 0 : i32
      %dma_start3A_419 = arith.constant 0 : i32
      %dma_start3A_420 = tpu.memref_slice %arg2[%dma_start3A_418, %dma_start3A_419] : memref<10112x128xf32, #tpu.memory_space<hbm>> -> memref<10112x128xf32, #tpu.memory_space<hbm>>
      tpu.enqueue_indirect_dma source(%dma_start3A_420 : memref<10112x128xf32, #tpu.memory_space<hbm>>) target(%arg10 : memref<128x128xf32, #tpu.memory_space<vmem>>) offsets(%dma_start3A_417 : memref<128xi32, #tpu.memory_space<vmem>>) semaphore(%arg12 : memref<!tpu.dma_semaphore, #tpu.memory_space<semaphore_mem>>)
      %dma_wait3A_421 = arith.constant 13 : i32
      %dma_wait3A_422 = arith.constant 0 : i32
      %dma_wait3A_423 = tpu.memref_slice %arg9[%dma_wait3A_421, %dma_wait3A_422] : memref<16x128xi32, #tpu.memory_space<vmem>> -> memref<1x128xi32, #tpu.memory_space<vmem>>
      %dma_wait3A_424 = tpu.memref_squeeze %dma_wait3A_423 : memref<1x128xi32, #tpu.memory_space<vmem>> -> memref<128xi32, #tpu.memory_space<vmem>>
      %dma_wait3A_425 = arith.constant 0 : i32
      %dma_wait3A_426 = arith.constant 0 : i32
      %dma_wait3A_427 = tpu.memref_slice %arg7[%dma_wait3A_425, %dma_wait3A_426] : memref<10112x128xf32, #tpu.memory_space<vmem_shared>> -> memref<10112x128xf32, #tpu.memory_space<vmem_shared>>
      tpu.wait_indirect_dma semaphore(%arg15 : memref<!tpu.dma_semaphore, #tpu.memory_space<semaphore_mem>>) src(%arg11 : memref<128x128xf32, #tpu.memory_space<vmem>>) dst(%dma_wait3A_427 : memref<10112x128xf32, #tpu.memory_space<vmem_shared>>)
      %dma_start3A_428 = arith.constant 15 : i32
      %dma_start3A_429 = arith.constant 0 : i32
      %dma_start3A_430 = tpu.memref_slice %arg8[%dma_start3A_428, %dma_start3A_429] : memref<16x128xi32, #tpu.memory_space<vmem>> -> memref<1x128xi32, #tpu.memory_space<vmem>>
      %dma_start3A_431 = tpu.memref_squeeze %dma_start3A_430 : memref<1x128xi32, #tpu.memory_space<vmem>> -> memref<128xi32, #tpu.memory_space<vmem>>
      %dma_start3A_432 = arith.constant 0 : i32
      %dma_start3A_433 = arith.constant 0 : i32
      %dma_start3A_434 = tpu.memref_slice %arg2[%dma_start3A_432, %dma_start3A_433] : memref<10112x128xf32, #tpu.memory_space<hbm>> -> memref<10112x128xf32, #tpu.memory_space<hbm>>
      tpu.enqueue_indirect_dma source(%dma_start3A_434 : memref<10112x128xf32, #tpu.memory_space<hbm>>) target(%arg11 : memref<128x128xf32, #tpu.memory_space<vmem>>) offsets(%dma_start3A_431 : memref<128xi32, #tpu.memory_space<vmem>>) semaphore(%arg13 : memref<!tpu.dma_semaphore, #tpu.memory_space<semaphore_mem>>)
      %dma_wait3A_435 = arith.constant 14 : i32
      %dma_wait3A_436 = arith.constant 0 : i32
      %dma_wait3A_437 = tpu.memref_slice %arg8[%dma_wait3A_435, %dma_wait3A_436] : memref<16x128xi32, #tpu.memory_space<vmem>> -> memref<1x128xi32, #tpu.memory_space<vmem>>
      %dma_wait3A_438 = tpu.memref_squeeze %dma_wait3A_437 : memref<1x128xi32, #tpu.memory_space<vmem>> -> memref<128xi32, #tpu.memory_space<vmem>>
      %dma_wait3A_439 = arith.constant 0 : i32
      %dma_wait3A_440 = arith.constant 0 : i32
      %dma_wait3A_441 = tpu.memref_slice %arg2[%dma_wait3A_439, %dma_wait3A_440] : memref<10112x128xf32, #tpu.memory_space<hbm>> -> memref<10112x128xf32, #tpu.memory_space<hbm>>
      tpu.wait_indirect_dma semaphore(%arg12 : memref<!tpu.dma_semaphore, #tpu.memory_space<semaphore_mem>>) src(%dma_wait3A_441 : memref<10112x128xf32, #tpu.memory_space<hbm>>) dst(%arg10 : memref<128x128xf32, #tpu.memory_space<vmem>>)
      %dma_start3A_442 = arith.constant 14 : i32
      %dma_start3A_443 = arith.constant 0 : i32
      %dma_start3A_444 = tpu.memref_slice %arg9[%dma_start3A_442, %dma_start3A_443] : memref<16x128xi32, #tpu.memory_space<vmem>> -> memref<1x128xi32, #tpu.memory_space<vmem>>
      %dma_start3A_445 = tpu.memref_squeeze %dma_start3A_444 : memref<1x128xi32, #tpu.memory_space<vmem>> -> memref<128xi32, #tpu.memory_space<vmem>>
      %dma_start3A_446 = arith.constant 0 : i32
      %dma_start3A_447 = arith.constant 0 : i32
      %dma_start3A_448 = tpu.memref_slice %arg7[%dma_start3A_446, %dma_start3A_447] : memref<10112x128xf32, #tpu.memory_space<vmem_shared>> -> memref<10112x128xf32, #tpu.memory_space<vmem_shared>>
      tpu.enqueue_indirect_dma source(%arg10 : memref<128x128xf32, #tpu.memory_space<vmem>>) target(%dma_start3A_448 : memref<10112x128xf32, #tpu.memory_space<vmem_shared>>) offsets(%dma_start3A_445 : memref<128xi32, #tpu.memory_space<vmem>>) semaphore(%arg14 : memref<!tpu.dma_semaphore, #tpu.memory_space<semaphore_mem>>) {add = true}
      %dma_wait3A_449 = arith.constant 15 : i32
      %dma_wait3A_450 = arith.constant 0 : i32
      %dma_wait3A_451 = tpu.memref_slice %arg8[%dma_wait3A_449, %dma_wait3A_450] : memref<16x128xi32, #tpu.memory_space<vmem>> -> memref<1x128xi32, #tpu.memory_space<vmem>>
      %dma_wait3A_452 = tpu.memref_squeeze %dma_wait3A_451 : memref<1x128xi32, #tpu.memory_space<vmem>> -> memref<128xi32, #tpu.memory_space<vmem>>
      %dma_wait3A_453 = arith.constant 0 : i32
      %dma_wait3A_454 = arith.constant 0 : i32
      %dma_wait3A_455 = tpu.memref_slice %arg2[%dma_wait3A_453, %dma_wait3A_454] : memref<10112x128xf32, #tpu.memory_space<hbm>> -> memref<10112x128xf32, #tpu.memory_space<hbm>>
      tpu.wait_indirect_dma semaphore(%arg13 : memref<!tpu.dma_semaphore, #tpu.memory_space<semaphore_mem>>) src(%dma_wait3A_455 : memref<10112x128xf32, #tpu.memory_space<hbm>>) dst(%arg11 : memref<128x128xf32, #tpu.memory_space<vmem>>)
      %dma_start3A_456 = arith.constant 15 : i32
      %dma_start3A_457 = arith.constant 0 : i32
      %dma_start3A_458 = tpu.memref_slice %arg9[%dma_start3A_456, %dma_start3A_457] : memref<16x128xi32, #tpu.memory_space<vmem>> -> memref<1x128xi32, #tpu.memory_space<vmem>>
      %dma_start3A_459 = tpu.memref_squeeze %dma_start3A_458 : memref<1x128xi32, #tpu.memory_space<vmem>> -> memref<128xi32, #tpu.memory_space<vmem>>
      %dma_start3A_460 = arith.constant 0 : i32
      %dma_start3A_461 = arith.constant 0 : i32
      %dma_start3A_462 = tpu.memref_slice %arg7[%dma_start3A_460, %dma_start3A_461] : memref<10112x128xf32, #tpu.memory_space<vmem_shared>> -> memref<10112x128xf32, #tpu.memory_space<vmem_shared>>
      tpu.enqueue_indirect_dma source(%arg11 : memref<128x128xf32, #tpu.memory_space<vmem>>) target(%dma_start3A_462 : memref<10112x128xf32, #tpu.memory_space<vmem_shared>>) offsets(%dma_start3A_459 : memref<128xi32, #tpu.memory_space<vmem>>) semaphore(%arg15 : memref<!tpu.dma_semaphore, #tpu.memory_space<semaphore_mem>>) {add = true}
      %dma_wait3A_463 = arith.constant 14 : i32
      %dma_wait3A_464 = arith.constant 0 : i32
      %dma_wait3A_465 = tpu.memref_slice %arg9[%dma_wait3A_463, %dma_wait3A_464] : memref<16x128xi32, #tpu.memory_space<vmem>> -> memref<1x128xi32, #tpu.memory_space<vmem>>
      %dma_wait3A_466 = tpu.memref_squeeze %dma_wait3A_465 : memref<1x128xi32, #tpu.memory_space<vmem>> -> memref<128xi32, #tpu.memory_space<vmem>>
      %dma_wait3A_467 = arith.constant 0 : i32
      %dma_wait3A_468 = arith.constant 0 : i32
      %dma_wait3A_469 = tpu.memref_slice %arg7[%dma_wait3A_467, %dma_wait3A_468] : memref<10112x128xf32, #tpu.memory_space<vmem_shared>> -> memref<10112x128xf32, #tpu.memory_space<vmem_shared>>
      tpu.wait_indirect_dma semaphore(%arg14 : memref<!tpu.dma_semaphore, #tpu.memory_space<semaphore_mem>>) src(%arg10 : memref<128x128xf32, #tpu.memory_space<vmem>>) dst(%dma_wait3A_469 : memref<10112x128xf32, #tpu.memory_space<vmem_shared>>)
      %dma_wait3A_470 = arith.constant 15 : i32
      %dma_wait3A_471 = arith.constant 0 : i32
      %dma_wait3A_472 = tpu.memref_slice %arg9[%dma_wait3A_470, %dma_wait3A_471] : memref<16x128xi32, #tpu.memory_space<vmem>> -> memref<1x128xi32, #tpu.memory_space<vmem>>
      %dma_wait3A_473 = tpu.memref_squeeze %dma_wait3A_472 : memref<1x128xi32, #tpu.memory_space<vmem>> -> memref<128xi32, #tpu.memory_space<vmem>>
      %dma_wait3A_474 = arith.constant 0 : i32
      %dma_wait3A_475 = arith.constant 0 : i32
      %dma_wait3A_476 = tpu.memref_slice %arg7[%dma_wait3A_474, %dma_wait3A_475] : memref<10112x128xf32, #tpu.memory_space<vmem_shared>> -> memref<10112x128xf32, #tpu.memory_space<vmem_shared>>
      tpu.wait_indirect_dma semaphore(%arg15 : memref<!tpu.dma_semaphore, #tpu.memory_space<semaphore_mem>>) src(%arg11 : memref<128x128xf32, #tpu.memory_space<vmem>>) dst(%dma_wait3A_476 : memref<10112x128xf32, #tpu.memory_space<vmem_shared>>)
    }
    %while3A_21 = arith.constant 1 : i32
    scf.for %while3A_27 = %while3A_19 to %while3A_15 step %while3A_21  : i32 {
      %mul3A_28 = arith.constant 16 : i32
      %mul3A_29 = arith.muli %mul3A_28, %while3A_27 : i32
      %add3A_30 = arith.addi %select_n3A, %mul3A_29 : i32
      "tpu.region"() ({
        %run_scoped3A = tpu.sem_alloc : memref<!tpu.dma_semaphore, #tpu.memory_space<semaphore_mem>>
        %dma_start3A_477 = arith.constant 0 : i32
        %dma_start3A_478 = tpu.memref_slice %arg3[%add3A_30, %dma_start3A_477] : memref<2560x128xi32, #tpu.memory_space<hbm>> -> memref<16x128xi32, #tpu.memory_space<hbm>>
        %dma_start3A_479 = arith.constant 0 : i32
        %dma_start3A_480 = tpu.memref_slice %arg3[%add3A_30, %dma_start3A_479] : memref<2560x128xi32, #tpu.memory_space<hbm>> -> memref<16x128xi32, #tpu.memory_space<hbm>>
        tpu.enqueue_dma source(%dma_start3A_480 : memref<16x128xi32, #tpu.memory_space<hbm>>) target(%arg8 : memref<16x128xi32, #tpu.memory_space<vmem>>) target_semaphore(%run_scoped3A : memref<!tpu.dma_semaphore, #tpu.memory_space<semaphore_mem>>)
        %dma_wait3A_481 = arith.constant 0 : i32
        %dma_wait3A_482 = tpu.memref_slice %arg3[%add3A_30, %dma_wait3A_481] : memref<2560x128xi32, #tpu.memory_space<hbm>> -> memref<16x128xi32, #tpu.memory_space<hbm>>
        %dma_wait3A_483 = arith.constant 0 : i32
        %dma_wait3A_484 = tpu.memref_slice %arg3[%add3A_30, %dma_wait3A_483] : memref<2560x128xi32, #tpu.memory_space<hbm>> -> memref<16x128xi32, #tpu.memory_space<hbm>>
        tpu.wait_dma2 semaphore(%run_scoped3A : memref<!tpu.dma_semaphore, #tpu.memory_space<semaphore_mem>>) src(%dma_wait3A_484 : memref<16x128xi32, #tpu.memory_space<hbm>>) dst(%arg8 : memref<16x128xi32, #tpu.memory_space<vmem>>)
        tpu.yield
      }) : () -> ()
      "tpu.region"() ({
        %run_scoped3A = tpu.sem_alloc : memref<!tpu.dma_semaphore, #tpu.memory_space<semaphore_mem>>
        %dma_start3A_477 = arith.constant 0 : i32
        %dma_start3A_478 = tpu.memref_slice %arg4[%add3A_30, %dma_start3A_477] : memref<2560x128xi32, #tpu.memory_space<hbm>> -> memref<16x128xi32, #tpu.memory_space<hbm>>
        %dma_start3A_479 = arith.constant 0 : i32
        %dma_start3A_480 = tpu.memref_slice %arg4[%add3A_30, %dma_start3A_479] : memref<2560x128xi32, #tpu.memory_space<hbm>> -> memref<16x128xi32, #tpu.memory_space<hbm>>
        tpu.enqueue_dma source(%dma_start3A_480 : memref<16x128xi32, #tpu.memory_space<hbm>>) target(%arg9 : memref<16x128xi32, #tpu.memory_space<vmem>>) target_semaphore(%run_scoped3A : memref<!tpu.dma_semaphore, #tpu.memory_space<semaphore_mem>>)
        %dma_wait3A_481 = arith.constant 0 : i32
        %dma_wait3A_482 = tpu.memref_slice %arg4[%add3A_30, %dma_wait3A_481] : memref<2560x128xi32, #tpu.memory_space<hbm>> -> memref<16x128xi32, #tpu.memory_space<hbm>>
        %dma_wait3A_483 = arith.constant 0 : i32
        %dma_wait3A_484 = tpu.memref_slice %arg4[%add3A_30, %dma_wait3A_483] : memref<2560x128xi32, #tpu.memory_space<hbm>> -> memref<16x128xi32, #tpu.memory_space<hbm>>
        tpu.wait_dma2 semaphore(%run_scoped3A : memref<!tpu.dma_semaphore, #tpu.memory_space<semaphore_mem>>) src(%dma_wait3A_484 : memref<16x128xi32, #tpu.memory_space<hbm>>) dst(%arg9 : memref<16x128xi32, #tpu.memory_space<vmem>>)
        tpu.yield
      }) : () -> ()
      %dma_start3A = arith.constant 0 : i32
      %dma_start3A_31 = arith.constant 0 : i32
      %dma_start3A_32 = tpu.memref_slice %arg8[%dma_start3A, %dma_start3A_31] : memref<16x128xi32, #tpu.memory_space<vmem>> -> memref<1x128xi32, #tpu.memory_space<vmem>>
      %dma_start3A_33 = tpu.memref_squeeze %dma_start3A_32 : memref<1x128xi32, #tpu.memory_space<vmem>> -> memref<128xi32, #tpu.memory_space<vmem>>
      %dma_start3A_34 = arith.constant 0 : i32
      %dma_start3A_35 = arith.constant 0 : i32
      %dma_start3A_36 = tpu.memref_slice %arg2[%dma_start3A_34, %dma_start3A_35] : memref<10112x128xf32, #tpu.memory_space<hbm>> -> memref<10112x128xf32, #tpu.memory_space<hbm>>
      tpu.enqueue_indirect_dma source(%dma_start3A_36 : memref<10112x128xf32, #tpu.memory_space<hbm>>) target(%arg10 : memref<128x128xf32, #tpu.memory_space<vmem>>) offsets(%dma_start3A_33 : memref<128xi32, #tpu.memory_space<vmem>>) semaphore(%arg12 : memref<!tpu.dma_semaphore, #tpu.memory_space<semaphore_mem>>)
      %dma_start3A_37 = arith.constant 1 : i32
      %dma_start3A_38 = arith.constant 0 : i32
      %dma_start3A_39 = tpu.memref_slice %arg8[%dma_start3A_37, %dma_start3A_38] : memref<16x128xi32, #tpu.memory_space<vmem>> -> memref<1x128xi32, #tpu.memory_space<vmem>>
      %dma_start3A_40 = tpu.memref_squeeze %dma_start3A_39 : memref<1x128xi32, #tpu.memory_space<vmem>> -> memref<128xi32, #tpu.memory_space<vmem>>
      %dma_start3A_41 = arith.constant 0 : i32
      %dma_start3A_42 = arith.constant 0 : i32
      %dma_start3A_43 = tpu.memref_slice %arg2[%dma_start3A_41, %dma_start3A_42] : memref<10112x128xf32, #tpu.memory_space<hbm>> -> memref<10112x128xf32, #tpu.memory_space<hbm>>
      tpu.enqueue_indirect_dma source(%dma_start3A_43 : memref<10112x128xf32, #tpu.memory_space<hbm>>) target(%arg11 : memref<128x128xf32, #tpu.memory_space<vmem>>) offsets(%dma_start3A_40 : memref<128xi32, #tpu.memory_space<vmem>>) semaphore(%arg13 : memref<!tpu.dma_semaphore, #tpu.memory_space<semaphore_mem>>)
      %dma_wait3A = arith.constant 0 : i32
      %dma_wait3A_44 = arith.constant 0 : i32
      %dma_wait3A_45 = tpu.memref_slice %arg8[%dma_wait3A, %dma_wait3A_44] : memref<16x128xi32, #tpu.memory_space<vmem>> -> memref<1x128xi32, #tpu.memory_space<vmem>>
      %dma_wait3A_46 = tpu.memref_squeeze %dma_wait3A_45 : memref<1x128xi32, #tpu.memory_space<vmem>> -> memref<128xi32, #tpu.memory_space<vmem>>
      %dma_wait3A_47 = arith.constant 0 : i32
      %dma_wait3A_48 = arith.constant 0 : i32
      %dma_wait3A_49 = tpu.memref_slice %arg2[%dma_wait3A_47, %dma_wait3A_48] : memref<10112x128xf32, #tpu.memory_space<hbm>> -> memref<10112x128xf32, #tpu.memory_space<hbm>>
      tpu.wait_indirect_dma semaphore(%arg12 : memref<!tpu.dma_semaphore, #tpu.memory_space<semaphore_mem>>) src(%dma_wait3A_49 : memref<10112x128xf32, #tpu.memory_space<hbm>>) dst(%arg10 : memref<128x128xf32, #tpu.memory_space<vmem>>)
      %dma_start3A_50 = arith.constant 0 : i32
      %dma_start3A_51 = arith.constant 0 : i32
      %dma_start3A_52 = tpu.memref_slice %arg9[%dma_start3A_50, %dma_start3A_51] : memref<16x128xi32, #tpu.memory_space<vmem>> -> memref<1x128xi32, #tpu.memory_space<vmem>>
      %dma_start3A_53 = tpu.memref_squeeze %dma_start3A_52 : memref<1x128xi32, #tpu.memory_space<vmem>> -> memref<128xi32, #tpu.memory_space<vmem>>
      %dma_start3A_54 = arith.constant 0 : i32
      %dma_start3A_55 = arith.constant 0 : i32
      %dma_start3A_56 = tpu.memref_slice %arg7[%dma_start3A_54, %dma_start3A_55] : memref<10112x128xf32, #tpu.memory_space<vmem_shared>> -> memref<10112x128xf32, #tpu.memory_space<vmem_shared>>
      tpu.enqueue_indirect_dma source(%arg10 : memref<128x128xf32, #tpu.memory_space<vmem>>) target(%dma_start3A_56 : memref<10112x128xf32, #tpu.memory_space<vmem_shared>>) offsets(%dma_start3A_53 : memref<128xi32, #tpu.memory_space<vmem>>) semaphore(%arg14 : memref<!tpu.dma_semaphore, #tpu.memory_space<semaphore_mem>>) {add = true}
      %dma_wait3A_57 = arith.constant 1 : i32
      %dma_wait3A_58 = arith.constant 0 : i32
      %dma_wait3A_59 = tpu.memref_slice %arg8[%dma_wait3A_57, %dma_wait3A_58] : memref<16x128xi32, #tpu.memory_space<vmem>> -> memref<1x128xi32, #tpu.memory_space<vmem>>
      %dma_wait3A_60 = tpu.memref_squeeze %dma_wait3A_59 : memref<1x128xi32, #tpu.memory_space<vmem>> -> memref<128xi32, #tpu.memory_space<vmem>>
      %dma_wait3A_61 = arith.constant 0 : i32
      %dma_wait3A_62 = arith.constant 0 : i32
      %dma_wait3A_63 = tpu.memref_slice %arg2[%dma_wait3A_61, %dma_wait3A_62] : memref<10112x128xf32, #tpu.memory_space<hbm>> -> memref<10112x128xf32, #tpu.memory_space<hbm>>
      tpu.wait_indirect_dma semaphore(%arg13 : memref<!tpu.dma_semaphore, #tpu.memory_space<semaphore_mem>>) src(%dma_wait3A_63 : memref<10112x128xf32, #tpu.memory_space<hbm>>) dst(%arg11 : memref<128x128xf32, #tpu.memory_space<vmem>>)
      %dma_start3A_64 = arith.constant 1 : i32
      %dma_start3A_65 = arith.constant 0 : i32
      %dma_start3A_66 = tpu.memref_slice %arg9[%dma_start3A_64, %dma_start3A_65] : memref<16x128xi32, #tpu.memory_space<vmem>> -> memref<1x128xi32, #tpu.memory_space<vmem>>
      %dma_start3A_67 = tpu.memref_squeeze %dma_start3A_66 : memref<1x128xi32, #tpu.memory_space<vmem>> -> memref<128xi32, #tpu.memory_space<vmem>>
      %dma_start3A_68 = arith.constant 0 : i32
      %dma_start3A_69 = arith.constant 0 : i32
      %dma_start3A_70 = tpu.memref_slice %arg7[%dma_start3A_68, %dma_start3A_69] : memref<10112x128xf32, #tpu.memory_space<vmem_shared>> -> memref<10112x128xf32, #tpu.memory_space<vmem_shared>>
      tpu.enqueue_indirect_dma source(%arg11 : memref<128x128xf32, #tpu.memory_space<vmem>>) target(%dma_start3A_70 : memref<10112x128xf32, #tpu.memory_space<vmem_shared>>) offsets(%dma_start3A_67 : memref<128xi32, #tpu.memory_space<vmem>>) semaphore(%arg15 : memref<!tpu.dma_semaphore, #tpu.memory_space<semaphore_mem>>) {add = true}
      %dma_wait3A_71 = arith.constant 0 : i32
      %dma_wait3A_72 = arith.constant 0 : i32
      %dma_wait3A_73 = tpu.memref_slice %arg9[%dma_wait3A_71, %dma_wait3A_72] : memref<16x128xi32, #tpu.memory_space<vmem>> -> memref<1x128xi32, #tpu.memory_space<vmem>>
      %dma_wait3A_74 = tpu.memref_squeeze %dma_wait3A_73 : memref<1x128xi32, #tpu.memory_space<vmem>> -> memref<128xi32, #tpu.memory_space<vmem>>
      %dma_wait3A_75 = arith.constant 0 : i32
      %dma_wait3A_76 = arith.constant 0 : i32
      %dma_wait3A_77 = tpu.memref_slice %arg7[%dma_wait3A_75, %dma_wait3A_76] : memref<10112x128xf32, #tpu.memory_space<vmem_shared>> -> memref<10112x128xf32, #tpu.memory_space<vmem_shared>>
      tpu.wait_indirect_dma semaphore(%arg14 : memref<!tpu.dma_semaphore, #tpu.memory_space<semaphore_mem>>) src(%arg10 : memref<128x128xf32, #tpu.memory_space<vmem>>) dst(%dma_wait3A_77 : memref<10112x128xf32, #tpu.memory_space<vmem_shared>>)
      %dma_start3A_78 = arith.constant 2 : i32
      %dma_start3A_79 = arith.constant 0 : i32
      %dma_start3A_80 = tpu.memref_slice %arg8[%dma_start3A_78, %dma_start3A_79] : memref<16x128xi32, #tpu.memory_space<vmem>> -> memref<1x128xi32, #tpu.memory_space<vmem>>
      %dma_start3A_81 = tpu.memref_squeeze %dma_start3A_80 : memref<1x128xi32, #tpu.memory_space<vmem>> -> memref<128xi32, #tpu.memory_space<vmem>>
      %dma_start3A_82 = arith.constant 0 : i32
      %dma_start3A_83 = arith.constant 0 : i32
      %dma_start3A_84 = tpu.memref_slice %arg2[%dma_start3A_82, %dma_start3A_83] : memref<10112x128xf32, #tpu.memory_space<hbm>> -> memref<10112x128xf32, #tpu.memory_space<hbm>>
      tpu.enqueue_indirect_dma source(%dma_start3A_84 : memref<10112x128xf32, #tpu.memory_space<hbm>>) target(%arg10 : memref<128x128xf32, #tpu.memory_space<vmem>>) offsets(%dma_start3A_81 : memref<128xi32, #tpu.memory_space<vmem>>) semaphore(%arg12 : memref<!tpu.dma_semaphore, #tpu.memory_space<semaphore_mem>>)
      %dma_wait3A_85 = arith.constant 1 : i32
      %dma_wait3A_86 = arith.constant 0 : i32
      %dma_wait3A_87 = tpu.memref_slice %arg9[%dma_wait3A_85, %dma_wait3A_86] : memref<16x128xi32, #tpu.memory_space<vmem>> -> memref<1x128xi32, #tpu.memory_space<vmem>>
      %dma_wait3A_88 = tpu.memref_squeeze %dma_wait3A_87 : memref<1x128xi32, #tpu.memory_space<vmem>> -> memref<128xi32, #tpu.memory_space<vmem>>
      %dma_wait3A_89 = arith.constant 0 : i32
      %dma_wait3A_90 = arith.constant 0 : i32
      %dma_wait3A_91 = tpu.memref_slice %arg7[%dma_wait3A_89, %dma_wait3A_90] : memref<10112x128xf32, #tpu.memory_space<vmem_shared>> -> memref<10112x128xf32, #tpu.memory_space<vmem_shared>>
      tpu.wait_indirect_dma semaphore(%arg15 : memref<!tpu.dma_semaphore, #tpu.memory_space<semaphore_mem>>) src(%arg11 : memref<128x128xf32, #tpu.memory_space<vmem>>) dst(%dma_wait3A_91 : memref<10112x128xf32, #tpu.memory_space<vmem_shared>>)
      %dma_start3A_92 = arith.constant 3 : i32
      %dma_start3A_93 = arith.constant 0 : i32
      %dma_start3A_94 = tpu.memref_slice %arg8[%dma_start3A_92, %dma_start3A_93] : memref<16x128xi32, #tpu.memory_space<vmem>> -> memref<1x128xi32, #tpu.memory_space<vmem>>
      %dma_start3A_95 = tpu.memref_squeeze %dma_start3A_94 : memref<1x128xi32, #tpu.memory_space<vmem>> -> memref<128xi32, #tpu.memory_space<vmem>>
      %dma_start3A_96 = arith.constant 0 : i32
      %dma_start3A_97 = arith.constant 0 : i32
      %dma_start3A_98 = tpu.memref_slice %arg2[%dma_start3A_96, %dma_start3A_97] : memref<10112x128xf32, #tpu.memory_space<hbm>> -> memref<10112x128xf32, #tpu.memory_space<hbm>>
      tpu.enqueue_indirect_dma source(%dma_start3A_98 : memref<10112x128xf32, #tpu.memory_space<hbm>>) target(%arg11 : memref<128x128xf32, #tpu.memory_space<vmem>>) offsets(%dma_start3A_95 : memref<128xi32, #tpu.memory_space<vmem>>) semaphore(%arg13 : memref<!tpu.dma_semaphore, #tpu.memory_space<semaphore_mem>>)
      %dma_wait3A_99 = arith.constant 2 : i32
      %dma_wait3A_100 = arith.constant 0 : i32
      %dma_wait3A_101 = tpu.memref_slice %arg8[%dma_wait3A_99, %dma_wait3A_100] : memref<16x128xi32, #tpu.memory_space<vmem>> -> memref<1x128xi32, #tpu.memory_space<vmem>>
      %dma_wait3A_102 = tpu.memref_squeeze %dma_wait3A_101 : memref<1x128xi32, #tpu.memory_space<vmem>> -> memref<128xi32, #tpu.memory_space<vmem>>
      %dma_wait3A_103 = arith.constant 0 : i32
      %dma_wait3A_104 = arith.constant 0 : i32
      %dma_wait3A_105 = tpu.memref_slice %arg2[%dma_wait3A_103, %dma_wait3A_104] : memref<10112x128xf32, #tpu.memory_space<hbm>> -> memref<10112x128xf32, #tpu.memory_space<hbm>>
      tpu.wait_indirect_dma semaphore(%arg12 : memref<!tpu.dma_semaphore, #tpu.memory_space<semaphore_mem>>) src(%dma_wait3A_105 : memref<10112x128xf32, #tpu.memory_space<hbm>>) dst(%arg10 : memref<128x128xf32, #tpu.memory_space<vmem>>)
      %dma_start3A_106 = arith.constant 2 : i32
      %dma_start3A_107 = arith.constant 0 : i32
      %dma_start3A_108 = tpu.memref_slice %arg9[%dma_start3A_106, %dma_start3A_107] : memref<16x128xi32, #tpu.memory_space<vmem>> -> memref<1x128xi32, #tpu.memory_space<vmem>>
      %dma_start3A_109 = tpu.memref_squeeze %dma_start3A_108 : memref<1x128xi32, #tpu.memory_space<vmem>> -> memref<128xi32, #tpu.memory_space<vmem>>
      %dma_start3A_110 = arith.constant 0 : i32
      %dma_start3A_111 = arith.constant 0 : i32
      %dma_start3A_112 = tpu.memref_slice %arg7[%dma_start3A_110, %dma_start3A_111] : memref<10112x128xf32, #tpu.memory_space<vmem_shared>> -> memref<10112x128xf32, #tpu.memory_space<vmem_shared>>
      tpu.enqueue_indirect_dma source(%arg10 : memref<128x128xf32, #tpu.memory_space<vmem>>) target(%dma_start3A_112 : memref<10112x128xf32, #tpu.memory_space<vmem_shared>>) offsets(%dma_start3A_109 : memref<128xi32, #tpu.memory_space<vmem>>) semaphore(%arg14 : memref<!tpu.dma_semaphore, #tpu.memory_space<semaphore_mem>>) {add = true}
      %dma_wait3A_113 = arith.constant 3 : i32
      %dma_wait3A_114 = arith.constant 0 : i32
      %dma_wait3A_115 = tpu.memref_slice %arg8[%dma_wait3A_113, %dma_wait3A_114] : memref<16x128xi32, #tpu.memory_space<vmem>> -> memref<1x128xi32, #tpu.memory_space<vmem>>
      %dma_wait3A_116 = tpu.memref_squeeze %dma_wait3A_115 : memref<1x128xi32, #tpu.memory_space<vmem>> -> memref<128xi32, #tpu.memory_space<vmem>>
      %dma_wait3A_117 = arith.constant 0 : i32
      %dma_wait3A_118 = arith.constant 0 : i32
      %dma_wait3A_119 = tpu.memref_slice %arg2[%dma_wait3A_117, %dma_wait3A_118] : memref<10112x128xf32, #tpu.memory_space<hbm>> -> memref<10112x128xf32, #tpu.memory_space<hbm>>
      tpu.wait_indirect_dma semaphore(%arg13 : memref<!tpu.dma_semaphore, #tpu.memory_space<semaphore_mem>>) src(%dma_wait3A_119 : memref<10112x128xf32, #tpu.memory_space<hbm>>) dst(%arg11 : memref<128x128xf32, #tpu.memory_space<vmem>>)
      %dma_start3A_120 = arith.constant 3 : i32
      %dma_start3A_121 = arith.constant 0 : i32
      %dma_start3A_122 = tpu.memref_slice %arg9[%dma_start3A_120, %dma_start3A_121] : memref<16x128xi32, #tpu.memory_space<vmem>> -> memref<1x128xi32, #tpu.memory_space<vmem>>
      %dma_start3A_123 = tpu.memref_squeeze %dma_start3A_122 : memref<1x128xi32, #tpu.memory_space<vmem>> -> memref<128xi32, #tpu.memory_space<vmem>>
      %dma_start3A_124 = arith.constant 0 : i32
      %dma_start3A_125 = arith.constant 0 : i32
      %dma_start3A_126 = tpu.memref_slice %arg7[%dma_start3A_124, %dma_start3A_125] : memref<10112x128xf32, #tpu.memory_space<vmem_shared>> -> memref<10112x128xf32, #tpu.memory_space<vmem_shared>>
      tpu.enqueue_indirect_dma source(%arg11 : memref<128x128xf32, #tpu.memory_space<vmem>>) target(%dma_start3A_126 : memref<10112x128xf32, #tpu.memory_space<vmem_shared>>) offsets(%dma_start3A_123 : memref<128xi32, #tpu.memory_space<vmem>>) semaphore(%arg15 : memref<!tpu.dma_semaphore, #tpu.memory_space<semaphore_mem>>) {add = true}
      %dma_wait3A_127 = arith.constant 2 : i32
      %dma_wait3A_128 = arith.constant 0 : i32
      %dma_wait3A_129 = tpu.memref_slice %arg9[%dma_wait3A_127, %dma_wait3A_128] : memref<16x128xi32, #tpu.memory_space<vmem>> -> memref<1x128xi32, #tpu.memory_space<vmem>>
      %dma_wait3A_130 = tpu.memref_squeeze %dma_wait3A_129 : memref<1x128xi32, #tpu.memory_space<vmem>> -> memref<128xi32, #tpu.memory_space<vmem>>
      %dma_wait3A_131 = arith.constant 0 : i32
      %dma_wait3A_132 = arith.constant 0 : i32
      %dma_wait3A_133 = tpu.memref_slice %arg7[%dma_wait3A_131, %dma_wait3A_132] : memref<10112x128xf32, #tpu.memory_space<vmem_shared>> -> memref<10112x128xf32, #tpu.memory_space<vmem_shared>>
      tpu.wait_indirect_dma semaphore(%arg14 : memref<!tpu.dma_semaphore, #tpu.memory_space<semaphore_mem>>) src(%arg10 : memref<128x128xf32, #tpu.memory_space<vmem>>) dst(%dma_wait3A_133 : memref<10112x128xf32, #tpu.memory_space<vmem_shared>>)
      %dma_start3A_134 = arith.constant 4 : i32
      %dma_start3A_135 = arith.constant 0 : i32
      %dma_start3A_136 = tpu.memref_slice %arg8[%dma_start3A_134, %dma_start3A_135] : memref<16x128xi32, #tpu.memory_space<vmem>> -> memref<1x128xi32, #tpu.memory_space<vmem>>
      %dma_start3A_137 = tpu.memref_squeeze %dma_start3A_136 : memref<1x128xi32, #tpu.memory_space<vmem>> -> memref<128xi32, #tpu.memory_space<vmem>>
      %dma_start3A_138 = arith.constant 0 : i32
      %dma_start3A_139 = arith.constant 0 : i32
      %dma_start3A_140 = tpu.memref_slice %arg2[%dma_start3A_138, %dma_start3A_139] : memref<10112x128xf32, #tpu.memory_space<hbm>> -> memref<10112x128xf32, #tpu.memory_space<hbm>>
      tpu.enqueue_indirect_dma source(%dma_start3A_140 : memref<10112x128xf32, #tpu.memory_space<hbm>>) target(%arg10 : memref<128x128xf32, #tpu.memory_space<vmem>>) offsets(%dma_start3A_137 : memref<128xi32, #tpu.memory_space<vmem>>) semaphore(%arg12 : memref<!tpu.dma_semaphore, #tpu.memory_space<semaphore_mem>>)
      %dma_wait3A_141 = arith.constant 3 : i32
      %dma_wait3A_142 = arith.constant 0 : i32
      %dma_wait3A_143 = tpu.memref_slice %arg9[%dma_wait3A_141, %dma_wait3A_142] : memref<16x128xi32, #tpu.memory_space<vmem>> -> memref<1x128xi32, #tpu.memory_space<vmem>>
      %dma_wait3A_144 = tpu.memref_squeeze %dma_wait3A_143 : memref<1x128xi32, #tpu.memory_space<vmem>> -> memref<128xi32, #tpu.memory_space<vmem>>
      %dma_wait3A_145 = arith.constant 0 : i32
      %dma_wait3A_146 = arith.constant 0 : i32
      %dma_wait3A_147 = tpu.memref_slice %arg7[%dma_wait3A_145, %dma_wait3A_146] : memref<10112x128xf32, #tpu.memory_space<vmem_shared>> -> memref<10112x128xf32, #tpu.memory_space<vmem_shared>>
      tpu.wait_indirect_dma semaphore(%arg15 : memref<!tpu.dma_semaphore, #tpu.memory_space<semaphore_mem>>) src(%arg11 : memref<128x128xf32, #tpu.memory_space<vmem>>) dst(%dma_wait3A_147 : memref<10112x128xf32, #tpu.memory_space<vmem_shared>>)
      %dma_start3A_148 = arith.constant 5 : i32
      %dma_start3A_149 = arith.constant 0 : i32
      %dma_start3A_150 = tpu.memref_slice %arg8[%dma_start3A_148, %dma_start3A_149] : memref<16x128xi32, #tpu.memory_space<vmem>> -> memref<1x128xi32, #tpu.memory_space<vmem>>
      %dma_start3A_151 = tpu.memref_squeeze %dma_start3A_150 : memref<1x128xi32, #tpu.memory_space<vmem>> -> memref<128xi32, #tpu.memory_space<vmem>>
      %dma_start3A_152 = arith.constant 0 : i32
      %dma_start3A_153 = arith.constant 0 : i32
      %dma_start3A_154 = tpu.memref_slice %arg2[%dma_start3A_152, %dma_start3A_153] : memref<10112x128xf32, #tpu.memory_space<hbm>> -> memref<10112x128xf32, #tpu.memory_space<hbm>>
      tpu.enqueue_indirect_dma source(%dma_start3A_154 : memref<10112x128xf32, #tpu.memory_space<hbm>>) target(%arg11 : memref<128x128xf32, #tpu.memory_space<vmem>>) offsets(%dma_start3A_151 : memref<128xi32, #tpu.memory_space<vmem>>) semaphore(%arg13 : memref<!tpu.dma_semaphore, #tpu.memory_space<semaphore_mem>>)
      %dma_wait3A_155 = arith.constant 4 : i32
      %dma_wait3A_156 = arith.constant 0 : i32
      %dma_wait3A_157 = tpu.memref_slice %arg8[%dma_wait3A_155, %dma_wait3A_156] : memref<16x128xi32, #tpu.memory_space<vmem>> -> memref<1x128xi32, #tpu.memory_space<vmem>>
      %dma_wait3A_158 = tpu.memref_squeeze %dma_wait3A_157 : memref<1x128xi32, #tpu.memory_space<vmem>> -> memref<128xi32, #tpu.memory_space<vmem>>
      %dma_wait3A_159 = arith.constant 0 : i32
      %dma_wait3A_160 = arith.constant 0 : i32
      %dma_wait3A_161 = tpu.memref_slice %arg2[%dma_wait3A_159, %dma_wait3A_160] : memref<10112x128xf32, #tpu.memory_space<hbm>> -> memref<10112x128xf32, #tpu.memory_space<hbm>>
      tpu.wait_indirect_dma semaphore(%arg12 : memref<!tpu.dma_semaphore, #tpu.memory_space<semaphore_mem>>) src(%dma_wait3A_161 : memref<10112x128xf32, #tpu.memory_space<hbm>>) dst(%arg10 : memref<128x128xf32, #tpu.memory_space<vmem>>)
      %dma_start3A_162 = arith.constant 4 : i32
      %dma_start3A_163 = arith.constant 0 : i32
      %dma_start3A_164 = tpu.memref_slice %arg9[%dma_start3A_162, %dma_start3A_163] : memref<16x128xi32, #tpu.memory_space<vmem>> -> memref<1x128xi32, #tpu.memory_space<vmem>>
      %dma_start3A_165 = tpu.memref_squeeze %dma_start3A_164 : memref<1x128xi32, #tpu.memory_space<vmem>> -> memref<128xi32, #tpu.memory_space<vmem>>
      %dma_start3A_166 = arith.constant 0 : i32
      %dma_start3A_167 = arith.constant 0 : i32
      %dma_start3A_168 = tpu.memref_slice %arg7[%dma_start3A_166, %dma_start3A_167] : memref<10112x128xf32, #tpu.memory_space<vmem_shared>> -> memref<10112x128xf32, #tpu.memory_space<vmem_shared>>
      tpu.enqueue_indirect_dma source(%arg10 : memref<128x128xf32, #tpu.memory_space<vmem>>) target(%dma_start3A_168 : memref<10112x128xf32, #tpu.memory_space<vmem_shared>>) offsets(%dma_start3A_165 : memref<128xi32, #tpu.memory_space<vmem>>) semaphore(%arg14 : memref<!tpu.dma_semaphore, #tpu.memory_space<semaphore_mem>>) {add = true}
      %dma_wait3A_169 = arith.constant 5 : i32
      %dma_wait3A_170 = arith.constant 0 : i32
      %dma_wait3A_171 = tpu.memref_slice %arg8[%dma_wait3A_169, %dma_wait3A_170] : memref<16x128xi32, #tpu.memory_space<vmem>> -> memref<1x128xi32, #tpu.memory_space<vmem>>
      %dma_wait3A_172 = tpu.memref_squeeze %dma_wait3A_171 : memref<1x128xi32, #tpu.memory_space<vmem>> -> memref<128xi32, #tpu.memory_space<vmem>>
      %dma_wait3A_173 = arith.constant 0 : i32
      %dma_wait3A_174 = arith.constant 0 : i32
      %dma_wait3A_175 = tpu.memref_slice %arg2[%dma_wait3A_173, %dma_wait3A_174] : memref<10112x128xf32, #tpu.memory_space<hbm>> -> memref<10112x128xf32, #tpu.memory_space<hbm>>
      tpu.wait_indirect_dma semaphore(%arg13 : memref<!tpu.dma_semaphore, #tpu.memory_space<semaphore_mem>>) src(%dma_wait3A_175 : memref<10112x128xf32, #tpu.memory_space<hbm>>) dst(%arg11 : memref<128x128xf32, #tpu.memory_space<vmem>>)
      %dma_start3A_176 = arith.constant 5 : i32
      %dma_start3A_177 = arith.constant 0 : i32
      %dma_start3A_178 = tpu.memref_slice %arg9[%dma_start3A_176, %dma_start3A_177] : memref<16x128xi32, #tpu.memory_space<vmem>> -> memref<1x128xi32, #tpu.memory_space<vmem>>
      %dma_start3A_179 = tpu.memref_squeeze %dma_start3A_178 : memref<1x128xi32, #tpu.memory_space<vmem>> -> memref<128xi32, #tpu.memory_space<vmem>>
      %dma_start3A_180 = arith.constant 0 : i32
      %dma_start3A_181 = arith.constant 0 : i32
      %dma_start3A_182 = tpu.memref_slice %arg7[%dma_start3A_180, %dma_start3A_181] : memref<10112x128xf32, #tpu.memory_space<vmem_shared>> -> memref<10112x128xf32, #tpu.memory_space<vmem_shared>>
      tpu.enqueue_indirect_dma source(%arg11 : memref<128x128xf32, #tpu.memory_space<vmem>>) target(%dma_start3A_182 : memref<10112x128xf32, #tpu.memory_space<vmem_shared>>) offsets(%dma_start3A_179 : memref<128xi32, #tpu.memory_space<vmem>>) semaphore(%arg15 : memref<!tpu.dma_semaphore, #tpu.memory_space<semaphore_mem>>) {add = true}
      %dma_wait3A_183 = arith.constant 4 : i32
      %dma_wait3A_184 = arith.constant 0 : i32
      %dma_wait3A_185 = tpu.memref_slice %arg9[%dma_wait3A_183, %dma_wait3A_184] : memref<16x128xi32, #tpu.memory_space<vmem>> -> memref<1x128xi32, #tpu.memory_space<vmem>>
      %dma_wait3A_186 = tpu.memref_squeeze %dma_wait3A_185 : memref<1x128xi32, #tpu.memory_space<vmem>> -> memref<128xi32, #tpu.memory_space<vmem>>
      %dma_wait3A_187 = arith.constant 0 : i32
      %dma_wait3A_188 = arith.constant 0 : i32
      %dma_wait3A_189 = tpu.memref_slice %arg7[%dma_wait3A_187, %dma_wait3A_188] : memref<10112x128xf32, #tpu.memory_space<vmem_shared>> -> memref<10112x128xf32, #tpu.memory_space<vmem_shared>>
      tpu.wait_indirect_dma semaphore(%arg14 : memref<!tpu.dma_semaphore, #tpu.memory_space<semaphore_mem>>) src(%arg10 : memref<128x128xf32, #tpu.memory_space<vmem>>) dst(%dma_wait3A_189 : memref<10112x128xf32, #tpu.memory_space<vmem_shared>>)
      %dma_start3A_190 = arith.constant 6 : i32
      %dma_start3A_191 = arith.constant 0 : i32
      %dma_start3A_192 = tpu.memref_slice %arg8[%dma_start3A_190, %dma_start3A_191] : memref<16x128xi32, #tpu.memory_space<vmem>> -> memref<1x128xi32, #tpu.memory_space<vmem>>
      %dma_start3A_193 = tpu.memref_squeeze %dma_start3A_192 : memref<1x128xi32, #tpu.memory_space<vmem>> -> memref<128xi32, #tpu.memory_space<vmem>>
      %dma_start3A_194 = arith.constant 0 : i32
      %dma_start3A_195 = arith.constant 0 : i32
      %dma_start3A_196 = tpu.memref_slice %arg2[%dma_start3A_194, %dma_start3A_195] : memref<10112x128xf32, #tpu.memory_space<hbm>> -> memref<10112x128xf32, #tpu.memory_space<hbm>>
      tpu.enqueue_indirect_dma source(%dma_start3A_196 : memref<10112x128xf32, #tpu.memory_space<hbm>>) target(%arg10 : memref<128x128xf32, #tpu.memory_space<vmem>>) offsets(%dma_start3A_193 : memref<128xi32, #tpu.memory_space<vmem>>) semaphore(%arg12 : memref<!tpu.dma_semaphore, #tpu.memory_space<semaphore_mem>>)
      %dma_wait3A_197 = arith.constant 5 : i32
      %dma_wait3A_198 = arith.constant 0 : i32
      %dma_wait3A_199 = tpu.memref_slice %arg9[%dma_wait3A_197, %dma_wait3A_198] : memref<16x128xi32, #tpu.memory_space<vmem>> -> memref<1x128xi32, #tpu.memory_space<vmem>>
      %dma_wait3A_200 = tpu.memref_squeeze %dma_wait3A_199 : memref<1x128xi32, #tpu.memory_space<vmem>> -> memref<128xi32, #tpu.memory_space<vmem>>
      %dma_wait3A_201 = arith.constant 0 : i32
      %dma_wait3A_202 = arith.constant 0 : i32
      %dma_wait3A_203 = tpu.memref_slice %arg7[%dma_wait3A_201, %dma_wait3A_202] : memref<10112x128xf32, #tpu.memory_space<vmem_shared>> -> memref<10112x128xf32, #tpu.memory_space<vmem_shared>>
      tpu.wait_indirect_dma semaphore(%arg15 : memref<!tpu.dma_semaphore, #tpu.memory_space<semaphore_mem>>) src(%arg11 : memref<128x128xf32, #tpu.memory_space<vmem>>) dst(%dma_wait3A_203 : memref<10112x128xf32, #tpu.memory_space<vmem_shared>>)
      %dma_start3A_204 = arith.constant 7 : i32
      %dma_start3A_205 = arith.constant 0 : i32
      %dma_start3A_206 = tpu.memref_slice %arg8[%dma_start3A_204, %dma_start3A_205] : memref<16x128xi32, #tpu.memory_space<vmem>> -> memref<1x128xi32, #tpu.memory_space<vmem>>
      %dma_start3A_207 = tpu.memref_squeeze %dma_start3A_206 : memref<1x128xi32, #tpu.memory_space<vmem>> -> memref<128xi32, #tpu.memory_space<vmem>>
      %dma_start3A_208 = arith.constant 0 : i32
      %dma_start3A_209 = arith.constant 0 : i32
      %dma_start3A_210 = tpu.memref_slice %arg2[%dma_start3A_208, %dma_start3A_209] : memref<10112x128xf32, #tpu.memory_space<hbm>> -> memref<10112x128xf32, #tpu.memory_space<hbm>>
      tpu.enqueue_indirect_dma source(%dma_start3A_210 : memref<10112x128xf32, #tpu.memory_space<hbm>>) target(%arg11 : memref<128x128xf32, #tpu.memory_space<vmem>>) offsets(%dma_start3A_207 : memref<128xi32, #tpu.memory_space<vmem>>) semaphore(%arg13 : memref<!tpu.dma_semaphore, #tpu.memory_space<semaphore_mem>>)
      %dma_wait3A_211 = arith.constant 6 : i32
      %dma_wait3A_212 = arith.constant 0 : i32
      %dma_wait3A_213 = tpu.memref_slice %arg8[%dma_wait3A_211, %dma_wait3A_212] : memref<16x128xi32, #tpu.memory_space<vmem>> -> memref<1x128xi32, #tpu.memory_space<vmem>>
      %dma_wait3A_214 = tpu.memref_squeeze %dma_wait3A_213 : memref<1x128xi32, #tpu.memory_space<vmem>> -> memref<128xi32, #tpu.memory_space<vmem>>
      %dma_wait3A_215 = arith.constant 0 : i32
      %dma_wait3A_216 = arith.constant 0 : i32
      %dma_wait3A_217 = tpu.memref_slice %arg2[%dma_wait3A_215, %dma_wait3A_216] : memref<10112x128xf32, #tpu.memory_space<hbm>> -> memref<10112x128xf32, #tpu.memory_space<hbm>>
      tpu.wait_indirect_dma semaphore(%arg12 : memref<!tpu.dma_semaphore, #tpu.memory_space<semaphore_mem>>) src(%dma_wait3A_217 : memref<10112x128xf32, #tpu.memory_space<hbm>>) dst(%arg10 : memref<128x128xf32, #tpu.memory_space<vmem>>)
      %dma_start3A_218 = arith.constant 6 : i32
      %dma_start3A_219 = arith.constant 0 : i32
      %dma_start3A_220 = tpu.memref_slice %arg9[%dma_start3A_218, %dma_start3A_219] : memref<16x128xi32, #tpu.memory_space<vmem>> -> memref<1x128xi32, #tpu.memory_space<vmem>>
      %dma_start3A_221 = tpu.memref_squeeze %dma_start3A_220 : memref<1x128xi32, #tpu.memory_space<vmem>> -> memref<128xi32, #tpu.memory_space<vmem>>
      %dma_start3A_222 = arith.constant 0 : i32
      %dma_start3A_223 = arith.constant 0 : i32
      %dma_start3A_224 = tpu.memref_slice %arg7[%dma_start3A_222, %dma_start3A_223] : memref<10112x128xf32, #tpu.memory_space<vmem_shared>> -> memref<10112x128xf32, #tpu.memory_space<vmem_shared>>
      tpu.enqueue_indirect_dma source(%arg10 : memref<128x128xf32, #tpu.memory_space<vmem>>) target(%dma_start3A_224 : memref<10112x128xf32, #tpu.memory_space<vmem_shared>>) offsets(%dma_start3A_221 : memref<128xi32, #tpu.memory_space<vmem>>) semaphore(%arg14 : memref<!tpu.dma_semaphore, #tpu.memory_space<semaphore_mem>>) {add = true}
      %dma_wait3A_225 = arith.constant 7 : i32
      %dma_wait3A_226 = arith.constant 0 : i32
      %dma_wait3A_227 = tpu.memref_slice %arg8[%dma_wait3A_225, %dma_wait3A_226] : memref<16x128xi32, #tpu.memory_space<vmem>> -> memref<1x128xi32, #tpu.memory_space<vmem>>
      %dma_wait3A_228 = tpu.memref_squeeze %dma_wait3A_227 : memref<1x128xi32, #tpu.memory_space<vmem>> -> memref<128xi32, #tpu.memory_space<vmem>>
      %dma_wait3A_229 = arith.constant 0 : i32
      %dma_wait3A_230 = arith.constant 0 : i32
      %dma_wait3A_231 = tpu.memref_slice %arg2[%dma_wait3A_229, %dma_wait3A_230] : memref<10112x128xf32, #tpu.memory_space<hbm>> -> memref<10112x128xf32, #tpu.memory_space<hbm>>
      tpu.wait_indirect_dma semaphore(%arg13 : memref<!tpu.dma_semaphore, #tpu.memory_space<semaphore_mem>>) src(%dma_wait3A_231 : memref<10112x128xf32, #tpu.memory_space<hbm>>) dst(%arg11 : memref<128x128xf32, #tpu.memory_space<vmem>>)
      %dma_start3A_232 = arith.constant 7 : i32
      %dma_start3A_233 = arith.constant 0 : i32
      %dma_start3A_234 = tpu.memref_slice %arg9[%dma_start3A_232, %dma_start3A_233] : memref<16x128xi32, #tpu.memory_space<vmem>> -> memref<1x128xi32, #tpu.memory_space<vmem>>
      %dma_start3A_235 = tpu.memref_squeeze %dma_start3A_234 : memref<1x128xi32, #tpu.memory_space<vmem>> -> memref<128xi32, #tpu.memory_space<vmem>>
      %dma_start3A_236 = arith.constant 0 : i32
      %dma_start3A_237 = arith.constant 0 : i32
      %dma_start3A_238 = tpu.memref_slice %arg7[%dma_start3A_236, %dma_start3A_237] : memref<10112x128xf32, #tpu.memory_space<vmem_shared>> -> memref<10112x128xf32, #tpu.memory_space<vmem_shared>>
      tpu.enqueue_indirect_dma source(%arg11 : memref<128x128xf32, #tpu.memory_space<vmem>>) target(%dma_start3A_238 : memref<10112x128xf32, #tpu.memory_space<vmem_shared>>) offsets(%dma_start3A_235 : memref<128xi32, #tpu.memory_space<vmem>>) semaphore(%arg15 : memref<!tpu.dma_semaphore, #tpu.memory_space<semaphore_mem>>) {add = true}
      %dma_wait3A_239 = arith.constant 6 : i32
      %dma_wait3A_240 = arith.constant 0 : i32
      %dma_wait3A_241 = tpu.memref_slice %arg9[%dma_wait3A_239, %dma_wait3A_240] : memref<16x128xi32, #tpu.memory_space<vmem>> -> memref<1x128xi32, #tpu.memory_space<vmem>>
      %dma_wait3A_242 = tpu.memref_squeeze %dma_wait3A_241 : memref<1x128xi32, #tpu.memory_space<vmem>> -> memref<128xi32, #tpu.memory_space<vmem>>
      %dma_wait3A_243 = arith.constant 0 : i32
      %dma_wait3A_244 = arith.constant 0 : i32
      %dma_wait3A_245 = tpu.memref_slice %arg7[%dma_wait3A_243, %dma_wait3A_244] : memref<10112x128xf32, #tpu.memory_space<vmem_shared>> -> memref<10112x128xf32, #tpu.memory_space<vmem_shared>>
      tpu.wait_indirect_dma semaphore(%arg14 : memref<!tpu.dma_semaphore, #tpu.memory_space<semaphore_mem>>) src(%arg10 : memref<128x128xf32, #tpu.memory_space<vmem>>) dst(%dma_wait3A_245 : memref<10112x128xf32, #tpu.memory_space<vmem_shared>>)
      %dma_start3A_246 = arith.constant 8 : i32
      %dma_start3A_247 = arith.constant 0 : i32
      %dma_start3A_248 = tpu.memref_slice %arg8[%dma_start3A_246, %dma_start3A_247] : memref<16x128xi32, #tpu.memory_space<vmem>> -> memref<1x128xi32, #tpu.memory_space<vmem>>
      %dma_start3A_249 = tpu.memref_squeeze %dma_start3A_248 : memref<1x128xi32, #tpu.memory_space<vmem>> -> memref<128xi32, #tpu.memory_space<vmem>>
      %dma_start3A_250 = arith.constant 0 : i32
      %dma_start3A_251 = arith.constant 0 : i32
      %dma_start3A_252 = tpu.memref_slice %arg2[%dma_start3A_250, %dma_start3A_251] : memref<10112x128xf32, #tpu.memory_space<hbm>> -> memref<10112x128xf32, #tpu.memory_space<hbm>>
      tpu.enqueue_indirect_dma source(%dma_start3A_252 : memref<10112x128xf32, #tpu.memory_space<hbm>>) target(%arg10 : memref<128x128xf32, #tpu.memory_space<vmem>>) offsets(%dma_start3A_249 : memref<128xi32, #tpu.memory_space<vmem>>) semaphore(%arg12 : memref<!tpu.dma_semaphore, #tpu.memory_space<semaphore_mem>>)
      %dma_wait3A_253 = arith.constant 7 : i32
      %dma_wait3A_254 = arith.constant 0 : i32
      %dma_wait3A_255 = tpu.memref_slice %arg9[%dma_wait3A_253, %dma_wait3A_254] : memref<16x128xi32, #tpu.memory_space<vmem>> -> memref<1x128xi32, #tpu.memory_space<vmem>>
      %dma_wait3A_256 = tpu.memref_squeeze %dma_wait3A_255 : memref<1x128xi32, #tpu.memory_space<vmem>> -> memref<128xi32, #tpu.memory_space<vmem>>
      %dma_wait3A_257 = arith.constant 0 : i32
      %dma_wait3A_258 = arith.constant 0 : i32
      %dma_wait3A_259 = tpu.memref_slice %arg7[%dma_wait3A_257, %dma_wait3A_258] : memref<10112x128xf32, #tpu.memory_space<vmem_shared>> -> memref<10112x128xf32, #tpu.memory_space<vmem_shared>>
      tpu.wait_indirect_dma semaphore(%arg15 : memref<!tpu.dma_semaphore, #tpu.memory_space<semaphore_mem>>) src(%arg11 : memref<128x128xf32, #tpu.memory_space<vmem>>) dst(%dma_wait3A_259 : memref<10112x128xf32, #tpu.memory_space<vmem_shared>>)
      %dma_start3A_260 = arith.constant 9 : i32
      %dma_start3A_261 = arith.constant 0 : i32
      %dma_start3A_262 = tpu.memref_slice %arg8[%dma_start3A_260, %dma_start3A_261] : memref<16x128xi32, #tpu.memory_space<vmem>> -> memref<1x128xi32, #tpu.memory_space<vmem>>
      %dma_start3A_263 = tpu.memref_squeeze %dma_start3A_262 : memref<1x128xi32, #tpu.memory_space<vmem>> -> memref<128xi32, #tpu.memory_space<vmem>>
      %dma_start3A_264 = arith.constant 0 : i32
      %dma_start3A_265 = arith.constant 0 : i32
      %dma_start3A_266 = tpu.memref_slice %arg2[%dma_start3A_264, %dma_start3A_265] : memref<10112x128xf32, #tpu.memory_space<hbm>> -> memref<10112x128xf32, #tpu.memory_space<hbm>>
      tpu.enqueue_indirect_dma source(%dma_start3A_266 : memref<10112x128xf32, #tpu.memory_space<hbm>>) target(%arg11 : memref<128x128xf32, #tpu.memory_space<vmem>>) offsets(%dma_start3A_263 : memref<128xi32, #tpu.memory_space<vmem>>) semaphore(%arg13 : memref<!tpu.dma_semaphore, #tpu.memory_space<semaphore_mem>>)
      %dma_wait3A_267 = arith.constant 8 : i32
      %dma_wait3A_268 = arith.constant 0 : i32
      %dma_wait3A_269 = tpu.memref_slice %arg8[%dma_wait3A_267, %dma_wait3A_268] : memref<16x128xi32, #tpu.memory_space<vmem>> -> memref<1x128xi32, #tpu.memory_space<vmem>>
      %dma_wait3A_270 = tpu.memref_squeeze %dma_wait3A_269 : memref<1x128xi32, #tpu.memory_space<vmem>> -> memref<128xi32, #tpu.memory_space<vmem>>
      %dma_wait3A_271 = arith.constant 0 : i32
      %dma_wait3A_272 = arith.constant 0 : i32
      %dma_wait3A_273 = tpu.memref_slice %arg2[%dma_wait3A_271, %dma_wait3A_272] : memref<10112x128xf32, #tpu.memory_space<hbm>> -> memref<10112x128xf32, #tpu.memory_space<hbm>>
      tpu.wait_indirect_dma semaphore(%arg12 : memref<!tpu.dma_semaphore, #tpu.memory_space<semaphore_mem>>) src(%dma_wait3A_273 : memref<10112x128xf32, #tpu.memory_space<hbm>>) dst(%arg10 : memref<128x128xf32, #tpu.memory_space<vmem>>)
      %dma_start3A_274 = arith.constant 8 : i32
      %dma_start3A_275 = arith.constant 0 : i32
      %dma_start3A_276 = tpu.memref_slice %arg9[%dma_start3A_274, %dma_start3A_275] : memref<16x128xi32, #tpu.memory_space<vmem>> -> memref<1x128xi32, #tpu.memory_space<vmem>>
      %dma_start3A_277 = tpu.memref_squeeze %dma_start3A_276 : memref<1x128xi32, #tpu.memory_space<vmem>> -> memref<128xi32, #tpu.memory_space<vmem>>
      %dma_start3A_278 = arith.constant 0 : i32
      %dma_start3A_279 = arith.constant 0 : i32
      %dma_start3A_280 = tpu.memref_slice %arg7[%dma_start3A_278, %dma_start3A_279] : memref<10112x128xf32, #tpu.memory_space<vmem_shared>> -> memref<10112x128xf32, #tpu.memory_space<vmem_shared>>
      tpu.enqueue_indirect_dma source(%arg10 : memref<128x128xf32, #tpu.memory_space<vmem>>) target(%dma_start3A_280 : memref<10112x128xf32, #tpu.memory_space<vmem_shared>>) offsets(%dma_start3A_277 : memref<128xi32, #tpu.memory_space<vmem>>) semaphore(%arg14 : memref<!tpu.dma_semaphore, #tpu.memory_space<semaphore_mem>>) {add = true}
      %dma_wait3A_281 = arith.constant 9 : i32
      %dma_wait3A_282 = arith.constant 0 : i32
      %dma_wait3A_283 = tpu.memref_slice %arg8[%dma_wait3A_281, %dma_wait3A_282] : memref<16x128xi32, #tpu.memory_space<vmem>> -> memref<1x128xi32, #tpu.memory_space<vmem>>
      %dma_wait3A_284 = tpu.memref_squeeze %dma_wait3A_283 : memref<1x128xi32, #tpu.memory_space<vmem>> -> memref<128xi32, #tpu.memory_space<vmem>>
      %dma_wait3A_285 = arith.constant 0 : i32
      %dma_wait3A_286 = arith.constant 0 : i32
      %dma_wait3A_287 = tpu.memref_slice %arg2[%dma_wait3A_285, %dma_wait3A_286] : memref<10112x128xf32, #tpu.memory_space<hbm>> -> memref<10112x128xf32, #tpu.memory_space<hbm>>
      tpu.wait_indirect_dma semaphore(%arg13 : memref<!tpu.dma_semaphore, #tpu.memory_space<semaphore_mem>>) src(%dma_wait3A_287 : memref<10112x128xf32, #tpu.memory_space<hbm>>) dst(%arg11 : memref<128x128xf32, #tpu.memory_space<vmem>>)
      %dma_start3A_288 = arith.constant 9 : i32
      %dma_start3A_289 = arith.constant 0 : i32
      %dma_start3A_290 = tpu.memref_slice %arg9[%dma_start3A_288, %dma_start3A_289] : memref<16x128xi32, #tpu.memory_space<vmem>> -> memref<1x128xi32, #tpu.memory_space<vmem>>
      %dma_start3A_291 = tpu.memref_squeeze %dma_start3A_290 : memref<1x128xi32, #tpu.memory_space<vmem>> -> memref<128xi32, #tpu.memory_space<vmem>>
      %dma_start3A_292 = arith.constant 0 : i32
      %dma_start3A_293 = arith.constant 0 : i32
      %dma_start3A_294 = tpu.memref_slice %arg7[%dma_start3A_292, %dma_start3A_293] : memref<10112x128xf32, #tpu.memory_space<vmem_shared>> -> memref<10112x128xf32, #tpu.memory_space<vmem_shared>>
      tpu.enqueue_indirect_dma source(%arg11 : memref<128x128xf32, #tpu.memory_space<vmem>>) target(%dma_start3A_294 : memref<10112x128xf32, #tpu.memory_space<vmem_shared>>) offsets(%dma_start3A_291 : memref<128xi32, #tpu.memory_space<vmem>>) semaphore(%arg15 : memref<!tpu.dma_semaphore, #tpu.memory_space<semaphore_mem>>) {add = true}
      %dma_wait3A_295 = arith.constant 8 : i32
      %dma_wait3A_296 = arith.constant 0 : i32
      %dma_wait3A_297 = tpu.memref_slice %arg9[%dma_wait3A_295, %dma_wait3A_296] : memref<16x128xi32, #tpu.memory_space<vmem>> -> memref<1x128xi32, #tpu.memory_space<vmem>>
      %dma_wait3A_298 = tpu.memref_squeeze %dma_wait3A_297 : memref<1x128xi32, #tpu.memory_space<vmem>> -> memref<128xi32, #tpu.memory_space<vmem>>
      %dma_wait3A_299 = arith.constant 0 : i32
      %dma_wait3A_300 = arith.constant 0 : i32
      %dma_wait3A_301 = tpu.memref_slice %arg7[%dma_wait3A_299, %dma_wait3A_300] : memref<10112x128xf32, #tpu.memory_space<vmem_shared>> -> memref<10112x128xf32, #tpu.memory_space<vmem_shared>>
      tpu.wait_indirect_dma semaphore(%arg14 : memref<!tpu.dma_semaphore, #tpu.memory_space<semaphore_mem>>) src(%arg10 : memref<128x128xf32, #tpu.memory_space<vmem>>) dst(%dma_wait3A_301 : memref<10112x128xf32, #tpu.memory_space<vmem_shared>>)
      %dma_start3A_302 = arith.constant 10 : i32
      %dma_start3A_303 = arith.constant 0 : i32
      %dma_start3A_304 = tpu.memref_slice %arg8[%dma_start3A_302, %dma_start3A_303] : memref<16x128xi32, #tpu.memory_space<vmem>> -> memref<1x128xi32, #tpu.memory_space<vmem>>
      %dma_start3A_305 = tpu.memref_squeeze %dma_start3A_304 : memref<1x128xi32, #tpu.memory_space<vmem>> -> memref<128xi32, #tpu.memory_space<vmem>>
      %dma_start3A_306 = arith.constant 0 : i32
      %dma_start3A_307 = arith.constant 0 : i32
      %dma_start3A_308 = tpu.memref_slice %arg2[%dma_start3A_306, %dma_start3A_307] : memref<10112x128xf32, #tpu.memory_space<hbm>> -> memref<10112x128xf32, #tpu.memory_space<hbm>>
      tpu.enqueue_indirect_dma source(%dma_start3A_308 : memref<10112x128xf32, #tpu.memory_space<hbm>>) target(%arg10 : memref<128x128xf32, #tpu.memory_space<vmem>>) offsets(%dma_start3A_305 : memref<128xi32, #tpu.memory_space<vmem>>) semaphore(%arg12 : memref<!tpu.dma_semaphore, #tpu.memory_space<semaphore_mem>>)
      %dma_wait3A_309 = arith.constant 9 : i32
      %dma_wait3A_310 = arith.constant 0 : i32
      %dma_wait3A_311 = tpu.memref_slice %arg9[%dma_wait3A_309, %dma_wait3A_310] : memref<16x128xi32, #tpu.memory_space<vmem>> -> memref<1x128xi32, #tpu.memory_space<vmem>>
      %dma_wait3A_312 = tpu.memref_squeeze %dma_wait3A_311 : memref<1x128xi32, #tpu.memory_space<vmem>> -> memref<128xi32, #tpu.memory_space<vmem>>
      %dma_wait3A_313 = arith.constant 0 : i32
      %dma_wait3A_314 = arith.constant 0 : i32
      %dma_wait3A_315 = tpu.memref_slice %arg7[%dma_wait3A_313, %dma_wait3A_314] : memref<10112x128xf32, #tpu.memory_space<vmem_shared>> -> memref<10112x128xf32, #tpu.memory_space<vmem_shared>>
      tpu.wait_indirect_dma semaphore(%arg15 : memref<!tpu.dma_semaphore, #tpu.memory_space<semaphore_mem>>) src(%arg11 : memref<128x128xf32, #tpu.memory_space<vmem>>) dst(%dma_wait3A_315 : memref<10112x128xf32, #tpu.memory_space<vmem_shared>>)
      %dma_start3A_316 = arith.constant 11 : i32
      %dma_start3A_317 = arith.constant 0 : i32
      %dma_start3A_318 = tpu.memref_slice %arg8[%dma_start3A_316, %dma_start3A_317] : memref<16x128xi32, #tpu.memory_space<vmem>> -> memref<1x128xi32, #tpu.memory_space<vmem>>
      %dma_start3A_319 = tpu.memref_squeeze %dma_start3A_318 : memref<1x128xi32, #tpu.memory_space<vmem>> -> memref<128xi32, #tpu.memory_space<vmem>>
      %dma_start3A_320 = arith.constant 0 : i32
      %dma_start3A_321 = arith.constant 0 : i32
      %dma_start3A_322 = tpu.memref_slice %arg2[%dma_start3A_320, %dma_start3A_321] : memref<10112x128xf32, #tpu.memory_space<hbm>> -> memref<10112x128xf32, #tpu.memory_space<hbm>>
      tpu.enqueue_indirect_dma source(%dma_start3A_322 : memref<10112x128xf32, #tpu.memory_space<hbm>>) target(%arg11 : memref<128x128xf32, #tpu.memory_space<vmem>>) offsets(%dma_start3A_319 : memref<128xi32, #tpu.memory_space<vmem>>) semaphore(%arg13 : memref<!tpu.dma_semaphore, #tpu.memory_space<semaphore_mem>>)
      %dma_wait3A_323 = arith.constant 10 : i32
      %dma_wait3A_324 = arith.constant 0 : i32
      %dma_wait3A_325 = tpu.memref_slice %arg8[%dma_wait3A_323, %dma_wait3A_324] : memref<16x128xi32, #tpu.memory_space<vmem>> -> memref<1x128xi32, #tpu.memory_space<vmem>>
      %dma_wait3A_326 = tpu.memref_squeeze %dma_wait3A_325 : memref<1x128xi32, #tpu.memory_space<vmem>> -> memref<128xi32, #tpu.memory_space<vmem>>
      %dma_wait3A_327 = arith.constant 0 : i32
      %dma_wait3A_328 = arith.constant 0 : i32
      %dma_wait3A_329 = tpu.memref_slice %arg2[%dma_wait3A_327, %dma_wait3A_328] : memref<10112x128xf32, #tpu.memory_space<hbm>> -> memref<10112x128xf32, #tpu.memory_space<hbm>>
      tpu.wait_indirect_dma semaphore(%arg12 : memref<!tpu.dma_semaphore, #tpu.memory_space<semaphore_mem>>) src(%dma_wait3A_329 : memref<10112x128xf32, #tpu.memory_space<hbm>>) dst(%arg10 : memref<128x128xf32, #tpu.memory_space<vmem>>)
      %dma_start3A_330 = arith.constant 10 : i32
      %dma_start3A_331 = arith.constant 0 : i32
      %dma_start3A_332 = tpu.memref_slice %arg9[%dma_start3A_330, %dma_start3A_331] : memref<16x128xi32, #tpu.memory_space<vmem>> -> memref<1x128xi32, #tpu.memory_space<vmem>>
      %dma_start3A_333 = tpu.memref_squeeze %dma_start3A_332 : memref<1x128xi32, #tpu.memory_space<vmem>> -> memref<128xi32, #tpu.memory_space<vmem>>
      %dma_start3A_334 = arith.constant 0 : i32
      %dma_start3A_335 = arith.constant 0 : i32
      %dma_start3A_336 = tpu.memref_slice %arg7[%dma_start3A_334, %dma_start3A_335] : memref<10112x128xf32, #tpu.memory_space<vmem_shared>> -> memref<10112x128xf32, #tpu.memory_space<vmem_shared>>
      tpu.enqueue_indirect_dma source(%arg10 : memref<128x128xf32, #tpu.memory_space<vmem>>) target(%dma_start3A_336 : memref<10112x128xf32, #tpu.memory_space<vmem_shared>>) offsets(%dma_start3A_333 : memref<128xi32, #tpu.memory_space<vmem>>) semaphore(%arg14 : memref<!tpu.dma_semaphore, #tpu.memory_space<semaphore_mem>>) {add = true}
      %dma_wait3A_337 = arith.constant 11 : i32
      %dma_wait3A_338 = arith.constant 0 : i32
      %dma_wait3A_339 = tpu.memref_slice %arg8[%dma_wait3A_337, %dma_wait3A_338] : memref<16x128xi32, #tpu.memory_space<vmem>> -> memref<1x128xi32, #tpu.memory_space<vmem>>
      %dma_wait3A_340 = tpu.memref_squeeze %dma_wait3A_339 : memref<1x128xi32, #tpu.memory_space<vmem>> -> memref<128xi32, #tpu.memory_space<vmem>>
      %dma_wait3A_341 = arith.constant 0 : i32
      %dma_wait3A_342 = arith.constant 0 : i32
      %dma_wait3A_343 = tpu.memref_slice %arg2[%dma_wait3A_341, %dma_wait3A_342] : memref<10112x128xf32, #tpu.memory_space<hbm>> -> memref<10112x128xf32, #tpu.memory_space<hbm>>
      tpu.wait_indirect_dma semaphore(%arg13 : memref<!tpu.dma_semaphore, #tpu.memory_space<semaphore_mem>>) src(%dma_wait3A_343 : memref<10112x128xf32, #tpu.memory_space<hbm>>) dst(%arg11 : memref<128x128xf32, #tpu.memory_space<vmem>>)
      %dma_start3A_344 = arith.constant 11 : i32
      %dma_start3A_345 = arith.constant 0 : i32
      %dma_start3A_346 = tpu.memref_slice %arg9[%dma_start3A_344, %dma_start3A_345] : memref<16x128xi32, #tpu.memory_space<vmem>> -> memref<1x128xi32, #tpu.memory_space<vmem>>
      %dma_start3A_347 = tpu.memref_squeeze %dma_start3A_346 : memref<1x128xi32, #tpu.memory_space<vmem>> -> memref<128xi32, #tpu.memory_space<vmem>>
      %dma_start3A_348 = arith.constant 0 : i32
      %dma_start3A_349 = arith.constant 0 : i32
      %dma_start3A_350 = tpu.memref_slice %arg7[%dma_start3A_348, %dma_start3A_349] : memref<10112x128xf32, #tpu.memory_space<vmem_shared>> -> memref<10112x128xf32, #tpu.memory_space<vmem_shared>>
      tpu.enqueue_indirect_dma source(%arg11 : memref<128x128xf32, #tpu.memory_space<vmem>>) target(%dma_start3A_350 : memref<10112x128xf32, #tpu.memory_space<vmem_shared>>) offsets(%dma_start3A_347 : memref<128xi32, #tpu.memory_space<vmem>>) semaphore(%arg15 : memref<!tpu.dma_semaphore, #tpu.memory_space<semaphore_mem>>) {add = true}
      %dma_wait3A_351 = arith.constant 10 : i32
      %dma_wait3A_352 = arith.constant 0 : i32
      %dma_wait3A_353 = tpu.memref_slice %arg9[%dma_wait3A_351, %dma_wait3A_352] : memref<16x128xi32, #tpu.memory_space<vmem>> -> memref<1x128xi32, #tpu.memory_space<vmem>>
      %dma_wait3A_354 = tpu.memref_squeeze %dma_wait3A_353 : memref<1x128xi32, #tpu.memory_space<vmem>> -> memref<128xi32, #tpu.memory_space<vmem>>
      %dma_wait3A_355 = arith.constant 0 : i32
      %dma_wait3A_356 = arith.constant 0 : i32
      %dma_wait3A_357 = tpu.memref_slice %arg7[%dma_wait3A_355, %dma_wait3A_356] : memref<10112x128xf32, #tpu.memory_space<vmem_shared>> -> memref<10112x128xf32, #tpu.memory_space<vmem_shared>>
      tpu.wait_indirect_dma semaphore(%arg14 : memref<!tpu.dma_semaphore, #tpu.memory_space<semaphore_mem>>) src(%arg10 : memref<128x128xf32, #tpu.memory_space<vmem>>) dst(%dma_wait3A_357 : memref<10112x128xf32, #tpu.memory_space<vmem_shared>>)
      %dma_start3A_358 = arith.constant 12 : i32
      %dma_start3A_359 = arith.constant 0 : i32
      %dma_start3A_360 = tpu.memref_slice %arg8[%dma_start3A_358, %dma_start3A_359] : memref<16x128xi32, #tpu.memory_space<vmem>> -> memref<1x128xi32, #tpu.memory_space<vmem>>
      %dma_start3A_361 = tpu.memref_squeeze %dma_start3A_360 : memref<1x128xi32, #tpu.memory_space<vmem>> -> memref<128xi32, #tpu.memory_space<vmem>>
      %dma_start3A_362 = arith.constant 0 : i32
      %dma_start3A_363 = arith.constant 0 : i32
      %dma_start3A_364 = tpu.memref_slice %arg2[%dma_start3A_362, %dma_start3A_363] : memref<10112x128xf32, #tpu.memory_space<hbm>> -> memref<10112x128xf32, #tpu.memory_space<hbm>>
      tpu.enqueue_indirect_dma source(%dma_start3A_364 : memref<10112x128xf32, #tpu.memory_space<hbm>>) target(%arg10 : memref<128x128xf32, #tpu.memory_space<vmem>>) offsets(%dma_start3A_361 : memref<128xi32, #tpu.memory_space<vmem>>) semaphore(%arg12 : memref<!tpu.dma_semaphore, #tpu.memory_space<semaphore_mem>>)
      %dma_wait3A_365 = arith.constant 11 : i32
      %dma_wait3A_366 = arith.constant 0 : i32
      %dma_wait3A_367 = tpu.memref_slice %arg9[%dma_wait3A_365, %dma_wait3A_366] : memref<16x128xi32, #tpu.memory_space<vmem>> -> memref<1x128xi32, #tpu.memory_space<vmem>>
      %dma_wait3A_368 = tpu.memref_squeeze %dma_wait3A_367 : memref<1x128xi32, #tpu.memory_space<vmem>> -> memref<128xi32, #tpu.memory_space<vmem>>
      %dma_wait3A_369 = arith.constant 0 : i32
      %dma_wait3A_370 = arith.constant 0 : i32
      %dma_wait3A_371 = tpu.memref_slice %arg7[%dma_wait3A_369, %dma_wait3A_370] : memref<10112x128xf32, #tpu.memory_space<vmem_shared>> -> memref<10112x128xf32, #tpu.memory_space<vmem_shared>>
      tpu.wait_indirect_dma semaphore(%arg15 : memref<!tpu.dma_semaphore, #tpu.memory_space<semaphore_mem>>) src(%arg11 : memref<128x128xf32, #tpu.memory_space<vmem>>) dst(%dma_wait3A_371 : memref<10112x128xf32, #tpu.memory_space<vmem_shared>>)
      %dma_start3A_372 = arith.constant 13 : i32
      %dma_start3A_373 = arith.constant 0 : i32
      %dma_start3A_374 = tpu.memref_slice %arg8[%dma_start3A_372, %dma_start3A_373] : memref<16x128xi32, #tpu.memory_space<vmem>> -> memref<1x128xi32, #tpu.memory_space<vmem>>
      %dma_start3A_375 = tpu.memref_squeeze %dma_start3A_374 : memref<1x128xi32, #tpu.memory_space<vmem>> -> memref<128xi32, #tpu.memory_space<vmem>>
      %dma_start3A_376 = arith.constant 0 : i32
      %dma_start3A_377 = arith.constant 0 : i32
      %dma_start3A_378 = tpu.memref_slice %arg2[%dma_start3A_376, %dma_start3A_377] : memref<10112x128xf32, #tpu.memory_space<hbm>> -> memref<10112x128xf32, #tpu.memory_space<hbm>>
      tpu.enqueue_indirect_dma source(%dma_start3A_378 : memref<10112x128xf32, #tpu.memory_space<hbm>>) target(%arg11 : memref<128x128xf32, #tpu.memory_space<vmem>>) offsets(%dma_start3A_375 : memref<128xi32, #tpu.memory_space<vmem>>) semaphore(%arg13 : memref<!tpu.dma_semaphore, #tpu.memory_space<semaphore_mem>>)
      %dma_wait3A_379 = arith.constant 12 : i32
      %dma_wait3A_380 = arith.constant 0 : i32
      %dma_wait3A_381 = tpu.memref_slice %arg8[%dma_wait3A_379, %dma_wait3A_380] : memref<16x128xi32, #tpu.memory_space<vmem>> -> memref<1x128xi32, #tpu.memory_space<vmem>>
      %dma_wait3A_382 = tpu.memref_squeeze %dma_wait3A_381 : memref<1x128xi32, #tpu.memory_space<vmem>> -> memref<128xi32, #tpu.memory_space<vmem>>
      %dma_wait3A_383 = arith.constant 0 : i32
      %dma_wait3A_384 = arith.constant 0 : i32
      %dma_wait3A_385 = tpu.memref_slice %arg2[%dma_wait3A_383, %dma_wait3A_384] : memref<10112x128xf32, #tpu.memory_space<hbm>> -> memref<10112x128xf32, #tpu.memory_space<hbm>>
      tpu.wait_indirect_dma semaphore(%arg12 : memref<!tpu.dma_semaphore, #tpu.memory_space<semaphore_mem>>) src(%dma_wait3A_385 : memref<10112x128xf32, #tpu.memory_space<hbm>>) dst(%arg10 : memref<128x128xf32, #tpu.memory_space<vmem>>)
      %dma_start3A_386 = arith.constant 12 : i32
      %dma_start3A_387 = arith.constant 0 : i32
      %dma_start3A_388 = tpu.memref_slice %arg9[%dma_start3A_386, %dma_start3A_387] : memref<16x128xi32, #tpu.memory_space<vmem>> -> memref<1x128xi32, #tpu.memory_space<vmem>>
      %dma_start3A_389 = tpu.memref_squeeze %dma_start3A_388 : memref<1x128xi32, #tpu.memory_space<vmem>> -> memref<128xi32, #tpu.memory_space<vmem>>
      %dma_start3A_390 = arith.constant 0 : i32
      %dma_start3A_391 = arith.constant 0 : i32
      %dma_start3A_392 = tpu.memref_slice %arg7[%dma_start3A_390, %dma_start3A_391] : memref<10112x128xf32, #tpu.memory_space<vmem_shared>> -> memref<10112x128xf32, #tpu.memory_space<vmem_shared>>
      tpu.enqueue_indirect_dma source(%arg10 : memref<128x128xf32, #tpu.memory_space<vmem>>) target(%dma_start3A_392 : memref<10112x128xf32, #tpu.memory_space<vmem_shared>>) offsets(%dma_start3A_389 : memref<128xi32, #tpu.memory_space<vmem>>) semaphore(%arg14 : memref<!tpu.dma_semaphore, #tpu.memory_space<semaphore_mem>>) {add = true}
      %dma_wait3A_393 = arith.constant 13 : i32
      %dma_wait3A_394 = arith.constant 0 : i32
      %dma_wait3A_395 = tpu.memref_slice %arg8[%dma_wait3A_393, %dma_wait3A_394] : memref<16x128xi32, #tpu.memory_space<vmem>> -> memref<1x128xi32, #tpu.memory_space<vmem>>
      %dma_wait3A_396 = tpu.memref_squeeze %dma_wait3A_395 : memref<1x128xi32, #tpu.memory_space<vmem>> -> memref<128xi32, #tpu.memory_space<vmem>>
      %dma_wait3A_397 = arith.constant 0 : i32
      %dma_wait3A_398 = arith.constant 0 : i32
      %dma_wait3A_399 = tpu.memref_slice %arg2[%dma_wait3A_397, %dma_wait3A_398] : memref<10112x128xf32, #tpu.memory_space<hbm>> -> memref<10112x128xf32, #tpu.memory_space<hbm>>
      tpu.wait_indirect_dma semaphore(%arg13 : memref<!tpu.dma_semaphore, #tpu.memory_space<semaphore_mem>>) src(%dma_wait3A_399 : memref<10112x128xf32, #tpu.memory_space<hbm>>) dst(%arg11 : memref<128x128xf32, #tpu.memory_space<vmem>>)
      %dma_start3A_400 = arith.constant 13 : i32
      %dma_start3A_401 = arith.constant 0 : i32
      %dma_start3A_402 = tpu.memref_slice %arg9[%dma_start3A_400, %dma_start3A_401] : memref<16x128xi32, #tpu.memory_space<vmem>> -> memref<1x128xi32, #tpu.memory_space<vmem>>
      %dma_start3A_403 = tpu.memref_squeeze %dma_start3A_402 : memref<1x128xi32, #tpu.memory_space<vmem>> -> memref<128xi32, #tpu.memory_space<vmem>>
      %dma_start3A_404 = arith.constant 0 : i32
      %dma_start3A_405 = arith.constant 0 : i32
      %dma_start3A_406 = tpu.memref_slice %arg7[%dma_start3A_404, %dma_start3A_405] : memref<10112x128xf32, #tpu.memory_space<vmem_shared>> -> memref<10112x128xf32, #tpu.memory_space<vmem_shared>>
      tpu.enqueue_indirect_dma source(%arg11 : memref<128x128xf32, #tpu.memory_space<vmem>>) target(%dma_start3A_406 : memref<10112x128xf32, #tpu.memory_space<vmem_shared>>) offsets(%dma_start3A_403 : memref<128xi32, #tpu.memory_space<vmem>>) semaphore(%arg15 : memref<!tpu.dma_semaphore, #tpu.memory_space<semaphore_mem>>) {add = true}
      %dma_wait3A_407 = arith.constant 12 : i32
      %dma_wait3A_408 = arith.constant 0 : i32
      %dma_wait3A_409 = tpu.memref_slice %arg9[%dma_wait3A_407, %dma_wait3A_408] : memref<16x128xi32, #tpu.memory_space<vmem>> -> memref<1x128xi32, #tpu.memory_space<vmem>>
      %dma_wait3A_410 = tpu.memref_squeeze %dma_wait3A_409 : memref<1x128xi32, #tpu.memory_space<vmem>> -> memref<128xi32, #tpu.memory_space<vmem>>
      %dma_wait3A_411 = arith.constant 0 : i32
      %dma_wait3A_412 = arith.constant 0 : i32
      %dma_wait3A_413 = tpu.memref_slice %arg7[%dma_wait3A_411, %dma_wait3A_412] : memref<10112x128xf32, #tpu.memory_space<vmem_shared>> -> memref<10112x128xf32, #tpu.memory_space<vmem_shared>>
      tpu.wait_indirect_dma semaphore(%arg14 : memref<!tpu.dma_semaphore, #tpu.memory_space<semaphore_mem>>) src(%arg10 : memref<128x128xf32, #tpu.memory_space<vmem>>) dst(%dma_wait3A_413 : memref<10112x128xf32, #tpu.memory_space<vmem_shared>>)
      %dma_start3A_414 = arith.constant 14 : i32
      %dma_start3A_415 = arith.constant 0 : i32
      %dma_start3A_416 = tpu.memref_slice %arg8[%dma_start3A_414, %dma_start3A_415] : memref<16x128xi32, #tpu.memory_space<vmem>> -> memref<1x128xi32, #tpu.memory_space<vmem>>
      %dma_start3A_417 = tpu.memref_squeeze %dma_start3A_416 : memref<1x128xi32, #tpu.memory_space<vmem>> -> memref<128xi32, #tpu.memory_space<vmem>>
      %dma_start3A_418 = arith.constant 0 : i32
      %dma_start3A_419 = arith.constant 0 : i32
      %dma_start3A_420 = tpu.memref_slice %arg2[%dma_start3A_418, %dma_start3A_419] : memref<10112x128xf32, #tpu.memory_space<hbm>> -> memref<10112x128xf32, #tpu.memory_space<hbm>>
      tpu.enqueue_indirect_dma source(%dma_start3A_420 : memref<10112x128xf32, #tpu.memory_space<hbm>>) target(%arg10 : memref<128x128xf32, #tpu.memory_space<vmem>>) offsets(%dma_start3A_417 : memref<128xi32, #tpu.memory_space<vmem>>) semaphore(%arg12 : memref<!tpu.dma_semaphore, #tpu.memory_space<semaphore_mem>>)
      %dma_wait3A_421 = arith.constant 13 : i32
      %dma_wait3A_422 = arith.constant 0 : i32
      %dma_wait3A_423 = tpu.memref_slice %arg9[%dma_wait3A_421, %dma_wait3A_422] : memref<16x128xi32, #tpu.memory_space<vmem>> -> memref<1x128xi32, #tpu.memory_space<vmem>>
      %dma_wait3A_424 = tpu.memref_squeeze %dma_wait3A_423 : memref<1x128xi32, #tpu.memory_space<vmem>> -> memref<128xi32, #tpu.memory_space<vmem>>
      %dma_wait3A_425 = arith.constant 0 : i32
      %dma_wait3A_426 = arith.constant 0 : i32
      %dma_wait3A_427 = tpu.memref_slice %arg7[%dma_wait3A_425, %dma_wait3A_426] : memref<10112x128xf32, #tpu.memory_space<vmem_shared>> -> memref<10112x128xf32, #tpu.memory_space<vmem_shared>>
      tpu.wait_indirect_dma semaphore(%arg15 : memref<!tpu.dma_semaphore, #tpu.memory_space<semaphore_mem>>) src(%arg11 : memref<128x128xf32, #tpu.memory_space<vmem>>) dst(%dma_wait3A_427 : memref<10112x128xf32, #tpu.memory_space<vmem_shared>>)
      %dma_start3A_428 = arith.constant 15 : i32
      %dma_start3A_429 = arith.constant 0 : i32
      %dma_start3A_430 = tpu.memref_slice %arg8[%dma_start3A_428, %dma_start3A_429] : memref<16x128xi32, #tpu.memory_space<vmem>> -> memref<1x128xi32, #tpu.memory_space<vmem>>
      %dma_start3A_431 = tpu.memref_squeeze %dma_start3A_430 : memref<1x128xi32, #tpu.memory_space<vmem>> -> memref<128xi32, #tpu.memory_space<vmem>>
      %dma_start3A_432 = arith.constant 0 : i32
      %dma_start3A_433 = arith.constant 0 : i32
      %dma_start3A_434 = tpu.memref_slice %arg2[%dma_start3A_432, %dma_start3A_433] : memref<10112x128xf32, #tpu.memory_space<hbm>> -> memref<10112x128xf32, #tpu.memory_space<hbm>>
      tpu.enqueue_indirect_dma source(%dma_start3A_434 : memref<10112x128xf32, #tpu.memory_space<hbm>>) target(%arg11 : memref<128x128xf32, #tpu.memory_space<vmem>>) offsets(%dma_start3A_431 : memref<128xi32, #tpu.memory_space<vmem>>) semaphore(%arg13 : memref<!tpu.dma_semaphore, #tpu.memory_space<semaphore_mem>>)
      %dma_wait3A_435 = arith.constant 14 : i32
      %dma_wait3A_436 = arith.constant 0 : i32
      %dma_wait3A_437 = tpu.memref_slice %arg8[%dma_wait3A_435, %dma_wait3A_436] : memref<16x128xi32, #tpu.memory_space<vmem>> -> memref<1x128xi32, #tpu.memory_space<vmem>>
      %dma_wait3A_438 = tpu.memref_squeeze %dma_wait3A_437 : memref<1x128xi32, #tpu.memory_space<vmem>> -> memref<128xi32, #tpu.memory_space<vmem>>
      %dma_wait3A_439 = arith.constant 0 : i32
      %dma_wait3A_440 = arith.constant 0 : i32
      %dma_wait3A_441 = tpu.memref_slice %arg2[%dma_wait3A_439, %dma_wait3A_440] : memref<10112x128xf32, #tpu.memory_space<hbm>> -> memref<10112x128xf32, #tpu.memory_space<hbm>>
      tpu.wait_indirect_dma semaphore(%arg12 : memref<!tpu.dma_semaphore, #tpu.memory_space<semaphore_mem>>) src(%dma_wait3A_441 : memref<10112x128xf32, #tpu.memory_space<hbm>>) dst(%arg10 : memref<128x128xf32, #tpu.memory_space<vmem>>)
      %dma_start3A_442 = arith.constant 14 : i32
      %dma_start3A_443 = arith.constant 0 : i32
      %dma_start3A_444 = tpu.memref_slice %arg9[%dma_start3A_442, %dma_start3A_443] : memref<16x128xi32, #tpu.memory_space<vmem>> -> memref<1x128xi32, #tpu.memory_space<vmem>>
      %dma_start3A_445 = tpu.memref_squeeze %dma_start3A_444 : memref<1x128xi32, #tpu.memory_space<vmem>> -> memref<128xi32, #tpu.memory_space<vmem>>
      %dma_start3A_446 = arith.constant 0 : i32
      %dma_start3A_447 = arith.constant 0 : i32
      %dma_start3A_448 = tpu.memref_slice %arg7[%dma_start3A_446, %dma_start3A_447] : memref<10112x128xf32, #tpu.memory_space<vmem_shared>> -> memref<10112x128xf32, #tpu.memory_space<vmem_shared>>
      tpu.enqueue_indirect_dma source(%arg10 : memref<128x128xf32, #tpu.memory_space<vmem>>) target(%dma_start3A_448 : memref<10112x128xf32, #tpu.memory_space<vmem_shared>>) offsets(%dma_start3A_445 : memref<128xi32, #tpu.memory_space<vmem>>) semaphore(%arg14 : memref<!tpu.dma_semaphore, #tpu.memory_space<semaphore_mem>>) {add = true}
      %dma_wait3A_449 = arith.constant 15 : i32
      %dma_wait3A_450 = arith.constant 0 : i32
      %dma_wait3A_451 = tpu.memref_slice %arg8[%dma_wait3A_449, %dma_wait3A_450] : memref<16x128xi32, #tpu.memory_space<vmem>> -> memref<1x128xi32, #tpu.memory_space<vmem>>
      %dma_wait3A_452 = tpu.memref_squeeze %dma_wait3A_451 : memref<1x128xi32, #tpu.memory_space<vmem>> -> memref<128xi32, #tpu.memory_space<vmem>>
      %dma_wait3A_453 = arith.constant 0 : i32
      %dma_wait3A_454 = arith.constant 0 : i32
      %dma_wait3A_455 = tpu.memref_slice %arg2[%dma_wait3A_453, %dma_wait3A_454] : memref<10112x128xf32, #tpu.memory_space<hbm>> -> memref<10112x128xf32, #tpu.memory_space<hbm>>
      tpu.wait_indirect_dma semaphore(%arg13 : memref<!tpu.dma_semaphore, #tpu.memory_space<semaphore_mem>>) src(%dma_wait3A_455 : memref<10112x128xf32, #tpu.memory_space<hbm>>) dst(%arg11 : memref<128x128xf32, #tpu.memory_space<vmem>>)
      %dma_start3A_456 = arith.constant 15 : i32
      %dma_start3A_457 = arith.constant 0 : i32
      %dma_start3A_458 = tpu.memref_slice %arg9[%dma_start3A_456, %dma_start3A_457] : memref<16x128xi32, #tpu.memory_space<vmem>> -> memref<1x128xi32, #tpu.memory_space<vmem>>
      %dma_start3A_459 = tpu.memref_squeeze %dma_start3A_458 : memref<1x128xi32, #tpu.memory_space<vmem>> -> memref<128xi32, #tpu.memory_space<vmem>>
      %dma_start3A_460 = arith.constant 0 : i32
      %dma_start3A_461 = arith.constant 0 : i32
      %dma_start3A_462 = tpu.memref_slice %arg7[%dma_start3A_460, %dma_start3A_461] : memref<10112x128xf32, #tpu.memory_space<vmem_shared>> -> memref<10112x128xf32, #tpu.memory_space<vmem_shared>>
      tpu.enqueue_indirect_dma source(%arg11 : memref<128x128xf32, #tpu.memory_space<vmem>>) target(%dma_start3A_462 : memref<10112x128xf32, #tpu.memory_space<vmem_shared>>) offsets(%dma_start3A_459 : memref<128xi32, #tpu.memory_space<vmem>>) semaphore(%arg15 : memref<!tpu.dma_semaphore, #tpu.memory_space<semaphore_mem>>) {add = true}
      %dma_wait3A_463 = arith.constant 14 : i32
      %dma_wait3A_464 = arith.constant 0 : i32
      %dma_wait3A_465 = tpu.memref_slice %arg9[%dma_wait3A_463, %dma_wait3A_464] : memref<16x128xi32, #tpu.memory_space<vmem>> -> memref<1x128xi32, #tpu.memory_space<vmem>>
      %dma_wait3A_466 = tpu.memref_squeeze %dma_wait3A_465 : memref<1x128xi32, #tpu.memory_space<vmem>> -> memref<128xi32, #tpu.memory_space<vmem>>
      %dma_wait3A_467 = arith.constant 0 : i32
      %dma_wait3A_468 = arith.constant 0 : i32
      %dma_wait3A_469 = tpu.memref_slice %arg7[%dma_wait3A_467, %dma_wait3A_468] : memref<10112x128xf32, #tpu.memory_space<vmem_shared>> -> memref<10112x128xf32, #tpu.memory_space<vmem_shared>>
      tpu.wait_indirect_dma semaphore(%arg14 : memref<!tpu.dma_semaphore, #tpu.memory_space<semaphore_mem>>) src(%arg10 : memref<128x128xf32, #tpu.memory_space<vmem>>) dst(%dma_wait3A_469 : memref<10112x128xf32, #tpu.memory_space<vmem_shared>>)
      %dma_wait3A_470 = arith.constant 15 : i32
      %dma_wait3A_471 = arith.constant 0 : i32
      %dma_wait3A_472 = tpu.memref_slice %arg9[%dma_wait3A_470, %dma_wait3A_471] : memref<16x128xi32, #tpu.memory_space<vmem>> -> memref<1x128xi32, #tpu.memory_space<vmem>>
      %dma_wait3A_473 = tpu.memref_squeeze %dma_wait3A_472 : memref<1x128xi32, #tpu.memory_space<vmem>> -> memref<128xi32, #tpu.memory_space<vmem>>
      %dma_wait3A_474 = arith.constant 0 : i32
      %dma_wait3A_475 = arith.constant 0 : i32
      %dma_wait3A_476 = tpu.memref_slice %arg7[%dma_wait3A_474, %dma_wait3A_475] : memref<10112x128xf32, #tpu.memory_space<vmem_shared>> -> memref<10112x128xf32, #tpu.memory_space<vmem_shared>>
      tpu.wait_indirect_dma semaphore(%arg15 : memref<!tpu.dma_semaphore, #tpu.memory_space<semaphore_mem>>) src(%arg11 : memref<128x128xf32, #tpu.memory_space<vmem>>) dst(%dma_wait3A_476 : memref<10112x128xf32, #tpu.memory_space<vmem_shared>>)
    }
    %barrier3A_22 = arith.constant 0 : index
    tpu.barrier barrier_id(%barrier3A_22)
    %mul3A_23 = arith.constant 632 : i32
    %mul3A_24 = arith.muli %mul3A_23, %arg1 : i32
    %mul3A_25 = arith.constant 632 : i32
    %mul3A_26 = arith.muli %mul3A_25, %arg1 : i32
    "tpu.region"() ({
      %run_scoped3A = tpu.sem_alloc : memref<!tpu.dma_semaphore, #tpu.memory_space<semaphore_mem>>
      %dma_start3A = arith.constant 0 : i32
      %dma_start3A_27 = tpu.memref_slice %arg6[%arg0, %mul3A_26, %dma_start3A] : memref<2x10112x128xf32, #tpu.memory_space<hbm>> -> memref<1x632x128xf32, #tpu.memory_space<hbm>>
      %dma_start3A_28 = tpu.memref_squeeze %dma_start3A_27 : memref<1x632x128xf32, #tpu.memory_space<hbm>> -> memref<632x128xf32, #tpu.memory_space<hbm>>
      %dma_start3A_29 = arith.constant 0 : i32
      %dma_start3A_30 = tpu.memref_slice %arg7[%mul3A_24, %dma_start3A_29] : memref<10112x128xf32, #tpu.memory_space<vmem_shared>> -> memref<632x128xf32, #tpu.memory_space<vmem_shared>>
      tpu.enqueue_dma source(%dma_start3A_30 : memref<632x128xf32, #tpu.memory_space<vmem_shared>>) target(%dma_start3A_28 : memref<632x128xf32, #tpu.memory_space<hbm>>) target_semaphore(%run_scoped3A : memref<!tpu.dma_semaphore, #tpu.memory_space<semaphore_mem>>)
      %dma_wait3A = arith.constant 0 : i32
      %dma_wait3A_31 = tpu.memref_slice %arg6[%arg0, %mul3A_26, %dma_wait3A] : memref<2x10112x128xf32, #tpu.memory_space<hbm>> -> memref<1x632x128xf32, #tpu.memory_space<hbm>>
      %dma_wait3A_32 = tpu.memref_squeeze %dma_wait3A_31 : memref<1x632x128xf32, #tpu.memory_space<hbm>> -> memref<632x128xf32, #tpu.memory_space<hbm>>
      %dma_wait3A_33 = arith.constant 0 : i32
      %dma_wait3A_34 = tpu.memref_slice %arg7[%mul3A_24, %dma_wait3A_33] : memref<10112x128xf32, #tpu.memory_space<vmem_shared>> -> memref<632x128xf32, #tpu.memory_space<vmem_shared>>
      tpu.wait_dma2 semaphore(%run_scoped3A : memref<!tpu.dma_semaphore, #tpu.memory_space<semaphore_mem>>) src(%dma_wait3A_34 : memref<632x128xf32, #tpu.memory_space<vmem_shared>>) dst(%dma_wait3A_32 : memref<632x128xf32, #tpu.memory_space<hbm>>)
      tpu.yield
    }) : () -> ()
    return
  }
}

module attributes {stable_mosaic.version = 14 : i64} {
  func.func @_tc_a_body(%arg0: i32, %arg1: memref<1264x128xf32, #tpu.memory_space<vmem>>, %arg2: memref<128x128xf32, #tpu.memory_space<vmem>>, %arg3: memref<2x1264x128xf32, #tpu.memory_space<vmem>>, %arg4: memref<1264x128xf32, #tpu.memory_space<vmem>>) attributes {dimension_semantics = [#tpu.dimension_semantics<arbitrary>], iteration_bounds = array<i64: 8>, scalar_prefetch = 0 : i64, scratch_operands = 0 : i64, tpu.core_type = #tpu.core_type<tc>, window_params = [{transform_indices = @transform_0, window_bounds = array<i64: 1264, 128>}, {pipeline_mode = #tpu.pipeline_mode<synchronous>, transform_indices = @transform_1, window_bounds = array<i64: 128, 128>}, {transform_indices = @transform_2, window_bounds = array<i64: 2, 1264, 128>}, {transform_indices = @transform_3, window_bounds = array<i64: 1264, 128>}]} {
    %get3A = arith.constant 0 : index
    %get3A_0 = arith.constant 0 : index
    %get3A_1 = vector.load %arg1[%get3A, %get3A_0] : memref<1264x128xf32, #tpu.memory_space<vmem>>, vector<1264x128xf32>
    %get3A_2 = arith.constant 0 : index
    %get3A_3 = arith.constant 0 : index
    %get3A_4 = vector.load %arg2[%get3A_2, %get3A_3] : memref<128x128xf32, #tpu.memory_space<vmem>>, vector<128x128xf32>
    %dot_general3A = arith.constant dense<0.000000e+00> : vector<1264x128xf32>
    %dot_general3A_5 = tpu.matmul %get3A_1, %get3A_4, %dot_general3A {dimension_numbers = #tpu.dot_dimension_numbers<[1], [0], [0], [1], [0, 0, 1, 1], [], []>, transpose_lhs_hint = false} : vector<1264x128xf32>, vector<128x128xf32>, vector<1264x128xf32> -> vector<1264x128xf32>
    %get3A_6 = arith.constant 0 : index
    %get3A_7 = arith.constant 0 : index
    %get3A_8 = arith.constant 0 : index
    %get3A_9 = vector.load %arg3[%get3A_6, %get3A_7, %get3A_8] : memref<2x1264x128xf32, #tpu.memory_space<vmem>>, vector<1x1264x128xf32>
    %get3A_10 = vector.shape_cast %get3A_9 : vector<1x1264x128xf32> to vector<1264x128xf32>
    %reduce_max3A = arith.constant dense<0xFF800000> : vector<1264xf32>
    %reduce_max3A_11 = vector.multi_reduction <maximumf>, %get3A_10, %reduce_max3A [1] : vector<1264x128xf32> to vector<1264xf32>
    %get3A_12 = arith.constant 1 : index
    %get3A_13 = arith.constant 0 : index
    %get3A_14 = arith.constant 0 : index
    %get3A_15 = vector.load %arg3[%get3A_12, %get3A_13, %get3A_14] : memref<2x1264x128xf32, #tpu.memory_space<vmem>>, vector<1x1264x128xf32>
    %get3A_16 = vector.shape_cast %get3A_15 : vector<1x1264x128xf32> to vector<1264x128xf32>
    %reduce_max3A_17 = arith.constant dense<0xFF800000> : vector<1264xf32>
    %reduce_max3A_18 = vector.multi_reduction <maximumf>, %get3A_16, %reduce_max3A_17 [1] : vector<1264x128xf32> to vector<1264xf32>
    %add3A = arith.addf %reduce_max3A_11, %reduce_max3A_18 : vector<1264xf32>
    %add3A_19 = arith.constant 1.000000e+00 : f32
    %add3A_20 = vector.broadcast %add3A_19 : f32 to vector<1264xf32>
    %add3A_21 = arith.addf %add3A, %add3A_20 : vector<1264xf32>
    %rsqrt3A = math.rsqrt %add3A_21 : vector<1264xf32>
    %broadcast_in_dim3A = vector.shape_cast %rsqrt3A : vector<1264xf32> to vector<1264x1xf32>
    %mul3A = vector.broadcast %broadcast_in_dim3A : vector<1264x1xf32> to vector<1264x128xf32>
    %mul3A_22 = arith.mulf %dot_general3A_5, %mul3A : vector<1264x128xf32>
    %swap3A = arith.constant 0 : index
    %swap3A_23 = arith.constant 0 : index
    %swap3A_24 = vector.load %arg4[%swap3A, %swap3A_23] : memref<1264x128xf32, #tpu.memory_space<vmem>>, vector<1264x128xf32>
    tpu.vector_store %arg4[%swap3A, %swap3A_23], %mul3A_22 {strides = array<i32>} : memref<1264x128xf32, #tpu.memory_space<vmem>>, vector<1264x128xf32>,
    return
  }
  func.func @transform_0(%arg0: i32) -> (i32, i32) {
    %c0_i32 = arith.constant 0 : i32
    %c0_i32_0 = arith.constant 0 : i32
    return %arg0, %c0_i32 : i32, i32
  }
  func.func @transform_1(%arg0: i32) -> (i32, i32) {
    %c0_i32 = arith.constant 0 : i32
    %c0_i32_0 = arith.constant 0 : i32
    %c0_i32_1 = arith.constant 0 : i32
    return %c0_i32, %c0_i32_0 : i32, i32
  }
  func.func @transform_2(%arg0: i32) -> (i32, i32, i32) {
    %c0_i32 = arith.constant 0 : i32
    %c0_i32_0 = arith.constant 0 : i32
    %c0_i32_1 = arith.constant 0 : i32
    return %c0_i32, %arg0, %c0_i32_0 : i32, i32, i32
  }
  func.func @transform_3(%arg0: i32) -> (i32, i32) {
    %c0_i32 = arith.constant 0 : i32
    %c0_i32_0 = arith.constant 0 : i32
    return %arg0, %c0_i32 : i32, i32
  }
}

module attributes {stable_mosaic.version = 14 : i64} {
  func.func @_tc_b_body(%arg0: i32, %arg1: memref<2x1264x128xf32, #tpu.memory_space<vmem>>, %arg2: memref<1264x128xf32, #tpu.memory_space<vmem>>, %arg3: memref<2x1264x128xf32, #tpu.memory_space<vmem>>, %arg4: memref<1x128xf32, #tpu.memory_space<vmem>>, %arg5: memref<128x128xf32, #tpu.memory_space<vmem>>, %arg6: memref<1264x128xf32, #tpu.memory_space<vmem>>) attributes {dimension_semantics = [#tpu.dimension_semantics<arbitrary>], iteration_bounds = array<i64: 8>, scalar_prefetch = 0 : i64, scratch_operands = 0 : i64, tpu.core_type = #tpu.core_type<tc>, window_params = [{transform_indices = @transform_0, window_bounds = array<i64: 2, 1264, 128>}, {transform_indices = @transform_1, window_bounds = array<i64: 1264, 128>}, {transform_indices = @transform_2, window_bounds = array<i64: 2, 1264, 128>}, {pipeline_mode = #tpu.pipeline_mode<synchronous>, transform_indices = @transform_3, window_bounds = array<i64: 1, 128>}, {pipeline_mode = #tpu.pipeline_mode<synchronous>, transform_indices = @transform_4, window_bounds = array<i64: 128, 128>}, {transform_indices = @transform_5, window_bounds = array<i64: 1264, 128>}]} {
    %get3A = arith.constant 0 : index
    %get3A_0 = arith.constant 0 : index
    %get3A_1 = arith.constant 0 : index
    %get3A_2 = vector.load %arg3[%get3A, %get3A_0, %get3A_1] : memref<2x1264x128xf32, #tpu.memory_space<vmem>>, vector<1x1264x128xf32>
    %get3A_3 = vector.shape_cast %get3A_2 : vector<1x1264x128xf32> to vector<1264x128xf32>
    %reduce_max3A = arith.constant dense<0xFF800000> : vector<1264xf32>
    %reduce_max3A_4 = vector.multi_reduction <maximumf>, %get3A_3, %reduce_max3A [1] : vector<1264x128xf32> to vector<1264xf32>
    %get3A_5 = arith.constant 1 : index
    %get3A_6 = arith.constant 0 : index
    %get3A_7 = arith.constant 0 : index
    %get3A_8 = vector.load %arg3[%get3A_5, %get3A_6, %get3A_7] : memref<2x1264x128xf32, #tpu.memory_space<vmem>>, vector<1x1264x128xf32>
    %get3A_9 = vector.shape_cast %get3A_8 : vector<1x1264x128xf32> to vector<1264x128xf32>
    %reduce_max3A_10 = arith.constant dense<0xFF800000> : vector<1264xf32>
    %reduce_max3A_11 = vector.multi_reduction <maximumf>, %get3A_9, %reduce_max3A_10 [1] : vector<1264x128xf32> to vector<1264xf32>
    %add3A = arith.addf %reduce_max3A_4, %reduce_max3A_11 : vector<1264xf32>
    %add3A_12 = arith.constant 1.000000e+00 : f32
    %add3A_13 = vector.broadcast %add3A_12 : f32 to vector<1264xf32>
    %add3A_14 = arith.addf %add3A, %add3A_13 : vector<1264xf32>
    %rsqrt3A = math.rsqrt %add3A_14 : vector<1264xf32>
    %broadcast_in_dim3A = vector.shape_cast %rsqrt3A : vector<1264xf32> to vector<1264x1xf32>
    %get3A_15 = arith.constant 0 : index
    %get3A_16 = arith.constant 0 : index
    %get3A_17 = arith.constant 0 : index
    %get3A_18 = vector.load %arg1[%get3A_15, %get3A_16, %get3A_17] : memref<2x1264x128xf32, #tpu.memory_space<vmem>>, vector<1x1264x128xf32>
    %get3A_19 = vector.shape_cast %get3A_18 : vector<1x1264x128xf32> to vector<1264x128xf32>
    %get3A_20 = arith.constant 1 : index
    %get3A_21 = arith.constant 0 : index
    %get3A_22 = arith.constant 0 : index
    %get3A_23 = vector.load %arg1[%get3A_20, %get3A_21, %get3A_22] : memref<2x1264x128xf32, #tpu.memory_space<vmem>>, vector<1x1264x128xf32>
    %get3A_24 = vector.shape_cast %get3A_23 : vector<1x1264x128xf32> to vector<1264x128xf32>
    %add3A_25 = arith.addf %get3A_19, %get3A_24 : vector<1264x128xf32>
    %get3A_26 = arith.constant 0 : index
    %get3A_27 = arith.constant 0 : index
    %get3A_28 = vector.load %arg2[%get3A_26, %get3A_27] : memref<1264x128xf32, #tpu.memory_space<vmem>>, vector<1264x128xf32>
    %add3A_29 = arith.addf %add3A_25, %get3A_28 : vector<1264x128xf32>
    %mul3A = vector.broadcast %broadcast_in_dim3A : vector<1264x1xf32> to vector<1264x128xf32>
    %mul3A_30 = arith.mulf %add3A_29, %mul3A : vector<1264x128xf32>
    %get3A_31 = arith.constant 0 : index
    %get3A_32 = arith.constant 0 : index
    %get3A_33 = vector.load %arg4[%get3A_31, %get3A_32] : memref<1x128xf32, #tpu.memory_space<vmem>>, vector<1x128xf32>
    %add3A_34 = vector.broadcast %get3A_33 : vector<1x128xf32> to vector<1264x128xf32>
    %add3A_35 = arith.addf %mul3A_30, %add3A_34 : vector<1264x128xf32>
    %max3A = arith.constant 0.000000e+00 : f32
    %max3A_36 = vector.broadcast %max3A : f32 to vector<1264x128xf32>
    %max3A_37 = arith.maximumf %add3A_35, %max3A_36 : vector<1264x128xf32>
    %get3A_38 = arith.constant 0 : index
    %get3A_39 = arith.constant 0 : index
    %get3A_40 = vector.load %arg5[%get3A_38, %get3A_39] : memref<128x128xf32, #tpu.memory_space<vmem>>, vector<128x128xf32>
    %dot_general3A = arith.constant dense<0.000000e+00> : vector<1264x128xf32>
    %dot_general3A_41 = tpu.matmul %max3A_37, %get3A_40, %dot_general3A {dimension_numbers = #tpu.dot_dimension_numbers<[1], [0], [0], [1], [0, 0, 1, 1], [], []>, transpose_lhs_hint = false} : vector<1264x128xf32>, vector<128x128xf32>, vector<1264x128xf32> -> vector<1264x128xf32>
    %mul3A_42 = vector.broadcast %broadcast_in_dim3A : vector<1264x1xf32> to vector<1264x128xf32>
    %mul3A_43 = arith.mulf %dot_general3A_41, %mul3A_42 : vector<1264x128xf32>
    %swap3A = arith.constant 0 : index
    %swap3A_44 = arith.constant 0 : index
    %swap3A_45 = vector.load %arg6[%swap3A, %swap3A_44] : memref<1264x128xf32, #tpu.memory_space<vmem>>, vector<1264x128xf32>
    tpu.vector_store %arg6[%swap3A, %swap3A_44], %mul3A_43 {strides = array<i32>} : memref<1264x128xf32, #tpu.memory_space<vmem>>, vector<1264x128xf32>,
    return
  }
  func.func @transform_0(%arg0: i32) -> (i32, i32, i32) {
    %c0_i32 = arith.constant 0 : i32
    %c0_i32_0 = arith.constant 0 : i32
    %c0_i32_1 = arith.constant 0 : i32
    return %c0_i32, %arg0, %c0_i32_0 : i32, i32, i32
  }
  func.func @transform_1(%arg0: i32) -> (i32, i32) {
    %c0_i32 = arith.constant 0 : i32
    %c0_i32_0 = arith.constant 0 : i32
    return %arg0, %c0_i32 : i32, i32
  }
  func.func @transform_2(%arg0: i32) -> (i32, i32, i32) {
    %c0_i32 = arith.constant 0 : i32
    %c0_i32_0 = arith.constant 0 : i32
    %c0_i32_1 = arith.constant 0 : i32
    return %c0_i32, %arg0, %c0_i32_0 : i32, i32, i32
  }
  func.func @transform_3(%arg0: i32) -> (i32, i32) {
    %c0_i32 = arith.constant 0 : i32
    %c0_i32_0 = arith.constant 0 : i32
    %c0_i32_1 = arith.constant 0 : i32
    return %c0_i32, %c0_i32_0 : i32, i32
  }
  func.func @transform_4(%arg0: i32) -> (i32, i32) {
    %c0_i32 = arith.constant 0 : i32
    %c0_i32_0 = arith.constant 0 : i32
    %c0_i32_1 = arith.constant 0 : i32
    return %c0_i32, %c0_i32_0 : i32, i32
  }
  func.func @transform_5(%arg0: i32) -> (i32, i32) {
    %c0_i32 = arith.constant 0 : i32
    %c0_i32_0 = arith.constant 0 : i32
    return %arg0, %c0_i32 : i32, i32
  }
}

module attributes {stable_mosaic.version = 14 : i64} {
  func.func @_tc_c_body(%arg0: i32, %arg1: memref<2x1264x128xf32, #tpu.memory_space<vmem>>, %arg2: memref<1264x128xf32, #tpu.memory_space<vmem>>, %arg3: memref<2x1264x128xf32, #tpu.memory_space<vmem>>, %arg4: memref<1x128xf32, #tpu.memory_space<vmem>>, %arg5: memref<128x64xf32, #tpu.memory_space<vmem>>, %arg6: memref<1x64xf32, #tpu.memory_space<vmem>>, %arg7: memref<1x64xf32, #tpu.memory_space<vmem>>, %arg8: memref<1x128xf32, #tpu.memory_space<vmem>>) attributes {dimension_semantics = [#tpu.dimension_semantics<arbitrary>], iteration_bounds = array<i64: 8>, scalar_prefetch = 0 : i64, scratch_operands = 1 : i64, tpu.core_type = #tpu.core_type<tc>, window_params = [{transform_indices = @transform_0, window_bounds = array<i64: 2, 1264, 128>}, {transform_indices = @transform_1, window_bounds = array<i64: 1264, 128>}, {transform_indices = @transform_2, window_bounds = array<i64: 2, 1264, 128>}, {pipeline_mode = #tpu.pipeline_mode<synchronous>, transform_indices = @transform_3, window_bounds = array<i64: 1, 128>}, {pipeline_mode = #tpu.pipeline_mode<synchronous>, transform_indices = @transform_4, window_bounds = array<i64: 128, 64>}, {pipeline_mode = #tpu.pipeline_mode<synchronous>, transform_indices = @transform_5, window_bounds = array<i64: 1, 64>}, {pipeline_mode = #tpu.pipeline_mode<synchronous>, transform_indices = @transform_6, window_bounds = array<i64: 1, 64>}]} {
    %eq3A = arith.constant 0 : i32
    %eq3A_0 = arith.cmpi eq, %arg0, %eq3A : i32
    %convert_element_type3A = arith.extui %eq3A_0 : i1 to i32
    %cond3A = arith.constant 0 : i32
    %cond3A_1 = arith.cmpi ne, %convert_element_type3A, %cond3A : i32
    scf.if %cond3A_1 {
      %broadcast_in_dim3A_62 = arith.constant 0.000000e+00 : f32
      %broadcast_in_dim3A_63 = vector.broadcast %broadcast_in_dim3A_62 : f32 to vector<1x128xf32>
      %swap3A_64 = arith.constant 0 : index
      %swap3A_65 = arith.constant 0 : index
      %swap3A_66 = vector.load %arg8[%swap3A_64, %swap3A_65] : memref<1x128xf32, #tpu.memory_space<vmem>>, vector<1x128xf32>
      tpu.vector_store %arg8[%swap3A_64, %swap3A_65], %broadcast_in_dim3A_63 {strides = array<i32>} : memref<1x128xf32, #tpu.memory_space<vmem>>, vector<1x128xf32>,
    } else {
    }
    %get3A = arith.constant 0 : index
    %get3A_2 = arith.constant 0 : index
    %get3A_3 = arith.constant 0 : index
    %get3A_4 = vector.load %arg3[%get3A, %get3A_2, %get3A_3] : memref<2x1264x128xf32, #tpu.memory_space<vmem>>, vector<1x1264x128xf32>
    %get3A_5 = vector.shape_cast %get3A_4 : vector<1x1264x128xf32> to vector<1264x128xf32>
    %reduce_max3A = arith.constant dense<0xFF800000> : vector<1264xf32>
    %reduce_max3A_6 = vector.multi_reduction <maximumf>, %get3A_5, %reduce_max3A [1] : vector<1264x128xf32> to vector<1264xf32>
    %get3A_7 = arith.constant 1 : index
    %get3A_8 = arith.constant 0 : index
    %get3A_9 = arith.constant 0 : index
    %get3A_10 = vector.load %arg3[%get3A_7, %get3A_8, %get3A_9] : memref<2x1264x128xf32, #tpu.memory_space<vmem>>, vector<1x1264x128xf32>
    %get3A_11 = vector.shape_cast %get3A_10 : vector<1x1264x128xf32> to vector<1264x128xf32>
    %reduce_max3A_12 = arith.constant dense<0xFF800000> : vector<1264xf32>
    %reduce_max3A_13 = vector.multi_reduction <maximumf>, %get3A_11, %reduce_max3A_12 [1] : vector<1264x128xf32> to vector<1264xf32>
    %add3A = arith.addf %reduce_max3A_6, %reduce_max3A_13 : vector<1264xf32>
    %add3A_14 = arith.constant 1.000000e+00 : f32
    %add3A_15 = vector.broadcast %add3A_14 : f32 to vector<1264xf32>
    %add3A_16 = arith.addf %add3A, %add3A_15 : vector<1264xf32>
    %rsqrt3A = math.rsqrt %add3A_16 : vector<1264xf32>
    %broadcast_in_dim3A = vector.shape_cast %rsqrt3A : vector<1264xf32> to vector<1264x1xf32>
    %get3A_17 = arith.constant 0 : index
    %get3A_18 = arith.constant 0 : index
    %get3A_19 = arith.constant 0 : index
    %get3A_20 = vector.load %arg1[%get3A_17, %get3A_18, %get3A_19] : memref<2x1264x128xf32, #tpu.memory_space<vmem>>, vector<1x1264x128xf32>
    %get3A_21 = vector.shape_cast %get3A_20 : vector<1x1264x128xf32> to vector<1264x128xf32>
    %get3A_22 = arith.constant 1 : index
    %get3A_23 = arith.constant 0 : index
    %get3A_24 = arith.constant 0 : index
    %get3A_25 = vector.load %arg1[%get3A_22, %get3A_23, %get3A_24] : memref<2x1264x128xf32, #tpu.memory_space<vmem>>, vector<1x1264x128xf32>
    %get3A_26 = vector.shape_cast %get3A_25 : vector<1x1264x128xf32> to vector<1264x128xf32>
    %add3A_27 = arith.addf %get3A_21, %get3A_26 : vector<1264x128xf32>
    %get3A_28 = arith.constant 0 : index
    %get3A_29 = arith.constant 0 : index
    %get3A_30 = vector.load %arg2[%get3A_28, %get3A_29] : memref<1264x128xf32, #tpu.memory_space<vmem>>, vector<1264x128xf32>
    %add3A_31 = arith.addf %add3A_27, %get3A_30 : vector<1264x128xf32>
    %mul3A = vector.broadcast %broadcast_in_dim3A : vector<1264x1xf32> to vector<1264x128xf32>
    %mul3A_32 = arith.mulf %add3A_31, %mul3A : vector<1264x128xf32>
    %get3A_33 = arith.constant 0 : index
    %get3A_34 = arith.constant 0 : index
    %get3A_35 = vector.load %arg4[%get3A_33, %get3A_34] : memref<1x128xf32, #tpu.memory_space<vmem>>, vector<1x128xf32>
    %add3A_36 = vector.broadcast %get3A_35 : vector<1x128xf32> to vector<1264x128xf32>
    %add3A_37 = arith.addf %mul3A_32, %add3A_36 : vector<1264x128xf32>
    %max3A = arith.constant 0.000000e+00 : f32
    %max3A_38 = vector.broadcast %max3A : f32 to vector<1264x128xf32>
    %max3A_39 = arith.maximumf %add3A_37, %max3A_38 : vector<1264x128xf32>
    %mul3A_40 = arith.constant 1264 : i32
    %mul3A_41 = arith.muli %arg0, %mul3A_40 : i32
    %iota3A = tpu.iota {dimensions = array<i32: 0>} : vector<1264x1xi32>
    %add3A_42 = vector.broadcast %mul3A_41 : i32 to vector<1264x1xi32>
    %add3A_43 = arith.addi %add3A_42, %iota3A : vector<1264x1xi32>
    %lt3A = arith.constant 10000 : i32
    %lt3A_44 = vector.broadcast %lt3A : i32 to vector<1264x1xi32>
    %lt3A_45 = arith.cmpi slt, %add3A_43, %lt3A_44 : vector<1264x1xi32>
    %jit3A = arith.constant 0.000000e+00 : f32
    %broadcast_in_dim3A_46 = vector.shape_cast %lt3A_45 : vector<1264x1xi1> to vector<1264x1xi1>
    %broadcast_in_dim3A_47 = vector.broadcast %broadcast_in_dim3A_46 : vector<1264x1xi1> to vector<1264x128xi1>
    %broadcast_in_dim3A_48 = vector.broadcast %jit3A : f32 to vector<1264x128xf32>
    %select_n3A = arith.select %broadcast_in_dim3A_47, %max3A_39, %broadcast_in_dim3A_48 : vector<1264x128xi1>, vector<1264x128xf32>
    %get3A_49 = arith.constant 0 : index
    %get3A_50 = arith.constant 0 : index
    %get3A_51 = vector.load %arg8[%get3A_49, %get3A_50] : memref<1x128xf32, #tpu.memory_space<vmem>>, vector<1x128xf32>
    %reduce_sum3A = arith.constant dense<0.000000e+00> : vector<128xf32>
    %reduce_sum3A_52 = vector.multi_reduction <add>, %select_n3A, %reduce_sum3A [0] : vector<1264x128xf32> to vector<128xf32>
    %broadcast_in_dim3A_53 = vector.shape_cast %reduce_sum3A_52 : vector<128xf32> to vector<1x128xf32>
    %add3A_54 = arith.addf %get3A_51, %broadcast_in_dim3A_53 : vector<1x128xf32>
    %swap3A = arith.constant 0 : index
    %swap3A_55 = arith.constant 0 : index
    %swap3A_56 = vector.load %arg8[%swap3A, %swap3A_55] : memref<1x128xf32, #tpu.memory_space<vmem>>, vector<1x128xf32>
    tpu.vector_store %arg8[%swap3A, %swap3A_55], %add3A_54 {strides = array<i32>} : memref<1x128xf32, #tpu.memory_space<vmem>>, vector<1x128xf32>,
    %eq3A_57 = arith.constant 7 : i32
    %eq3A_58 = arith.cmpi eq, %arg0, %eq3A_57 : i32
    %convert_element_type3A_59 = arith.extui %eq3A_58 : i1 to i32
    %cond3A_60 = arith.constant 0 : i32
    %cond3A_61 = arith.cmpi ne, %convert_element_type3A_59, %cond3A_60 : i32
    scf.if %cond3A_61 {
      %get3A_62 = arith.constant 0 : index
      %get3A_63 = arith.constant 0 : index
      %get3A_64 = vector.load %arg8[%get3A_62, %get3A_63] : memref<1x128xf32, #tpu.memory_space<vmem>>, vector<1x128xf32>
      %mul3A_65 = arith.constant 9.99999974E-5 : f32
      %mul3A_66 = vector.broadcast %mul3A_65 : f32 to vector<1x128xf32>
      %mul3A_67 = arith.mulf %get3A_64, %mul3A_66 : vector<1x128xf32>
      %get3A_68 = arith.constant 0 : index
      %get3A_69 = arith.constant 0 : index
      %get3A_70 = vector.load %arg5[%get3A_68, %get3A_69] : memref<128x64xf32, #tpu.memory_space<vmem>>, vector<128x64xf32>
      %dot_general3A = arith.constant dense<0.000000e+00> : vector<1x64xf32>
      %dot_general3A_71 = tpu.matmul %mul3A_67, %get3A_70, %dot_general3A {dimension_numbers = #tpu.dot_dimension_numbers<[1], [0], [0], [1], [0, 0, 1, 1], [], []>, transpose_lhs_hint = false} : vector<1x128xf32>, vector<128x64xf32>, vector<1x64xf32> -> vector<1x64xf32>
      %get3A_72 = arith.constant 0 : index
      %get3A_73 = arith.constant 0 : index
      %get3A_74 = vector.load %arg6[%get3A_72, %get3A_73] : memref<1x64xf32, #tpu.memory_space<vmem>>, vector<1x64xf32>
      %add3A_75 = arith.addf %dot_general3A_71, %get3A_74 : vector<1x64xf32>
      %swap3A_76 = arith.constant 0 : index
      %swap3A_77 = arith.constant 0 : index
      %swap3A_78 = vector.load %arg7[%swap3A_76, %swap3A_77] : memref<1x64xf32, #tpu.memory_space<vmem>>, vector<1x64xf32>
      tpu.vector_store %arg7[%swap3A_76, %swap3A_77], %add3A_75 {strides = array<i32>} : memref<1x64xf32, #tpu.memory_space<vmem>>, vector<1x64xf32>,
    } else {
    }
    return
  }
  func.func @transform_0(%arg0: i32) -> (i32, i32, i32) {
    %c0_i32 = arith.constant 0 : i32
    %c0_i32_0 = arith.constant 0 : i32
    %c0_i32_1 = arith.constant 0 : i32
    return %c0_i32, %arg0, %c0_i32_0 : i32, i32, i32
  }
  func.func @transform_1(%arg0: i32) -> (i32, i32) {
    %c0_i32 = arith.constant 0 : i32
    %c0_i32_0 = arith.constant 0 : i32
    return %arg0, %c0_i32 : i32, i32
  }
  func.func @transform_2(%arg0: i32) -> (i32, i32, i32) {
    %c0_i32 = arith.constant 0 : i32
    %c0_i32_0 = arith.constant 0 : i32
    %c0_i32_1 = arith.constant 0 : i32
    return %c0_i32, %arg0, %c0_i32_0 : i32, i32, i32
  }
  func.func @transform_3(%arg0: i32) -> (i32, i32) {
    %c0_i32 = arith.constant 0 : i32
    %c0_i32_0 = arith.constant 0 : i32
    %c0_i32_1 = arith.constant 0 : i32
    return %c0_i32, %c0_i32_0 : i32, i32
  }
  func.func @transform_4(%arg0: i32) -> (i32, i32) {
    %c0_i32 = arith.constant 0 : i32
    %c0_i32_0 = arith.constant 0 : i32
    %c0_i32_1 = arith.constant 0 : i32
    return %c0_i32, %c0_i32_0 : i32, i32
  }
  func.func @transform_5(%arg0: i32) -> (i32, i32) {
    %c0_i32 = arith.constant 0 : i32
    %c0_i32_0 = arith.constant 0 : i32
    %c0_i32_1 = arith.constant 0 : i32
    return %c0_i32, %c0_i32_0 : i32, i32
  }
  func.func @transform_6(%arg0: i32) -> (i32, i32) {
    %c0_i32 = arith.constant 0 : i32
    %c0_i32_0 = arith.constant 0 : i32
    %c0_i32_1 = arith.constant 0 : i32
    return %c0_i32, %c0_i32_0 : i32, i32
  }
}

</mosaic_0001>

<sc_bundles>
// kernel: _run.11.cloned.1.call-start
scs
__scs_entry_jumppad:
0x0: {  	(pc) =	sbr.rel $0x88, $3  }
0x1: {  	(tag) =	ssettag $0x0;
	lr =	simm.s32 $0x1  }
0x2: {  	[smem:$0x3F99] =	sst lr;
	_ =	strace $0xD0000000  }
0x3: {  	_ = 	snop  }
0x4: {  	_ = 	snop  }
0x5: {  	_ = 	snop  }
0x6: {  	_ = 	snop  }
0x7: {  	_ = 	snop  }
__scs_overlays_trampoline_lowered:
0x8: {  	[smem:$0x3FA8] =	sst s0  }
0x9: {  	[smem:$0x3FA9] =	sst s1  }
0xa: {  	[smem:$0x3FAA] =	sst s2  }
0xb: {  	[smem:$0x3FAB] =	sst s3  }
0xc: {  	[smem:$0x3FAC] =	sst s4  }
0xd: {  	[smem:$0x3FAD] =	sst s5  }
0xe: {  	[smem:$0x3FAE] =	sst s6  }
0xf: {  	[smem:$0x3FAF] =	sst s7  }
0x10: {  	[smem:$0x3FB0] =	sst s8  }
0x11: {  	[smem:$0x3FB1] =	sst s9;
	s0 =	simm.s32 @!p0 $0x0  }
0x12: {  	s1 =	sld [smem:$0x3F97];
	s0 =	simm.s32 @p0 $0x1  }
0x13: {  	[smem:$0x3FB2] =	sst s0;
	s0 =	simm.s32 @!p1 $0x0  }
0x14: {  	s2 =	sld [smem:$0x3F96];
	s0 =	simm.s32 @p1 $0x1  }
0x15: {  	[smem:$0x3FB3] =	sst s0;
	s0 =	simm.s32 @!p2 $0x0  }
0x16: {  	s3 =	sld [smem:$0x3FDB];
	s0 =	simm.s32 @p2 $0x1  }
0x17: {  	s4 =	simm.s32 $0x1BF5;
	[smem:$0x3FB5] =	sst s0  }
0x18: {  	s0 =	sld [smem:$0x3F98];
	_ =	swait.ge [sflag:s4], $0x0  }
0x19: {  	s7 =	sld [smem:$0x3F99]  }
0x1a: {  	s8 =	sadd.s32 $0xFFFFE003, lr  }
0x1b: {  	s9 =	sadd.s32 $0xFFFFFEF7, lr;
	s5 =	simm.s32 $0xFFFFFFFF;
	p2 =	slt.u32 s8, $0xFFFFF086  }
0x1c: {  	p1 =	slt.u32 s9, $0xF7A;
	s5 =	simm.s32 @!p2 $0x0  }
0x1d: {  	s5 =	simm.s32 @p1 $0x1;
	p0 =	seq.s32 s7, s2  }
0x1e: {  	s7 =	smul.u32 @!p0 $0xF7A, s2;
	p2 =	seq.s32 @!p0 s5, $0x0  }
0x1f: {  	s9 =	smul.u32 $0xF7A, s1;
	s8 =	simm.s32 @!p0 $0x1BF5;
	p2 =	por !p2, p0  }
0x20: {  	[sflag:s8] =	ssyncset.s32 @!p0 $0xFFFFF086;
	s6 =	sadd.s32 @!p0 s3, s7;
	s7 =	simm.s32 @!p0 $0x108  }
0x21: {  	s3 =	sadd.s32 s3, s9;
	s6 =	sadd.s32 @!p0 $0x88, s6;
	s7 =	simm.s32 @p2 $0x1082  }
0x22: {  	[simem:s7], [sflag:s8] =	dma.local @!p0 [hbm:s6], $0xF7A  }
0x23: {  	s9 =	sor.u32 $0xD0000000, s2;
	s6 =	simm.s32 $0x108;
	_ =	swait.ge @!p0 [sflag:s8], $0x0  }
0x24: {  	s3 =	sadd.s32 $0x88, s3;
	s6 =	simm.s32 @!p1 $0x1082;
	[sflag:s4] =	ssyncset.s32 $0xFFFFF086  }
0x25: {  	[simem:s6], [sflag:s4] =	dma.local [hbm:s3], $0xF7A  }
0x26: {  	[smem:$0x3F99] =	sst s1;
	(tag) =	ssettag s2;
	_ =	strace s9  }
0x27: {  	s1 =	sld [smem:$0x3FA9]  }
0x28: {  	s2 =	sld [smem:$0x3FAA]  }
0x29: {  	s4 =	sld [smem:$0x3FAC]  }
0x2a: {  	p0 =	seq.s32 s5, $0x0;
	s5 =	sld [smem:$0x3FAD]  }
0x2b: {  	s6 =	sld [smem:$0x3FAE]  }
0x2c: {  	s7 =	sld [smem:$0x3FAF]  }
0x2d: {  	s3 =	simm.s32 $0x108;
	s8 =	sld [smem:$0x3FB0]  }
0x2e: {  	s3 =	simm.s32 @!p0 $0x1082;
	s9 =	sld [smem:$0x3FB1]  }
0x2f: {  	lr =	sadd.s32 s0, s3;
	s0 =	sld [smem:$0x3FA8]  }
0x30: {  	s3 =	sld [smem:$0x3FAB]  }
0x31: {  	[smem:$0x3FB4] =	sst s10  }
0x32: {  	s10 =	sld [smem:$0x3FB2];
	_ =	sdelay $0x3  }
0x33: {  	p0 =	seq.s32 s10, $0x1;
	s10 =	sld [smem:$0x3FB4];
	_ =	sdelay $0x3  }
0x34: {  	[smem:$0x3FB4] =	sst s10  }
0x35: {  	s10 =	sld [smem:$0x3FB3];
	_ =	sdelay $0x3  }
0x36: {  	p1 =	seq.s32 s10, $0x1;
	s10 =	sld [smem:$0x3FB4];
	_ =	sdelay $0x3  }
0x37: {  	[smem:$0x3FB4] =	sst s10  }
0x38: {  	s10 =	sld [smem:$0x3FB5]  }
0x39: {  	_ = 	snop;
	(pc) =	sbr.ind lr, $3  }
0x3a: {  	_ = 	snop  }
0x3b: {  	_ = 	snop  }
0x3c: {  	p2 =	seq.s32 s10, $0x1;
	s10 =	sld [smem:$0x3FB4]  }
0x3d: {  	_ =	shalt  }
0x3e: {  	_ =	shalt  }
0x3f: {  	_ =	shalt  }
0x40: {  	_ =	shalt  }
0x41: {  	_ =	shalt  }
0x42: {  	_ =	shalt  }
0x43: {  	_ =	shalt  }
0x44: {  	_ =	shalt  }
0x45: {  	_ =	shalt  }
0x46: {  	_ =	shalt  }
0x47: {  	_ =	shalt  }
0x48: {  	_ =	shalt  }
0x49: {  	_ =	shalt  }
0x4a: {  	_ =	shalt  }
0x4b: {  	_ =	shalt  }
0x4c: {  	_ =	shalt  }
0x4d: {  	_ =	shalt  }
0x4e: {  	_ =	shalt  }
0x4f: {  	_ =	shalt  }
0x50: {  	_ =	shalt  }
0x51: {  	_ =	shalt  }
0x52: {  	_ =	shalt  }
0x53: {  	_ =	shalt  }
0x54: {  	_ =	shalt  }
0x55: {  	_ =	shalt  }
0x56: {  	_ =	shalt  }
0x57: {  	_ =	shalt  }
0x58: {  	_ =	shalt  }
0x59: {  	_ =	shalt  }
0x5a: {  	_ =	shalt  }
0x5b: {  	_ =	shalt  }
0x5c: {  	_ =	shalt  }
0x5d: {  	_ =	shalt  }
0x5e: {  	_ =	shalt  }
0x5f: {  	_ =	shalt  }
0x60: {  	_ =	shalt  }
0x61: {  	_ =	shalt  }
0x62: {  	_ =	shalt  }
0x63: {  	_ =	shalt  }
0x64: {  	_ =	shalt  }
0x65: {  	_ =	shalt  }
0x66: {  	_ =	shalt  }
0x67: {  	_ =	shalt  }
0x68: {  	_ =	shalt  }
0x69: {  	_ =	shalt  }
0x6a: {  	_ =	shalt  }
0x6b: {  	_ =	shalt  }
0x6c: {  	_ =	shalt  }
0x6d: {  	_ =	shalt  }
0x6e: {  	_ =	shalt  }
0x6f: {  	_ =	shalt  }
0x70: {  	_ =	shalt  }
0x71: {  	_ =	shalt  }
0x72: {  	_ =	shalt  }
0x73: {  	_ =	shalt  }
0x74: {  	_ =	shalt  }
0x75: {  	_ =	shalt  }
0x76: {  	_ =	shalt  }
0x77: {  	_ =	shalt  }
0x78: {  	_ =	shalt  }
0x79: {  	_ =	shalt  }
0x7a: {  	_ =	shalt  }
0x7b: {  	_ =	shalt  }
0x7c: {  	_ =	shalt  }
0x7d: {  	_ =	shalt  }
0x7e: {  	_ =	shalt  }
0x7f: {  	_ =	shalt  }
0x80: {  	_ =	shalt  }
0x81: {  	_ =	shalt  }
0x82: {  	_ =	shalt  }
0x83: {  	_ =	shalt  }
0x84: {  	_ =	shalt  }
0x85: {  	_ =	shalt  }
0x86: {  	_ =	shalt  }
0x87: {  	_ =	shalt  }
.Lfunc_end0:
.L_simem_size_0:
called_computation.1_lowered:
.L_overlay_start_0:
0x88: {  	s2 =	sld [smem:$0x3FD9]  }
0x89: {  	s3 =	sld [smem:$0x3FFE];
	_ =	sdelay $0x1  }
0x8a: {  	s1 =	srdreg.scid  }
0x8b: {  	s0 =	sand.u32 $0x1, s1  }
0x8c: {  	s16 =	sshll.u32 s0, $0xA;
	s2 =	sadd.s32 s3, s2  }
0x8d: {  	s2 =	sadd.s32 s2, s16  }
0x8e: {  	[smem:$0x3FC0] =	sst s2  }
0x8f: {  	_ = 	snop  }
0x90: {  	(tm) =	ssettm $0x1  }
0x91: {  	s17 =	sld [smem:$0x3FFB];
	_ =	sdelay $0x3  }
0x92: {  	_ =	strace s17  }
0x93: {  	s2 =	sld [smem:$0x3FFC];
	_ =	sdelay $0x3  }
0x94: {  	_ =	strace s2  }
0x95: {  	s2 =	sld [smem:$0x3FFD];
	_ =	sdelay $0x3  }
0x96: {  	_ =	strace s2  }
0x97: {  	_ =	strace $0x8FFFFFFF  }
0x98: {  	s18 =	sld [smem:$0x3FDB];
	_ =	sdelay $0x1  }
0x99: {  	s19 =	simm.s32 $_scs_section_size  }
0x9a: {  	s4 =	simm.s32 $_size__tile_overlayer_lowered;
	s5 =	simm.s32 $_tile_overlayer_lowered  }
0x9b: {  	s22 =	simm.s32 $0x1BFF;
	s21 =	sshll.u32 s5, $0x1;
	s2 =	sadd.s32 s19, s18  }
0x9c: {  	s6 =	simm.s32 $0x0;
	s20 =	sshll.u32 s4, $0x1;
	s4 =	sadd.s32 s21, s2  }
0x9d: {  	[timem:s6], [sflag:s22] =	dma.local [hbm:s4], s20  }
0x9e: {  	_ =	swait.ge [sflag:s22], s20  }
0x9f: {  	s3 =	ssub.s32 $0x0, s20;
	[sflag:s22] =	ssyncset.done $0x0  }
0xa0: {  	[sflag:s22] =	ssyncadd.s32 s3;
	_ =	sdelay $0x1  }
0xa1: {  	s23 =	simm.s32 $0x1B8B  }
0xa2: {  	_ =	swait.ge [sflag:s23], $0x1  }
0xa3: {  	[sflag:s23] =	ssyncset.done $0x0  }
0xa4: {  	s25 =	simm.s32 $0x1B8E;
	s24 =	sld [smem:$0x3FFE];
	[sflag:s23] =	ssyncadd.s32 $0xFFFFFFFF  }
0xa5: {  	s26 =	simm.s32 $execute0_lowered;
	[smem:$0x3FD2] =	sst s25  }
0xa6: {  	s4 =	sshll.u32 s26, $0x1;
	_ =	strace $0x80000049;
	[dreg:$0x1] =	wrdreg $0xFFFFFFFF  }
0xa7: {  	s28 =	simm.s32 $_size_execute0_lowered;
	s2 =	sadd.s32 s2, s4;
	[dreg:$0x0] =	wrdreg $0x0  }
0xa8: {  	s4 =	sshll.u32 s28, $0x1;
	[dreg:$0x2] =	wrdreg s2  }
0xa9: {  	[dreg:$0x3] =	wrdreg s4  }
0xaa: {  	[dreg:$0x4] =	wrdreg $0xC0  }
0xab: {  	_ =	task [dreg:s6], $0x5FFFF  }
0xac: {  	[dreg:$0x1] =	wrdreg $0xFFFFFFFF  }
0xad: {  	[dreg:$0x0] =	wrdreg $0x60  }
0xae: {  	[dreg:$0x2] =	wrdreg s24  }
0xaf: {  	[dreg:$0x3] =	wrdreg $0x0  }
0xb0: {  	[dreg:$0x4] =	wrdreg $0x9  }
0xb1: {  	_ =	task.clear_ibuf [dreg:s6], $0x5FFFF;
	_ =	strace $0x90000049  }
0xb2: {  	s29 =	simm.s32 $0x9;
	_ =	strace $0x8000004B  }
0xb3: {  	_ =	swait.ge [sflag:s29], $0x1  }
0xb4: {  	[sflag:s29] =	ssyncadd.s32 $0xFFFFFFFF  }
0xb5: {  	_ =	strace $0x9000004B  }
0xb6: {  	_ =	sfence  }
0xb7: {  	s30 =	sld [smem:$0x0];
	_ =	sdelay $0x2  }
0xb8: {  	s31 =	sshll.u32 s1, $0xD;
	s1 =	sshrl.u32 s1, $0x2  }
0xb9: {  	s3 =	sand.u32 $0x4000, s31;
	s1 =	sadd.s32 s1, s30  }
0xba: {  	s0 =	sor.u32 s3, s0;
	s1 =	sshll.u32 s1, $0x11  }
0xbb: {  	s0 =	sor.u32 s1, s0  }
0xbc: {  	s0 =	sadd.s32 $0x8F2B, s0  }
0xbd: {  	[sflag:s0] =	ssyncadd.remote.s32 $0x1  }
0xbe: {  	_ =	sfence.sel $0xFFFF  }
0xbf: {  	[dreg:$0x0] =	wrdreg $0xFFFFFFFF;
	(pc) =	sbr.abs _section_cstart, $3  }
0xc0: {  	[dreg:$0x1] =	wrdreg $0xFFFFFFFF  }
0xc1: {  	_ =	task.clear_ibuf [dreg:s6], $0x2FFFF;
	_ =	strace $0x9FFFFFFF  }
0xc2: {  	(tm) =	ssettm $0x7FFFFFFF  }
0xc3: {  	_ =	shalt  }
tec
execute0_lowered:
.L_overlay_start_1:
0x0: {  	(tag) =	ssettag $0x1  }
0x1: {  	s0 =	rddreg [dreg:$0x0]  }
0x2: {  	s2 =	rddreg [dreg:$0x1];
	s10 =	stileid.u32;
	s3 =	simm.s32 $0x0  }
0x3: {  	s1 =	srdreg.scid;
	s11 =	simm.s32 $0x14480;
	s12 =	simm.s32 $0x13D00  }
0x4: {  	s14 =	simm.s32 $0x13D80;
	s15 =	simm.s32 $0x14500;
	s16 =	simm.s32 $0x14580  }
0x5: {  	s17 =	simm.s32 $0x13E00;
	s18 =	simm.s32 $0x13E80;
	[smem:$0x7FF] =	sst s3  }
0x6: {  	s19 =	simm.s32 $0x14600;
	_ =	strace $0x8000004A;
	[dreg:$0x6] =	wrdreg s11  }
0x7: {  	s20 =	simm.s32 $0x14680;
	s21 =	simm.s32 $0x13F00;
	[dreg:$0x7] =	wrdreg s12  }
0x8: {  	s22 =	simm.s32 $0x13F80;
	s23 =	simm.s32 $0x14700;
	[dreg:$0x8] =	wrdreg s14  }
0x9: {  	s24 =	simm.s32 $0x14780;
	s25 =	simm.s32 $0x14000;
	[dreg:$0x9] =	wrdreg s15  }
0xa: {  	s28 =	simm.s32 $0x14280;
	s29 =	simm.s32 $0x14A00;
	[dreg:$0xa] =	wrdreg s16  }
0xb: {  	s30 =	simm.s32 $0x14A80;
	s4 =	smul.u32 $0x2800, s10;
	[dreg:$0xb] =	wrdreg s17  }
0xc: {  	s31 =	simm.s32 $0x14300;
	s5 =	smul.u32 $0x13C00, s10;
	[dreg:$0xc] =	wrdreg s18  }
0xd: {  	s1 =	sand.u32 $0x1, s1;
	s8 =	smul.u32 $0x4F000, s10;
	[dreg:$0xd] =	wrdreg s19  }
0xe: {  	s13 =	sshll.u32 s10, $0x6;
	s10 =	simm.s32 $0x5;
	[dreg:$0xe] =	wrdreg s20  }
0xf: {  	p0 =	seq.s32 s1, $0x0;
	s7 =	smul.u32 $0x13C000, s1;
	[dreg:$0xf] =	wrdreg s21  }
0x10: {  	s1 =	ssub.s32 $0x2, s1;
	s11 =	simm.s32 $0x13C00;
	[dreg:$0x10] =	wrdreg s22  }
0x11: {  	s12 =	simm.s32 $0x14400;
	s14 =	simm.s32 $0x14C00;
	[dreg:$0x11] =	wrdreg s23  }
0x12: {  	s15 =	simm.s32 $0x18C00;
	s16 =	simm.s32 $0x1;
	[dreg:$0x12] =	wrdreg s24  }
0x13: {  	s17 =	simm.s32 $0x2;
	[dreg:$0x13] =	wrdreg s25;
	s18 =	simm.s32 $0x3  }
0x14: {  	s19 =	simm.s32 $0x4;
	s20 =	simm.s32 $0x14800;
	s21 =	simm.s32 $0x14880  }
0x15: {  	s22 =	simm.s32 $0x14100;
	s23 =	simm.s32 $0x14180;
	s24 =	simm.s32 $0x14900  }
0x16: {  	s6 =	sadd.s32 $0x28000, s4;
	s26 =	sshrl.u32 s1, $0x1;
	s8 =	sshrl.u32 s8, $0x2  }
0x17: {  	s6 =	smov.u32 @p0 s4;
	s4 =	sadd.s32 $0x8DE00, s0;
	s7 =	sadd.s32 s5, s7  }
0x18: {  	s5 =	sshrl.u32 s5, $0x3;
	s1 =	ssub.s32 s1, s26;
	s26 =	simm.s32 $0x14080  }
0x19: {  	s6 =	sshrl.u32 s6, $0x3;
	s7 =	sshrl.u32 s7, $0x3;
	s5 =	sadd.s32 s5, s0  }
0x1a: {  	s1 =	smax.u32 s1, $0x1;
	[dreg:$0x14] =	wrdreg s26;
	s6 =	sadd.s32 s6, s0  }
0x1b: {  	s0 =	sadd.s32 s7, s0;
	s5 =	sadd.s32 $0x16E00, s5;
	[dreg:$0x18] =	wrdreg s1  }
0x1c: {  	s7 =	sadd.s32 s8, s2;
	s8 =	sor.u32 $0x1C05, s13;
	[dreg:$0x15] =	wrdreg s5  }
0x1d: {  	s25 =	simm.s32 $0x14980;
	s9 =	sadd.s32 $0xCE00, s6;
	[dreg:$0x16] =	wrdreg s8  }
0x1e: {  	s26 =	simm.s32 $0x14200;
	s6 =	sadd.s32 $0x2E00, s6;
	[dreg:$0x3] =	wrdreg s9  }
0x1f: {  	s13 =	simm.s32 $0x80;
	s0 =	sadd.s32 $0xB5600, s0;
	[dreg:$0x4] =	wrdreg s6  }
0x20: {  	s1 =	simm.s32 $0x14B00;
	s7 =	sshrl.u32 s7, $0x3;
	[dreg:$0x17] =	wrdreg s0  }
0x21: {  	s5 =	simm.s32 $0x14B80;
	s9 =	simm.s32 $0x13C80;
	[dreg:$0x19] =	wrdreg s7  }
0x22: {  	s0 =	simm.s32 $0x14380;
	[dreg:$0x5] =	wrdreg s9;
	s9 =	simm.s32 $0x0  }
.LBB2_1:
0x23: {  	[dreg:$0x1a] =	wrdreg s9  }
0x24: {  	s6 =	rddreg [dreg:$0x15]  }
0x25: {  	[spmem:s7], [sflag:s8] =	dma.local [hbm:s6], $0x2780  }
0x26: {  	_ =	swait.ge [sflag:s10], $0x2780  }
0x27: {  	[sflag:s10] =	ssyncset.done $0x0  }
0x28: {  	[sflag:s10] =	ssyncadd.s32 $0xFFFFD880  }
0x29: {  	[bflag:$0x0] =	sbarrier.arrive $0xFFFF  }
0x2a: {  	s7 =	rddreg [dreg:$0x4]  }
0x2b: {  	s6 =	sadd.s32 $0x0, s7  }
0x2c: {  	[tilespmem:s11], [sflag:$0x5] =	stream.linear.gather [hbm4b:s6+s3], $0x800, $0x38;
	[tilespmem:$0x1CC00] =	vst v63  }
0x2d: {  	_ =	swait.ge [sflag:s10], $0x800  }
0x2e: {  	s8 =	rddreg [dreg:$0x3];
	[sflag:s10] =	ssyncset.done $0x0  }
0x2f: {  	[sflag:s10] =	ssyncadd.s32 $0xFFFFF800;
	s6 =	sadd.s32 $0x0, s8  }
0x30: {  	[tilespmem:s12], [sflag:$0x5] =	stream.linear.gather [hbm4b:s6+s3], $0x800, $0x38;
	[tilespmem:$0x1CC00] =	vst v63  }
0x31: {  	_ =	swait.ge [sflag:s10], $0x800  }
0x32: {  	[sflag:s10] =	ssyncset.done $0x0  }
0x33: {  	[sflag:s10] =	ssyncadd.s32 $0xFFFFF800  }
0x34: {  	[tilespmem:s14], [sflag:$0x1] =	stream.indirect.gather [hbm4b:s4+s13], $0x80, s11, s13, $0xb8;
	[tilespmem:$0x1CC00] =	vst v63  }
0x35: {  	s9 =	rddreg [dreg:$0x5]  }
0x36: {  	[tilespmem:s15], [sflag:$0x2] =	stream.indirect.gather [hbm4b:s4+s13], $0x80, s9, s13, $0xb8;
	[tilespmem:$0x1CC00] =	vst v63  }
0x37: {  	_ =	swait.ge [sflag:s16], $0x4000  }
0x38: {  	[sflag:s16] =	ssyncset.done $0x0  }
0x39: {  	[sflag:s16] =	ssyncadd.s32 $0xFFFFC000  }
0x3a: {  	[spmem:s2] =	stream.indirect.scatter.add.f32 [tilespmem:s14], [sflag:$0x3], $0x80, s12, s13, $0xb8;
	[tilespmem:$0x1CC00] =	vst v63  }
0x3b: {  	_ =	swait.ge [sflag:s17], $0x4000  }
0x3c: {  	[sflag:s17] =	ssyncset.done $0x0  }
0x3d: {  	s7 =	rddreg [dreg:$0x6];
	[sflag:s17] =	ssyncadd.s32 $0xFFFFC000  }
0x3e: {  	[spmem:s2] =	stream.indirect.scatter.add.f32 [tilespmem:s15], [sflag:$0x4], $0x80, s7, s13, $0xb8;
	[tilespmem:$0x1CC00] =	vst v63  }
0x3f: {  	_ =	swait.ge [sflag:s18], $0x4000  }
0x40: {  	[sflag:s18] =	ssyncset.done $0x0  }
0x41: {  	s8 =	rddreg [dreg:$0x7];
	[sflag:s18] =	ssyncadd.s32 $0xFFFFC000  }
0x42: {  	[tilespmem:s14], [sflag:$0x1] =	stream.indirect.gather [hbm4b:s4+s13], $0x80, s8, s13, $0xb8;
	[tilespmem:$0x1CC00] =	vst v63  }
0x43: {  	_ =	swait.ge [sflag:s19], $0x4000  }
0x44: {  	[sflag:s19] =	ssyncset.done $0x0  }
0x45: {  	s9 =	rddreg [dreg:$0x8];
	[sflag:s19] =	ssyncadd.s32 $0xFFFFC000  }
0x46: {  	[tilespmem:s15], [sflag:$0x2] =	stream.indirect.gather [hbm4b:s4+s13], $0x80, s9, s13, $0xb8;
	[tilespmem:$0x1CC00] =	vst v63  }
0x47: {  	_ =	swait.ge [sflag:s16], $0x4000  }
0x48: {  	[sflag:s16] =	ssyncset.done $0x0  }
0x49: {  	s7 =	rddreg [dreg:$0x9];
	[sflag:s16] =	ssyncadd.s32 $0xFFFFC000  }
0x4a: {  	[spmem:s2] =	stream.indirect.scatter.add.f32 [tilespmem:s14], [sflag:$0x3], $0x80, s7, s13, $0xb8;
	[tilespmem:$0x1CC00] =	vst v63  }
0x4b: {  	_ =	swait.ge [sflag:s17], $0x4000  }
0x4c: {  	[sflag:s17] =	ssyncset.done $0x0  }
0x4d: {  	s8 =	rddreg [dreg:$0xa];
	[sflag:s17] =	ssyncadd.s32 $0xFFFFC000  }
0x4e: {  	[spmem:s2] =	stream.indirect.scatter.add.f32 [tilespmem:s15], [sflag:$0x4], $0x80, s8, s13, $0xb8;
	[tilespmem:$0x1CC00] =	vst v63  }
0x4f: {  	_ =	swait.ge [sflag:s18], $0x4000  }
0x50: {  	[sflag:s18] =	ssyncset.done $0x0  }
0x51: {  	s9 =	rddreg [dreg:$0xb];
	[sflag:s18] =	ssyncadd.s32 $0xFFFFC000  }
0x52: {  	[tilespmem:s14], [sflag:$0x1] =	stream.indirect.gather [hbm4b:s4+s13], $0x80, s9, s13, $0xb8;
	[tilespmem:$0x1CC00] =	vst v63  }
0x53: {  	_ =	swait.ge [sflag:s19], $0x4000  }
0x54: {  	[sflag:s19] =	ssyncset.done $0x0  }
0x55: {  	s7 =	rddreg [dreg:$0xc];
	[sflag:s19] =	ssyncadd.s32 $0xFFFFC000  }
0x56: {  	[tilespmem:s15], [sflag:$0x2] =	stream.indirect.gather [hbm4b:s4+s13], $0x80, s7, s13, $0xb8;
	[tilespmem:$0x1CC00] =	vst v63  }
0x57: {  	_ =	swait.ge [sflag:s16], $0x4000  }
0x58: {  	[sflag:s16] =	ssyncset.done $0x0  }
0x59: {  	s8 =	rddreg [dreg:$0xd];
	[sflag:s16] =	ssyncadd.s32 $0xFFFFC000  }
0x5a: {  	[spmem:s2] =	stream.indirect.scatter.add.f32 [tilespmem:s14], [sflag:$0x3], $0x80, s8, s13, $0xb8;
	[tilespmem:$0x1CC00] =	vst v63  }
0x5b: {  	_ =	swait.ge [sflag:s17], $0x4000  }
0x5c: {  	[sflag:s17] =	ssyncset.done $0x0  }
0x5d: {  	s9 =	rddreg [dreg:$0xe];
	[sflag:s17] =	ssyncadd.s32 $0xFFFFC000  }
0x5e: {  	[spmem:s2] =	stream.indirect.scatter.add.f32 [tilespmem:s15], [sflag:$0x4], $0x80, s9, s13, $0xb8;
	[tilespmem:$0x1CC00] =	vst v63  }
0x5f: {  	_ =	swait.ge [sflag:s18], $0x4000  }
0x60: {  	[sflag:s18] =	ssyncset.done $0x0  }
0x61: {  	s7 =	rddreg [dreg:$0xf];
	[sflag:s18] =	ssyncadd.s32 $0xFFFFC000  }
0x62: {  	[tilespmem:s14], [sflag:$0x1] =	stream.indirect.gather [hbm4b:s4+s13], $0x80, s7, s13, $0xb8;
	[tilespmem:$0x1CC00] =	vst v63  }
0x63: {  	_ =	swait.ge [sflag:s19], $0x4000  }
0x64: {  	[sflag:s19] =	ssyncset.done $0x0  }
0x65: {  	s8 =	rddreg [dreg:$0x10];
	[sflag:s19] =	ssyncadd.s32 $0xFFFFC000  }
0x66: {  	[tilespmem:s15], [sflag:$0x2] =	stream.indirect.gather [hbm4b:s4+s13], $0x80, s8, s13, $0xb8;
	[tilespmem:$0x1CC00] =	vst v63  }
0x67: {  	_ =	swait.ge [sflag:s16], $0x4000  }
0x68: {  	[sflag:s16] =	ssyncset.done $0x0  }
0x69: {  	s9 =	rddreg [dreg:$0x11];
	[sflag:s16] =	ssyncadd.s32 $0xFFFFC000  }
0x6a: {  	[spmem:s2] =	stream.indirect.scatter.add.f32 [tilespmem:s14], [sflag:$0x3], $0x80, s9, s13, $0xb8;
	[tilespmem:$0x1CC00] =	vst v63  }
0x6b: {  	_ =	swait.ge [sflag:s17], $0x4000  }
0x6c: {  	[sflag:s17] =	ssyncset.done $0x0  }
0x6d: {  	s7 =	rddreg [dreg:$0x12];
	[sflag:s17] =	ssyncadd.s32 $0xFFFFC000  }
0x6e: {  	[spmem:s2] =	stream.indirect.scatter.add.f32 [tilespmem:s15], [sflag:$0x4], $0x80, s7, s13, $0xb8;
	[tilespmem:$0x1CC00] =	vst v63  }
0x6f: {  	_ =	swait.ge [sflag:s18], $0x4000  }
0x70: {  	[sflag:s18] =	ssyncset.done $0x0  }
0x71: {  	s8 =	rddreg [dreg:$0x13];
	[sflag:s18] =	ssyncadd.s32 $0xFFFFC000  }
0x72: {  	[tilespmem:s14], [sflag:$0x1] =	stream.indirect.gather [hbm4b:s4+s13], $0x80, s8, s13, $0xb8;
	[tilespmem:$0x1CC00] =	vst v63  }
0x73: {  	_ =	swait.ge [sflag:s19], $0x4000  }
0x74: {  	[sflag:s19] =	ssyncset.done $0x0  }
0x75: {  	s9 =	rddreg [dreg:$0x14];
	[sflag:s19] =	ssyncadd.s32 $0xFFFFC000  }
0x76: {  	[tilespmem:s15], [sflag:$0x2] =	stream.indirect.gather [hbm4b:s4+s13], $0x80, s9, s13, $0xb8;
	[tilespmem:$0x1CC00] =	vst v63  }
0x77: {  	_ =	swait.ge [sflag:s16], $0x4000  }
0x78: {  	[sflag:s16] =	ssyncset.done $0x0  }
0x79: {  	[sflag:s16] =	ssyncadd.s32 $0xFFFFC000  }
0x7a: {  	[spmem:s2] =	stream.indirect.scatter.add.f32 [tilespmem:s14], [sflag:$0x3], $0x80, s20, s13, $0xb8;
	[tilespmem:$0x1CC00] =	vst v63  }
0x7b: {  	_ =	swait.ge [sflag:s17], $0x4000  }
0x7c: {  	[sflag:s17] =	ssyncset.done $0x0  }
0x7d: {  	[sflag:s17] =	ssyncadd.s32 $0xFFFFC000  }
0x7e: {  	[spmem:s2] =	stream.indirect.scatter.add.f32 [tilespmem:s15], [sflag:$0x4], $0x80, s21, s13, $0xb8;
	[tilespmem:$0x1CC00] =	vst v63  }
0x7f: {  	_ =	swait.ge [sflag:s18], $0x4000  }
0x80: {  	[sflag:s18] =	ssyncset.done $0x0  }
0x81: {  	[sflag:s18] =	ssyncadd.s32 $0xFFFFC000  }
0x82: {  	[tilespmem:s14], [sflag:$0x1] =	stream.indirect.gather [hbm4b:s4+s13], $0x80, s22, s13, $0xb8;
	[tilespmem:$0x1CC00] =	vst v63  }
0x83: {  	_ =	swait.ge [sflag:s19], $0x4000  }
0x84: {  	[sflag:s19] =	ssyncset.done $0x0  }
0x85: {  	[sflag:s19] =	ssyncadd.s32 $0xFFFFC000  }
0x86: {  	[tilespmem:s15], [sflag:$0x2] =	stream.indirect.gather [hbm4b:s4+s13], $0x80, s23, s13, $0xb8;
	[tilespmem:$0x1CC00] =	vst v63  }
0x87: {  	_ =	swait.ge [sflag:s16], $0x4000  }
0x88: {  	[sflag:s16] =	ssyncset.done $0x0  }
0x89: {  	[sflag:s16] =	ssyncadd.s32 $0xFFFFC000  }
0x8a: {  	[spmem:s2] =	stream.indirect.scatter.add.f32 [tilespmem:s14], [sflag:$0x3], $0x80, s24, s13, $0xb8;
	[tilespmem:$0x1CC00] =	vst v63  }
0x8b: {  	_ =	swait.ge [sflag:s17], $0x4000  }
0x8c: {  	[sflag:s17] =	ssyncset.done $0x0  }
0x8d: {  	[sflag:s17] =	ssyncadd.s32 $0xFFFFC000  }
0x8e: {  	[spmem:s2] =	stream.indirect.scatter.add.f32 [tilespmem:s15], [sflag:$0x4], $0x80, s25, s13, $0xb8;
	[tilespmem:$0x1CC00] =	vst v63  }
0x8f: {  	_ =	swait.ge [sflag:s18], $0x4000  }
0x90: {  	[sflag:s18] =	ssyncset.done $0x0  }
0x91: {  	[sflag:s18] =	ssyncadd.s32 $0xFFFFC000  }
0x92: {  	[tilespmem:s14], [sflag:$0x1] =	stream.indirect.gather [hbm4b:s4+s13], $0x80, s26, s13, $0xb8;
	[tilespmem:$0x1CC00] =	vst v63  }
0x93: {  	_ =	swait.ge [sflag:s19], $0x4000  }
0x94: {  	[sflag:s19] =	ssyncset.done $0x0  }
0x95: {  	[sflag:s19] =	ssyncadd.s32 $0xFFFFC000  }
0x96: {  	[tilespmem:s15], [sflag:$0x2] =	stream.indirect.gather [hbm4b:s4+s13], $0x80, s28, s13, $0xb8;
	[tilespmem:$0x1CC00] =	vst v63  }
0x97: {  	_ =	swait.ge [sflag:s16], $0x4000  }
0x98: {  	[sflag:s16] =	ssyncset.done $0x0  }
0x99: {  	[sflag:s16] =	ssyncadd.s32 $0xFFFFC000  }
0x9a: {  	[spmem:s2] =	stream.indirect.scatter.add.f32 [tilespmem:s14], [sflag:$0x3], $0x80, s29, s13, $0xb8;
	[tilespmem:$0x1CC00] =	vst v63  }
0x9b: {  	_ =	swait.ge [sflag:s17], $0x4000  }
0x9c: {  	[sflag:s17] =	ssyncset.done $0x0  }
0x9d: {  	[sflag:s17] =	ssyncadd.s32 $0xFFFFC000  }
0x9e: {  	[spmem:s2] =	stream.indirect.scatter.add.f32 [tilespmem:s15], [sflag:$0x4], $0x80, s30, s13, $0xb8;
	[tilespmem:$0x1CC00] =	vst v63  }
0x9f: {  	_ =	swait.ge [sflag:s18], $0x4000  }
0xa0: {  	[sflag:s18] =	ssyncset.done $0x0  }
0xa1: {  	[sflag:s18] =	ssyncadd.s32 $0xFFFFC000  }
0xa2: {  	[tilespmem:s14], [sflag:$0x1] =	stream.indirect.gather [hbm4b:s4+s13], $0x80, s31, s13, $0xb8;
	[tilespmem:$0x1CC00] =	vst v63  }
0xa3: {  	_ =	swait.ge [sflag:s19], $0x4000  }
0xa4: {  	[sflag:s19] =	ssyncset.done $0x0  }
0xa5: {  	[sflag:s19] =	ssyncadd.s32 $0xFFFFC000  }
0xa6: {  	[tilespmem:s15], [sflag:$0x2] =	stream.indirect.gather [hbm4b:s4+s13], $0x80, s0, s13, $0xb8;
	[tilespmem:$0x1CC00] =	vst v63  }
0xa7: {  	_ =	swait.ge [sflag:s16], $0x4000  }
0xa8: {  	[sflag:s16] =	ssyncset.done $0x0  }
0xa9: {  	[sflag:s16] =	ssyncadd.s32 $0xFFFFC000  }
0xaa: {  	[spmem:s2] =	stream.indirect.scatter.add.f32 [tilespmem:s14], [sflag:$0x3], $0x80, s1, s13, $0xb8;
	[tilespmem:$0x1CC00] =	vst v63  }
0xab: {  	_ =	swait.ge [sflag:s17], $0x4000  }
0xac: {  	[sflag:s17] =	ssyncset.done $0x0  }
0xad: {  	[sflag:s17] =	ssyncadd.s32 $0xFFFFC000  }
0xae: {  	[spmem:s2] =	stream.indirect.scatter.add.f32 [tilespmem:s15], [sflag:$0x4], $0x80, s5, s13, $0xb8;
	[tilespmem:$0x1CC00] =	vst v63  }
0xaf: {  	_ =	swait.ge [sflag:s18], $0x4000  }
0xb0: {  	[sflag:s18] =	ssyncset.done $0x0  }
0xb1: {  	[sflag:s18] =	ssyncadd.s32 $0xFFFFC000  }
0xb2: {  	s6 =	simm.s32 $0x200;
	_ =	swait.ge [sflag:s19], $0x4000  }
0xb3: {  	s8 =	simm.s32 $0x100;
	s9 =	rddreg [dreg:$0x4];
	[sflag:s19] =	ssyncset.done $0x0  }
.LBB2_2:
0xb4: {  	[sflag:s19] =	ssyncadd.s32 $0xFFFFC000;
	s9 =	sadd.s32 s8, s9  }
0xb5: {  	[tilespmem:s11], [sflag:$0x5] =	stream.linear.gather [hbm4b:s9+s3], $0x800, $0x38;
	[tilespmem:$0x1CC00] =	vst v63  }
0xb6: {  	_ =	swait.ge [sflag:s10], $0x800  }
0xb7: {  	s9 =	rddreg [dreg:$0x3];
	[sflag:s10] =	ssyncset.done $0x0  }
0xb8: {  	[sflag:s10] =	ssyncadd.s32 $0xFFFFF800;
	s9 =	sadd.s32 s8, s9  }
0xb9: {  	[tilespmem:s12], [sflag:$0x5] =	stream.linear.gather [hbm4b:s9+s3], $0x800, $0x38;
	[tilespmem:$0x1CC00] =	vst v63  }
0xba: {  	_ =	swait.ge [sflag:s10], $0x800  }
0xbb: {  	[sflag:s10] =	ssyncset.done $0x0  }
0xbc: {  	[sflag:s10] =	ssyncadd.s32 $0xFFFFF800  }
0xbd: {  	[tilespmem:s14], [sflag:$0x1] =	stream.indirect.gather [hbm4b:s4+s13], $0x80, s11, s13, $0xb8;
	[tilespmem:$0x1CC00] =	vst v63  }
0xbe: {  	s9 =	rddreg [dreg:$0x5]  }
0xbf: {  	[tilespmem:s15], [sflag:$0x2] =	stream.indirect.gather [hbm4b:s4+s13], $0x80, s9, s13, $0xb8;
	[tilespmem:$0x1CC00] =	vst v63  }
0xc0: {  	_ =	swait.ge [sflag:s16], $0x4000  }
0xc1: {  	[sflag:s16] =	ssyncset.done $0x0  }
0xc2: {  	[sflag:s16] =	ssyncadd.s32 $0xFFFFC000  }
0xc3: {  	[spmem:s2] =	stream.indirect.scatter.add.f32 [tilespmem:s14], [sflag:$0x3], $0x80, s12, s13, $0xb8;
	[tilespmem:$0x1CC00] =	vst v63  }
0xc4: {  	_ =	swait.ge [sflag:s17], $0x4000  }
0xc5: {  	[sflag:s17] =	ssyncset.done $0x0  }
0xc6: {  	s9 =	rddreg [dreg:$0x6];
	[sflag:s17] =	ssyncadd.s32 $0xFFFFC000  }
0xc7: {  	[spmem:s2] =	stream.indirect.scatter.add.f32 [tilespmem:s15], [sflag:$0x4], $0x80, s9, s13, $0xb8;
	[tilespmem:$0x1CC00] =	vst v63  }
0xc8: {  	_ =	swait.ge [sflag:s18], $0x4000  }
0xc9: {  	[sflag:s18] =	ssyncset.done $0x0  }
0xca: {  	s9 =	rddreg [dreg:$0x7];
	[sflag:s18] =	ssyncadd.s32 $0xFFFFC000  }
0xcb: {  	[tilespmem:s14], [sflag:$0x1] =	stream.indirect.gather [hbm4b:s4+s13], $0x80, s9, s13, $0xb8;
	[tilespmem:$0x1CC00] =	vst v63  }
0xcc: {  	_ =	swait.ge [sflag:s19], $0x4000  }
0xcd: {  	[sflag:s19] =	ssyncset.done $0x0  }
0xce: {  	s9 =	rddreg [dreg:$0x8];
	[sflag:s19] =	ssyncadd.s32 $0xFFFFC000  }
0xcf: {  	[tilespmem:s15], [sflag:$0x2] =	stream.indirect.gather [hbm4b:s4+s13], $0x80, s9, s13, $0xb8;
	[tilespmem:$0x1CC00] =	vst v63  }
0xd0: {  	_ =	swait.ge [sflag:s16], $0x4000  }
0xd1: {  	[sflag:s16] =	ssyncset.done $0x0  }
0xd2: {  	s9 =	rddreg [dreg:$0x9];
	[sflag:s16] =	ssyncadd.s32 $0xFFFFC000  }
0xd3: {  	[spmem:s2] =	stream.indirect.scatter.add.f32 [tilespmem:s14], [sflag:$0x3], $0x80, s9, s13, $0xb8;
	[tilespmem:$0x1CC00] =	vst v63  }
0xd4: {  	_ =	swait.ge [sflag:s17], $0x4000  }
0xd5: {  	[sflag:s17] =	ssyncset.done $0x0  }
0xd6: {  	s9 =	rddreg [dreg:$0xa];
	[sflag:s17] =	ssyncadd.s32 $0xFFFFC000  }
0xd7: {  	[spmem:s2] =	stream.indirect.scatter.add.f32 [tilespmem:s15], [sflag:$0x4], $0x80, s9, s13, $0xb8;
	[tilespmem:$0x1CC00] =	vst v63  }
0xd8: {  	_ =	swait.ge [sflag:s18], $0x4000  }
0xd9: {  	[sflag:s18] =	ssyncset.done $0x0  }
0xda: {  	s9 =	rddreg [dreg:$0xb];
	[sflag:s18] =	ssyncadd.s32 $0xFFFFC000  }
0xdb: {  	[tilespmem:s14], [sflag:$0x1] =	stream.indirect.gather [hbm4b:s4+s13], $0x80, s9, s13, $0xb8;
	[tilespmem:$0x1CC00] =	vst v63  }
0xdc: {  	_ =	swait.ge [sflag:s19], $0x4000  }
0xdd: {  	[sflag:s19] =	ssyncset.done $0x0  }
0xde: {  	s9 =	rddreg [dreg:$0xc];
	[sflag:s19] =	ssyncadd.s32 $0xFFFFC000  }
0xdf: {  	[tilespmem:s15], [sflag:$0x2] =	stream.indirect.gather [hbm4b:s4+s13], $0x80, s9, s13, $0xb8;
	[tilespmem:$0x1CC00] =	vst v63  }
0xe0: {  	_ =	swait.ge [sflag:s16], $0x4000  }
0xe1: {  	[sflag:s16] =	ssyncset.done $0x0  }
0xe2: {  	s9 =	rddreg [dreg:$0xd];
	[sflag:s16] =	ssyncadd.s32 $0xFFFFC000  }
0xe3: {  	[spmem:s2] =	stream.indirect.scatter.add.f32 [tilespmem:s14], [sflag:$0x3], $0x80, s9, s13, $0xb8;
	[tilespmem:$0x1CC00] =	vst v63  }
0xe4: {  	_ =	swait.ge [sflag:s17], $0x4000  }
0xe5: {  	[sflag:s17] =	ssyncset.done $0x0  }
0xe6: {  	s9 =	rddreg [dreg:$0xe];
	[sflag:s17] =	ssyncadd.s32 $0xFFFFC000  }
0xe7: {  	[spmem:s2] =	stream.indirect.scatter.add.f32 [tilespmem:s15], [sflag:$0x4], $0x80, s9, s13, $0xb8;
	[tilespmem:$0x1CC00] =	vst v63  }
0xe8: {  	_ =	swait.ge [sflag:s18], $0x4000  }
0xe9: {  	[sflag:s18] =	ssyncset.done $0x0  }
0xea: {  	s9 =	rddreg [dreg:$0xf];
	[sflag:s18] =	ssyncadd.s32 $0xFFFFC000  }
0xeb: {  	[tilespmem:s14], [sflag:$0x1] =	stream.indirect.gather [hbm4b:s4+s13], $0x80, s9, s13, $0xb8;
	[tilespmem:$0x1CC00] =	vst v63  }
0xec: {  	_ =	swait.ge [sflag:s19], $0x4000  }
0xed: {  	[sflag:s19] =	ssyncset.done $0x0  }
0xee: {  	s9 =	rddreg [dreg:$0x10];
	[sflag:s19] =	ssyncadd.s32 $0xFFFFC000  }
0xef: {  	[tilespmem:s15], [sflag:$0x2] =	stream.indirect.gather [hbm4b:s4+s13], $0x80, s9, s13, $0xb8;
	[tilespmem:$0x1CC00] =	vst v63  }
0xf0: {  	_ =	swait.ge [sflag:s16], $0x4000  }
0xf1: {  	[sflag:s16] =	ssyncset.done $0x0  }
0xf2: {  	s9 =	rddreg [dreg:$0x11];
	[sflag:s16] =	ssyncadd.s32 $0xFFFFC000  }
0xf3: {  	[spmem:s2] =	stream.indirect.scatter.add.f32 [tilespmem:s14], [sflag:$0x3], $0x80, s9, s13, $0xb8;
	[tilespmem:$0x1CC00] =	vst v63  }
0xf4: {  	_ =	swait.ge [sflag:s17], $0x4000  }
0xf5: {  	[sflag:s17] =	ssyncset.done $0x0  }
0xf6: {  	s9 =	rddreg [dreg:$0x12];
	[sflag:s17] =	ssyncadd.s32 $0xFFFFC000  }
0xf7: {  	[spmem:s2] =	stream.indirect.scatter.add.f32 [tilespmem:s15], [sflag:$0x4], $0x80, s9, s13, $0xb8;
	[tilespmem:$0x1CC00] =	vst v63  }
0xf8: {  	_ =	swait.ge [sflag:s18], $0x4000  }
0xf9: {  	[sflag:s18] =	ssyncset.done $0x0  }
0xfa: {  	s9 =	rddreg [dreg:$0x13];
	[sflag:s18] =	ssyncadd.s32 $0xFFFFC000  }
0xfb: {  	[tilespmem:s14], [sflag:$0x1] =	stream.indirect.gather [hbm4b:s4+s13], $0x80, s9, s13, $0xb8;
	[tilespmem:$0x1CC00] =	vst v63  }
0xfc: {  	_ =	swait.ge [sflag:s19], $0x4000  }
0xfd: {  	[sflag:s19] =	ssyncset.done $0x0  }
0xfe: {  	s9 =	rddreg [dreg:$0x14];
	[sflag:s19] =	ssyncadd.s32 $0xFFFFC000  }
0xff: {  	[tilespmem:s15], [sflag:$0x2] =	stream.indirect.gather [hbm4b:s4+s13], $0x80, s9, s13, $0xb8;
	[tilespmem:$0x1CC00] =	vst v63  }
0x100: {  	_ =	swait.ge [sflag:s16], $0x4000  }
0x101: {  	[sflag:s16] =	ssyncset.done $0x0  }
0x102: {  	[sflag:s16] =	ssyncadd.s32 $0xFFFFC000  }
0x103: {  	[spmem:s2] =	stream.indirect.scatter.add.f32 [tilespmem:s14], [sflag:$0x3], $0x80, s20, s13, $0xb8;
	[tilespmem:$0x1CC00] =	vst v63  }
0x104: {  	_ =	swait.ge [sflag:s17], $0x4000  }
0x105: {  	[sflag:s17] =	ssyncset.done $0x0  }
0x106: {  	[sflag:s17] =	ssyncadd.s32 $0xFFFFC000  }
0x107: {  	[spmem:s2] =	stream.indirect.scatter.add.f32 [tilespmem:s15], [sflag:$0x4], $0x80, s21, s13, $0xb8;
	[tilespmem:$0x1CC00] =	vst v63  }
0x108: {  	_ =	swait.ge [sflag:s18], $0x4000  }
0x109: {  	[sflag:s18] =	ssyncset.done $0x0  }
0x10a: {  	[sflag:s18] =	ssyncadd.s32 $0xFFFFC000  }
0x10b: {  	[tilespmem:s14], [sflag:$0x1] =	stream.indirect.gather [hbm4b:s4+s13], $0x80, s22, s13, $0xb8;
	[tilespmem:$0x1CC00] =	vst v63  }
0x10c: {  	_ =	swait.ge [sflag:s19], $0x4000  }
0x10d: {  	[sflag:s19] =	ssyncset.done $0x0  }
0x10e: {  	[sflag:s19] =	ssyncadd.s32 $0xFFFFC000  }
0x10f: {  	[tilespmem:s15], [sflag:$0x2] =	stream.indirect.gather [hbm4b:s4+s13], $0x80, s23, s13, $0xb8;
	[tilespmem:$0x1CC00] =	vst v63  }
0x110: {  	_ =	swait.ge [sflag:s16], $0x4000  }
0x111: {  	[sflag:s16] =	ssyncset.done $0x0  }
0x112: {  	[sflag:s16] =	ssyncadd.s32 $0xFFFFC000  }
0x113: {  	[spmem:s2] =	stream.indirect.scatter.add.f32 [tilespmem:s14], [sflag:$0x3], $0x80, s24, s13, $0xb8;
	[tilespmem:$0x1CC00] =	vst v63  }
0x114: {  	_ =	swait.ge [sflag:s17], $0x4000  }
0x115: {  	[sflag:s17] =	ssyncset.done $0x0  }
0x116: {  	[sflag:s17] =	ssyncadd.s32 $0xFFFFC000  }
0x117: {  	[spmem:s2] =	stream.indirect.scatter.add.f32 [tilespmem:s15], [sflag:$0x4], $0x80, s25, s13, $0xb8;
	[tilespmem:$0x1CC00] =	vst v63  }
0x118: {  	_ =	swait.ge [sflag:s18], $0x4000  }
0x119: {  	[sflag:s18] =	ssyncset.done $0x0  }
0x11a: {  	[sflag:s18] =	ssyncadd.s32 $0xFFFFC000  }
0x11b: {  	[tilespmem:s14], [sflag:$0x1] =	stream.indirect.gather [hbm4b:s4+s13], $0x80, s26, s13, $0xb8;
	[tilespmem:$0x1CC00] =	vst v63  }
0x11c: {  	_ =	swait.ge [sflag:s19], $0x4000  }
0x11d: {  	[sflag:s19] =	ssyncset.done $0x0  }
0x11e: {  	[sflag:s19] =	ssyncadd.s32 $0xFFFFC000  }
0x11f: {  	[tilespmem:s15], [sflag:$0x2] =	stream.indirect.gather [hbm4b:s4+s13], $0x80, s28, s13, $0xb8;
	[tilespmem:$0x1CC00] =	vst v63  }
0x120: {  	_ =	swait.ge [sflag:s16], $0x4000  }
0x121: {  	[sflag:s16] =	ssyncset.done $0x0  }
0x122: {  	[sflag:s16] =	ssyncadd.s32 $0xFFFFC000  }
0x123: {  	[spmem:s2] =	stream.indirect.scatter.add.f32 [tilespmem:s14], [sflag:$0x3], $0x80, s29, s13, $0xb8;
	[tilespmem:$0x1CC00] =	vst v63  }
0x124: {  	_ =	swait.ge [sflag:s17], $0x4000  }
0x125: {  	[sflag:s17] =	ssyncset.done $0x0  }
0x126: {  	[sflag:s17] =	ssyncadd.s32 $0xFFFFC000  }
0x127: {  	[spmem:s2] =	stream.indirect.scatter.add.f32 [tilespmem:s15], [sflag:$0x4], $0x80, s30, s13, $0xb8;
	[tilespmem:$0x1CC00] =	vst v63  }
0x128: {  	_ =	swait.ge [sflag:s18], $0x4000  }
0x129: {  	[sflag:s18] =	ssyncset.done $0x0  }
0x12a: {  	[sflag:s18] =	ssyncadd.s32 $0xFFFFC000  }
0x12b: {  	[tilespmem:s14], [sflag:$0x1] =	stream.indirect.gather [hbm4b:s4+s13], $0x80, s31, s13, $0xb8;
	[tilespmem:$0x1CC00] =	vst v63  }
0x12c: {  	_ =	swait.ge [sflag:s19], $0x4000  }
0x12d: {  	[sflag:s19] =	ssyncset.done $0x0  }
0x12e: {  	[sflag:s19] =	ssyncadd.s32 $0xFFFFC000  }
0x12f: {  	[tilespmem:s15], [sflag:$0x2] =	stream.indirect.gather [hbm4b:s4+s13], $0x80, s0, s13, $0xb8;
	[tilespmem:$0x1CC00] =	vst v63  }
0x130: {  	_ =	swait.ge [sflag:s16], $0x4000  }
0x131: {  	[sflag:s16] =	ssyncset.done $0x0  }
0x132: {  	[sflag:s16] =	ssyncadd.s32 $0xFFFFC000  }
0x133: {  	[spmem:s2] =	stream.indirect.scatter.add.f32 [tilespmem:s14], [sflag:$0x3], $0x80, s1, s13, $0xb8;
	[tilespmem:$0x1CC00] =	vst v63  }
0x134: {  	_ =	swait.ge [sflag:s17], $0x4000  }
0x135: {  	[sflag:s17] =	ssyncset.done $0x0  }
0x136: {  	p0 =	sne.s32 s6, $0x400;
	[sflag:s17] =	ssyncadd.s32 $0xFFFFC000  }
0x137: {  	[spmem:s2] =	stream.indirect.scatter.add.f32 [tilespmem:s15], [sflag:$0x4], $0x80, s5, s13, $0xb8;
	[tilespmem:$0x1CC00] =	vst v63  }
.Ltmp0:
0x138: {  	_ =	swait.ge [sflag:s18], $0x4000;
	(pc) =	sbr.rel @p0 .LBB2_2-.Ltmp0, $4  }
0x139: {  	[sflag:s18] =	ssyncset.done $0x0  }
0x13a: {  	[sflag:s18] =	ssyncadd.s32 $0xFFFFC000  }
0x13b: {  	s7 =	smov.u32 s6;
	s6 =	sadd.s32 $0x100, s6;
	_ =	swait.ge [sflag:s19], $0x4000  }
0x13c: {  	s8 =	smov.u32 s7;
	s9 =	rddreg [dreg:$0x4];
	[sflag:s19] =	ssyncset.done $0x0  }
0x13d: {  	[sflag:s19] =	ssyncadd.s32 $0xFFFFC000;
	s6 =	sadd.s32 s8, s9  }
0x13e: {  	[tilespmem:s11], [sflag:$0x5] =	stream.linear.gather [hbm4b:s6+s3], $0x800, $0x38;
	[tilespmem:$0x1CC00] =	vst v63  }
0x13f: {  	_ =	swait.ge [sflag:s10], $0x800  }
0x140: {  	s7 =	rddreg [dreg:$0x3];
	[sflag:s10] =	ssyncset.done $0x0  }
0x141: {  	s6 =	sadd.s32 s8, s7;
	[sflag:s10] =	ssyncadd.s32 $0xFFFFF800  }
0x142: {  	[tilespmem:s12], [sflag:$0x5] =	stream.linear.gather [hbm4b:s6+s3], $0x800, $0x38;
	[tilespmem:$0x1CC00] =	vst v63  }
0x143: {  	_ =	swait.ge [sflag:s10], $0x800  }
0x144: {  	[sflag:s10] =	ssyncset.done $0x0  }
0x145: {  	[sflag:s10] =	ssyncadd.s32 $0xFFFFF800  }
0x146: {  	[tilespmem:s14], [sflag:$0x1] =	stream.indirect.gather [hbm4b:s4+s13], $0x80, s11, s13, $0xb8;
	[tilespmem:$0x1CC00] =	vst v63  }
0x147: {  	s8 =	rddreg [dreg:$0x5]  }
0x148: {  	[tilespmem:s15], [sflag:$0x2] =	stream.indirect.gather [hbm4b:s4+s13], $0x80, s8, s13, $0xb8;
	[tilespmem:$0x1CC00] =	vst v63  }
0x149: {  	_ =	swait.ge [sflag:s16], $0x4000  }
0x14a: {  	[sflag:s16] =	ssyncset.done $0x0  }
0x14b: {  	[sflag:s16] =	ssyncadd.s32 $0xFFFFC000  }
0x14c: {  	[spmem:s2] =	stream.indirect.scatter.add.f32 [tilespmem:s14], [sflag:$0x3], $0x80, s12, s13, $0xb8;
	[tilespmem:$0x1CC00] =	vst v63  }
0x14d: {  	_ =	swait.ge [sflag:s17], $0x4000  }
0x14e: {  	[sflag:s17] =	ssyncset.done $0x0  }
0x14f: {  	s9 =	rddreg [dreg:$0x6];
	[sflag:s17] =	ssyncadd.s32 $0xFFFFC000  }
0x150: {  	[spmem:s2] =	stream.indirect.scatter.add.f32 [tilespmem:s15], [sflag:$0x4], $0x80, s9, s13, $0xb8;
	[tilespmem:$0x1CC00] =	vst v63  }
0x151: {  	_ =	swait.ge [sflag:s18], $0x4000  }
0x152: {  	[sflag:s18] =	ssyncset.done $0x0  }
0x153: {  	s7 =	rddreg [dreg:$0x7];
	[sflag:s18] =	ssyncadd.s32 $0xFFFFC000  }
0x154: {  	[tilespmem:s14], [sflag:$0x1] =	stream.indirect.gather [hbm4b:s4+s13], $0x80, s7, s13, $0xb8;
	[tilespmem:$0x1CC00] =	vst v63  }
0x155: {  	_ =	swait.ge [sflag:s19], $0x4000  }
0x156: {  	[sflag:s19] =	ssyncset.done $0x0  }
0x157: {  	s8 =	rddreg [dreg:$0x8];
	[sflag:s19] =	ssyncadd.s32 $0xFFFFC000  }
0x158: {  	[tilespmem:s15], [sflag:$0x2] =	stream.indirect.gather [hbm4b:s4+s13], $0x80, s8, s13, $0xb8;
	[tilespmem:$0x1CC00] =	vst v63  }
0x159: {  	_ =	swait.ge [sflag:s16], $0x4000  }
0x15a: {  	[sflag:s16] =	ssyncset.done $0x0  }
0x15b: {  	s9 =	rddreg [dreg:$0x9];
	[sflag:s16] =	ssyncadd.s32 $0xFFFFC000  }
0x15c: {  	[spmem:s2] =	stream.indirect.scatter.add.f32 [tilespmem:s14], [sflag:$0x3], $0x80, s9, s13, $0xb8;
	[tilespmem:$0x1CC00] =	vst v63  }
0x15d: {  	_ =	swait.ge [sflag:s17], $0x4000  }
0x15e: {  	[sflag:s17] =	ssyncset.done $0x0  }
0x15f: {  	s7 =	rddreg [dreg:$0xa];
	[sflag:s17] =	ssyncadd.s32 $0xFFFFC000  }
0x160: {  	[spmem:s2] =	stream.indirect.scatter.add.f32 [tilespmem:s15], [sflag:$0x4], $0x80, s7, s13, $0xb8;
	[tilespmem:$0x1CC00] =	vst v63  }
0x161: {  	_ =	swait.ge [sflag:s18], $0x4000  }
0x162: {  	[sflag:s18] =	ssyncset.done $0x0  }
0x163: {  	s8 =	rddreg [dreg:$0xb];
	[sflag:s18] =	ssyncadd.s32 $0xFFFFC000  }
0x164: {  	[tilespmem:s14], [sflag:$0x1] =	stream.indirect.gather [hbm4b:s4+s13], $0x80, s8, s13, $0xb8;
	[tilespmem:$0x1CC00] =	vst v63  }
0x165: {  	_ =	swait.ge [sflag:s19], $0x4000  }
0x166: {  	[sflag:s19] =	ssyncset.done $0x0  }
0x167: {  	s9 =	rddreg [dreg:$0xc];
	[sflag:s19] =	ssyncadd.s32 $0xFFFFC000  }
0x168: {  	[tilespmem:s15], [sflag:$0x2] =	stream.indirect.gather [hbm4b:s4+s13], $0x80, s9, s13, $0xb8;
	[tilespmem:$0x1CC00] =	vst v63  }
0x169: {  	_ =	swait.ge [sflag:s16], $0x4000  }
0x16a: {  	[sflag:s16] =	ssyncset.done $0x0  }
0x16b: {  	s7 =	rddreg [dreg:$0xd];
	[sflag:s16] =	ssyncadd.s32 $0xFFFFC000  }
0x16c: {  	[spmem:s2] =	stream.indirect.scatter.add.f32 [tilespmem:s14], [sflag:$0x3], $0x80, s7, s13, $0xb8;
	[tilespmem:$0x1CC00] =	vst v63  }
0x16d: {  	_ =	swait.ge [sflag:s17], $0x4000  }
0x16e: {  	[sflag:s17] =	ssyncset.done $0x0  }
0x16f: {  	s8 =	rddreg [dreg:$0xe];
	[sflag:s17] =	ssyncadd.s32 $0xFFFFC000  }
0x170: {  	[spmem:s2] =	stream.indirect.scatter.add.f32 [tilespmem:s15], [sflag:$0x4], $0x80, s8, s13, $0xb8;
	[tilespmem:$0x1CC00] =	vst v63  }
0x171: {  	_ =	swait.ge [sflag:s18], $0x4000  }
0x172: {  	[sflag:s18] =	ssyncset.done $0x0  }
0x173: {  	s9 =	rddreg [dreg:$0xf];
	[sflag:s18] =	ssyncadd.s32 $0xFFFFC000  }
0x174: {  	[tilespmem:s14], [sflag:$0x1] =	stream.indirect.gather [hbm4b:s4+s13], $0x80, s9, s13, $0xb8;
	[tilespmem:$0x1CC00] =	vst v63  }
0x175: {  	_ =	swait.ge [sflag:s19], $0x4000  }
0x176: {  	[sflag:s19] =	ssyncset.done $0x0  }
0x177: {  	s7 =	rddreg [dreg:$0x10];
	[sflag:s19] =	ssyncadd.s32 $0xFFFFC000  }
0x178: {  	[tilespmem:s15], [sflag:$0x2] =	stream.indirect.gather [hbm4b:s4+s13], $0x80, s7, s13, $0xb8;
	[tilespmem:$0x1CC00] =	vst v63  }
0x179: {  	_ =	swait.ge [sflag:s16], $0x4000  }
0x17a: {  	[sflag:s16] =	ssyncset.done $0x0  }
0x17b: {  	s8 =	rddreg [dreg:$0x11];
	[sflag:s16] =	ssyncadd.s32 $0xFFFFC000  }
0x17c: {  	[spmem:s2] =	stream.indirect.scatter.add.f32 [tilespmem:s14], [sflag:$0x3], $0x80, s8, s13, $0xb8;
	[tilespmem:$0x1CC00] =	vst v63  }
0x17d: {  	_ =	swait.ge [sflag:s17], $0x4000  }
0x17e: {  	[sflag:s17] =	ssyncset.done $0x0  }
0x17f: {  	s9 =	rddreg [dreg:$0x12];
	[sflag:s17] =	ssyncadd.s32 $0xFFFFC000  }
0x180: {  	[spmem:s2] =	stream.indirect.scatter.add.f32 [tilespmem:s15], [sflag:$0x4], $0x80, s9, s13, $0xb8;
	[tilespmem:$0x1CC00] =	vst v63  }
0x181: {  	_ =	swait.ge [sflag:s18], $0x4000  }
0x182: {  	[sflag:s18] =	ssyncset.done $0x0  }
0x183: {  	s7 =	rddreg [dreg:$0x13];
	[sflag:s18] =	ssyncadd.s32 $0xFFFFC000  }
0x184: {  	[tilespmem:s14], [sflag:$0x1] =	stream.indirect.gather [hbm4b:s4+s13], $0x80, s7, s13, $0xb8;
	[tilespmem:$0x1CC00] =	vst v63  }
0x185: {  	_ =	swait.ge [sflag:s19], $0x4000  }
0x186: {  	[sflag:s19] =	ssyncset.done $0x0  }
0x187: {  	s8 =	rddreg [dreg:$0x14];
	[sflag:s19] =	ssyncadd.s32 $0xFFFFC000  }
0x188: {  	[tilespmem:s15], [sflag:$0x2] =	stream.indirect.gather [hbm4b:s4+s13], $0x80, s8, s13, $0xb8;
	[tilespmem:$0x1CC00] =	vst v63  }
0x189: {  	_ =	swait.ge [sflag:s16], $0x4000  }
0x18a: {  	[sflag:s16] =	ssyncset.done $0x0  }
0x18b: {  	[sflag:s16] =	ssyncadd.s32 $0xFFFFC000  }
0x18c: {  	[spmem:s2] =	stream.indirect.scatter.add.f32 [tilespmem:s14], [sflag:$0x3], $0x80, s20, s13, $0xb8;
	[tilespmem:$0x1CC00] =	vst v63  }
0x18d: {  	_ =	swait.ge [sflag:s17], $0x4000  }
0x18e: {  	[sflag:s17] =	ssyncset.done $0x0  }
0x18f: {  	[sflag:s17] =	ssyncadd.s32 $0xFFFFC000  }
0x190: {  	[spmem:s2] =	stream.indirect.scatter.add.f32 [tilespmem:s15], [sflag:$0x4], $0x80, s21, s13, $0xb8;
	[tilespmem:$0x1CC00] =	vst v63  }
0x191: {  	_ =	swait.ge [sflag:s18], $0x4000  }
0x192: {  	[sflag:s18] =	ssyncset.done $0x0  }
0x193: {  	[sflag:s18] =	ssyncadd.s32 $0xFFFFC000  }
0x194: {  	[tilespmem:s14], [sflag:$0x1] =	stream.indirect.gather [hbm4b:s4+s13], $0x80, s22, s13, $0xb8;
	[tilespmem:$0x1CC00] =	vst v63  }
0x195: {  	_ =	swait.ge [sflag:s19], $0x4000  }
0x196: {  	[sflag:s19] =	ssyncset.done $0x0  }
0x197: {  	[sflag:s19] =	ssyncadd.s32 $0xFFFFC000  }
0x198: {  	[tilespmem:s15], [sflag:$0x2] =	stream.indirect.gather [hbm4b:s4+s13], $0x80, s23, s13, $0xb8;
	[tilespmem:$0x1CC00] =	vst v63  }
0x199: {  	_ =	swait.ge [sflag:s16], $0x4000  }
0x19a: {  	[sflag:s16] =	ssyncset.done $0x0  }
0x19b: {  	[sflag:s16] =	ssyncadd.s32 $0xFFFFC000  }
0x19c: {  	[spmem:s2] =	stream.indirect.scatter.add.f32 [tilespmem:s14], [sflag:$0x3], $0x80, s24, s13, $0xb8;
	[tilespmem:$0x1CC00] =	vst v63  }
0x19d: {  	_ =	swait.ge [sflag:s17], $0x4000  }
0x19e: {  	[sflag:s17] =	ssyncset.done $0x0  }
0x19f: {  	[sflag:s17] =	ssyncadd.s32 $0xFFFFC000  }
0x1a0: {  	[spmem:s2] =	stream.indirect.scatter.add.f32 [tilespmem:s15], [sflag:$0x4], $0x80, s25, s13, $0xb8;
	[tilespmem:$0x1CC00] =	vst v63  }
0x1a1: {  	_ =	swait.ge [sflag:s18], $0x4000  }
0x1a2: {  	[sflag:s18] =	ssyncset.done $0x0  }
0x1a3: {  	[sflag:s18] =	ssyncadd.s32 $0xFFFFC000  }
0x1a4: {  	[tilespmem:s14], [sflag:$0x1] =	stream.indirect.gather [hbm4b:s4+s13], $0x80, s26, s13, $0xb8;
	[tilespmem:$0x1CC00] =	vst v63  }
0x1a5: {  	_ =	swait.ge [sflag:s19], $0x4000  }
0x1a6: {  	[sflag:s19] =	ssyncset.done $0x0  }
0x1a7: {  	[sflag:s19] =	ssyncadd.s32 $0xFFFFC000  }
0x1a8: {  	[tilespmem:s15], [sflag:$0x2] =	stream.indirect.gather [hbm4b:s4+s13], $0x80, s28, s13, $0xb8;
	[tilespmem:$0x1CC00] =	vst v63  }
0x1a9: {  	_ =	swait.ge [sflag:s16], $0x4000  }
0x1aa: {  	[sflag:s16] =	ssyncset.done $0x0  }
0x1ab: {  	[sflag:s16] =	ssyncadd.s32 $0xFFFFC000  }
0x1ac: {  	[spmem:s2] =	stream.indirect.scatter.add.f32 [tilespmem:s14], [sflag:$0x3], $0x80, s29, s13, $0xb8;
	[tilespmem:$0x1CC00] =	vst v63  }
0x1ad: {  	_ =	swait.ge [sflag:s17], $0x4000  }
0x1ae: {  	[sflag:s17] =	ssyncset.done $0x0  }
0x1af: {  	[sflag:s17] =	ssyncadd.s32 $0xFFFFC000  }
0x1b0: {  	[spmem:s2] =	stream.indirect.scatter.add.f32 [tilespmem:s15], [sflag:$0x4], $0x80, s30, s13, $0xb8;
	[tilespmem:$0x1CC00] =	vst v63  }
0x1b1: {  	_ =	swait.ge [sflag:s18], $0x4000  }
0x1b2: {  	[sflag:s18] =	ssyncset.done $0x0  }
0x1b3: {  	[sflag:s18] =	ssyncadd.s32 $0xFFFFC000  }
0x1b4: {  	[tilespmem:s14], [sflag:$0x1] =	stream.indirect.gather [hbm4b:s4+s13], $0x80, s31, s13, $0xb8;
	[tilespmem:$0x1CC00] =	vst v63  }
0x1b5: {  	_ =	swait.ge [sflag:s19], $0x4000  }
0x1b6: {  	[sflag:s19] =	ssyncset.done $0x0  }
0x1b7: {  	[sflag:s19] =	ssyncadd.s32 $0xFFFFC000  }
0x1b8: {  	[tilespmem:s15], [sflag:$0x2] =	stream.indirect.gather [hbm4b:s4+s13], $0x80, s0, s13, $0xb8;
	[tilespmem:$0x1CC00] =	vst v63  }
0x1b9: {  	_ =	swait.ge [sflag:s16], $0x4000  }
0x1ba: {  	[sflag:s16] =	ssyncset.done $0x0  }
0x1bb: {  	[sflag:s16] =	ssyncadd.s32 $0xFFFFC000  }
0x1bc: {  	[spmem:s2] =	stream.indirect.scatter.add.f32 [tilespmem:s14], [sflag:$0x3], $0x80, s1, s13, $0xb8;
	[tilespmem:$0x1CC00] =	vst v63  }
0x1bd: {  	_ =	swait.ge [sflag:s17], $0x4000  }
0x1be: {  	[sflag:s17] =	ssyncset.done $0x0  }
0x1bf: {  	[sflag:s17] =	ssyncadd.s32 $0xFFFFC000  }
0x1c0: {  	[spmem:s2] =	stream.indirect.scatter.add.f32 [tilespmem:s15], [sflag:$0x4], $0x80, s5, s13, $0xb8;
	[tilespmem:$0x1CC00] =	vst v63  }
0x1c1: {  	_ =	swait.ge [sflag:s18], $0x4000  }
0x1c2: {  	[sflag:s18] =	ssyncset.done $0x0  }
0x1c3: {  	[sflag:s18] =	ssyncadd.s32 $0xFFFFC000  }
0x1c4: {  	_ =	swait.ge [sflag:s19], $0x4000  }
0x1c5: {  	[sflag:s19] =	ssyncset.done $0x0  }
0x1c6: {  	[sflag:s19] =	ssyncadd.s32 $0xFFFFC000  }
0x1c7: {  	[bflag:$0x0] =	sbarrier.arrive $0xFFFF  }
0x1c8: {  	s8 =	rddreg [dreg:$0x16]  }
0x1c9: {  	s9 =	rddreg [dreg:$0x17]  }
0x1ca: {  	s7 =	rddreg [dreg:$0x19]  }
0x1cb: {  	[hbm:s9], [sflag:s8] =	dma.local [spmem:s7], $0x2780  }
0x1cc: {  	_ =	swait.ge [sflag:s10], $0x2780  }
0x1cd: {  	s6 =	rddreg [dreg:$0x1a]  }
0x1ce: {  	s9 =	sadd.s32 $0x1, s6;
	s6 =	rddreg [dreg:$0x18]  }
0x1cf: {  	p0 =	sne.s32 s9, s6  }
.Ltmp1:
0x1d0: {  	_ = 	snop;
	(pc) =	sbr.rel @p0 .LBB2_1-.Ltmp1, $3  }
0x1d1: {  	_ =	sdelay $0x1  }
0x1d2: {  	[sflag:s10] =	ssyncset.done $0x0  }
0x1d3: {  	[sflag:s10] =	ssyncadd.s32 $0xFFFFD880  }
0x1d4: {  	_ =	sfence.sel $0x180000  }
0x1d5: {  	[bflag:$0x0] =	sbarrier.arrive $0xFFFF  }
0x1d6: {  	_ =	strace $0x9000004A  }
0x1d7: {  	s0 =	stileid.u32;
	[bflag:$0x2] =	sbarrier.arrive $0xFFFF  }
0x1d8: {  	p0 =	sne.s32 s0, $0x0;
	s0 =	rddreg [dreg:$0x2]  }
0x1d9: {  	s0 =	sadd.s32 @!p0 $0x100000, s0  }
0x1da: {  	[sflag:s0] =	ssyncadd.tile.s32 @!p0 $0x1;
	_ =	shalt  }
.Lfunc_end2:
_tile_overlayer_lowered:
.L_overlay_start_2:
0x1db: {  	(tag) =	ssettag $0x2  }
0x1dc: {  	s0 =	rddreg [dreg:$0x0];
	s2 =	stileid.u32  }
0x1dd: {  	s1 =	rddreg [dreg:$0x1];
	p0 =	sne.s32 s2, $0x0  }
0x1de: {  	s3 =	rddreg [dreg:$0x2];
	[bflag:$0x3] =	sbarrier.arrive $0xFFFF;
	s2 =	simm.s32 @!p0 $0x1C05  }
0x1df: {  	[timem:s3], [sflag:s2] =	dma.local @!p0 [hbm:s0], s1  }
0x1e0: {  	s0 =	simm.s32 @!p0 $0x5  }
0x1e1: {  	_ =	swait.ge @!p0 [sflag:s0], s1  }
0x1e2: {  	s1 =	ssub.s32 @!p0 $0x0, s1;
	[sflag:s0] =	ssyncset.done @!p0 $0x0  }
0x1e3: {  	[sflag:s0] =	ssyncadd.s32 @!p0 s1  }
0x1e4: {  	[bflag:$0x3] =	sbarrier.arrive $0xFFFF  }
0x1e5: {  	_ =	shalt  }

// kernel: _run.14.cloned.1.call-start
scs
__scs_entry_jumppad:
0x0: {  	(pc) =	sbr.rel $0x88, $3  }
0x1: {  	(tag) =	ssettag $0x0;
	lr =	simm.s32 $0x1  }
0x2: {  	[smem:$0x3F99] =	sst lr;
	_ =	strace $0xD0000000  }
0x3: {  	_ = 	snop  }
0x4: {  	_ = 	snop  }
0x5: {  	_ = 	snop  }
0x6: {  	_ = 	snop  }
0x7: {  	_ = 	snop  }
__scs_overlays_trampoline_lowered:
0x8: {  	[smem:$0x3FA8] =	sst s0  }
0x9: {  	[smem:$0x3FA9] =	sst s1  }
0xa: {  	[smem:$0x3FAA] =	sst s2  }
0xb: {  	[smem:$0x3FAB] =	sst s3  }
0xc: {  	[smem:$0x3FAC] =	sst s4  }
0xd: {  	[smem:$0x3FAD] =	sst s5  }
0xe: {  	[smem:$0x3FAE] =	sst s6  }
0xf: {  	[smem:$0x3FAF] =	sst s7  }
0x10: {  	[smem:$0x3FB0] =	sst s8  }
0x11: {  	[smem:$0x3FB1] =	sst s9;
	s0 =	simm.s32 @!p0 $0x0  }
0x12: {  	s1 =	sld [smem:$0x3F97];
	s0 =	simm.s32 @p0 $0x1  }
0x13: {  	[smem:$0x3FB2] =	sst s0;
	s0 =	simm.s32 @!p1 $0x0  }
0x14: {  	s2 =	sld [smem:$0x3F96];
	s0 =	simm.s32 @p1 $0x1  }
0x15: {  	[smem:$0x3FB3] =	sst s0;
	s0 =	simm.s32 @!p2 $0x0  }
0x16: {  	s3 =	sld [smem:$0x3FDB];
	s0 =	simm.s32 @p2 $0x1  }
0x17: {  	s4 =	simm.s32 $0x1BF5;
	[smem:$0x3FB5] =	sst s0  }
0x18: {  	s0 =	sld [smem:$0x3F98];
	_ =	swait.ge [sflag:s4], $0x0  }
0x19: {  	s7 =	sld [smem:$0x3F99]  }
0x1a: {  	s8 =	sadd.s32 $0xFFFFE003, lr  }
0x1b: {  	s9 =	sadd.s32 $0xFFFFFEF7, lr;
	s5 =	simm.s32 $0xFFFFFFFF;
	p2 =	slt.u32 s8, $0xFFFFF086  }
0x1c: {  	p1 =	slt.u32 s9, $0xF7A;
	s5 =	simm.s32 @!p2 $0x0  }
0x1d: {  	s5 =	simm.s32 @p1 $0x1;
	p0 =	seq.s32 s7, s2  }
0x1e: {  	s7 =	smul.u32 @!p0 $0xF7A, s2;
	p2 =	seq.s32 @!p0 s5, $0x0  }
0x1f: {  	s9 =	smul.u32 $0xF7A, s1;
	s8 =	simm.s32 @!p0 $0x1BF5;
	p2 =	por !p2, p0  }
0x20: {  	[sflag:s8] =	ssyncset.s32 @!p0 $0xFFFFF086;
	s6 =	sadd.s32 @!p0 s3, s7;
	s7 =	simm.s32 @!p0 $0x108  }
0x21: {  	s3 =	sadd.s32 s3, s9;
	s6 =	sadd.s32 @!p0 $0x88, s6;
	s7 =	simm.s32 @p2 $0x1082  }
0x22: {  	[simem:s7], [sflag:s8] =	dma.local @!p0 [hbm:s6], $0xF7A  }
0x23: {  	s9 =	sor.u32 $0xD0000000, s2;
	s6 =	simm.s32 $0x108;
	_ =	swait.ge @!p0 [sflag:s8], $0x0  }
0x24: {  	s3 =	sadd.s32 $0x88, s3;
	s6 =	simm.s32 @!p1 $0x1082;
	[sflag:s4] =	ssyncset.s32 $0xFFFFF086  }
0x25: {  	[simem:s6], [sflag:s4] =	dma.local [hbm:s3], $0xF7A  }
0x26: {  	[smem:$0x3F99] =	sst s1;
	(tag) =	ssettag s2;
	_ =	strace s9  }
0x27: {  	s1 =	sld [smem:$0x3FA9]  }
0x28: {  	s2 =	sld [smem:$0x3FAA]  }
0x29: {  	s4 =	sld [smem:$0x3FAC]  }
0x2a: {  	p0 =	seq.s32 s5, $0x0;
	s5 =	sld [smem:$0x3FAD]  }
0x2b: {  	s6 =	sld [smem:$0x3FAE]  }
0x2c: {  	s7 =	sld [smem:$0x3FAF]  }
0x2d: {  	s3 =	simm.s32 $0x108;
	s8 =	sld [smem:$0x3FB0]  }
0x2e: {  	s3 =	simm.s32 @!p0 $0x1082;
	s9 =	sld [smem:$0x3FB1]  }
0x2f: {  	lr =	sadd.s32 s0, s3;
	s0 =	sld [smem:$0x3FA8]  }
0x30: {  	s3 =	sld [smem:$0x3FAB]  }
0x31: {  	[smem:$0x3FB4] =	sst s10  }
0x32: {  	s10 =	sld [smem:$0x3FB2];
	_ =	sdelay $0x3  }
0x33: {  	p0 =	seq.s32 s10, $0x1;
	s10 =	sld [smem:$0x3FB4];
	_ =	sdelay $0x3  }
0x34: {  	[smem:$0x3FB4] =	sst s10  }
0x35: {  	s10 =	sld [smem:$0x3FB3];
	_ =	sdelay $0x3  }
0x36: {  	p1 =	seq.s32 s10, $0x1;
	s10 =	sld [smem:$0x3FB4];
	_ =	sdelay $0x3  }
0x37: {  	[smem:$0x3FB4] =	sst s10  }
0x38: {  	s10 =	sld [smem:$0x3FB5]  }
0x39: {  	_ = 	snop;
	(pc) =	sbr.ind lr, $3  }
0x3a: {  	_ = 	snop  }
0x3b: {  	_ = 	snop  }
0x3c: {  	p2 =	seq.s32 s10, $0x1;
	s10 =	sld [smem:$0x3FB4]  }
0x3d: {  	_ =	shalt  }
0x3e: {  	_ =	shalt  }
0x3f: {  	_ =	shalt  }
0x40: {  	_ =	shalt  }
0x41: {  	_ =	shalt  }
0x42: {  	_ =	shalt  }
0x43: {  	_ =	shalt  }
0x44: {  	_ =	shalt  }
0x45: {  	_ =	shalt  }
0x46: {  	_ =	shalt  }
0x47: {  	_ =	shalt  }
0x48: {  	_ =	shalt  }
0x49: {  	_ =	shalt  }
0x4a: {  	_ =	shalt  }
0x4b: {  	_ =	shalt  }
0x4c: {  	_ =	shalt  }
0x4d: {  	_ =	shalt  }
0x4e: {  	_ =	shalt  }
0x4f: {  	_ =	shalt  }
0x50: {  	_ =	shalt  }
0x51: {  	_ =	shalt  }
0x52: {  	_ =	shalt  }
0x53: {  	_ =	shalt  }
0x54: {  	_ =	shalt  }
0x55: {  	_ =	shalt  }
0x56: {  	_ =	shalt  }
0x57: {  	_ =	shalt  }
0x58: {  	_ =	shalt  }
0x59: {  	_ =	shalt  }
0x5a: {  	_ =	shalt  }
0x5b: {  	_ =	shalt  }
0x5c: {  	_ =	shalt  }
0x5d: {  	_ =	shalt  }
0x5e: {  	_ =	shalt  }
0x5f: {  	_ =	shalt  }
0x60: {  	_ =	shalt  }
0x61: {  	_ =	shalt  }
0x62: {  	_ =	shalt  }
0x63: {  	_ =	shalt  }
0x64: {  	_ =	shalt  }
0x65: {  	_ =	shalt  }
0x66: {  	_ =	shalt  }
0x67: {  	_ =	shalt  }
0x68: {  	_ =	shalt  }
0x69: {  	_ =	shalt  }
0x6a: {  	_ =	shalt  }
0x6b: {  	_ =	shalt  }
0x6c: {  	_ =	shalt  }
0x6d: {  	_ =	shalt  }
0x6e: {  	_ =	shalt  }
0x6f: {  	_ =	shalt  }
0x70: {  	_ =	shalt  }
0x71: {  	_ =	shalt  }
0x72: {  	_ =	shalt  }
0x73: {  	_ =	shalt  }
0x74: {  	_ =	shalt  }
0x75: {  	_ =	shalt  }
0x76: {  	_ =	shalt  }
0x77: {  	_ =	shalt  }
0x78: {  	_ =	shalt  }
0x79: {  	_ =	shalt  }
0x7a: {  	_ =	shalt  }
0x7b: {  	_ =	shalt  }
0x7c: {  	_ =	shalt  }
0x7d: {  	_ =	shalt  }
0x7e: {  	_ =	shalt  }
0x7f: {  	_ =	shalt  }
0x80: {  	_ =	shalt  }
0x81: {  	_ =	shalt  }
0x82: {  	_ =	shalt  }
0x83: {  	_ =	shalt  }
0x84: {  	_ =	shalt  }
0x85: {  	_ =	shalt  }
0x86: {  	_ =	shalt  }
0x87: {  	_ =	shalt  }
.Lfunc_end0:
.L_simem_size_0:
called_computation.2_lowered:
.L_overlay_start_0:
0x88: {  	s2 =	sld [smem:$0x3FD9]  }
0x89: {  	s3 =	sld [smem:$0x3FFE];
	_ =	sdelay $0x1  }
0x8a: {  	s1 =	srdreg.scid  }
0x8b: {  	s0 =	sand.u32 $0x1, s1  }
0x8c: {  	s16 =	sshll.u32 s0, $0xA;
	s2 =	sadd.s32 s3, s2  }
0x8d: {  	s2 =	sadd.s32 s2, s16  }
0x8e: {  	[smem:$0x3FC0] =	sst s2  }
0x8f: {  	_ = 	snop  }
0x90: {  	(tm) =	ssettm $0x1  }
0x91: {  	s17 =	sld [smem:$0x3FFB];
	_ =	sdelay $0x3  }
0x92: {  	_ =	strace s17  }
0x93: {  	s2 =	sld [smem:$0x3FFC];
	_ =	sdelay $0x3  }
0x94: {  	_ =	strace s2  }
0x95: {  	s2 =	sld [smem:$0x3FFD];
	_ =	sdelay $0x3  }
0x96: {  	_ =	strace s2  }
0x97: {  	_ =	strace $0x8FFFFFFF  }
0x98: {  	s18 =	sld [smem:$0x3FDB];
	_ =	sdelay $0x1  }
0x99: {  	s19 =	simm.s32 $_scs_section_size  }
0x9a: {  	s4 =	simm.s32 $_size__tile_overlayer_lowered;
	s5 =	simm.s32 $_tile_overlayer_lowered  }
0x9b: {  	s22 =	simm.s32 $0x1BFF;
	s21 =	sshll.u32 s5, $0x1;
	s2 =	sadd.s32 s19, s18  }
0x9c: {  	s6 =	simm.s32 $0x0;
	s20 =	sshll.u32 s4, $0x1;
	s4 =	sadd.s32 s21, s2  }
0x9d: {  	[timem:s6], [sflag:s22] =	dma.local [hbm:s4], s20  }
0x9e: {  	_ =	swait.ge [sflag:s22], s20  }
0x9f: {  	s3 =	ssub.s32 $0x0, s20;
	[sflag:s22] =	ssyncset.done $0x0  }
0xa0: {  	[sflag:s22] =	ssyncadd.s32 s3;
	_ =	sdelay $0x1  }
0xa1: {  	s23 =	simm.s32 $0x1B8B  }
0xa2: {  	_ =	swait.ge [sflag:s23], $0x1  }
0xa3: {  	[sflag:s23] =	ssyncset.done $0x0  }
0xa4: {  	s25 =	simm.s32 $0x1B8E;
	s24 =	sld [smem:$0x3FFE];
	[sflag:s23] =	ssyncadd.s32 $0xFFFFFFFF  }
0xa5: {  	s26 =	simm.s32 $execute0_lowered;
	[smem:$0x3FD2] =	sst s25  }
0xa6: {  	s4 =	sshll.u32 s26, $0x1;
	_ =	strace $0x8000004C;
	[dreg:$0x1] =	wrdreg $0xFFFFFFFF  }
0xa7: {  	s28 =	simm.s32 $_size_execute0_lowered;
	s2 =	sadd.s32 s2, s4;
	[dreg:$0x0] =	wrdreg $0x0  }
0xa8: {  	s4 =	sshll.u32 s28, $0x1;
	[dreg:$0x2] =	wrdreg s2  }
0xa9: {  	[dreg:$0x3] =	wrdreg s4  }
0xaa: {  	[dreg:$0x4] =	wrdreg $0xC0  }
0xab: {  	_ =	task [dreg:s6], $0x5FFFF  }
0xac: {  	[dreg:$0x1] =	wrdreg $0xFFFFFFFF  }
0xad: {  	[dreg:$0x0] =	wrdreg $0x60  }
0xae: {  	[dreg:$0x2] =	wrdreg s24  }
0xaf: {  	[dreg:$0x3] =	wrdreg $0x0  }
0xb0: {  	[dreg:$0x4] =	wrdreg $0x9  }
0xb1: {  	_ =	task.clear_ibuf [dreg:s6], $0x5FFFF;
	_ =	strace $0x9000004C  }
0xb2: {  	s29 =	simm.s32 $0x9;
	_ =	strace $0x8000004E  }
0xb3: {  	_ =	swait.ge [sflag:s29], $0x1  }
0xb4: {  	[sflag:s29] =	ssyncadd.s32 $0xFFFFFFFF  }
0xb5: {  	_ =	strace $0x9000004E  }
0xb6: {  	_ =	sfence  }
0xb7: {  	s30 =	sld [smem:$0x0];
	_ =	sdelay $0x2  }
0xb8: {  	s31 =	sshll.u32 s1, $0xD;
	s1 =	sshrl.u32 s1, $0x2  }
0xb9: {  	s3 =	sand.u32 $0x4000, s31;
	s1 =	sadd.s32 s1, s30  }
0xba: {  	s0 =	sor.u32 s3, s0;
	s1 =	sshll.u32 s1, $0x11  }
0xbb: {  	s0 =	sor.u32 s1, s0  }
0xbc: {  	s0 =	sadd.s32 $0x8F2B, s0  }
0xbd: {  	[sflag:s0] =	ssyncadd.remote.s32 $0x1  }
0xbe: {  	_ =	sfence.sel $0xFFFF  }
0xbf: {  	[dreg:$0x0] =	wrdreg $0xFFFFFFFF;
	(pc) =	sbr.abs _section_cstart, $3  }
0xc0: {  	[dreg:$0x1] =	wrdreg $0xFFFFFFFF  }
0xc1: {  	_ =	task.clear_ibuf [dreg:s6], $0x2FFFF;
	_ =	strace $0x9FFFFFFF  }
0xc2: {  	(tm) =	ssettm $0x7FFFFFFF  }
0xc3: {  	_ =	shalt  }
tec
execute0_lowered:
.L_overlay_start_1:
0x0: {  	(tag) =	ssettag $0x1  }
0x1: {  	s0 =	rddreg [dreg:$0x0]  }
0x2: {  	s2 =	rddreg [dreg:$0x1];
	s10 =	stileid.u32;
	s3 =	simm.s32 $0x0  }
0x3: {  	s1 =	srdreg.scid;
	s11 =	simm.s32 $0x14480;
	s12 =	simm.s32 $0x13D00  }
0x4: {  	s14 =	simm.s32 $0x13D80;
	s15 =	simm.s32 $0x14500;
	s16 =	simm.s32 $0x14580  }
0x5: {  	s17 =	simm.s32 $0x13E00;
	s18 =	simm.s32 $0x13E80;
	[smem:$0x7FF] =	sst s3  }
0x6: {  	s19 =	simm.s32 $0x14600;
	_ =	strace $0x8000004D;
	[dreg:$0x6] =	wrdreg s11  }
0x7: {  	s20 =	simm.s32 $0x14680;
	s21 =	simm.s32 $0x13F00;
	[dreg:$0x7] =	wrdreg s12  }
0x8: {  	s22 =	simm.s32 $0x13F80;
	s23 =	simm.s32 $0x14700;
	[dreg:$0x8] =	wrdreg s14  }
0x9: {  	s24 =	simm.s32 $0x14780;
	s25 =	simm.s32 $0x14000;
	[dreg:$0x9] =	wrdreg s15  }
0xa: {  	s28 =	simm.s32 $0x14280;
	s29 =	simm.s32 $0x14A00;
	[dreg:$0xa] =	wrdreg s16  }
0xb: {  	s30 =	simm.s32 $0x14A80;
	s4 =	smul.u32 $0x2800, s10;
	[dreg:$0xb] =	wrdreg s17  }
0xc: {  	s31 =	simm.s32 $0x14300;
	s5 =	smul.u32 $0x13C00, s10;
	[dreg:$0xc] =	wrdreg s18  }
0xd: {  	s1 =	sand.u32 $0x1, s1;
	s8 =	smul.u32 $0x4F000, s10;
	[dreg:$0xd] =	wrdreg s19  }
0xe: {  	s13 =	sshll.u32 s10, $0x6;
	s10 =	simm.s32 $0x5;
	[dreg:$0xe] =	wrdreg s20  }
0xf: {  	p0 =	seq.s32 s1, $0x0;
	s7 =	smul.u32 $0x13C000, s1;
	[dreg:$0xf] =	wrdreg s21  }
0x10: {  	s1 =	ssub.s32 $0x2, s1;
	s11 =	simm.s32 $0x13C00;
	[dreg:$0x10] =	wrdreg s22  }
0x11: {  	s12 =	simm.s32 $0x14400;
	s14 =	simm.s32 $0x14C00;
	[dreg:$0x11] =	wrdreg s23  }
0x12: {  	s15 =	simm.s32 $0x18C00;
	s16 =	simm.s32 $0x1;
	[dreg:$0x12] =	wrdreg s24  }
0x13: {  	s17 =	simm.s32 $0x2;
	[dreg:$0x13] =	wrdreg s25;
	s18 =	simm.s32 $0x3  }
0x14: {  	s19 =	simm.s32 $0x4;
	s20 =	simm.s32 $0x14800;
	s21 =	simm.s32 $0x14880  }
0x15: {  	s22 =	simm.s32 $0x14100;
	s23 =	simm.s32 $0x14180;
	s24 =	simm.s32 $0x14900  }
0x16: {  	s6 =	sadd.s32 $0x28000, s4;
	s26 =	sshrl.u32 s1, $0x1;
	s8 =	sshrl.u32 s8, $0x2  }
0x17: {  	s6 =	smov.u32 @p0 s4;
	s4 =	sadd.s32 $0x8DE00, s0;
	s7 =	sadd.s32 s5, s7  }
0x18: {  	s5 =	sshrl.u32 s5, $0x3;
	s1 =	ssub.s32 s1, s26;
	s26 =	simm.s32 $0x14080  }
0x19: {  	s6 =	sshrl.u32 s6, $0x3;
	s7 =	sshrl.u32 s7, $0x3;
	s5 =	sadd.s32 s5, s0  }
0x1a: {  	s1 =	smax.u32 s1, $0x1;
	[dreg:$0x14] =	wrdreg s26;
	s6 =	sadd.s32 s6, s0  }
0x1b: {  	s0 =	sadd.s32 s7, s0;
	s5 =	sadd.s32 $0x16E00, s5;
	[dreg:$0x18] =	wrdreg s1  }
0x1c: {  	s7 =	sadd.s32 s8, s2;
	s8 =	sor.u32 $0x1C05, s13;
	[dreg:$0x15] =	wrdreg s5  }
0x1d: {  	s25 =	simm.s32 $0x14980;
	s9 =	sadd.s32 $0xCE00, s6;
	[dreg:$0x16] =	wrdreg s8  }
0x1e: {  	s26 =	simm.s32 $0x14200;
	s6 =	sadd.s32 $0x2E00, s6;
	[dreg:$0x3] =	wrdreg s9  }
0x1f: {  	s13 =	simm.s32 $0x80;
	s0 =	sadd.s32 $0xB5600, s0;
	[dreg:$0x4] =	wrdreg s6  }
0x20: {  	s1 =	simm.s32 $0x14B00;
	s7 =	sshrl.u32 s7, $0x3;
	[dreg:$0x17] =	wrdreg s0  }
0x21: {  	s5 =	simm.s32 $0x14B80;
	s9 =	simm.s32 $0x13C80;
	[dreg:$0x19] =	wrdreg s7  }
0x22: {  	s0 =	simm.s32 $0x14380;
	[dreg:$0x5] =	wrdreg s9;
	s9 =	simm.s32 $0x0  }
.LBB2_1:
0x23: {  	[dreg:$0x1a] =	wrdreg s9  }
0x24: {  	s6 =	rddreg [dreg:$0x15]  }
0x25: {  	[spmem:s7], [sflag:s8] =	dma.local [hbm:s6], $0x2780  }
0x26: {  	_ =	swait.ge [sflag:s10], $0x2780  }
0x27: {  	[sflag:s10] =	ssyncset.done $0x0  }
0x28: {  	[sflag:s10] =	ssyncadd.s32 $0xFFFFD880  }
0x29: {  	[bflag:$0x0] =	sbarrier.arrive $0xFFFF  }
0x2a: {  	s7 =	rddreg [dreg:$0x4]  }
0x2b: {  	s6 =	sadd.s32 $0x0, s7  }
0x2c: {  	[tilespmem:s11], [sflag:$0x5] =	stream.linear.gather [hbm4b:s6+s3], $0x800, $0x38;
	[tilespmem:$0x1CC00] =	vst v63  }
0x2d: {  	_ =	swait.ge [sflag:s10], $0x800  }
0x2e: {  	s8 =	rddreg [dreg:$0x3];
	[sflag:s10] =	ssyncset.done $0x0  }
0x2f: {  	[sflag:s10] =	ssyncadd.s32 $0xFFFFF800;
	s6 =	sadd.s32 $0x0, s8  }
0x30: {  	[tilespmem:s12], [sflag:$0x5] =	stream.linear.gather [hbm4b:s6+s3], $0x800, $0x38;
	[tilespmem:$0x1CC00] =	vst v63  }
0x31: {  	_ =	swait.ge [sflag:s10], $0x800  }
0x32: {  	[sflag:s10] =	ssyncset.done $0x0  }
0x33: {  	[sflag:s10] =	ssyncadd.s32 $0xFFFFF800  }
0x34: {  	[tilespmem:s14], [sflag:$0x1] =	stream.indirect.gather [hbm4b:s4+s13], $0x80, s11, s13, $0xb8;
	[tilespmem:$0x1CC00] =	vst v63  }
0x35: {  	s9 =	rddreg [dreg:$0x5]  }
0x36: {  	[tilespmem:s15], [sflag:$0x2] =	stream.indirect.gather [hbm4b:s4+s13], $0x80, s9, s13, $0xb8;
	[tilespmem:$0x1CC00] =	vst v63  }
0x37: {  	_ =	swait.ge [sflag:s16], $0x4000  }
0x38: {  	[sflag:s16] =	ssyncset.done $0x0  }
0x39: {  	[sflag:s16] =	ssyncadd.s32 $0xFFFFC000  }
0x3a: {  	[spmem:s2] =	stream.indirect.scatter.add.f32 [tilespmem:s14], [sflag:$0x3], $0x80, s12, s13, $0xb8;
	[tilespmem:$0x1CC00] =	vst v63  }
0x3b: {  	_ =	swait.ge [sflag:s17], $0x4000  }
0x3c: {  	[sflag:s17] =	ssyncset.done $0x0  }
0x3d: {  	s7 =	rddreg [dreg:$0x6];
	[sflag:s17] =	ssyncadd.s32 $0xFFFFC000  }
0x3e: {  	[spmem:s2] =	stream.indirect.scatter.add.f32 [tilespmem:s15], [sflag:$0x4], $0x80, s7, s13, $0xb8;
	[tilespmem:$0x1CC00] =	vst v63  }
0x3f: {  	_ =	swait.ge [sflag:s18], $0x4000  }
0x40: {  	[sflag:s18] =	ssyncset.done $0x0  }
0x41: {  	s8 =	rddreg [dreg:$0x7];
	[sflag:s18] =	ssyncadd.s32 $0xFFFFC000  }
0x42: {  	[tilespmem:s14], [sflag:$0x1] =	stream.indirect.gather [hbm4b:s4+s13], $0x80, s8, s13, $0xb8;
	[tilespmem:$0x1CC00] =	vst v63  }
0x43: {  	_ =	swait.ge [sflag:s19], $0x4000  }
0x44: {  	[sflag:s19] =	ssyncset.done $0x0  }
0x45: {  	s9 =	rddreg [dreg:$0x8];
	[sflag:s19] =	ssyncadd.s32 $0xFFFFC000  }
0x46: {  	[tilespmem:s15], [sflag:$0x2] =	stream.indirect.gather [hbm4b:s4+s13], $0x80, s9, s13, $0xb8;
	[tilespmem:$0x1CC00] =	vst v63  }
0x47: {  	_ =	swait.ge [sflag:s16], $0x4000  }
0x48: {  	[sflag:s16] =	ssyncset.done $0x0  }
0x49: {  	s7 =	rddreg [dreg:$0x9];
	[sflag:s16] =	ssyncadd.s32 $0xFFFFC000  }
0x4a: {  	[spmem:s2] =	stream.indirect.scatter.add.f32 [tilespmem:s14], [sflag:$0x3], $0x80, s7, s13, $0xb8;
	[tilespmem:$0x1CC00] =	vst v63  }
0x4b: {  	_ =	swait.ge [sflag:s17], $0x4000  }
0x4c: {  	[sflag:s17] =	ssyncset.done $0x0  }
0x4d: {  	s8 =	rddreg [dreg:$0xa];
	[sflag:s17] =	ssyncadd.s32 $0xFFFFC000  }
0x4e: {  	[spmem:s2] =	stream.indirect.scatter.add.f32 [tilespmem:s15], [sflag:$0x4], $0x80, s8, s13, $0xb8;
	[tilespmem:$0x1CC00] =	vst v63  }
0x4f: {  	_ =	swait.ge [sflag:s18], $0x4000  }
0x50: {  	[sflag:s18] =	ssyncset.done $0x0  }
0x51: {  	s9 =	rddreg [dreg:$0xb];
	[sflag:s18] =	ssyncadd.s32 $0xFFFFC000  }
0x52: {  	[tilespmem:s14], [sflag:$0x1] =	stream.indirect.gather [hbm4b:s4+s13], $0x80, s9, s13, $0xb8;
	[tilespmem:$0x1CC00] =	vst v63  }
0x53: {  	_ =	swait.ge [sflag:s19], $0x4000  }
0x54: {  	[sflag:s19] =	ssyncset.done $0x0  }
0x55: {  	s7 =	rddreg [dreg:$0xc];
	[sflag:s19] =	ssyncadd.s32 $0xFFFFC000  }
0x56: {  	[tilespmem:s15], [sflag:$0x2] =	stream.indirect.gather [hbm4b:s4+s13], $0x80, s7, s13, $0xb8;
	[tilespmem:$0x1CC00] =	vst v63  }
0x57: {  	_ =	swait.ge [sflag:s16], $0x4000  }
0x58: {  	[sflag:s16] =	ssyncset.done $0x0  }
0x59: {  	s8 =	rddreg [dreg:$0xd];
	[sflag:s16] =	ssyncadd.s32 $0xFFFFC000  }
0x5a: {  	[spmem:s2] =	stream.indirect.scatter.add.f32 [tilespmem:s14], [sflag:$0x3], $0x80, s8, s13, $0xb8;
	[tilespmem:$0x1CC00] =	vst v63  }
0x5b: {  	_ =	swait.ge [sflag:s17], $0x4000  }
0x5c: {  	[sflag:s17] =	ssyncset.done $0x0  }
0x5d: {  	s9 =	rddreg [dreg:$0xe];
	[sflag:s17] =	ssyncadd.s32 $0xFFFFC000  }
0x5e: {  	[spmem:s2] =	stream.indirect.scatter.add.f32 [tilespmem:s15], [sflag:$0x4], $0x80, s9, s13, $0xb8;
	[tilespmem:$0x1CC00] =	vst v63  }
0x5f: {  	_ =	swait.ge [sflag:s18], $0x4000  }
0x60: {  	[sflag:s18] =	ssyncset.done $0x0  }
0x61: {  	s7 =	rddreg [dreg:$0xf];
	[sflag:s18] =	ssyncadd.s32 $0xFFFFC000  }
0x62: {  	[tilespmem:s14], [sflag:$0x1] =	stream.indirect.gather [hbm4b:s4+s13], $0x80, s7, s13, $0xb8;
	[tilespmem:$0x1CC00] =	vst v63  }
0x63: {  	_ =	swait.ge [sflag:s19], $0x4000  }
0x64: {  	[sflag:s19] =	ssyncset.done $0x0  }
0x65: {  	s8 =	rddreg [dreg:$0x10];
	[sflag:s19] =	ssyncadd.s32 $0xFFFFC000  }
0x66: {  	[tilespmem:s15], [sflag:$0x2] =	stream.indirect.gather [hbm4b:s4+s13], $0x80, s8, s13, $0xb8;
	[tilespmem:$0x1CC00] =	vst v63  }
0x67: {  	_ =	swait.ge [sflag:s16], $0x4000  }
0x68: {  	[sflag:s16] =	ssyncset.done $0x0  }
0x69: {  	s9 =	rddreg [dreg:$0x11];
	[sflag:s16] =	ssyncadd.s32 $0xFFFFC000  }
0x6a: {  	[spmem:s2] =	stream.indirect.scatter.add.f32 [tilespmem:s14], [sflag:$0x3], $0x80, s9, s13, $0xb8;
	[tilespmem:$0x1CC00] =	vst v63  }
0x6b: {  	_ =	swait.ge [sflag:s17], $0x4000  }
0x6c: {  	[sflag:s17] =	ssyncset.done $0x0  }
0x6d: {  	s7 =	rddreg [dreg:$0x12];
	[sflag:s17] =	ssyncadd.s32 $0xFFFFC000  }
0x6e: {  	[spmem:s2] =	stream.indirect.scatter.add.f32 [tilespmem:s15], [sflag:$0x4], $0x80, s7, s13, $0xb8;
	[tilespmem:$0x1CC00] =	vst v63  }
0x6f: {  	_ =	swait.ge [sflag:s18], $0x4000  }
0x70: {  	[sflag:s18] =	ssyncset.done $0x0  }
0x71: {  	s8 =	rddreg [dreg:$0x13];
	[sflag:s18] =	ssyncadd.s32 $0xFFFFC000  }
0x72: {  	[tilespmem:s14], [sflag:$0x1] =	stream.indirect.gather [hbm4b:s4+s13], $0x80, s8, s13, $0xb8;
	[tilespmem:$0x1CC00] =	vst v63  }
0x73: {  	_ =	swait.ge [sflag:s19], $0x4000  }
0x74: {  	[sflag:s19] =	ssyncset.done $0x0  }
0x75: {  	s9 =	rddreg [dreg:$0x14];
	[sflag:s19] =	ssyncadd.s32 $0xFFFFC000  }
0x76: {  	[tilespmem:s15], [sflag:$0x2] =	stream.indirect.gather [hbm4b:s4+s13], $0x80, s9, s13, $0xb8;
	[tilespmem:$0x1CC00] =	vst v63  }
0x77: {  	_ =	swait.ge [sflag:s16], $0x4000  }
0x78: {  	[sflag:s16] =	ssyncset.done $0x0  }
0x79: {  	[sflag:s16] =	ssyncadd.s32 $0xFFFFC000  }
0x7a: {  	[spmem:s2] =	stream.indirect.scatter.add.f32 [tilespmem:s14], [sflag:$0x3], $0x80, s20, s13, $0xb8;
	[tilespmem:$0x1CC00] =	vst v63  }
0x7b: {  	_ =	swait.ge [sflag:s17], $0x4000  }
0x7c: {  	[sflag:s17] =	ssyncset.done $0x0  }
0x7d: {  	[sflag:s17] =	ssyncadd.s32 $0xFFFFC000  }
0x7e: {  	[spmem:s2] =	stream.indirect.scatter.add.f32 [tilespmem:s15], [sflag:$0x4], $0x80, s21, s13, $0xb8;
	[tilespmem:$0x1CC00] =	vst v63  }
0x7f: {  	_ =	swait.ge [sflag:s18], $0x4000  }
0x80: {  	[sflag:s18] =	ssyncset.done $0x0  }
0x81: {  	[sflag:s18] =	ssyncadd.s32 $0xFFFFC000  }
0x82: {  	[tilespmem:s14], [sflag:$0x1] =	stream.indirect.gather [hbm4b:s4+s13], $0x80, s22, s13, $0xb8;
	[tilespmem:$0x1CC00] =	vst v63  }
0x83: {  	_ =	swait.ge [sflag:s19], $0x4000  }
0x84: {  	[sflag:s19] =	ssyncset.done $0x0  }
0x85: {  	[sflag:s19] =	ssyncadd.s32 $0xFFFFC000  }
0x86: {  	[tilespmem:s15], [sflag:$0x2] =	stream.indirect.gather [hbm4b:s4+s13], $0x80, s23, s13, $0xb8;
	[tilespmem:$0x1CC00] =	vst v63  }
0x87: {  	_ =	swait.ge [sflag:s16], $0x4000  }
0x88: {  	[sflag:s16] =	ssyncset.done $0x0  }
0x89: {  	[sflag:s16] =	ssyncadd.s32 $0xFFFFC000  }
0x8a: {  	[spmem:s2] =	stream.indirect.scatter.add.f32 [tilespmem:s14], [sflag:$0x3], $0x80, s24, s13, $0xb8;
	[tilespmem:$0x1CC00] =	vst v63  }
0x8b: {  	_ =	swait.ge [sflag:s17], $0x4000  }
0x8c: {  	[sflag:s17] =	ssyncset.done $0x0  }
0x8d: {  	[sflag:s17] =	ssyncadd.s32 $0xFFFFC000  }
0x8e: {  	[spmem:s2] =	stream.indirect.scatter.add.f32 [tilespmem:s15], [sflag:$0x4], $0x80, s25, s13, $0xb8;
	[tilespmem:$0x1CC00] =	vst v63  }
0x8f: {  	_ =	swait.ge [sflag:s18], $0x4000  }
0x90: {  	[sflag:s18] =	ssyncset.done $0x0  }
0x91: {  	[sflag:s18] =	ssyncadd.s32 $0xFFFFC000  }
0x92: {  	[tilespmem:s14], [sflag:$0x1] =	stream.indirect.gather [hbm4b:s4+s13], $0x80, s26, s13, $0xb8;
	[tilespmem:$0x1CC00] =	vst v63  }
0x93: {  	_ =	swait.ge [sflag:s19], $0x4000  }
0x94: {  	[sflag:s19] =	ssyncset.done $0x0  }
0x95: {  	[sflag:s19] =	ssyncadd.s32 $0xFFFFC000  }
0x96: {  	[tilespmem:s15], [sflag:$0x2] =	stream.indirect.gather [hbm4b:s4+s13], $0x80, s28, s13, $0xb8;
	[tilespmem:$0x1CC00] =	vst v63  }
0x97: {  	_ =	swait.ge [sflag:s16], $0x4000  }
0x98: {  	[sflag:s16] =	ssyncset.done $0x0  }
0x99: {  	[sflag:s16] =	ssyncadd.s32 $0xFFFFC000  }
0x9a: {  	[spmem:s2] =	stream.indirect.scatter.add.f32 [tilespmem:s14], [sflag:$0x3], $0x80, s29, s13, $0xb8;
	[tilespmem:$0x1CC00] =	vst v63  }
0x9b: {  	_ =	swait.ge [sflag:s17], $0x4000  }
0x9c: {  	[sflag:s17] =	ssyncset.done $0x0  }
0x9d: {  	[sflag:s17] =	ssyncadd.s32 $0xFFFFC000  }
0x9e: {  	[spmem:s2] =	stream.indirect.scatter.add.f32 [tilespmem:s15], [sflag:$0x4], $0x80, s30, s13, $0xb8;
	[tilespmem:$0x1CC00] =	vst v63  }
0x9f: {  	_ =	swait.ge [sflag:s18], $0x4000  }
0xa0: {  	[sflag:s18] =	ssyncset.done $0x0  }
0xa1: {  	[sflag:s18] =	ssyncadd.s32 $0xFFFFC000  }
0xa2: {  	[tilespmem:s14], [sflag:$0x1] =	stream.indirect.gather [hbm4b:s4+s13], $0x80, s31, s13, $0xb8;
	[tilespmem:$0x1CC00] =	vst v63  }
0xa3: {  	_ =	swait.ge [sflag:s19], $0x4000  }
0xa4: {  	[sflag:s19] =	ssyncset.done $0x0  }
0xa5: {  	[sflag:s19] =	ssyncadd.s32 $0xFFFFC000  }
0xa6: {  	[tilespmem:s15], [sflag:$0x2] =	stream.indirect.gather [hbm4b:s4+s13], $0x80, s0, s13, $0xb8;
	[tilespmem:$0x1CC00] =	vst v63  }
0xa7: {  	_ =	swait.ge [sflag:s16], $0x4000  }
0xa8: {  	[sflag:s16] =	ssyncset.done $0x0  }
0xa9: {  	[sflag:s16] =	ssyncadd.s32 $0xFFFFC000  }
0xaa: {  	[spmem:s2] =	stream.indirect.scatter.add.f32 [tilespmem:s14], [sflag:$0x3], $0x80, s1, s13, $0xb8;
	[tilespmem:$0x1CC00] =	vst v63  }
0xab: {  	_ =	swait.ge [sflag:s17], $0x4000  }
0xac: {  	[sflag:s17] =	ssyncset.done $0x0  }
0xad: {  	[sflag:s17] =	ssyncadd.s32 $0xFFFFC000  }
0xae: {  	[spmem:s2] =	stream.indirect.scatter.add.f32 [tilespmem:s15], [sflag:$0x4], $0x80, s5, s13, $0xb8;
	[tilespmem:$0x1CC00] =	vst v63  }
0xaf: {  	_ =	swait.ge [sflag:s18], $0x4000  }
0xb0: {  	[sflag:s18] =	ssyncset.done $0x0  }
0xb1: {  	[sflag:s18] =	ssyncadd.s32 $0xFFFFC000  }
0xb2: {  	s6 =	simm.s32 $0x200;
	_ =	swait.ge [sflag:s19], $0x4000  }
0xb3: {  	s8 =	simm.s32 $0x100;
	s9 =	rddreg [dreg:$0x4];
	[sflag:s19] =	ssyncset.done $0x0  }
.LBB2_2:
0xb4: {  	[sflag:s19] =	ssyncadd.s32 $0xFFFFC000;
	s9 =	sadd.s32 s8, s9  }
0xb5: {  	[tilespmem:s11], [sflag:$0x5] =	stream.linear.gather [hbm4b:s9+s3], $0x800, $0x38;
	[tilespmem:$0x1CC00] =	vst v63  }
0xb6: {  	_ =	swait.ge [sflag:s10], $0x800  }
0xb7: {  	s9 =	rddreg [dreg:$0x3];
	[sflag:s10] =	ssyncset.done $0x0  }
0xb8: {  	[sflag:s10] =	ssyncadd.s32 $0xFFFFF800;
	s9 =	sadd.s32 s8, s9  }
0xb9: {  	[tilespmem:s12], [sflag:$0x5] =	stream.linear.gather [hbm4b:s9+s3], $0x800, $0x38;
	[tilespmem:$0x1CC00] =	vst v63  }
0xba: {  	_ =	swait.ge [sflag:s10], $0x800  }
0xbb: {  	[sflag:s10] =	ssyncset.done $0x0  }
0xbc: {  	[sflag:s10] =	ssyncadd.s32 $0xFFFFF800  }
0xbd: {  	[tilespmem:s14], [sflag:$0x1] =	stream.indirect.gather [hbm4b:s4+s13], $0x80, s11, s13, $0xb8;
	[tilespmem:$0x1CC00] =	vst v63  }
0xbe: {  	s9 =	rddreg [dreg:$0x5]  }
0xbf: {  	[tilespmem:s15], [sflag:$0x2] =	stream.indirect.gather [hbm4b:s4+s13], $0x80, s9, s13, $0xb8;
	[tilespmem:$0x1CC00] =	vst v63  }
0xc0: {  	_ =	swait.ge [sflag:s16], $0x4000  }
0xc1: {  	[sflag:s16] =	ssyncset.done $0x0  }
0xc2: {  	[sflag:s16] =	ssyncadd.s32 $0xFFFFC000  }
0xc3: {  	[spmem:s2] =	stream.indirect.scatter.add.f32 [tilespmem:s14], [sflag:$0x3], $0x80, s12, s13, $0xb8;
	[tilespmem:$0x1CC00] =	vst v63  }
0xc4: {  	_ =	swait.ge [sflag:s17], $0x4000  }
0xc5: {  	[sflag:s17] =	ssyncset.done $0x0  }
0xc6: {  	s9 =	rddreg [dreg:$0x6];
	[sflag:s17] =	ssyncadd.s32 $0xFFFFC000  }
0xc7: {  	[spmem:s2] =	stream.indirect.scatter.add.f32 [tilespmem:s15], [sflag:$0x4], $0x80, s9, s13, $0xb8;
	[tilespmem:$0x1CC00] =	vst v63  }
0xc8: {  	_ =	swait.ge [sflag:s18], $0x4000  }
0xc9: {  	[sflag:s18] =	ssyncset.done $0x0  }
0xca: {  	s9 =	rddreg [dreg:$0x7];
	[sflag:s18] =	ssyncadd.s32 $0xFFFFC000  }
0xcb: {  	[tilespmem:s14], [sflag:$0x1] =	stream.indirect.gather [hbm4b:s4+s13], $0x80, s9, s13, $0xb8;
	[tilespmem:$0x1CC00] =	vst v63  }
0xcc: {  	_ =	swait.ge [sflag:s19], $0x4000  }
0xcd: {  	[sflag:s19] =	ssyncset.done $0x0  }
0xce: {  	s9 =	rddreg [dreg:$0x8];
	[sflag:s19] =	ssyncadd.s32 $0xFFFFC000  }
0xcf: {  	[tilespmem:s15], [sflag:$0x2] =	stream.indirect.gather [hbm4b:s4+s13], $0x80, s9, s13, $0xb8;
	[tilespmem:$0x1CC00] =	vst v63  }
0xd0: {  	_ =	swait.ge [sflag:s16], $0x4000  }
0xd1: {  	[sflag:s16] =	ssyncset.done $0x0  }
0xd2: {  	s9 =	rddreg [dreg:$0x9];
	[sflag:s16] =	ssyncadd.s32 $0xFFFFC000  }
0xd3: {  	[spmem:s2] =	stream.indirect.scatter.add.f32 [tilespmem:s14], [sflag:$0x3], $0x80, s9, s13, $0xb8;
	[tilespmem:$0x1CC00] =	vst v63  }
0xd4: {  	_ =	swait.ge [sflag:s17], $0x4000  }
0xd5: {  	[sflag:s17] =	ssyncset.done $0x0  }
0xd6: {  	s9 =	rddreg [dreg:$0xa];
	[sflag:s17] =	ssyncadd.s32 $0xFFFFC000  }
0xd7: {  	[spmem:s2] =	stream.indirect.scatter.add.f32 [tilespmem:s15], [sflag:$0x4], $0x80, s9, s13, $0xb8;
	[tilespmem:$0x1CC00] =	vst v63  }
0xd8: {  	_ =	swait.ge [sflag:s18], $0x4000  }
0xd9: {  	[sflag:s18] =	ssyncset.done $0x0  }
0xda: {  	s9 =	rddreg [dreg:$0xb];
	[sflag:s18] =	ssyncadd.s32 $0xFFFFC000  }
0xdb: {  	[tilespmem:s14], [sflag:$0x1] =	stream.indirect.gather [hbm4b:s4+s13], $0x80, s9, s13, $0xb8;
	[tilespmem:$0x1CC00] =	vst v63  }
0xdc: {  	_ =	swait.ge [sflag:s19], $0x4000  }
0xdd: {  	[sflag:s19] =	ssyncset.done $0x0  }
0xde: {  	s9 =	rddreg [dreg:$0xc];
	[sflag:s19] =	ssyncadd.s32 $0xFFFFC000  }
0xdf: {  	[tilespmem:s15], [sflag:$0x2] =	stream.indirect.gather [hbm4b:s4+s13], $0x80, s9, s13, $0xb8;
	[tilespmem:$0x1CC00] =	vst v63  }
0xe0: {  	_ =	swait.ge [sflag:s16], $0x4000  }
0xe1: {  	[sflag:s16] =	ssyncset.done $0x0  }
0xe2: {  	s9 =	rddreg [dreg:$0xd];
	[sflag:s16] =	ssyncadd.s32 $0xFFFFC000  }
0xe3: {  	[spmem:s2] =	stream.indirect.scatter.add.f32 [tilespmem:s14], [sflag:$0x3], $0x80, s9, s13, $0xb8;
	[tilespmem:$0x1CC00] =	vst v63  }
0xe4: {  	_ =	swait.ge [sflag:s17], $0x4000  }
0xe5: {  	[sflag:s17] =	ssyncset.done $0x0  }
0xe6: {  	s9 =	rddreg [dreg:$0xe];
	[sflag:s17] =	ssyncadd.s32 $0xFFFFC000  }
0xe7: {  	[spmem:s2] =	stream.indirect.scatter.add.f32 [tilespmem:s15], [sflag:$0x4], $0x80, s9, s13, $0xb8;
	[tilespmem:$0x1CC00] =	vst v63  }
0xe8: {  	_ =	swait.ge [sflag:s18], $0x4000  }
0xe9: {  	[sflag:s18] =	ssyncset.done $0x0  }
0xea: {  	s9 =	rddreg [dreg:$0xf];
	[sflag:s18] =	ssyncadd.s32 $0xFFFFC000  }
0xeb: {  	[tilespmem:s14], [sflag:$0x1] =	stream.indirect.gather [hbm4b:s4+s13], $0x80, s9, s13, $0xb8;
	[tilespmem:$0x1CC00] =	vst v63  }
0xec: {  	_ =	swait.ge [sflag:s19], $0x4000  }
0xed: {  	[sflag:s19] =	ssyncset.done $0x0  }
0xee: {  	s9 =	rddreg [dreg:$0x10];
	[sflag:s19] =	ssyncadd.s32 $0xFFFFC000  }
0xef: {  	[tilespmem:s15], [sflag:$0x2] =	stream.indirect.gather [hbm4b:s4+s13], $0x80, s9, s13, $0xb8;
	[tilespmem:$0x1CC00] =	vst v63  }
0xf0: {  	_ =	swait.ge [sflag:s16], $0x4000  }
0xf1: {  	[sflag:s16] =	ssyncset.done $0x0  }
0xf2: {  	s9 =	rddreg [dreg:$0x11];
	[sflag:s16] =	ssyncadd.s32 $0xFFFFC000  }
0xf3: {  	[spmem:s2] =	stream.indirect.scatter.add.f32 [tilespmem:s14], [sflag:$0x3], $0x80, s9, s13, $0xb8;
	[tilespmem:$0x1CC00] =	vst v63  }
0xf4: {  	_ =	swait.ge [sflag:s17], $0x4000  }
0xf5: {  	[sflag:s17] =	ssyncset.done $0x0  }
0xf6: {  	s9 =	rddreg [dreg:$0x12];
	[sflag:s17] =	ssyncadd.s32 $0xFFFFC000  }
0xf7: {  	[spmem:s2] =	stream.indirect.scatter.add.f32 [tilespmem:s15], [sflag:$0x4], $0x80, s9, s13, $0xb8;
	[tilespmem:$0x1CC00] =	vst v63  }
0xf8: {  	_ =	swait.ge [sflag:s18], $0x4000  }
0xf9: {  	[sflag:s18] =	ssyncset.done $0x0  }
0xfa: {  	s9 =	rddreg [dreg:$0x13];
	[sflag:s18] =	ssyncadd.s32 $0xFFFFC000  }
0xfb: {  	[tilespmem:s14], [sflag:$0x1] =	stream.indirect.gather [hbm4b:s4+s13], $0x80, s9, s13, $0xb8;
	[tilespmem:$0x1CC00] =	vst v63  }
0xfc: {  	_ =	swait.ge [sflag:s19], $0x4000  }
0xfd: {  	[sflag:s19] =	ssyncset.done $0x0  }
0xfe: {  	s9 =	rddreg [dreg:$0x14];
	[sflag:s19] =	ssyncadd.s32 $0xFFFFC000  }
0xff: {  	[tilespmem:s15], [sflag:$0x2] =	stream.indirect.gather [hbm4b:s4+s13], $0x80, s9, s13, $0xb8;
	[tilespmem:$0x1CC00] =	vst v63  }
0x100: {  	_ =	swait.ge [sflag:s16], $0x4000  }
0x101: {  	[sflag:s16] =	ssyncset.done $0x0  }
0x102: {  	[sflag:s16] =	ssyncadd.s32 $0xFFFFC000  }
0x103: {  	[spmem:s2] =	stream.indirect.scatter.add.f32 [tilespmem:s14], [sflag:$0x3], $0x80, s20, s13, $0xb8;
	[tilespmem:$0x1CC00] =	vst v63  }
0x104: {  	_ =	swait.ge [sflag:s17], $0x4000  }
0x105: {  	[sflag:s17] =	ssyncset.done $0x0  }
0x106: {  	[sflag:s17] =	ssyncadd.s32 $0xFFFFC000  }
0x107: {  	[spmem:s2] =	stream.indirect.scatter.add.f32 [tilespmem:s15], [sflag:$0x4], $0x80, s21, s13, $0xb8;
	[tilespmem:$0x1CC00] =	vst v63  }
0x108: {  	_ =	swait.ge [sflag:s18], $0x4000  }
0x109: {  	[sflag:s18] =	ssyncset.done $0x0  }
0x10a: {  	[sflag:s18] =	ssyncadd.s32 $0xFFFFC000  }
0x10b: {  	[tilespmem:s14], [sflag:$0x1] =	stream.indirect.gather [hbm4b:s4+s13], $0x80, s22, s13, $0xb8;
	[tilespmem:$0x1CC00] =	vst v63  }
0x10c: {  	_ =	swait.ge [sflag:s19], $0x4000  }
0x10d: {  	[sflag:s19] =	ssyncset.done $0x0  }
0x10e: {  	[sflag:s19] =	ssyncadd.s32 $0xFFFFC000  }
0x10f: {  	[tilespmem:s15], [sflag:$0x2] =	stream.indirect.gather [hbm4b:s4+s13], $0x80, s23, s13, $0xb8;
	[tilespmem:$0x1CC00] =	vst v63  }
0x110: {  	_ =	swait.ge [sflag:s16], $0x4000  }
0x111: {  	[sflag:s16] =	ssyncset.done $0x0  }
0x112: {  	[sflag:s16] =	ssyncadd.s32 $0xFFFFC000  }
0x113: {  	[spmem:s2] =	stream.indirect.scatter.add.f32 [tilespmem:s14], [sflag:$0x3], $0x80, s24, s13, $0xb8;
	[tilespmem:$0x1CC00] =	vst v63  }
0x114: {  	_ =	swait.ge [sflag:s17], $0x4000  }
0x115: {  	[sflag:s17] =	ssyncset.done $0x0  }
0x116: {  	[sflag:s17] =	ssyncadd.s32 $0xFFFFC000  }
0x117: {  	[spmem:s2] =	stream.indirect.scatter.add.f32 [tilespmem:s15], [sflag:$0x4], $0x80, s25, s13, $0xb8;
	[tilespmem:$0x1CC00] =	vst v63  }
0x118: {  	_ =	swait.ge [sflag:s18], $0x4000  }
0x119: {  	[sflag:s18] =	ssyncset.done $0x0  }
0x11a: {  	[sflag:s18] =	ssyncadd.s32 $0xFFFFC000  }
0x11b: {  	[tilespmem:s14], [sflag:$0x1] =	stream.indirect.gather [hbm4b:s4+s13], $0x80, s26, s13, $0xb8;
	[tilespmem:$0x1CC00] =	vst v63  }
0x11c: {  	_ =	swait.ge [sflag:s19], $0x4000  }
0x11d: {  	[sflag:s19] =	ssyncset.done $0x0  }
0x11e: {  	[sflag:s19] =	ssyncadd.s32 $0xFFFFC000  }
0x11f: {  	[tilespmem:s15], [sflag:$0x2] =	stream.indirect.gather [hbm4b:s4+s13], $0x80, s28, s13, $0xb8;
	[tilespmem:$0x1CC00] =	vst v63  }
0x120: {  	_ =	swait.ge [sflag:s16], $0x4000  }
0x121: {  	[sflag:s16] =	ssyncset.done $0x0  }
0x122: {  	[sflag:s16] =	ssyncadd.s32 $0xFFFFC000  }
0x123: {  	[spmem:s2] =	stream.indirect.scatter.add.f32 [tilespmem:s14], [sflag:$0x3], $0x80, s29, s13, $0xb8;
	[tilespmem:$0x1CC00] =	vst v63  }
0x124: {  	_ =	swait.ge [sflag:s17], $0x4000  }
0x125: {  	[sflag:s17] =	ssyncset.done $0x0  }
0x126: {  	[sflag:s17] =	ssyncadd.s32 $0xFFFFC000  }
0x127: {  	[spmem:s2] =	stream.indirect.scatter.add.f32 [tilespmem:s15], [sflag:$0x4], $0x80, s30, s13, $0xb8;
	[tilespmem:$0x1CC00] =	vst v63  }
0x128: {  	_ =	swait.ge [sflag:s18], $0x4000  }
0x129: {  	[sflag:s18] =	ssyncset.done $0x0  }
0x12a: {  	[sflag:s18] =	ssyncadd.s32 $0xFFFFC000  }
0x12b: {  	[tilespmem:s14], [sflag:$0x1] =	stream.indirect.gather [hbm4b:s4+s13], $0x80, s31, s13, $0xb8;
	[tilespmem:$0x1CC00] =	vst v63  }
0x12c: {  	_ =	swait.ge [sflag:s19], $0x4000  }
0x12d: {  	[sflag:s19] =	ssyncset.done $0x0  }
0x12e: {  	[sflag:s19] =	ssyncadd.s32 $0xFFFFC000  }
0x12f: {  	[tilespmem:s15], [sflag:$0x2] =	stream.indirect.gather [hbm4b:s4+s13], $0x80, s0, s13, $0xb8;
	[tilespmem:$0x1CC00] =	vst v63  }
0x130: {  	_ =	swait.ge [sflag:s16], $0x4000  }
0x131: {  	[sflag:s16] =	ssyncset.done $0x0  }
0x132: {  	[sflag:s16] =	ssyncadd.s32 $0xFFFFC000  }
0x133: {  	[spmem:s2] =	stream.indirect.scatter.add.f32 [tilespmem:s14], [sflag:$0x3], $0x80, s1, s13, $0xb8;
	[tilespmem:$0x1CC00] =	vst v63  }
0x134: {  	_ =	swait.ge [sflag:s17], $0x4000  }
0x135: {  	[sflag:s17] =	ssyncset.done $0x0  }
0x136: {  	p0 =	sne.s32 s6, $0x400;
	[sflag:s17] =	ssyncadd.s32 $0xFFFFC000  }
0x137: {  	[spmem:s2] =	stream.indirect.scatter.add.f32 [tilespmem:s15], [sflag:$0x4], $0x80, s5, s13, $0xb8;
	[tilespmem:$0x1CC00] =	vst v63  }
.Ltmp0:
0x138: {  	_ =	swait.ge [sflag:s18], $0x4000;
	(pc) =	sbr.rel @p0 .LBB2_2-.Ltmp0, $4  }
0x139: {  	[sflag:s18] =	ssyncset.done $0x0  }
0x13a: {  	[sflag:s18] =	ssyncadd.s32 $0xFFFFC000  }
0x13b: {  	s7 =	smov.u32 s6;
	s6 =	sadd.s32 $0x100, s6;
	_ =	swait.ge [sflag:s19], $0x4000  }
0x13c: {  	s8 =	smov.u32 s7;
	s9 =	rddreg [dreg:$0x4];
	[sflag:s19] =	ssyncset.done $0x0  }
0x13d: {  	[sflag:s19] =	ssyncadd.s32 $0xFFFFC000;
	s6 =	sadd.s32 s8, s9  }
0x13e: {  	[tilespmem:s11], [sflag:$0x5] =	stream.linear.gather [hbm4b:s6+s3], $0x800, $0x38;
	[tilespmem:$0x1CC00] =	vst v63  }
0x13f: {  	_ =	swait.ge [sflag:s10], $0x800  }
0x140: {  	s7 =	rddreg [dreg:$0x3];
	[sflag:s10] =	ssyncset.done $0x0  }
0x141: {  	s6 =	sadd.s32 s8, s7;
	[sflag:s10] =	ssyncadd.s32 $0xFFFFF800  }
0x142: {  	[tilespmem:s12], [sflag:$0x5] =	stream.linear.gather [hbm4b:s6+s3], $0x800, $0x38;
	[tilespmem:$0x1CC00] =	vst v63  }
0x143: {  	_ =	swait.ge [sflag:s10], $0x800  }
0x144: {  	[sflag:s10] =	ssyncset.done $0x0  }
0x145: {  	[sflag:s10] =	ssyncadd.s32 $0xFFFFF800  }
0x146: {  	[tilespmem:s14], [sflag:$0x1] =	stream.indirect.gather [hbm4b:s4+s13], $0x80, s11, s13, $0xb8;
	[tilespmem:$0x1CC00] =	vst v63  }
0x147: {  	s8 =	rddreg [dreg:$0x5]  }
0x148: {  	[tilespmem:s15], [sflag:$0x2] =	stream.indirect.gather [hbm4b:s4+s13], $0x80, s8, s13, $0xb8;
	[tilespmem:$0x1CC00] =	vst v63  }
0x149: {  	_ =	swait.ge [sflag:s16], $0x4000  }
0x14a: {  	[sflag:s16] =	ssyncset.done $0x0  }
0x14b: {  	[sflag:s16] =	ssyncadd.s32 $0xFFFFC000  }
0x14c: {  	[spmem:s2] =	stream.indirect.scatter.add.f32 [tilespmem:s14], [sflag:$0x3], $0x80, s12, s13, $0xb8;
	[tilespmem:$0x1CC00] =	vst v63  }
0x14d: {  	_ =	swait.ge [sflag:s17], $0x4000  }
0x14e: {  	[sflag:s17] =	ssyncset.done $0x0  }
0x14f: {  	s9 =	rddreg [dreg:$0x6];
	[sflag:s17] =	ssyncadd.s32 $0xFFFFC000  }
0x150: {  	[spmem:s2] =	stream.indirect.scatter.add.f32 [tilespmem:s15], [sflag:$0x4], $0x80, s9, s13, $0xb8;
	[tilespmem:$0x1CC00] =	vst v63  }
0x151: {  	_ =	swait.ge [sflag:s18], $0x4000  }
0x152: {  	[sflag:s18] =	ssyncset.done $0x0  }
0x153: {  	s7 =	rddreg [dreg:$0x7];
	[sflag:s18] =	ssyncadd.s32 $0xFFFFC000  }
0x154: {  	[tilespmem:s14], [sflag:$0x1] =	stream.indirect.gather [hbm4b:s4+s13], $0x80, s7, s13, $0xb8;
	[tilespmem:$0x1CC00] =	vst v63  }
0x155: {  	_ =	swait.ge [sflag:s19], $0x4000  }
0x156: {  	[sflag:s19] =	ssyncset.done $0x0  }
0x157: {  	s8 =	rddreg [dreg:$0x8];
	[sflag:s19] =	ssyncadd.s32 $0xFFFFC000  }
0x158: {  	[tilespmem:s15], [sflag:$0x2] =	stream.indirect.gather [hbm4b:s4+s13], $0x80, s8, s13, $0xb8;
	[tilespmem:$0x1CC00] =	vst v63  }
0x159: {  	_ =	swait.ge [sflag:s16], $0x4000  }
0x15a: {  	[sflag:s16] =	ssyncset.done $0x0  }
0x15b: {  	s9 =	rddreg [dreg:$0x9];
	[sflag:s16] =	ssyncadd.s32 $0xFFFFC000  }
0x15c: {  	[spmem:s2] =	stream.indirect.scatter.add.f32 [tilespmem:s14], [sflag:$0x3], $0x80, s9, s13, $0xb8;
	[tilespmem:$0x1CC00] =	vst v63  }
0x15d: {  	_ =	swait.ge [sflag:s17], $0x4000  }
0x15e: {  	[sflag:s17] =	ssyncset.done $0x0  }
0x15f: {  	s7 =	rddreg [dreg:$0xa];
	[sflag:s17] =	ssyncadd.s32 $0xFFFFC000  }
0x160: {  	[spmem:s2] =	stream.indirect.scatter.add.f32 [tilespmem:s15], [sflag:$0x4], $0x80, s7, s13, $0xb8;
	[tilespmem:$0x1CC00] =	vst v63  }
0x161: {  	_ =	swait.ge [sflag:s18], $0x4000  }
0x162: {  	[sflag:s18] =	ssyncset.done $0x0  }
0x163: {  	s8 =	rddreg [dreg:$0xb];
	[sflag:s18] =	ssyncadd.s32 $0xFFFFC000  }
0x164: {  	[tilespmem:s14], [sflag:$0x1] =	stream.indirect.gather [hbm4b:s4+s13], $0x80, s8, s13, $0xb8;
	[tilespmem:$0x1CC00] =	vst v63  }
0x165: {  	_ =	swait.ge [sflag:s19], $0x4000  }
0x166: {  	[sflag:s19] =	ssyncset.done $0x0  }
0x167: {  	s9 =	rddreg [dreg:$0xc];
	[sflag:s19] =	ssyncadd.s32 $0xFFFFC000  }
0x168: {  	[tilespmem:s15], [sflag:$0x2] =	stream.indirect.gather [hbm4b:s4+s13], $0x80, s9, s13, $0xb8;
	[tilespmem:$0x1CC00] =	vst v63  }
0x169: {  	_ =	swait.ge [sflag:s16], $0x4000  }
0x16a: {  	[sflag:s16] =	ssyncset.done $0x0  }
0x16b: {  	s7 =	rddreg [dreg:$0xd];
	[sflag:s16] =	ssyncadd.s32 $0xFFFFC000  }
0x16c: {  	[spmem:s2] =	stream.indirect.scatter.add.f32 [tilespmem:s14], [sflag:$0x3], $0x80, s7, s13, $0xb8;
	[tilespmem:$0x1CC00] =	vst v63  }
0x16d: {  	_ =	swait.ge [sflag:s17], $0x4000  }
0x16e: {  	[sflag:s17] =	ssyncset.done $0x0  }
0x16f: {  	s8 =	rddreg [dreg:$0xe];
	[sflag:s17] =	ssyncadd.s32 $0xFFFFC000  }
0x170: {  	[spmem:s2] =	stream.indirect.scatter.add.f32 [tilespmem:s15], [sflag:$0x4], $0x80, s8, s13, $0xb8;
	[tilespmem:$0x1CC00] =	vst v63  }
0x171: {  	_ =	swait.ge [sflag:s18], $0x4000  }
0x172: {  	[sflag:s18] =	ssyncset.done $0x0  }
0x173: {  	s9 =	rddreg [dreg:$0xf];
	[sflag:s18] =	ssyncadd.s32 $0xFFFFC000  }
0x174: {  	[tilespmem:s14], [sflag:$0x1] =	stream.indirect.gather [hbm4b:s4+s13], $0x80, s9, s13, $0xb8;
	[tilespmem:$0x1CC00] =	vst v63  }
0x175: {  	_ =	swait.ge [sflag:s19], $0x4000  }
0x176: {  	[sflag:s19] =	ssyncset.done $0x0  }
0x177: {  	s7 =	rddreg [dreg:$0x10];
	[sflag:s19] =	ssyncadd.s32 $0xFFFFC000  }
0x178: {  	[tilespmem:s15], [sflag:$0x2] =	stream.indirect.gather [hbm4b:s4+s13], $0x80, s7, s13, $0xb8;
	[tilespmem:$0x1CC00] =	vst v63  }
0x179: {  	_ =	swait.ge [sflag:s16], $0x4000  }
0x17a: {  	[sflag:s16] =	ssyncset.done $0x0  }
0x17b: {  	s8 =	rddreg [dreg:$0x11];
	[sflag:s16] =	ssyncadd.s32 $0xFFFFC000  }
0x17c: {  	[spmem:s2] =	stream.indirect.scatter.add.f32 [tilespmem:s14], [sflag:$0x3], $0x80, s8, s13, $0xb8;
	[tilespmem:$0x1CC00] =	vst v63  }
0x17d: {  	_ =	swait.ge [sflag:s17], $0x4000  }
0x17e: {  	[sflag:s17] =	ssyncset.done $0x0  }
0x17f: {  	s9 =	rddreg [dreg:$0x12];
	[sflag:s17] =	ssyncadd.s32 $0xFFFFC000  }
0x180: {  	[spmem:s2] =	stream.indirect.scatter.add.f32 [tilespmem:s15], [sflag:$0x4], $0x80, s9, s13, $0xb8;
	[tilespmem:$0x1CC00] =	vst v63  }
0x181: {  	_ =	swait.ge [sflag:s18], $0x4000  }
0x182: {  	[sflag:s18] =	ssyncset.done $0x0  }
0x183: {  	s7 =	rddreg [dreg:$0x13];
	[sflag:s18] =	ssyncadd.s32 $0xFFFFC000  }
0x184: {  	[tilespmem:s14], [sflag:$0x1] =	stream.indirect.gather [hbm4b:s4+s13], $0x80, s7, s13, $0xb8;
	[tilespmem:$0x1CC00] =	vst v63  }
0x185: {  	_ =	swait.ge [sflag:s19], $0x4000  }
0x186: {  	[sflag:s19] =	ssyncset.done $0x0  }
0x187: {  	s8 =	rddreg [dreg:$0x14];
	[sflag:s19] =	ssyncadd.s32 $0xFFFFC000  }
0x188: {  	[tilespmem:s15], [sflag:$0x2] =	stream.indirect.gather [hbm4b:s4+s13], $0x80, s8, s13, $0xb8;
	[tilespmem:$0x1CC00] =	vst v63  }
0x189: {  	_ =	swait.ge [sflag:s16], $0x4000  }
0x18a: {  	[sflag:s16] =	ssyncset.done $0x0  }
0x18b: {  	[sflag:s16] =	ssyncadd.s32 $0xFFFFC000  }
0x18c: {  	[spmem:s2] =	stream.indirect.scatter.add.f32 [tilespmem:s14], [sflag:$0x3], $0x80, s20, s13, $0xb8;
	[tilespmem:$0x1CC00] =	vst v63  }
0x18d: {  	_ =	swait.ge [sflag:s17], $0x4000  }
0x18e: {  	[sflag:s17] =	ssyncset.done $0x0  }
0x18f: {  	[sflag:s17] =	ssyncadd.s32 $0xFFFFC000  }
0x190: {  	[spmem:s2] =	stream.indirect.scatter.add.f32 [tilespmem:s15], [sflag:$0x4], $0x80, s21, s13, $0xb8;
	[tilespmem:$0x1CC00] =	vst v63  }
0x191: {  	_ =	swait.ge [sflag:s18], $0x4000  }
0x192: {  	[sflag:s18] =	ssyncset.done $0x0  }
0x193: {  	[sflag:s18] =	ssyncadd.s32 $0xFFFFC000  }
0x194: {  	[tilespmem:s14], [sflag:$0x1] =	stream.indirect.gather [hbm4b:s4+s13], $0x80, s22, s13, $0xb8;
	[tilespmem:$0x1CC00] =	vst v63  }
0x195: {  	_ =	swait.ge [sflag:s19], $0x4000  }
0x196: {  	[sflag:s19] =	ssyncset.done $0x0  }
0x197: {  	[sflag:s19] =	ssyncadd.s32 $0xFFFFC000  }
0x198: {  	[tilespmem:s15], [sflag:$0x2] =	stream.indirect.gather [hbm4b:s4+s13], $0x80, s23, s13, $0xb8;
	[tilespmem:$0x1CC00] =	vst v63  }
0x199: {  	_ =	swait.ge [sflag:s16], $0x4000  }
0x19a: {  	[sflag:s16] =	ssyncset.done $0x0  }
0x19b: {  	[sflag:s16] =	ssyncadd.s32 $0xFFFFC000  }
0x19c: {  	[spmem:s2] =	stream.indirect.scatter.add.f32 [tilespmem:s14], [sflag:$0x3], $0x80, s24, s13, $0xb8;
	[tilespmem:$0x1CC00] =	vst v63  }
0x19d: {  	_ =	swait.ge [sflag:s17], $0x4000  }
0x19e: {  	[sflag:s17] =	ssyncset.done $0x0  }
0x19f: {  	[sflag:s17] =	ssyncadd.s32 $0xFFFFC000  }
0x1a0: {  	[spmem:s2] =	stream.indirect.scatter.add.f32 [tilespmem:s15], [sflag:$0x4], $0x80, s25, s13, $0xb8;
	[tilespmem:$0x1CC00] =	vst v63  }
0x1a1: {  	_ =	swait.ge [sflag:s18], $0x4000  }
0x1a2: {  	[sflag:s18] =	ssyncset.done $0x0  }
0x1a3: {  	[sflag:s18] =	ssyncadd.s32 $0xFFFFC000  }
0x1a4: {  	[tilespmem:s14], [sflag:$0x1] =	stream.indirect.gather [hbm4b:s4+s13], $0x80, s26, s13, $0xb8;
	[tilespmem:$0x1CC00] =	vst v63  }
0x1a5: {  	_ =	swait.ge [sflag:s19], $0x4000  }
0x1a6: {  	[sflag:s19] =	ssyncset.done $0x0  }
0x1a7: {  	[sflag:s19] =	ssyncadd.s32 $0xFFFFC000  }
0x1a8: {  	[tilespmem:s15], [sflag:$0x2] =	stream.indirect.gather [hbm4b:s4+s13], $0x80, s28, s13, $0xb8;
	[tilespmem:$0x1CC00] =	vst v63  }
0x1a9: {  	_ =	swait.ge [sflag:s16], $0x4000  }
0x1aa: {  	[sflag:s16] =	ssyncset.done $0x0  }
0x1ab: {  	[sflag:s16] =	ssyncadd.s32 $0xFFFFC000  }
0x1ac: {  	[spmem:s2] =	stream.indirect.scatter.add.f32 [tilespmem:s14], [sflag:$0x3], $0x80, s29, s13, $0xb8;
	[tilespmem:$0x1CC00] =	vst v63  }
0x1ad: {  	_ =	swait.ge [sflag:s17], $0x4000  }
0x1ae: {  	[sflag:s17] =	ssyncset.done $0x0  }
0x1af: {  	[sflag:s17] =	ssyncadd.s32 $0xFFFFC000  }
0x1b0: {  	[spmem:s2] =	stream.indirect.scatter.add.f32 [tilespmem:s15], [sflag:$0x4], $0x80, s30, s13, $0xb8;
	[tilespmem:$0x1CC00] =	vst v63  }
0x1b1: {  	_ =	swait.ge [sflag:s18], $0x4000  }
0x1b2: {  	[sflag:s18] =	ssyncset.done $0x0  }
0x1b3: {  	[sflag:s18] =	ssyncadd.s32 $0xFFFFC000  }
0x1b4: {  	[tilespmem:s14], [sflag:$0x1] =	stream.indirect.gather [hbm4b:s4+s13], $0x80, s31, s13, $0xb8;
	[tilespmem:$0x1CC00] =	vst v63  }
0x1b5: {  	_ =	swait.ge [sflag:s19], $0x4000  }
0x1b6: {  	[sflag:s19] =	ssyncset.done $0x0  }
0x1b7: {  	[sflag:s19] =	ssyncadd.s32 $0xFFFFC000  }
0x1b8: {  	[tilespmem:s15], [sflag:$0x2] =	stream.indirect.gather [hbm4b:s4+s13], $0x80, s0, s13, $0xb8;
	[tilespmem:$0x1CC00] =	vst v63  }
0x1b9: {  	_ =	swait.ge [sflag:s16], $0x4000  }
0x1ba: {  	[sflag:s16] =	ssyncset.done $0x0  }
0x1bb: {  	[sflag:s16] =	ssyncadd.s32 $0xFFFFC000  }
0x1bc: {  	[spmem:s2] =	stream.indirect.scatter.add.f32 [tilespmem:s14], [sflag:$0x3], $0x80, s1, s13, $0xb8;
	[tilespmem:$0x1CC00] =	vst v63  }
0x1bd: {  	_ =	swait.ge [sflag:s17], $0x4000  }
0x1be: {  	[sflag:s17] =	ssyncset.done $0x0  }
0x1bf: {  	[sflag:s17] =	ssyncadd.s32 $0xFFFFC000  }
0x1c0: {  	[spmem:s2] =	stream.indirect.scatter.add.f32 [tilespmem:s15], [sflag:$0x4], $0x80, s5, s13, $0xb8;
	[tilespmem:$0x1CC00] =	vst v63  }
0x1c1: {  	_ =	swait.ge [sflag:s18], $0x4000  }
0x1c2: {  	[sflag:s18] =	ssyncset.done $0x0  }
0x1c3: {  	[sflag:s18] =	ssyncadd.s32 $0xFFFFC000  }
0x1c4: {  	_ =	swait.ge [sflag:s19], $0x4000  }
0x1c5: {  	[sflag:s19] =	ssyncset.done $0x0  }
0x1c6: {  	[sflag:s19] =	ssyncadd.s32 $0xFFFFC000  }
0x1c7: {  	[bflag:$0x0] =	sbarrier.arrive $0xFFFF  }
0x1c8: {  	s8 =	rddreg [dreg:$0x16]  }
0x1c9: {  	s9 =	rddreg [dreg:$0x17]  }
0x1ca: {  	s7 =	rddreg [dreg:$0x19]  }
0x1cb: {  	[hbm:s9], [sflag:s8] =	dma.local [spmem:s7], $0x2780  }
0x1cc: {  	_ =	swait.ge [sflag:s10], $0x2780  }
0x1cd: {  	s6 =	rddreg [dreg:$0x1a]  }
0x1ce: {  	s9 =	sadd.s32 $0x1, s6;
	s6 =	rddreg [dreg:$0x18]  }
0x1cf: {  	p0 =	sne.s32 s9, s6  }
.Ltmp1:
0x1d0: {  	_ = 	snop;
	(pc) =	sbr.rel @p0 .LBB2_1-.Ltmp1, $3  }
0x1d1: {  	_ =	sdelay $0x1  }
0x1d2: {  	[sflag:s10] =	ssyncset.done $0x0  }
0x1d3: {  	[sflag:s10] =	ssyncadd.s32 $0xFFFFD880  }
0x1d4: {  	_ =	sfence.sel $0x180000  }
0x1d5: {  	[bflag:$0x0] =	sbarrier.arrive $0xFFFF  }
0x1d6: {  	_ =	strace $0x9000004D  }
0x1d7: {  	s0 =	stileid.u32;
	[bflag:$0x2] =	sbarrier.arrive $0xFFFF  }
0x1d8: {  	p0 =	sne.s32 s0, $0x0;
	s0 =	rddreg [dreg:$0x2]  }
0x1d9: {  	s0 =	sadd.s32 @!p0 $0x100000, s0  }
0x1da: {  	[sflag:s0] =	ssyncadd.tile.s32 @!p0 $0x1;
	_ =	shalt  }
.Lfunc_end2:
_tile_overlayer_lowered:
.L_overlay_start_2:
0x1db: {  	(tag) =	ssettag $0x2  }
0x1dc: {  	s0 =	rddreg [dreg:$0x0];
	s2 =	stileid.u32  }
0x1dd: {  	s1 =	rddreg [dreg:$0x1];
	p0 =	sne.s32 s2, $0x0  }
0x1de: {  	s3 =	rddreg [dreg:$0x2];
	[bflag:$0x3] =	sbarrier.arrive $0xFFFF;
	s2 =	simm.s32 @!p0 $0x1C05  }
0x1df: {  	[timem:s3], [sflag:s2] =	dma.local @!p0 [hbm:s0], s1  }
0x1e0: {  	s0 =	simm.s32 @!p0 $0x5  }
0x1e1: {  	_ =	swait.ge @!p0 [sflag:s0], s1  }
0x1e2: {  	s1 =	ssub.s32 @!p0 $0x0, s1;
	[sflag:s0] =	ssyncset.done @!p0 $0x0  }
0x1e3: {  	[sflag:s0] =	ssyncadd.s32 @!p0 s1  }
0x1e4: {  	[bflag:$0x3] =	sbarrier.arrive $0xFFFF  }
0x1e5: {  	_ =	shalt  }

// kernel: _run.8.cloned.1.call-start
scs
__scs_entry_jumppad:
0x0: {  	(pc) =	sbr.rel $0x88, $3  }
0x1: {  	(tag) =	ssettag $0x0;
	lr =	simm.s32 $0x1  }
0x2: {  	[smem:$0x3F99] =	sst lr;
	_ =	strace $0xD0000000  }
0x3: {  	_ = 	snop  }
0x4: {  	_ = 	snop  }
0x5: {  	_ = 	snop  }
0x6: {  	_ = 	snop  }
0x7: {  	_ = 	snop  }
__scs_overlays_trampoline_lowered:
0x8: {  	[smem:$0x3FA8] =	sst s0  }
0x9: {  	[smem:$0x3FA9] =	sst s1  }
0xa: {  	[smem:$0x3FAA] =	sst s2  }
0xb: {  	[smem:$0x3FAB] =	sst s3  }
0xc: {  	[smem:$0x3FAC] =	sst s4  }
0xd: {  	[smem:$0x3FAD] =	sst s5  }
0xe: {  	[smem:$0x3FAE] =	sst s6  }
0xf: {  	[smem:$0x3FAF] =	sst s7  }
0x10: {  	[smem:$0x3FB0] =	sst s8  }
0x11: {  	[smem:$0x3FB1] =	sst s9;
	s0 =	simm.s32 @!p0 $0x0  }
0x12: {  	s1 =	sld [smem:$0x3F97];
	s0 =	simm.s32 @p0 $0x1  }
0x13: {  	[smem:$0x3FB2] =	sst s0;
	s0 =	simm.s32 @!p1 $0x0  }
0x14: {  	s2 =	sld [smem:$0x3F96];
	s0 =	simm.s32 @p1 $0x1  }
0x15: {  	[smem:$0x3FB3] =	sst s0;
	s0 =	simm.s32 @!p2 $0x0  }
0x16: {  	s3 =	sld [smem:$0x3FDB];
	s0 =	simm.s32 @p2 $0x1  }
0x17: {  	s4 =	simm.s32 $0x1BF5;
	[smem:$0x3FB5] =	sst s0  }
0x18: {  	s0 =	sld [smem:$0x3F98];
	_ =	swait.ge [sflag:s4], $0x0  }
0x19: {  	s7 =	sld [smem:$0x3F99]  }
0x1a: {  	s8 =	sadd.s32 $0xFFFFE003, lr  }
0x1b: {  	s9 =	sadd.s32 $0xFFFFFEF7, lr;
	s5 =	simm.s32 $0xFFFFFFFF;
	p2 =	slt.u32 s8, $0xFFFFF086  }
0x1c: {  	p1 =	slt.u32 s9, $0xF7A;
	s5 =	simm.s32 @!p2 $0x0  }
0x1d: {  	s5 =	simm.s32 @p1 $0x1;
	p0 =	seq.s32 s7, s2  }
0x1e: {  	s7 =	smul.u32 @!p0 $0xF7A, s2;
	p2 =	seq.s32 @!p0 s5, $0x0  }
0x1f: {  	s9 =	smul.u32 $0xF7A, s1;
	s8 =	simm.s32 @!p0 $0x1BF5;
	p2 =	por !p2, p0  }
0x20: {  	[sflag:s8] =	ssyncset.s32 @!p0 $0xFFFFF086;
	s6 =	sadd.s32 @!p0 s3, s7;
	s7 =	simm.s32 @!p0 $0x108  }
0x21: {  	s3 =	sadd.s32 s3, s9;
	s6 =	sadd.s32 @!p0 $0x88, s6;
	s7 =	simm.s32 @p2 $0x1082  }
0x22: {  	[simem:s7], [sflag:s8] =	dma.local @!p0 [hbm:s6], $0xF7A  }
0x23: {  	s9 =	sor.u32 $0xD0000000, s2;
	s6 =	simm.s32 $0x108;
	_ =	swait.ge @!p0 [sflag:s8], $0x0  }
0x24: {  	s3 =	sadd.s32 $0x88, s3;
	s6 =	simm.s32 @!p1 $0x1082;
	[sflag:s4] =	ssyncset.s32 $0xFFFFF086  }
0x25: {  	[simem:s6], [sflag:s4] =	dma.local [hbm:s3], $0xF7A  }
0x26: {  	[smem:$0x3F99] =	sst s1;
	(tag) =	ssettag s2;
	_ =	strace s9  }
0x27: {  	s1 =	sld [smem:$0x3FA9]  }
0x28: {  	s2 =	sld [smem:$0x3FAA]  }
0x29: {  	s4 =	sld [smem:$0x3FAC]  }
0x2a: {  	p0 =	seq.s32 s5, $0x0;
	s5 =	sld [smem:$0x3FAD]  }
0x2b: {  	s6 =	sld [smem:$0x3FAE]  }
0x2c: {  	s7 =	sld [smem:$0x3FAF]  }
0x2d: {  	s3 =	simm.s32 $0x108;
	s8 =	sld [smem:$0x3FB0]  }
0x2e: {  	s3 =	simm.s32 @!p0 $0x1082;
	s9 =	sld [smem:$0x3FB1]  }
0x2f: {  	lr =	sadd.s32 s0, s3;
	s0 =	sld [smem:$0x3FA8]  }
0x30: {  	s3 =	sld [smem:$0x3FAB]  }
0x31: {  	[smem:$0x3FB4] =	sst s10  }
0x32: {  	s10 =	sld [smem:$0x3FB2];
	_ =	sdelay $0x3  }
0x33: {  	p0 =	seq.s32 s10, $0x1;
	s10 =	sld [smem:$0x3FB4];
	_ =	sdelay $0x3  }
0x34: {  	[smem:$0x3FB4] =	sst s10  }
0x35: {  	s10 =	sld [smem:$0x3FB3];
	_ =	sdelay $0x3  }
0x36: {  	p1 =	seq.s32 s10, $0x1;
	s10 =	sld [smem:$0x3FB4];
	_ =	sdelay $0x3  }
0x37: {  	[smem:$0x3FB4] =	sst s10  }
0x38: {  	s10 =	sld [smem:$0x3FB5]  }
0x39: {  	_ = 	snop;
	(pc) =	sbr.ind lr, $3  }
0x3a: {  	_ = 	snop  }
0x3b: {  	_ = 	snop  }
0x3c: {  	p2 =	seq.s32 s10, $0x1;
	s10 =	sld [smem:$0x3FB4]  }
0x3d: {  	_ =	shalt  }
0x3e: {  	_ =	shalt  }
0x3f: {  	_ =	shalt  }
0x40: {  	_ =	shalt  }
0x41: {  	_ =	shalt  }
0x42: {  	_ =	shalt  }
0x43: {  	_ =	shalt  }
0x44: {  	_ =	shalt  }
0x45: {  	_ =	shalt  }
0x46: {  	_ =	shalt  }
0x47: {  	_ =	shalt  }
0x48: {  	_ =	shalt  }
0x49: {  	_ =	shalt  }
0x4a: {  	_ =	shalt  }
0x4b: {  	_ =	shalt  }
0x4c: {  	_ =	shalt  }
0x4d: {  	_ =	shalt  }
0x4e: {  	_ =	shalt  }
0x4f: {  	_ =	shalt  }
0x50: {  	_ =	shalt  }
0x51: {  	_ =	shalt  }
0x52: {  	_ =	shalt  }
0x53: {  	_ =	shalt  }
0x54: {  	_ =	shalt  }
0x55: {  	_ =	shalt  }
0x56: {  	_ =	shalt  }
0x57: {  	_ =	shalt  }
0x58: {  	_ =	shalt  }
0x59: {  	_ =	shalt  }
0x5a: {  	_ =	shalt  }
0x5b: {  	_ =	shalt  }
0x5c: {  	_ =	shalt  }
0x5d: {  	_ =	shalt  }
0x5e: {  	_ =	shalt  }
0x5f: {  	_ =	shalt  }
0x60: {  	_ =	shalt  }
0x61: {  	_ =	shalt  }
0x62: {  	_ =	shalt  }
0x63: {  	_ =	shalt  }
0x64: {  	_ =	shalt  }
0x65: {  	_ =	shalt  }
0x66: {  	_ =	shalt  }
0x67: {  	_ =	shalt  }
0x68: {  	_ =	shalt  }
0x69: {  	_ =	shalt  }
0x6a: {  	_ =	shalt  }
0x6b: {  	_ =	shalt  }
0x6c: {  	_ =	shalt  }
0x6d: {  	_ =	shalt  }
0x6e: {  	_ =	shalt  }
0x6f: {  	_ =	shalt  }
0x70: {  	_ =	shalt  }
0x71: {  	_ =	shalt  }
0x72: {  	_ =	shalt  }
0x73: {  	_ =	shalt  }
0x74: {  	_ =	shalt  }
0x75: {  	_ =	shalt  }
0x76: {  	_ =	shalt  }
0x77: {  	_ =	shalt  }
0x78: {  	_ =	shalt  }
0x79: {  	_ =	shalt  }
0x7a: {  	_ =	shalt  }
0x7b: {  	_ =	shalt  }
0x7c: {  	_ =	shalt  }
0x7d: {  	_ =	shalt  }
0x7e: {  	_ =	shalt  }
0x7f: {  	_ =	shalt  }
0x80: {  	_ =	shalt  }
0x81: {  	_ =	shalt  }
0x82: {  	_ =	shalt  }
0x83: {  	_ =	shalt  }
0x84: {  	_ =	shalt  }
0x85: {  	_ =	shalt  }
0x86: {  	_ =	shalt  }
0x87: {  	_ =	shalt  }
.Lfunc_end0:
.L_simem_size_0:
called_computation_lowered:
.L_overlay_start_0:
0x88: {  	s2 =	sld [smem:$0x3FD9]  }
0x89: {  	s3 =	sld [smem:$0x3FFE];
	_ =	sdelay $0x1  }
0x8a: {  	s1 =	srdreg.scid  }
0x8b: {  	s0 =	sand.u32 $0x1, s1  }
0x8c: {  	s16 =	sshll.u32 s0, $0xA;
	s2 =	sadd.s32 s3, s2  }
0x8d: {  	s2 =	sadd.s32 s2, s16  }
0x8e: {  	[smem:$0x3FC0] =	sst s2  }
0x8f: {  	_ = 	snop  }
0x90: {  	(tm) =	ssettm $0x1  }
0x91: {  	s17 =	sld [smem:$0x3FFB];
	_ =	sdelay $0x3  }
0x92: {  	_ =	strace s17  }
0x93: {  	s2 =	sld [smem:$0x3FFC];
	_ =	sdelay $0x3  }
0x94: {  	_ =	strace s2  }
0x95: {  	s2 =	sld [smem:$0x3FFD];
	_ =	sdelay $0x3  }
0x96: {  	_ =	strace s2  }
0x97: {  	_ =	strace $0x8FFFFFFF  }
0x98: {  	s18 =	sld [smem:$0x3FDB];
	_ =	sdelay $0x1  }
0x99: {  	s19 =	simm.s32 $_scs_section_size  }
0x9a: {  	s4 =	simm.s32 $_size__tile_overlayer_lowered;
	s5 =	simm.s32 $_tile_overlayer_lowered  }
0x9b: {  	s22 =	simm.s32 $0x1BFF;
	s21 =	sshll.u32 s5, $0x1;
	s2 =	sadd.s32 s19, s18  }
0x9c: {  	s6 =	simm.s32 $0x0;
	s20 =	sshll.u32 s4, $0x1;
	s4 =	sadd.s32 s21, s2  }
0x9d: {  	[timem:s6], [sflag:s22] =	dma.local [hbm:s4], s20  }
0x9e: {  	_ =	swait.ge [sflag:s22], s20  }
0x9f: {  	s3 =	ssub.s32 $0x0, s20;
	[sflag:s22] =	ssyncset.done $0x0  }
0xa0: {  	[sflag:s22] =	ssyncadd.s32 s3;
	_ =	sdelay $0x1  }
0xa1: {  	s23 =	simm.s32 $0x1B8B  }
0xa2: {  	_ =	swait.ge [sflag:s23], $0x1  }
0xa3: {  	[sflag:s23] =	ssyncset.done $0x0  }
0xa4: {  	s25 =	simm.s32 $0x1B8E;
	s24 =	sld [smem:$0x3FFE];
	[sflag:s23] =	ssyncadd.s32 $0xFFFFFFFF  }
0xa5: {  	s26 =	simm.s32 $execute0_lowered;
	[smem:$0x3FD2] =	sst s25  }
0xa6: {  	s4 =	sshll.u32 s26, $0x1;
	_ =	strace $0x80000046;
	[dreg:$0x1] =	wrdreg $0xFFFFFFFF  }
0xa7: {  	s28 =	simm.s32 $_size_execute0_lowered;
	s2 =	sadd.s32 s2, s4;
	[dreg:$0x0] =	wrdreg $0x0  }
0xa8: {  	s4 =	sshll.u32 s28, $0x1;
	[dreg:$0x2] =	wrdreg s2  }
0xa9: {  	[dreg:$0x3] =	wrdreg s4  }
0xaa: {  	[dreg:$0x4] =	wrdreg $0xC0  }
0xab: {  	_ =	task [dreg:s6], $0x5FFFF  }
0xac: {  	[dreg:$0x1] =	wrdreg $0xFFFFFFFF  }
0xad: {  	[dreg:$0x0] =	wrdreg $0x60  }
0xae: {  	[dreg:$0x2] =	wrdreg s24  }
0xaf: {  	[dreg:$0x3] =	wrdreg $0x0  }
0xb0: {  	[dreg:$0x4] =	wrdreg $0x9  }
0xb1: {  	_ =	task.clear_ibuf [dreg:s6], $0x5FFFF;
	_ =	strace $0x90000046  }
0xb2: {  	s29 =	simm.s32 $0x9;
	_ =	strace $0x80000048  }
0xb3: {  	_ =	swait.ge [sflag:s29], $0x1  }
0xb4: {  	[sflag:s29] =	ssyncadd.s32 $0xFFFFFFFF  }
0xb5: {  	_ =	strace $0x90000048  }
0xb6: {  	_ =	sfence  }
0xb7: {  	s30 =	sld [smem:$0x0];
	_ =	sdelay $0x2  }
0xb8: {  	s31 =	sshll.u32 s1, $0xD;
	s1 =	sshrl.u32 s1, $0x2  }
0xb9: {  	s3 =	sand.u32 $0x4000, s31;
	s1 =	sadd.s32 s1, s30  }
0xba: {  	s0 =	sor.u32 s3, s0;
	s1 =	sshll.u32 s1, $0x11  }
0xbb: {  	s0 =	sor.u32 s1, s0  }
0xbc: {  	s0 =	sadd.s32 $0x8F2B, s0  }
0xbd: {  	[sflag:s0] =	ssyncadd.remote.s32 $0x1  }
0xbe: {  	_ =	sfence.sel $0xFFFF  }
0xbf: {  	[dreg:$0x0] =	wrdreg $0xFFFFFFFF;
	(pc) =	sbr.abs _section_cstart, $3  }
0xc0: {  	[dreg:$0x1] =	wrdreg $0xFFFFFFFF  }
0xc1: {  	_ =	task.clear_ibuf [dreg:s6], $0x2FFFF;
	_ =	strace $0x9FFFFFFF  }
0xc2: {  	(tm) =	ssettm $0x7FFFFFFF  }
0xc3: {  	_ =	shalt  }
tec
execute0_lowered:
.L_overlay_start_1:
0x0: {  	(tag) =	ssettag $0x1  }
0x1: {  	s6 =	rddreg [dreg:$0x0]  }
0x2: {  	s0 =	srdreg.scid;
	s2 =	rddreg [dreg:$0x1];
	s3 =	simm.s32 $0x0  }
0x3: {  	s14 =	simm.s32 $0x80;
	s5 =	sand.u32 $0x1, s0;
	s0 =	stileid.u32  }
0x4: {  	s15 =	simm.s32 $0x1;
	s16 =	simm.s32 $0x0;
	s7 =	smul.u32 $0x13C00, s0  }
0x5: {  	[smem:$0x7FF] =	sst s3;
	s1 =	sshll.u32 s5, $0x4;
	s8 =	smul.u32 $0x13C000, s5  }
0x6: {  	s28 =	smul.u32 $0x4F000, s0;
	s5 =	ssub.s32 $0x2, s5;
	s1 =	sor.u32 s0, s1  }
0x7: {  	s31 =	sshll.u32 s0, $0x6;
	s29 =	sshrl.u32 s5, $0x1;
	s4 =	smul.u32 $0x500, s1  }
0x8: {  	s1 =	rddreg [dreg:$0x2];
	_ =	strace $0x80000047;
	s26 =	sshrl.u32 s7, $0x3  }
0x9: {  	s7 =	sadd.s32 s7, s8;
	s30 =	sshrl.u32 s28, $0x2;
	s12 =	ssub.s32 s5, s29  }
0xa: {  	s10 =	sadd.s32 s26, s6;
	s7 =	sshrl.u32 s7, $0x3;
	s13 =	sadd.s32 s30, s2  }
0xb: {  	s9 =	sadd.s32 s4, s6;
	s4 =	sadd.s32 $0x3E600, s6;
	s11 =	sadd.s32 s7, s6  }
0xc: {  	s5 =	sadd.s32 $0x16E00, s10;
	s6 =	sor.u32 $0x1C02, s31;
	s10 =	sshrl.u32 s13, $0x3  }
0xd: {  	s13 =	simm.s32 $0x17C00;
	s7 =	sadd.s32 $0xCE00, s9;
	s8 =	sadd.s32 $0x3EE00, s11  }
0xe: {  	s9 =	smax.u32 s12, $0x1;
	s11 =	simm.s32 $0x2;
	s12 =	simm.s32 $0x13C00  }
.LBB2_1:
0xf: {  	[spmem:s10], [sflag:s6] =	dma.local [hbm:s5], $0x2780  }
0x10: {  	_ =	swait.ge [sflag:s11], $0x2780  }
0x11: {  	[sflag:s11] =	ssyncset.done $0x0  }
0x12: {  	[sflag:s11] =	ssyncadd.s32 $0xFFFFD880  }
0x13: {  	[tilespmem:s12], [sflag:$0x2] =	stream.linear.gather [hbm4b:s4+s3], $0x4000, $0x38;
	[tilespmem:$0x1A400] =	vst v63  }
0x14: {  	_ =	swait.ge [sflag:s11], $0x4000  }
0x15: {  	[sflag:s11] =	ssyncset.done $0x0  }
0x16: {  	[sflag:s11] =	ssyncadd.s32 $0xFFFFC000  }
0x17: {  	[tilespmem:s13], [sflag:$0x2] =	stream.linear.gather [hbm4b:s7+s3], $0x2800, $0x38;
	[tilespmem:$0x1A400] =	vst v63  }
0x18: {  	_ =	swait.ge [sflag:s11], $0x2800  }
0x19: {  	[sflag:s11] =	ssyncset.done $0x0  }
0x1a: {  	[sflag:s11] =	ssyncadd.s32 $0xFFFFD800  }
0x1b: {  	s17 =	simm.s32 $0x17C00;
	[bflag:$0x0] =	sbarrier.arrive $0xFFFF  }
0x1c: {  	[spmem:s2] =	stream.indirect.scatter.add.f32 [tilespmem:s12], [sflag:$0x1], $0x80, s17, s14, $0xb8;
	[tilespmem:$0x1A400] =	vst v63  }
0x1d: {  	s24 =	simm.s32 $0x17C80  }
0x1e: {  	[spmem:s2] =	stream.indirect.scatter.add.f32 [tilespmem:s12], [sflag:$0x1], $0x80, s24, s14, $0xb8;
	[tilespmem:$0x1A400] =	vst v63  }
0x1f: {  	s25 =	simm.s32 $0x17D00  }
0x20: {  	[spmem:s2] =	stream.indirect.scatter.add.f32 [tilespmem:s12], [sflag:$0x1], $0x80, s25, s14, $0xb8;
	[tilespmem:$0x1A400] =	vst v63  }
0x21: {  	s26 =	simm.s32 $0x17D80  }
0x22: {  	[spmem:s2] =	stream.indirect.scatter.add.f32 [tilespmem:s12], [sflag:$0x1], $0x80, s26, s14, $0xb8;
	[tilespmem:$0x1A400] =	vst v63  }
0x23: {  	s28 =	simm.s32 $0x17E00  }
0x24: {  	[spmem:s2] =	stream.indirect.scatter.add.f32 [tilespmem:s12], [sflag:$0x1], $0x80, s28, s14, $0xb8;
	[tilespmem:$0x1A400] =	vst v63  }
0x25: {  	s29 =	simm.s32 $0x17E80  }
0x26: {  	[spmem:s2] =	stream.indirect.scatter.add.f32 [tilespmem:s12], [sflag:$0x1], $0x80, s29, s14, $0xb8;
	[tilespmem:$0x1A400] =	vst v63  }
0x27: {  	s30 =	simm.s32 $0x17F00  }
0x28: {  	[spmem:s2] =	stream.indirect.scatter.add.f32 [tilespmem:s12], [sflag:$0x1], $0x80, s30, s14, $0xb8;
	[tilespmem:$0x1A400] =	vst v63  }
0x29: {  	s31 =	simm.s32 $0x17F80  }
0x2a: {  	[spmem:s2] =	stream.indirect.scatter.add.f32 [tilespmem:s12], [sflag:$0x1], $0x80, s31, s14, $0xb8;
	[tilespmem:$0x1A400] =	vst v63  }
0x2b: {  	_ =	swait.ge [sflag:s15], $0x4000  }
0x2c: {  	[sflag:s15] =	ssyncset.done $0x0  }
0x2d: {  	[sflag:s15] =	ssyncadd.s32 $0xFFFFC000  }
0x2e: {  	_ =	swait.ge [sflag:s15], $0x4000  }
0x2f: {  	[sflag:s15] =	ssyncset.done $0x0  }
0x30: {  	[sflag:s15] =	ssyncadd.s32 $0xFFFFC000  }
0x31: {  	_ =	swait.ge [sflag:s15], $0x4000  }
0x32: {  	[sflag:s15] =	ssyncset.done $0x0  }
0x33: {  	[sflag:s15] =	ssyncadd.s32 $0xFFFFC000  }
0x34: {  	_ =	swait.ge [sflag:s15], $0x4000  }
0x35: {  	[sflag:s15] =	ssyncset.done $0x0  }
0x36: {  	[sflag:s15] =	ssyncadd.s32 $0xFFFFC000  }
0x37: {  	_ =	swait.ge [sflag:s15], $0x4000  }
0x38: {  	[sflag:s15] =	ssyncset.done $0x0  }
0x39: {  	[sflag:s15] =	ssyncadd.s32 $0xFFFFC000  }
0x3a: {  	_ =	swait.ge [sflag:s15], $0x4000  }
0x3b: {  	[sflag:s15] =	ssyncset.done $0x0  }
0x3c: {  	[sflag:s15] =	ssyncadd.s32 $0xFFFFC000  }
0x3d: {  	_ =	swait.ge [sflag:s15], $0x4000  }
0x3e: {  	[sflag:s15] =	ssyncset.done $0x0  }
0x3f: {  	[sflag:s15] =	ssyncadd.s32 $0xFFFFC000  }
0x40: {  	_ =	swait.ge [sflag:s15], $0x4000  }
0x41: {  	s20 =	simm.s32 $0x2000;
	s19 =	simm.s32 $0x400;
	[sflag:s15] =	ssyncset.done $0x0  }
.LBB2_2:
0x42: {  	s21 =	sadd.s32 $0x17C00, s19  }
0x43: {  	[sflag:s15] =	ssyncadd.s32 $0xFFFFC000;
	s18 =	smov.u32 s20;
	s17 =	sadd.s32 $0x1000, s20  }
0x44: {  	[spmem:s2] =	stream.indirect.scatter.add.f32 [tilespmem:s12], [sflag:$0x1], $0x80, s21, s14, $0xb8;
	[tilespmem:$0x1A400] =	vst v63  }
0x45: {  	p0 =	sne.s32 s20, $0x9000;
	s20 =	sadd.s32 $0x17C80, s19  }
0x46: {  	[spmem:s2] =	stream.indirect.scatter.add.f32 [tilespmem:s12], [sflag:$0x1], $0x80, s20, s14, $0xb8;
	[tilespmem:$0x1A400] =	vst v63  }
0x47: {  	s20 =	sadd.s32 $0x17D00, s19  }
0x48: {  	[spmem:s2] =	stream.indirect.scatter.add.f32 [tilespmem:s12], [sflag:$0x1], $0x80, s20, s14, $0xb8;
	[tilespmem:$0x1A400] =	vst v63  }
0x49: {  	s20 =	sadd.s32 $0x17D80, s19  }
0x4a: {  	[spmem:s2] =	stream.indirect.scatter.add.f32 [tilespmem:s12], [sflag:$0x1], $0x80, s20, s14, $0xb8;
	[tilespmem:$0x1A400] =	vst v63  }
0x4b: {  	s20 =	sadd.s32 $0x17E00, s19  }
0x4c: {  	[spmem:s2] =	stream.indirect.scatter.add.f32 [tilespmem:s12], [sflag:$0x1], $0x80, s20, s14, $0xb8;
	[tilespmem:$0x1A400] =	vst v63  }
0x4d: {  	s20 =	sadd.s32 $0x17E80, s19  }
0x4e: {  	[spmem:s2] =	stream.indirect.scatter.add.f32 [tilespmem:s12], [sflag:$0x1], $0x80, s20, s14, $0xb8;
	[tilespmem:$0x1A400] =	vst v63  }
0x4f: {  	s20 =	sadd.s32 $0x17F00, s19  }
0x50: {  	[spmem:s2] =	stream.indirect.scatter.add.f32 [tilespmem:s12], [sflag:$0x1], $0x80, s20, s14, $0xb8;
	[tilespmem:$0x1A400] =	vst v63  }
0x51: {  	s19 =	sadd.s32 $0x17F80, s19  }
0x52: {  	[spmem:s2] =	stream.indirect.scatter.add.f32 [tilespmem:s12], [sflag:$0x1], $0x80, s19, s14, $0xb8;
	[tilespmem:$0x1A400] =	vst v63  }
0x53: {  	_ =	swait.ge [sflag:s15], $0x4000  }
0x54: {  	[sflag:s15] =	ssyncset.done $0x0  }
0x55: {  	[sflag:s15] =	ssyncadd.s32 $0xFFFFC000  }
0x56: {  	_ =	swait.ge [sflag:s15], $0x4000  }
0x57: {  	[sflag:s15] =	ssyncset.done $0x0  }
0x58: {  	[sflag:s15] =	ssyncadd.s32 $0xFFFFC000  }
0x59: {  	_ =	swait.ge [sflag:s15], $0x4000  }
0x5a: {  	[sflag:s15] =	ssyncset.done $0x0  }
0x5b: {  	[sflag:s15] =	ssyncadd.s32 $0xFFFFC000  }
0x5c: {  	_ =	swait.ge [sflag:s15], $0x4000  }
0x5d: {  	[sflag:s15] =	ssyncset.done $0x0  }
0x5e: {  	[sflag:s15] =	ssyncadd.s32 $0xFFFFC000  }
0x5f: {  	_ =	swait.ge [sflag:s15], $0x4000  }
0x60: {  	[sflag:s15] =	ssyncset.done $0x0  }
0x61: {  	[sflag:s15] =	ssyncadd.s32 $0xFFFFC000  }
0x62: {  	_ =	swait.ge [sflag:s15], $0x4000  }
0x63: {  	[sflag:s15] =	ssyncset.done $0x0  }
0x64: {  	[sflag:s15] =	ssyncadd.s32 $0xFFFFC000  }
.Ltmp0:
0x65: {  	_ =	swait.ge [sflag:s15], $0x4000;
	(pc) =	sbr.rel @p0 .LBB2_2-.Ltmp0, $4  }
0x66: {  	[sflag:s15] =	ssyncset.done $0x0  }
0x67: {  	[sflag:s15] =	ssyncadd.s32 $0xFFFFC000  }
0x68: {  	_ =	swait.ge [sflag:s15], $0x4000  }
0x69: {  	s20 =	smov.u32 s17;
	s19 =	sshra.s32 s18, $0x2;
	[sflag:s15] =	ssyncset.done $0x0  }
0x6a: {  	s17 =	sadd.s32 $0x17C00, s19;
	[sflag:s15] =	ssyncadd.s32 $0xFFFFC000  }
0x6b: {  	[spmem:s2] =	stream.indirect.scatter.add.f32 [tilespmem:s12], [sflag:$0x1], $0x80, s17, s14, $0xb8;
	[tilespmem:$0x1A400] =	vst v63  }
0x6c: {  	s24 =	sadd.s32 $0x17C80, s19  }
0x6d: {  	[spmem:s2] =	stream.indirect.scatter.add.f32 [tilespmem:s12], [sflag:$0x1], $0x80, s24, s14, $0xb8;
	[tilespmem:$0x1A400] =	vst v63  }
0x6e: {  	s25 =	sadd.s32 $0x17D00, s19  }
0x6f: {  	[spmem:s2] =	stream.indirect.scatter.add.f32 [tilespmem:s12], [sflag:$0x1], $0x80, s25, s14, $0xb8;
	[tilespmem:$0x1A400] =	vst v63  }
0x70: {  	s26 =	sadd.s32 $0x17D80, s19  }
0x71: {  	[spmem:s2] =	stream.indirect.scatter.add.f32 [tilespmem:s12], [sflag:$0x1], $0x80, s26, s14, $0xb8;
	[tilespmem:$0x1A400] =	vst v63  }
0x72: {  	s28 =	sadd.s32 $0x17E00, s19  }
0x73: {  	[spmem:s2] =	stream.indirect.scatter.add.f32 [tilespmem:s12], [sflag:$0x1], $0x80, s28, s14, $0xb8;
	[tilespmem:$0x1A400] =	vst v63  }
0x74: {  	s29 =	sadd.s32 $0x17E80, s19  }
0x75: {  	[spmem:s2] =	stream.indirect.scatter.add.f32 [tilespmem:s12], [sflag:$0x1], $0x80, s29, s14, $0xb8;
	[tilespmem:$0x1A400] =	vst v63  }
0x76: {  	s30 =	sadd.s32 $0x17F00, s19  }
0x77: {  	[spmem:s2] =	stream.indirect.scatter.add.f32 [tilespmem:s12], [sflag:$0x1], $0x80, s30, s14, $0xb8;
	[tilespmem:$0x1A400] =	vst v63  }
0x78: {  	s31 =	sadd.s32 $0x17F80, s19  }
0x79: {  	[spmem:s2] =	stream.indirect.scatter.add.f32 [tilespmem:s12], [sflag:$0x1], $0x80, s31, s14, $0xb8;
	[tilespmem:$0x1A400] =	vst v63  }
0x7a: {  	_ =	swait.ge [sflag:s15], $0x4000  }
0x7b: {  	[sflag:s15] =	ssyncset.done $0x0  }
0x7c: {  	[sflag:s15] =	ssyncadd.s32 $0xFFFFC000  }
0x7d: {  	_ =	swait.ge [sflag:s15], $0x4000  }
0x7e: {  	[sflag:s15] =	ssyncset.done $0x0  }
0x7f: {  	[sflag:s15] =	ssyncadd.s32 $0xFFFFC000  }
0x80: {  	_ =	swait.ge [sflag:s15], $0x4000  }
0x81: {  	[sflag:s15] =	ssyncset.done $0x0  }
0x82: {  	[sflag:s15] =	ssyncadd.s32 $0xFFFFC000  }
0x83: {  	_ =	swait.ge [sflag:s15], $0x4000  }
0x84: {  	[sflag:s15] =	ssyncset.done $0x0  }
0x85: {  	[sflag:s15] =	ssyncadd.s32 $0xFFFFC000  }
0x86: {  	_ =	swait.ge [sflag:s15], $0x4000  }
0x87: {  	[sflag:s15] =	ssyncset.done $0x0  }
0x88: {  	[sflag:s15] =	ssyncadd.s32 $0xFFFFC000  }
0x89: {  	_ =	swait.ge [sflag:s15], $0x4000  }
0x8a: {  	[sflag:s15] =	ssyncset.done $0x0  }
0x8b: {  	[sflag:s15] =	ssyncadd.s32 $0xFFFFC000  }
0x8c: {  	_ =	swait.ge [sflag:s15], $0x4000  }
0x8d: {  	[sflag:s15] =	ssyncset.done $0x0  }
0x8e: {  	[sflag:s15] =	ssyncadd.s32 $0xFFFFC000  }
0x8f: {  	_ =	swait.ge [sflag:s15], $0x4000  }
0x90: {  	s16 =	sadd.s32 $0x1, s16;
	[sflag:s15] =	ssyncset.done $0x0  }
0x91: {  	p0 =	sne.s32 s16, s9;
	[sflag:s15] =	ssyncadd.s32 $0xFFFFC000  }
.Ltmp1:
0x92: {  	[bflag:$0x0] =	sbarrier.arrive $0xFFFF;
	(pc) =	sbr.rel @p0 .LBB2_1-.Ltmp1, $4  }
0x93: {  	[hbm:s8], [sflag:s6] =	dma.local [spmem:s10], $0x2780  }
0x94: {  	_ =	swait.ge [sflag:s11], $0x2780  }
0x95: {  	[sflag:s11] =	ssyncset.done $0x0  }
0x96: {  	[sflag:s11] =	ssyncadd.s32 $0xFFFFD880  }
0x97: {  	_ =	sfence.sel $0x180000  }
0x98: {  	[bflag:$0x0] =	sbarrier.arrive $0xFFFF  }
0x99: {  	p0 =	sne.s32 s0, $0x0;
	_ =	strace $0x90000047  }
0x9a: {  	s0 =	sadd.s32 @!p0 $0x100000, s1;
	[bflag:$0x2] =	sbarrier.arrive $0xFFFF  }
0x9b: {  	[sflag:s0] =	ssyncadd.tile.s32 @!p0 $0x1;
	_ =	shalt  }
.Lfunc_end2:
_tile_overlayer_lowered:
.L_overlay_start_2:
0x9c: {  	(tag) =	ssettag $0x2  }
0x9d: {  	s0 =	rddreg [dreg:$0x0];
	s2 =	stileid.u32  }
0x9e: {  	s1 =	rddreg [dreg:$0x1];
	p0 =	sne.s32 s2, $0x0  }
0x9f: {  	s3 =	rddreg [dreg:$0x2];
	[bflag:$0x3] =	sbarrier.arrive $0xFFFF;
	s2 =	simm.s32 @!p0 $0x1C02  }
0xa0: {  	[timem:s3], [sflag:s2] =	dma.local @!p0 [hbm:s0], s1  }
0xa1: {  	s0 =	simm.s32 @!p0 $0x2  }
0xa2: {  	_ =	swait.ge @!p0 [sflag:s0], s1  }
0xa3: {  	s1 =	ssub.s32 @!p0 $0x0, s1;
	[sflag:s0] =	ssyncset.done @!p0 $0x0  }
0xa4: {  	[sflag:s0] =	ssyncadd.s32 @!p0 s1  }
0xa5: {  	[bflag:$0x3] =	sbarrier.arrive $0xFFFF  }
0xa6: {  	_ =	shalt  }

</sc_bundles>
